<compile_context>
chip_gen: v7x
topology: tpu7x:2x2x1
jax: 0.10.2.dev20260603
libtpu: 0.0.44.dev20260713+nightly
codegen_flags: <defaults>
</compile_context>

<pallas_src>
import functools

import jax
import jax.numpy as jnp
from jax import lax
from jax.experimental import pallas as pl
from jax.experimental.pallas import tpu as pltpu
from jax.experimental.pallas import tpu_sc as plsc

_NS = 16
_EPS = 1e-5


def _rtne16(x):
    b = jax.lax.bitcast_convert_type(x, jnp.int32)
    r = b + jnp.int32(0x7FFF) + ((b >> 16) & 1)
    return r >> 16


def _knn_body(ns, s, ra, hid, rpb, pq_ref, pseg_ref, pt_ref, xseg_ref,
              w1p_ref, w1x_ref, idx_ref, qi_ref, c_ref, stats_ref):
    i = pl.program_id(0)
    seg = i // rpb
    pq = pq_ref[...]
    pt = pt_ref[...]
    w1p = w1p_ref[...]
    qseg = jnp.dot(pseg_ref[...], w1p, preferred_element_type=jnp.float32)
    qseg = qseg + jnp.dot(xseg_ref[...], w1x_ref[...],
                          preferred_element_type=jnp.float32)
    half = hid // 2
    qi_ref[...] = ((_rtne16(qseg[:, :half]) & jnp.int32(0xFFFF))
                   | (_rtne16(qseg[:, half:]) << 16))
    c = jnp.dot(pq, w1p, preferred_element_type=jnp.float32)
    c_ref[...] = c

    sqq = jnp.sum(pq * pq, axis=1, keepdims=True)
    sqk = jnp.sum(pt * pt, axis=0, keepdims=True)
    cross = jnp.dot(pq, pt, preferred_element_type=jnp.float32)
    d2 = jnp.maximum(sqq + sqk - 2.0 * cross, 1.1754944e-38)
    iota = jax.lax.broadcasted_iota(jnp.int32, (ra, s), 1)
    keyi = (jax.lax.bitcast_convert_type(d2, jnp.int32) & ~(s - 1)) | iota
    key = jax.lax.bitcast_convert_type(keyi, jnp.float32)
    big = jnp.float32(3.4028235e38)
    cols = []
    for _ in range(ns):
        m = jnp.min(key, axis=1, keepdims=True)
        cols.append(jax.lax.bitcast_convert_type(m, jnp.int32) & (s - 1))
        key = jnp.where(key == m, big, key)
    idxblk = jnp.concatenate(cols, axis=1) + seg * s
    idx_ref[...] = jnp.transpose(idxblk)
    cnt = (key == big).astype(jnp.float32)
    g1 = jnp.dot(cnt, qseg, preferred_element_type=jnp.float32)
    g2 = jnp.dot(cnt, qseg * qseg, preferred_element_type=jnp.float32)
    s1 = jnp.sum(g1 - ns * c, axis=0, keepdims=True)
    s2 = jnp.sum(g2 - 2.0 * c * g1 + ns * (c * c), axis=0, keepdims=True)
    pad = jnp.zeros((6, hid), jnp.float32)
    part = jnp.concatenate([s1, s2, pad], axis=0)

    @pl.when(i == 0)
    def _():
        stats_ref[...] = jnp.zeros_like(stats_ref)

    stats_ref[...] += part


def _mlp_body(ns, rb, out_c, m_tot, h_ref, c_ref, stats_ref, g_ref, b_ref,
              w2_ref, b2_ref, out_ref):
    mean = stats_ref[0:1, :] * (1.0 / m_tot)
    var = stats_ref[1:2, :] * (1.0 / m_tot) - mean * mean
    scale = g_ref[...] / jnp.sqrt(var + _EPS)
    d = b_ref[...] - scale * mean - scale * c_ref[...]
    w2 = w2_ref[...]
    acc = jnp.full((rb, out_c), -jnp.inf, jnp.float32)
    for k in range(ns):
        hi = h_ref[k]
        lo = jax.lax.bitcast_convert_type(hi << 16, jnp.float32)
        up = jax.lax.bitcast_convert_type(
            hi & jnp.int32(-65536), jnp.float32)
        h = jnp.concatenate([lo, up], axis=1)
        z = jnp.maximum(h * scale + d, 0.0)
        acc = jnp.maximum(acc, jnp.dot(z, w2,
                                       preferred_element_type=jnp.float32))
    out_ref[...] = acc + b2_ref[...]


def _make_sc_gather(ntot, width, n_chunks, rows_per_chunk):
    mesh = plsc.VectorSubcoreMesh(core_axis_name="c", subcore_axis_name="s")

    @functools.partial(
        pl.kernel,
        mesh=mesh,
        compiler_params=pltpu.CompilerParams(use_tc_tiling_on_sc=False),
        out_type=jax.ShapeDtypeStruct((ntot, width), jnp.int32),
        scratch_types=[
            pltpu.VMEM((rows_per_chunk, 128), jnp.int32),
            pltpu.VMEM((rows_per_chunk * 128, width), jnp.int32),
            pltpu.SemaphoreType.DMA,
        ],
    )
    def gather_k(q_hbm, idx_hbm, out_hbm, idx_v, rows_v, sem):
        wid = lax.axis_index("s") * 2 + lax.axis_index("c")
        per_chunk = rows_per_chunk * 128
        for ch in range(n_chunks):
            row0 = (wid * n_chunks + ch) * rows_per_chunk
            pltpu.sync_copy(idx_hbm.at[pl.ds(row0, rows_per_chunk)], idx_v)
            handles = []
            for i in range(rows_per_chunk):
                handles.append(pltpu.async_copy(
                    q_hbm.at[idx_v.at[i]],
                    rows_v.at[pl.ds(i * 128, 128)], sem))
            for h in handles:
                h.wait()
            pltpu.sync_copy(rows_v,
                            out_hbm.at[pl.ds(row0 * 128, per_chunk)])

    return gather_k


def _knn_call(ns, s, c_dim, hid, ra, pp, pt, x, w1p, w1x):
    n = pp.shape[0]
    ga = n // ra
    rpb = s // ra
    return pl.pallas_call(
        functools.partial(_knn_body, ns, s, ra, hid, rpb),
        grid=(ga,),
        in_specs=[
            pl.BlockSpec((ra, 8), lambda i: (i, 0)),
            pl.BlockSpec((s, 8), lambda i: (i // rpb, 0)),
            pl.BlockSpec((8, s), lambda i: (0, i // rpb)),
            pl.BlockSpec((s, c_dim), lambda i: (i // rpb, 0)),
            pl.BlockSpec((8, hid), lambda i: (0, 0)),
            pl.BlockSpec((c_dim, hid), lambda i: (0, 0)),
        ],
        out_specs=[
            pl.BlockSpec((ns, ra), lambda i: (0, i)),
            pl.BlockSpec((s, hid // 2), lambda i: (i // rpb, 0)),
            pl.BlockSpec((ra, hid), lambda i: (i, 0)),
            pl.BlockSpec((8, hid), lambda i: (0, 0)),
        ],
        out_shape=[
            jax.ShapeDtypeStruct((ns, n), jnp.int32),
            jax.ShapeDtypeStruct((n, hid // 2), jnp.int32),
            jax.ShapeDtypeStruct((n, hid), jnp.float32),
            jax.ShapeDtypeStruct((8, hid), jnp.float32),
        ],
    )(pp, pp, pt, x, w1p, w1x)


def _mlp_call(ns, rb, hid, out_c, m_tot, hh, c, stats, gamma, beta, W2, b2):
    n = c.shape[0]
    gb = n // rb
    return pl.pallas_call(
        functools.partial(_mlp_body, ns, rb, out_c, m_tot),
        grid=(gb,),
        in_specs=[
            pl.BlockSpec((ns, rb, hid // 2), lambda i: (0, i, 0)),
            pl.BlockSpec((rb, hid), lambda i: (i, 0)),
            pl.BlockSpec((8, hid), lambda i: (0, 0)),
            pl.BlockSpec((1, hid), lambda i: (0, 0)),
            pl.BlockSpec((1, hid), lambda i: (0, 0)),
            pl.BlockSpec((hid, out_c), lambda i: (0, 0)),
            pl.BlockSpec((1, out_c), lambda i: (0, 0)),
        ],
        out_specs=pl.BlockSpec((rb, out_c), lambda i: (i, 0)),
        out_shape=jax.ShapeDtypeStruct((n, out_c), jnp.float32),
    )(hh, c, stats, gamma[None], beta[None], W2, b2[None])


def kernel(p, x, o, W1, gamma, beta, W2, b2):
    N, C = x.shape
    B = o.shape[0]
    S = N // B
    HID = W1.shape[1]
    OUT = W2.shape[1]
    NS = _NS
    RA = 512
    RB = 512
    N2 = N // 2

    pp = jnp.pad(p.astype(jnp.float32), ((0, 0), (0, 5)))
    pt = pp.T
    w1p = jnp.pad(W1[:3], ((0, 5), (0, 0)))
    w1x = W1[3:]

    ntot = N2 * NS
    n_chunks = 2
    rows_per_chunk = ntot // (32 * n_chunks * 128)
    sc_gather = _make_sc_gather(ntot, HID // 2, n_chunks, rows_per_chunk)

    halves = []
    for h in range(2):
        r = slice(h * N2, (h + 1) * N2)
        halves.append(_knn_call(NS, S, C, HID, RA, pp[r], pt[:, r], x[r],
                                w1p, w1x))
    stats = halves[0][3] + halves[1][3]
    m_tot = float(N * NS)

    outs = []
    for h in range(2):
        idxt, qi, c, _ = halves[h]
        hq = sc_gather(qi, idxt.reshape(ntot // 128, 128))
        hh = hq.reshape(NS, N2, HID // 2)
        outs.append(_mlp_call(NS, RB, HID, OUT, m_tot, hh, c, stats,
                              gamma, beta, W2, b2))
    return jnp.concatenate(outs, axis=0)

# --- scband reference (transcript-rebuilt; emitter-appended) ---
"""Pipeline reference for scband-point-net2-layer-20899310862372 (READ-ONLY COPY).

The authoritative reference and input builder live on the scoring server;
editing this copy changes nothing except your own understanding.
"""

import jax, jax.numpy as jnp
import numpy as np

N = 16384
B = 8
S = N // B
C = 32
OUT = 64
NS = 16
EPS = 1e-5


def setup_inputs(seed: int = 0) -> dict:
    key = jax.random.key(seed)
    k1, k2, kw1, kw2 = jax.random.split(key, 4)
    p = jax.random.uniform(k1, (N, 3), dtype=jnp.float32)
    x = jax.random.normal(k2, (N, C), dtype=jnp.float32)
    o = (jnp.arange(1, B + 1) * S).astype(jnp.int32)
    W1 = jax.random.normal(kw1, (C + 3, OUT // 2), dtype=jnp.float32) * 0.05
    gamma = jnp.ones((OUT // 2,), dtype=jnp.float32)
    beta = jnp.zeros((OUT // 2,), dtype=jnp.float32)
    W2 = jax.random.normal(kw2, (OUT // 2, OUT), dtype=jnp.float32) * 0.05
    b2 = jnp.zeros((OUT,), dtype=jnp.float32)
    return {"p": p, "x": x, "o": o, "W1": W1, "gamma": gamma, "beta": beta, "W2": W2, "b2": b2}


def reference(p, x, o, W1, gamma, beta, W2, b2):
    # pointops.queryandgroup(nsample, p, p, x, None, o, o, use_xyz=True):
    # per batch segment, find nsample nearest neighbors for each point,
    # gather (neighbor_xyz - center_xyz) concat neighbor features -> [N, NS, 3+C]
    pb = p.reshape(B, S, 3)
    xb = x.reshape(B, S, C)
    sq = jnp.sum(pb * pb, axis=-1)  # [B, S]
    d2 = sq[:, :, None] + sq[:, None, :] - 2.0 * jnp.einsum("bid,bjd->bij", pb, pb)
    _, idx = jax.lax.top_k(-d2, NS)  # [B, S, NS] nearest (incl. self)
    nb_p = jax.vmap(lambda pts, i: pts[i])(pb, idx)  # [B, S, NS, 3]
    nb_x = jax.vmap(lambda feats, i: feats[i])(xb, idx)  # [B, S, NS, C]
    rel = nb_p - pb[:, :, None, :]
    x_knn = jnp.concatenate([rel, nb_x], axis=-1).reshape(N, NS, 3 + C)
    # mlp: Linear(3+C -> OUT//2, no bias) -> BatchNorm1d over channel (training-mode stats) -> ReLU -> Linear(OUT//2 -> OUT)
    h = x_knn @ W1  # [N, NS, OUT//2]
    mean = jnp.mean(h, axis=(0, 1))
    var = jnp.var(h, axis=(0, 1))
    h = (h - mean) / jnp.sqrt(var + EPS) * gamma + beta
    h = jax.nn.relu(h)
    h = h @ W2 + b2  # [N, NS, OUT]
    out = jnp.max(h, axis=1)  # [N, OUT]
    return out

if __name__ == "__main__":
    import jax
    _d = setup_inputs()
    print(jax.jit(kernel)(*tuple(_d.values())))

</pallas_src>

<mosaic_0001>
#map = affine_map<(d0, d1) -> (0, 0)>
module attributes {stable_mosaic.version = 14 : i64} {
  func.func @gather_k(%arg0: i32, %arg1: i32, %arg2: memref<8192x16xi32, #tpu.memory_space<hbm>>, %arg3: memref<1024x128xi32, #tpu.memory_space<hbm>>, %arg4: memref<131072x16xi32, #tpu.memory_space<hbm>>, %arg5: memref<16x128xi32, #tpu.memory_space<vmem>>, %arg6: memref<2048x16xi32, #tpu.memory_space<vmem>>, %arg7: memref<!tpu.dma_semaphore, #tpu.memory_space<semaphore_mem>>) attributes {dimension_semantics = [#tpu.dimension_semantics<core_parallel>, #tpu.dimension_semantics<subcore_parallel>], iteration_bounds = array<i64: 2, 16>, scalar_prefetch = 0 : i64, scratch_operands = 3 : i64, tpu.core_type = #tpu.core_type<sc_vector_subcore>, window_params = [{transform_indices = #map}, {transform_indices = #map}, {transform_indices = #map}]} {
    %mul3A = arith.constant 2 : i32
    %mul3A_0 = arith.muli %arg1, %mul3A : i32
    %add3A = arith.addi %mul3A_0, %arg0 : i32
    %mul3A_1 = arith.constant 2 : i32
    %mul3A_2 = arith.muli %add3A, %mul3A_1 : i32
    %add3A_3 = arith.constant 0 : i32
    %add3A_4 = arith.addi %mul3A_2, %add3A_3 : i32
    %mul3A_5 = arith.constant 16 : i32
    %mul3A_6 = arith.muli %add3A_4, %mul3A_5 : i32
    "tpu.region"() ({
      %run_scoped3A = tpu.sem_alloc : memref<!tpu.dma_semaphore, #tpu.memory_space<semaphore_mem>>
      %dma_start3A_655 = arith.constant 0 : i32
      %dma_start3A_656 = tpu.memref_slice %arg3[%mul3A_6, %dma_start3A_655] : memref<1024x128xi32, #tpu.memory_space<hbm>> -> memref<16x128xi32, #tpu.memory_space<hbm>>
      %dma_start3A_657 = arith.constant 0 : i32
      %dma_start3A_658 = tpu.memref_slice %arg3[%mul3A_6, %dma_start3A_657] : memref<1024x128xi32, #tpu.memory_space<hbm>> -> memref<16x128xi32, #tpu.memory_space<hbm>>
      tpu.enqueue_dma source(%dma_start3A_658 : memref<16x128xi32, #tpu.memory_space<hbm>>) target(%arg5 : memref<16x128xi32, #tpu.memory_space<vmem>>) target_semaphore(%run_scoped3A : memref<!tpu.dma_semaphore, #tpu.memory_space<semaphore_mem>>)
      %dma_wait3A_659 = arith.constant 0 : i32
      %dma_wait3A_660 = tpu.memref_slice %arg3[%mul3A_6, %dma_wait3A_659] : memref<1024x128xi32, #tpu.memory_space<hbm>> -> memref<16x128xi32, #tpu.memory_space<hbm>>
      %dma_wait3A_661 = arith.constant 0 : i32
      %dma_wait3A_662 = tpu.memref_slice %arg3[%mul3A_6, %dma_wait3A_661] : memref<1024x128xi32, #tpu.memory_space<hbm>> -> memref<16x128xi32, #tpu.memory_space<hbm>>
      tpu.wait_dma2 semaphore(%run_scoped3A : memref<!tpu.dma_semaphore, #tpu.memory_space<semaphore_mem>>) src(%dma_wait3A_662 : memref<16x128xi32, #tpu.memory_space<hbm>>) dst(%arg5 : memref<16x128xi32, #tpu.memory_space<vmem>>)
      tpu.yield
    }) : () -> ()
    %dma_start3A = arith.constant 0 : i32
    %dma_start3A_7 = arith.constant 0 : i32
    %dma_start3A_8 = arith.constant 0 : i32
    %dma_start3A_9 = tpu.memref_slice %arg6[%dma_start3A_7, %dma_start3A_8] : memref<2048x16xi32, #tpu.memory_space<vmem>> -> memref<128x16xi32, #tpu.memory_space<vmem>>
    %dma_start3A_10 = arith.constant 0 : i32
    %dma_start3A_11 = tpu.memref_slice %arg5[%dma_start3A, %dma_start3A_10] : memref<16x128xi32, #tpu.memory_space<vmem>> -> memref<1x128xi32, #tpu.memory_space<vmem>>
    %dma_start3A_12 = tpu.memref_squeeze %dma_start3A_11 : memref<1x128xi32, #tpu.memory_space<vmem>> -> memref<128xi32, #tpu.memory_space<vmem>>
    %dma_start3A_13 = arith.constant 0 : i32
    %dma_start3A_14 = arith.constant 0 : i32
    %dma_start3A_15 = tpu.memref_slice %arg2[%dma_start3A_13, %dma_start3A_14] : memref<8192x16xi32, #tpu.memory_space<hbm>> -> memref<8192x16xi32, #tpu.memory_space<hbm>>
    tpu.enqueue_indirect_dma source(%dma_start3A_15 : memref<8192x16xi32, #tpu.memory_space<hbm>>) target(%dma_start3A_9 : memref<128x16xi32, #tpu.memory_space<vmem>>) offsets(%dma_start3A_12 : memref<128xi32, #tpu.memory_space<vmem>>) semaphore(%arg7 : memref<!tpu.dma_semaphore, #tpu.memory_space<semaphore_mem>>)
    %dma_start3A_16 = arith.constant 1 : i32
    %dma_start3A_17 = arith.constant 128 : i32
    %dma_start3A_18 = arith.constant 0 : i32
    %dma_start3A_19 = tpu.memref_slice %arg6[%dma_start3A_17, %dma_start3A_18] : memref<2048x16xi32, #tpu.memory_space<vmem>> -> memref<128x16xi32, #tpu.memory_space<vmem>>
    %dma_start3A_20 = arith.constant 0 : i32
    %dma_start3A_21 = tpu.memref_slice %arg5[%dma_start3A_16, %dma_start3A_20] : memref<16x128xi32, #tpu.memory_space<vmem>> -> memref<1x128xi32, #tpu.memory_space<vmem>>
    %dma_start3A_22 = tpu.memref_squeeze %dma_start3A_21 : memref<1x128xi32, #tpu.memory_space<vmem>> -> memref<128xi32, #tpu.memory_space<vmem>>
    %dma_start3A_23 = arith.constant 0 : i32
    %dma_start3A_24 = arith.constant 0 : i32
    %dma_start3A_25 = tpu.memref_slice %arg2[%dma_start3A_23, %dma_start3A_24] : memref<8192x16xi32, #tpu.memory_space<hbm>> -> memref<8192x16xi32, #tpu.memory_space<hbm>>
    tpu.enqueue_indirect_dma source(%dma_start3A_25 : memref<8192x16xi32, #tpu.memory_space<hbm>>) target(%dma_start3A_19 : memref<128x16xi32, #tpu.memory_space<vmem>>) offsets(%dma_start3A_22 : memref<128xi32, #tpu.memory_space<vmem>>) semaphore(%arg7 : memref<!tpu.dma_semaphore, #tpu.memory_space<semaphore_mem>>)
    %dma_start3A_26 = arith.constant 2 : i32
    %dma_start3A_27 = arith.constant 256 : i32
    %dma_start3A_28 = arith.constant 0 : i32
    %dma_start3A_29 = tpu.memref_slice %arg6[%dma_start3A_27, %dma_start3A_28] : memref<2048x16xi32, #tpu.memory_space<vmem>> -> memref<128x16xi32, #tpu.memory_space<vmem>>
    %dma_start3A_30 = arith.constant 0 : i32
    %dma_start3A_31 = tpu.memref_slice %arg5[%dma_start3A_26, %dma_start3A_30] : memref<16x128xi32, #tpu.memory_space<vmem>> -> memref<1x128xi32, #tpu.memory_space<vmem>>
    %dma_start3A_32 = tpu.memref_squeeze %dma_start3A_31 : memref<1x128xi32, #tpu.memory_space<vmem>> -> memref<128xi32, #tpu.memory_space<vmem>>
    %dma_start3A_33 = arith.constant 0 : i32
    %dma_start3A_34 = arith.constant 0 : i32
    %dma_start3A_35 = tpu.memref_slice %arg2[%dma_start3A_33, %dma_start3A_34] : memref<8192x16xi32, #tpu.memory_space<hbm>> -> memref<8192x16xi32, #tpu.memory_space<hbm>>
    tpu.enqueue_indirect_dma source(%dma_start3A_35 : memref<8192x16xi32, #tpu.memory_space<hbm>>) target(%dma_start3A_29 : memref<128x16xi32, #tpu.memory_space<vmem>>) offsets(%dma_start3A_32 : memref<128xi32, #tpu.memory_space<vmem>>) semaphore(%arg7 : memref<!tpu.dma_semaphore, #tpu.memory_space<semaphore_mem>>)
    %dma_start3A_36 = arith.constant 3 : i32
    %dma_start3A_37 = arith.constant 384 : i32
    %dma_start3A_38 = arith.constant 0 : i32
    %dma_start3A_39 = tpu.memref_slice %arg6[%dma_start3A_37, %dma_start3A_38] : memref<2048x16xi32, #tpu.memory_space<vmem>> -> memref<128x16xi32, #tpu.memory_space<vmem>>
    %dma_start3A_40 = arith.constant 0 : i32
    %dma_start3A_41 = tpu.memref_slice %arg5[%dma_start3A_36, %dma_start3A_40] : memref<16x128xi32, #tpu.memory_space<vmem>> -> memref<1x128xi32, #tpu.memory_space<vmem>>
    %dma_start3A_42 = tpu.memref_squeeze %dma_start3A_41 : memref<1x128xi32, #tpu.memory_space<vmem>> -> memref<128xi32, #tpu.memory_space<vmem>>
    %dma_start3A_43 = arith.constant 0 : i32
    %dma_start3A_44 = arith.constant 0 : i32
    %dma_start3A_45 = tpu.memref_slice %arg2[%dma_start3A_43, %dma_start3A_44] : memref<8192x16xi32, #tpu.memory_space<hbm>> -> memref<8192x16xi32, #tpu.memory_space<hbm>>
    tpu.enqueue_indirect_dma source(%dma_start3A_45 : memref<8192x16xi32, #tpu.memory_space<hbm>>) target(%dma_start3A_39 : memref<128x16xi32, #tpu.memory_space<vmem>>) offsets(%dma_start3A_42 : memref<128xi32, #tpu.memory_space<vmem>>) semaphore(%arg7 : memref<!tpu.dma_semaphore, #tpu.memory_space<semaphore_mem>>)
    %dma_start3A_46 = arith.constant 4 : i32
    %dma_start3A_47 = arith.constant 512 : i32
    %dma_start3A_48 = arith.constant 0 : i32
    %dma_start3A_49 = tpu.memref_slice %arg6[%dma_start3A_47, %dma_start3A_48] : memref<2048x16xi32, #tpu.memory_space<vmem>> -> memref<128x16xi32, #tpu.memory_space<vmem>>
    %dma_start3A_50 = arith.constant 0 : i32
    %dma_start3A_51 = tpu.memref_slice %arg5[%dma_start3A_46, %dma_start3A_50] : memref<16x128xi32, #tpu.memory_space<vmem>> -> memref<1x128xi32, #tpu.memory_space<vmem>>
    %dma_start3A_52 = tpu.memref_squeeze %dma_start3A_51 : memref<1x128xi32, #tpu.memory_space<vmem>> -> memref<128xi32, #tpu.memory_space<vmem>>
    %dma_start3A_53 = arith.constant 0 : i32
    %dma_start3A_54 = arith.constant 0 : i32
    %dma_start3A_55 = tpu.memref_slice %arg2[%dma_start3A_53, %dma_start3A_54] : memref<8192x16xi32, #tpu.memory_space<hbm>> -> memref<8192x16xi32, #tpu.memory_space<hbm>>
    tpu.enqueue_indirect_dma source(%dma_start3A_55 : memref<8192x16xi32, #tpu.memory_space<hbm>>) target(%dma_start3A_49 : memref<128x16xi32, #tpu.memory_space<vmem>>) offsets(%dma_start3A_52 : memref<128xi32, #tpu.memory_space<vmem>>) semaphore(%arg7 : memref<!tpu.dma_semaphore, #tpu.memory_space<semaphore_mem>>)
    %dma_start3A_56 = arith.constant 5 : i32
    %dma_start3A_57 = arith.constant 640 : i32
    %dma_start3A_58 = arith.constant 0 : i32
    %dma_start3A_59 = tpu.memref_slice %arg6[%dma_start3A_57, %dma_start3A_58] : memref<2048x16xi32, #tpu.memory_space<vmem>> -> memref<128x16xi32, #tpu.memory_space<vmem>>
    %dma_start3A_60 = arith.constant 0 : i32
    %dma_start3A_61 = tpu.memref_slice %arg5[%dma_start3A_56, %dma_start3A_60] : memref<16x128xi32, #tpu.memory_space<vmem>> -> memref<1x128xi32, #tpu.memory_space<vmem>>
    %dma_start3A_62 = tpu.memref_squeeze %dma_start3A_61 : memref<1x128xi32, #tpu.memory_space<vmem>> -> memref<128xi32, #tpu.memory_space<vmem>>
    %dma_start3A_63 = arith.constant 0 : i32
    %dma_start3A_64 = arith.constant 0 : i32
    %dma_start3A_65 = tpu.memref_slice %arg2[%dma_start3A_63, %dma_start3A_64] : memref<8192x16xi32, #tpu.memory_space<hbm>> -> memref<8192x16xi32, #tpu.memory_space<hbm>>
    tpu.enqueue_indirect_dma source(%dma_start3A_65 : memref<8192x16xi32, #tpu.memory_space<hbm>>) target(%dma_start3A_59 : memref<128x16xi32, #tpu.memory_space<vmem>>) offsets(%dma_start3A_62 : memref<128xi32, #tpu.memory_space<vmem>>) semaphore(%arg7 : memref<!tpu.dma_semaphore, #tpu.memory_space<semaphore_mem>>)
    %dma_start3A_66 = arith.constant 6 : i32
    %dma_start3A_67 = arith.constant 768 : i32
    %dma_start3A_68 = arith.constant 0 : i32
    %dma_start3A_69 = tpu.memref_slice %arg6[%dma_start3A_67, %dma_start3A_68] : memref<2048x16xi32, #tpu.memory_space<vmem>> -> memref<128x16xi32, #tpu.memory_space<vmem>>
    %dma_start3A_70 = arith.constant 0 : i32
    %dma_start3A_71 = tpu.memref_slice %arg5[%dma_start3A_66, %dma_start3A_70] : memref<16x128xi32, #tpu.memory_space<vmem>> -> memref<1x128xi32, #tpu.memory_space<vmem>>
    %dma_start3A_72 = tpu.memref_squeeze %dma_start3A_71 : memref<1x128xi32, #tpu.memory_space<vmem>> -> memref<128xi32, #tpu.memory_space<vmem>>
    %dma_start3A_73 = arith.constant 0 : i32
    %dma_start3A_74 = arith.constant 0 : i32
    %dma_start3A_75 = tpu.memref_slice %arg2[%dma_start3A_73, %dma_start3A_74] : memref<8192x16xi32, #tpu.memory_space<hbm>> -> memref<8192x16xi32, #tpu.memory_space<hbm>>
    tpu.enqueue_indirect_dma source(%dma_start3A_75 : memref<8192x16xi32, #tpu.memory_space<hbm>>) target(%dma_start3A_69 : memref<128x16xi32, #tpu.memory_space<vmem>>) offsets(%dma_start3A_72 : memref<128xi32, #tpu.memory_space<vmem>>) semaphore(%arg7 : memref<!tpu.dma_semaphore, #tpu.memory_space<semaphore_mem>>)
    %dma_start3A_76 = arith.constant 7 : i32
    %dma_start3A_77 = arith.constant 896 : i32
    %dma_start3A_78 = arith.constant 0 : i32
    %dma_start3A_79 = tpu.memref_slice %arg6[%dma_start3A_77, %dma_start3A_78] : memref<2048x16xi32, #tpu.memory_space<vmem>> -> memref<128x16xi32, #tpu.memory_space<vmem>>
    %dma_start3A_80 = arith.constant 0 : i32
    %dma_start3A_81 = tpu.memref_slice %arg5[%dma_start3A_76, %dma_start3A_80] : memref<16x128xi32, #tpu.memory_space<vmem>> -> memref<1x128xi32, #tpu.memory_space<vmem>>
    %dma_start3A_82 = tpu.memref_squeeze %dma_start3A_81 : memref<1x128xi32, #tpu.memory_space<vmem>> -> memref<128xi32, #tpu.memory_space<vmem>>
    %dma_start3A_83 = arith.constant 0 : i32
    %dma_start3A_84 = arith.constant 0 : i32
    %dma_start3A_85 = tpu.memref_slice %arg2[%dma_start3A_83, %dma_start3A_84] : memref<8192x16xi32, #tpu.memory_space<hbm>> -> memref<8192x16xi32, #tpu.memory_space<hbm>>
    tpu.enqueue_indirect_dma source(%dma_start3A_85 : memref<8192x16xi32, #tpu.memory_space<hbm>>) target(%dma_start3A_79 : memref<128x16xi32, #tpu.memory_space<vmem>>) offsets(%dma_start3A_82 : memref<128xi32, #tpu.memory_space<vmem>>) semaphore(%arg7 : memref<!tpu.dma_semaphore, #tpu.memory_space<semaphore_mem>>)
    %dma_start3A_86 = arith.constant 8 : i32
    %dma_start3A_87 = arith.constant 1024 : i32
    %dma_start3A_88 = arith.constant 0 : i32
    %dma_start3A_89 = tpu.memref_slice %arg6[%dma_start3A_87, %dma_start3A_88] : memref<2048x16xi32, #tpu.memory_space<vmem>> -> memref<128x16xi32, #tpu.memory_space<vmem>>
    %dma_start3A_90 = arith.constant 0 : i32
    %dma_start3A_91 = tpu.memref_slice %arg5[%dma_start3A_86, %dma_start3A_90] : memref<16x128xi32, #tpu.memory_space<vmem>> -> memref<1x128xi32, #tpu.memory_space<vmem>>
    %dma_start3A_92 = tpu.memref_squeeze %dma_start3A_91 : memref<1x128xi32, #tpu.memory_space<vmem>> -> memref<128xi32, #tpu.memory_space<vmem>>
    %dma_start3A_93 = arith.constant 0 : i32
    %dma_start3A_94 = arith.constant 0 : i32
    %dma_start3A_95 = tpu.memref_slice %arg2[%dma_start3A_93, %dma_start3A_94] : memref<8192x16xi32, #tpu.memory_space<hbm>> -> memref<8192x16xi32, #tpu.memory_space<hbm>>
    tpu.enqueue_indirect_dma source(%dma_start3A_95 : memref<8192x16xi32, #tpu.memory_space<hbm>>) target(%dma_start3A_89 : memref<128x16xi32, #tpu.memory_space<vmem>>) offsets(%dma_start3A_92 : memref<128xi32, #tpu.memory_space<vmem>>) semaphore(%arg7 : memref<!tpu.dma_semaphore, #tpu.memory_space<semaphore_mem>>)
    %dma_start3A_96 = arith.constant 9 : i32
    %dma_start3A_97 = arith.constant 1152 : i32
    %dma_start3A_98 = arith.constant 0 : i32
    %dma_start3A_99 = tpu.memref_slice %arg6[%dma_start3A_97, %dma_start3A_98] : memref<2048x16xi32, #tpu.memory_space<vmem>> -> memref<128x16xi32, #tpu.memory_space<vmem>>
    %dma_start3A_100 = arith.constant 0 : i32
    %dma_start3A_101 = tpu.memref_slice %arg5[%dma_start3A_96, %dma_start3A_100] : memref<16x128xi32, #tpu.memory_space<vmem>> -> memref<1x128xi32, #tpu.memory_space<vmem>>
    %dma_start3A_102 = tpu.memref_squeeze %dma_start3A_101 : memref<1x128xi32, #tpu.memory_space<vmem>> -> memref<128xi32, #tpu.memory_space<vmem>>
    %dma_start3A_103 = arith.constant 0 : i32
    %dma_start3A_104 = arith.constant 0 : i32
    %dma_start3A_105 = tpu.memref_slice %arg2[%dma_start3A_103, %dma_start3A_104] : memref<8192x16xi32, #tpu.memory_space<hbm>> -> memref<8192x16xi32, #tpu.memory_space<hbm>>
    tpu.enqueue_indirect_dma source(%dma_start3A_105 : memref<8192x16xi32, #tpu.memory_space<hbm>>) target(%dma_start3A_99 : memref<128x16xi32, #tpu.memory_space<vmem>>) offsets(%dma_start3A_102 : memref<128xi32, #tpu.memory_space<vmem>>) semaphore(%arg7 : memref<!tpu.dma_semaphore, #tpu.memory_space<semaphore_mem>>)
    %dma_start3A_106 = arith.constant 10 : i32
    %dma_start3A_107 = arith.constant 1280 : i32
    %dma_start3A_108 = arith.constant 0 : i32
    %dma_start3A_109 = tpu.memref_slice %arg6[%dma_start3A_107, %dma_start3A_108] : memref<2048x16xi32, #tpu.memory_space<vmem>> -> memref<128x16xi32, #tpu.memory_space<vmem>>
    %dma_start3A_110 = arith.constant 0 : i32
    %dma_start3A_111 = tpu.memref_slice %arg5[%dma_start3A_106, %dma_start3A_110] : memref<16x128xi32, #tpu.memory_space<vmem>> -> memref<1x128xi32, #tpu.memory_space<vmem>>
    %dma_start3A_112 = tpu.memref_squeeze %dma_start3A_111 : memref<1x128xi32, #tpu.memory_space<vmem>> -> memref<128xi32, #tpu.memory_space<vmem>>
    %dma_start3A_113 = arith.constant 0 : i32
    %dma_start3A_114 = arith.constant 0 : i32
    %dma_start3A_115 = tpu.memref_slice %arg2[%dma_start3A_113, %dma_start3A_114] : memref<8192x16xi32, #tpu.memory_space<hbm>> -> memref<8192x16xi32, #tpu.memory_space<hbm>>
    tpu.enqueue_indirect_dma source(%dma_start3A_115 : memref<8192x16xi32, #tpu.memory_space<hbm>>) target(%dma_start3A_109 : memref<128x16xi32, #tpu.memory_space<vmem>>) offsets(%dma_start3A_112 : memref<128xi32, #tpu.memory_space<vmem>>) semaphore(%arg7 : memref<!tpu.dma_semaphore, #tpu.memory_space<semaphore_mem>>)
    %dma_start3A_116 = arith.constant 11 : i32
    %dma_start3A_117 = arith.constant 1408 : i32
    %dma_start3A_118 = arith.constant 0 : i32
    %dma_start3A_119 = tpu.memref_slice %arg6[%dma_start3A_117, %dma_start3A_118] : memref<2048x16xi32, #tpu.memory_space<vmem>> -> memref<128x16xi32, #tpu.memory_space<vmem>>
    %dma_start3A_120 = arith.constant 0 : i32
    %dma_start3A_121 = tpu.memref_slice %arg5[%dma_start3A_116, %dma_start3A_120] : memref<16x128xi32, #tpu.memory_space<vmem>> -> memref<1x128xi32, #tpu.memory_space<vmem>>
    %dma_start3A_122 = tpu.memref_squeeze %dma_start3A_121 : memref<1x128xi32, #tpu.memory_space<vmem>> -> memref<128xi32, #tpu.memory_space<vmem>>
    %dma_start3A_123 = arith.constant 0 : i32
    %dma_start3A_124 = arith.constant 0 : i32
    %dma_start3A_125 = tpu.memref_slice %arg2[%dma_start3A_123, %dma_start3A_124] : memref<8192x16xi32, #tpu.memory_space<hbm>> -> memref<8192x16xi32, #tpu.memory_space<hbm>>
    tpu.enqueue_indirect_dma source(%dma_start3A_125 : memref<8192x16xi32, #tpu.memory_space<hbm>>) target(%dma_start3A_119 : memref<128x16xi32, #tpu.memory_space<vmem>>) offsets(%dma_start3A_122 : memref<128xi32, #tpu.memory_space<vmem>>) semaphore(%arg7 : memref<!tpu.dma_semaphore, #tpu.memory_space<semaphore_mem>>)
    %dma_start3A_126 = arith.constant 12 : i32
    %dma_start3A_127 = arith.constant 1536 : i32
    %dma_start3A_128 = arith.constant 0 : i32
    %dma_start3A_129 = tpu.memref_slice %arg6[%dma_start3A_127, %dma_start3A_128] : memref<2048x16xi32, #tpu.memory_space<vmem>> -> memref<128x16xi32, #tpu.memory_space<vmem>>
    %dma_start3A_130 = arith.constant 0 : i32
    %dma_start3A_131 = tpu.memref_slice %arg5[%dma_start3A_126, %dma_start3A_130] : memref<16x128xi32, #tpu.memory_space<vmem>> -> memref<1x128xi32, #tpu.memory_space<vmem>>
    %dma_start3A_132 = tpu.memref_squeeze %dma_start3A_131 : memref<1x128xi32, #tpu.memory_space<vmem>> -> memref<128xi32, #tpu.memory_space<vmem>>
    %dma_start3A_133 = arith.constant 0 : i32
    %dma_start3A_134 = arith.constant 0 : i32
    %dma_start3A_135 = tpu.memref_slice %arg2[%dma_start3A_133, %dma_start3A_134] : memref<8192x16xi32, #tpu.memory_space<hbm>> -> memref<8192x16xi32, #tpu.memory_space<hbm>>
    tpu.enqueue_indirect_dma source(%dma_start3A_135 : memref<8192x16xi32, #tpu.memory_space<hbm>>) target(%dma_start3A_129 : memref<128x16xi32, #tpu.memory_space<vmem>>) offsets(%dma_start3A_132 : memref<128xi32, #tpu.memory_space<vmem>>) semaphore(%arg7 : memref<!tpu.dma_semaphore, #tpu.memory_space<semaphore_mem>>)
    %dma_start3A_136 = arith.constant 13 : i32
    %dma_start3A_137 = arith.constant 1664 : i32
    %dma_start3A_138 = arith.constant 0 : i32
    %dma_start3A_139 = tpu.memref_slice %arg6[%dma_start3A_137, %dma_start3A_138] : memref<2048x16xi32, #tpu.memory_space<vmem>> -> memref<128x16xi32, #tpu.memory_space<vmem>>
    %dma_start3A_140 = arith.constant 0 : i32
    %dma_start3A_141 = tpu.memref_slice %arg5[%dma_start3A_136, %dma_start3A_140] : memref<16x128xi32, #tpu.memory_space<vmem>> -> memref<1x128xi32, #tpu.memory_space<vmem>>
    %dma_start3A_142 = tpu.memref_squeeze %dma_start3A_141 : memref<1x128xi32, #tpu.memory_space<vmem>> -> memref<128xi32, #tpu.memory_space<vmem>>
    %dma_start3A_143 = arith.constant 0 : i32
    %dma_start3A_144 = arith.constant 0 : i32
    %dma_start3A_145 = tpu.memref_slice %arg2[%dma_start3A_143, %dma_start3A_144] : memref<8192x16xi32, #tpu.memory_space<hbm>> -> memref<8192x16xi32, #tpu.memory_space<hbm>>
    tpu.enqueue_indirect_dma source(%dma_start3A_145 : memref<8192x16xi32, #tpu.memory_space<hbm>>) target(%dma_start3A_139 : memref<128x16xi32, #tpu.memory_space<vmem>>) offsets(%dma_start3A_142 : memref<128xi32, #tpu.memory_space<vmem>>) semaphore(%arg7 : memref<!tpu.dma_semaphore, #tpu.memory_space<semaphore_mem>>)
    %dma_start3A_146 = arith.constant 14 : i32
    %dma_start3A_147 = arith.constant 1792 : i32
    %dma_start3A_148 = arith.constant 0 : i32
    %dma_start3A_149 = tpu.memref_slice %arg6[%dma_start3A_147, %dma_start3A_148] : memref<2048x16xi32, #tpu.memory_space<vmem>> -> memref<128x16xi32, #tpu.memory_space<vmem>>
    %dma_start3A_150 = arith.constant 0 : i32
    %dma_start3A_151 = tpu.memref_slice %arg5[%dma_start3A_146, %dma_start3A_150] : memref<16x128xi32, #tpu.memory_space<vmem>> -> memref<1x128xi32, #tpu.memory_space<vmem>>
    %dma_start3A_152 = tpu.memref_squeeze %dma_start3A_151 : memref<1x128xi32, #tpu.memory_space<vmem>> -> memref<128xi32, #tpu.memory_space<vmem>>
    %dma_start3A_153 = arith.constant 0 : i32
    %dma_start3A_154 = arith.constant 0 : i32
    %dma_start3A_155 = tpu.memref_slice %arg2[%dma_start3A_153, %dma_start3A_154] : memref<8192x16xi32, #tpu.memory_space<hbm>> -> memref<8192x16xi32, #tpu.memory_space<hbm>>
    tpu.enqueue_indirect_dma source(%dma_start3A_155 : memref<8192x16xi32, #tpu.memory_space<hbm>>) target(%dma_start3A_149 : memref<128x16xi32, #tpu.memory_space<vmem>>) offsets(%dma_start3A_152 : memref<128xi32, #tpu.memory_space<vmem>>) semaphore(%arg7 : memref<!tpu.dma_semaphore, #tpu.memory_space<semaphore_mem>>)
    %dma_start3A_156 = arith.constant 15 : i32
    %dma_start3A_157 = arith.constant 1920 : i32
    %dma_start3A_158 = arith.constant 0 : i32
    %dma_start3A_159 = tpu.memref_slice %arg6[%dma_start3A_157, %dma_start3A_158] : memref<2048x16xi32, #tpu.memory_space<vmem>> -> memref<128x16xi32, #tpu.memory_space<vmem>>
    %dma_start3A_160 = arith.constant 0 : i32
    %dma_start3A_161 = tpu.memref_slice %arg5[%dma_start3A_156, %dma_start3A_160] : memref<16x128xi32, #tpu.memory_space<vmem>> -> memref<1x128xi32, #tpu.memory_space<vmem>>
    %dma_start3A_162 = tpu.memref_squeeze %dma_start3A_161 : memref<1x128xi32, #tpu.memory_space<vmem>> -> memref<128xi32, #tpu.memory_space<vmem>>
    %dma_start3A_163 = arith.constant 0 : i32
    %dma_start3A_164 = arith.constant 0 : i32
    %dma_start3A_165 = tpu.memref_slice %arg2[%dma_start3A_163, %dma_start3A_164] : memref<8192x16xi32, #tpu.memory_space<hbm>> -> memref<8192x16xi32, #tpu.memory_space<hbm>>
    tpu.enqueue_indirect_dma source(%dma_start3A_165 : memref<8192x16xi32, #tpu.memory_space<hbm>>) target(%dma_start3A_159 : memref<128x16xi32, #tpu.memory_space<vmem>>) offsets(%dma_start3A_162 : memref<128xi32, #tpu.memory_space<vmem>>) semaphore(%arg7 : memref<!tpu.dma_semaphore, #tpu.memory_space<semaphore_mem>>)
    %dma_wait3A = arith.constant 0 : i32
    %dma_wait3A_166 = arith.constant 0 : i32
    %dma_wait3A_167 = arith.constant 0 : i32
    %dma_wait3A_168 = tpu.memref_slice %arg6[%dma_wait3A_166, %dma_wait3A_167] : memref<2048x16xi32, #tpu.memory_space<vmem>> -> memref<128x16xi32, #tpu.memory_space<vmem>>
    %dma_wait3A_169 = arith.constant 0 : i32
    %dma_wait3A_170 = tpu.memref_slice %arg5[%dma_wait3A, %dma_wait3A_169] : memref<16x128xi32, #tpu.memory_space<vmem>> -> memref<1x128xi32, #tpu.memory_space<vmem>>
    %dma_wait3A_171 = tpu.memref_squeeze %dma_wait3A_170 : memref<1x128xi32, #tpu.memory_space<vmem>> -> memref<128xi32, #tpu.memory_space<vmem>>
    %dma_wait3A_172 = arith.constant 0 : i32
    %dma_wait3A_173 = arith.constant 0 : i32
    %dma_wait3A_174 = tpu.memref_slice %arg2[%dma_wait3A_172, %dma_wait3A_173] : memref<8192x16xi32, #tpu.memory_space<hbm>> -> memref<8192x16xi32, #tpu.memory_space<hbm>>
    tpu.wait_indirect_dma semaphore(%arg7 : memref<!tpu.dma_semaphore, #tpu.memory_space<semaphore_mem>>) src(%dma_wait3A_174 : memref<8192x16xi32, #tpu.memory_space<hbm>>) dst(%dma_wait3A_168 : memref<128x16xi32, #tpu.memory_space<vmem>>)
    %dma_wait3A_175 = arith.constant 1 : i32
    %dma_wait3A_176 = arith.constant 128 : i32
    %dma_wait3A_177 = arith.constant 0 : i32
    %dma_wait3A_178 = tpu.memref_slice %arg6[%dma_wait3A_176, %dma_wait3A_177] : memref<2048x16xi32, #tpu.memory_space<vmem>> -> memref<128x16xi32, #tpu.memory_space<vmem>>
    %dma_wait3A_179 = arith.constant 0 : i32
    %dma_wait3A_180 = tpu.memref_slice %arg5[%dma_wait3A_175, %dma_wait3A_179] : memref<16x128xi32, #tpu.memory_space<vmem>> -> memref<1x128xi32, #tpu.memory_space<vmem>>
    %dma_wait3A_181 = tpu.memref_squeeze %dma_wait3A_180 : memref<1x128xi32, #tpu.memory_space<vmem>> -> memref<128xi32, #tpu.memory_space<vmem>>
    %dma_wait3A_182 = arith.constant 0 : i32
    %dma_wait3A_183 = arith.constant 0 : i32
    %dma_wait3A_184 = tpu.memref_slice %arg2[%dma_wait3A_182, %dma_wait3A_183] : memref<8192x16xi32, #tpu.memory_space<hbm>> -> memref<8192x16xi32, #tpu.memory_space<hbm>>
    tpu.wait_indirect_dma semaphore(%arg7 : memref<!tpu.dma_semaphore, #tpu.memory_space<semaphore_mem>>) src(%dma_wait3A_184 : memref<8192x16xi32, #tpu.memory_space<hbm>>) dst(%dma_wait3A_178 : memref<128x16xi32, #tpu.memory_space<vmem>>)
    %dma_wait3A_185 = arith.constant 2 : i32
    %dma_wait3A_186 = arith.constant 256 : i32
    %dma_wait3A_187 = arith.constant 0 : i32
    %dma_wait3A_188 = tpu.memref_slice %arg6[%dma_wait3A_186, %dma_wait3A_187] : memref<2048x16xi32, #tpu.memory_space<vmem>> -> memref<128x16xi32, #tpu.memory_space<vmem>>
    %dma_wait3A_189 = arith.constant 0 : i32
    %dma_wait3A_190 = tpu.memref_slice %arg5[%dma_wait3A_185, %dma_wait3A_189] : memref<16x128xi32, #tpu.memory_space<vmem>> -> memref<1x128xi32, #tpu.memory_space<vmem>>
    %dma_wait3A_191 = tpu.memref_squeeze %dma_wait3A_190 : memref<1x128xi32, #tpu.memory_space<vmem>> -> memref<128xi32, #tpu.memory_space<vmem>>
    %dma_wait3A_192 = arith.constant 0 : i32
    %dma_wait3A_193 = arith.constant 0 : i32
    %dma_wait3A_194 = tpu.memref_slice %arg2[%dma_wait3A_192, %dma_wait3A_193] : memref<8192x16xi32, #tpu.memory_space<hbm>> -> memref<8192x16xi32, #tpu.memory_space<hbm>>
    tpu.wait_indirect_dma semaphore(%arg7 : memref<!tpu.dma_semaphore, #tpu.memory_space<semaphore_mem>>) src(%dma_wait3A_194 : memref<8192x16xi32, #tpu.memory_space<hbm>>) dst(%dma_wait3A_188 : memref<128x16xi32, #tpu.memory_space<vmem>>)
    %dma_wait3A_195 = arith.constant 3 : i32
    %dma_wait3A_196 = arith.constant 384 : i32
    %dma_wait3A_197 = arith.constant 0 : i32
    %dma_wait3A_198 = tpu.memref_slice %arg6[%dma_wait3A_196, %dma_wait3A_197] : memref<2048x16xi32, #tpu.memory_space<vmem>> -> memref<128x16xi32, #tpu.memory_space<vmem>>
    %dma_wait3A_199 = arith.constant 0 : i32
    %dma_wait3A_200 = tpu.memref_slice %arg5[%dma_wait3A_195, %dma_wait3A_199] : memref<16x128xi32, #tpu.memory_space<vmem>> -> memref<1x128xi32, #tpu.memory_space<vmem>>
    %dma_wait3A_201 = tpu.memref_squeeze %dma_wait3A_200 : memref<1x128xi32, #tpu.memory_space<vmem>> -> memref<128xi32, #tpu.memory_space<vmem>>
    %dma_wait3A_202 = arith.constant 0 : i32
    %dma_wait3A_203 = arith.constant 0 : i32
    %dma_wait3A_204 = tpu.memref_slice %arg2[%dma_wait3A_202, %dma_wait3A_203] : memref<8192x16xi32, #tpu.memory_space<hbm>> -> memref<8192x16xi32, #tpu.memory_space<hbm>>
    tpu.wait_indirect_dma semaphore(%arg7 : memref<!tpu.dma_semaphore, #tpu.memory_space<semaphore_mem>>) src(%dma_wait3A_204 : memref<8192x16xi32, #tpu.memory_space<hbm>>) dst(%dma_wait3A_198 : memref<128x16xi32, #tpu.memory_space<vmem>>)
    %dma_wait3A_205 = arith.constant 4 : i32
    %dma_wait3A_206 = arith.constant 512 : i32
    %dma_wait3A_207 = arith.constant 0 : i32
    %dma_wait3A_208 = tpu.memref_slice %arg6[%dma_wait3A_206, %dma_wait3A_207] : memref<2048x16xi32, #tpu.memory_space<vmem>> -> memref<128x16xi32, #tpu.memory_space<vmem>>
    %dma_wait3A_209 = arith.constant 0 : i32
    %dma_wait3A_210 = tpu.memref_slice %arg5[%dma_wait3A_205, %dma_wait3A_209] : memref<16x128xi32, #tpu.memory_space<vmem>> -> memref<1x128xi32, #tpu.memory_space<vmem>>
    %dma_wait3A_211 = tpu.memref_squeeze %dma_wait3A_210 : memref<1x128xi32, #tpu.memory_space<vmem>> -> memref<128xi32, #tpu.memory_space<vmem>>
    %dma_wait3A_212 = arith.constant 0 : i32
    %dma_wait3A_213 = arith.constant 0 : i32
    %dma_wait3A_214 = tpu.memref_slice %arg2[%dma_wait3A_212, %dma_wait3A_213] : memref<8192x16xi32, #tpu.memory_space<hbm>> -> memref<8192x16xi32, #tpu.memory_space<hbm>>
    tpu.wait_indirect_dma semaphore(%arg7 : memref<!tpu.dma_semaphore, #tpu.memory_space<semaphore_mem>>) src(%dma_wait3A_214 : memref<8192x16xi32, #tpu.memory_space<hbm>>) dst(%dma_wait3A_208 : memref<128x16xi32, #tpu.memory_space<vmem>>)
    %dma_wait3A_215 = arith.constant 5 : i32
    %dma_wait3A_216 = arith.constant 640 : i32
    %dma_wait3A_217 = arith.constant 0 : i32
    %dma_wait3A_218 = tpu.memref_slice %arg6[%dma_wait3A_216, %dma_wait3A_217] : memref<2048x16xi32, #tpu.memory_space<vmem>> -> memref<128x16xi32, #tpu.memory_space<vmem>>
    %dma_wait3A_219 = arith.constant 0 : i32
    %dma_wait3A_220 = tpu.memref_slice %arg5[%dma_wait3A_215, %dma_wait3A_219] : memref<16x128xi32, #tpu.memory_space<vmem>> -> memref<1x128xi32, #tpu.memory_space<vmem>>
    %dma_wait3A_221 = tpu.memref_squeeze %dma_wait3A_220 : memref<1x128xi32, #tpu.memory_space<vmem>> -> memref<128xi32, #tpu.memory_space<vmem>>
    %dma_wait3A_222 = arith.constant 0 : i32
    %dma_wait3A_223 = arith.constant 0 : i32
    %dma_wait3A_224 = tpu.memref_slice %arg2[%dma_wait3A_222, %dma_wait3A_223] : memref<8192x16xi32, #tpu.memory_space<hbm>> -> memref<8192x16xi32, #tpu.memory_space<hbm>>
    tpu.wait_indirect_dma semaphore(%arg7 : memref<!tpu.dma_semaphore, #tpu.memory_space<semaphore_mem>>) src(%dma_wait3A_224 : memref<8192x16xi32, #tpu.memory_space<hbm>>) dst(%dma_wait3A_218 : memref<128x16xi32, #tpu.memory_space<vmem>>)
    %dma_wait3A_225 = arith.constant 6 : i32
    %dma_wait3A_226 = arith.constant 768 : i32
    %dma_wait3A_227 = arith.constant 0 : i32
    %dma_wait3A_228 = tpu.memref_slice %arg6[%dma_wait3A_226, %dma_wait3A_227] : memref<2048x16xi32, #tpu.memory_space<vmem>> -> memref<128x16xi32, #tpu.memory_space<vmem>>
    %dma_wait3A_229 = arith.constant 0 : i32
    %dma_wait3A_230 = tpu.memref_slice %arg5[%dma_wait3A_225, %dma_wait3A_229] : memref<16x128xi32, #tpu.memory_space<vmem>> -> memref<1x128xi32, #tpu.memory_space<vmem>>
    %dma_wait3A_231 = tpu.memref_squeeze %dma_wait3A_230 : memref<1x128xi32, #tpu.memory_space<vmem>> -> memref<128xi32, #tpu.memory_space<vmem>>
    %dma_wait3A_232 = arith.constant 0 : i32
    %dma_wait3A_233 = arith.constant 0 : i32
    %dma_wait3A_234 = tpu.memref_slice %arg2[%dma_wait3A_232, %dma_wait3A_233] : memref<8192x16xi32, #tpu.memory_space<hbm>> -> memref<8192x16xi32, #tpu.memory_space<hbm>>
    tpu.wait_indirect_dma semaphore(%arg7 : memref<!tpu.dma_semaphore, #tpu.memory_space<semaphore_mem>>) src(%dma_wait3A_234 : memref<8192x16xi32, #tpu.memory_space<hbm>>) dst(%dma_wait3A_228 : memref<128x16xi32, #tpu.memory_space<vmem>>)
    %dma_wait3A_235 = arith.constant 7 : i32
    %dma_wait3A_236 = arith.constant 896 : i32
    %dma_wait3A_237 = arith.constant 0 : i32
    %dma_wait3A_238 = tpu.memref_slice %arg6[%dma_wait3A_236, %dma_wait3A_237] : memref<2048x16xi32, #tpu.memory_space<vmem>> -> memref<128x16xi32, #tpu.memory_space<vmem>>
    %dma_wait3A_239 = arith.constant 0 : i32
    %dma_wait3A_240 = tpu.memref_slice %arg5[%dma_wait3A_235, %dma_wait3A_239] : memref<16x128xi32, #tpu.memory_space<vmem>> -> memref<1x128xi32, #tpu.memory_space<vmem>>
    %dma_wait3A_241 = tpu.memref_squeeze %dma_wait3A_240 : memref<1x128xi32, #tpu.memory_space<vmem>> -> memref<128xi32, #tpu.memory_space<vmem>>
    %dma_wait3A_242 = arith.constant 0 : i32
    %dma_wait3A_243 = arith.constant 0 : i32
    %dma_wait3A_244 = tpu.memref_slice %arg2[%dma_wait3A_242, %dma_wait3A_243] : memref<8192x16xi32, #tpu.memory_space<hbm>> -> memref<8192x16xi32, #tpu.memory_space<hbm>>
    tpu.wait_indirect_dma semaphore(%arg7 : memref<!tpu.dma_semaphore, #tpu.memory_space<semaphore_mem>>) src(%dma_wait3A_244 : memref<8192x16xi32, #tpu.memory_space<hbm>>) dst(%dma_wait3A_238 : memref<128x16xi32, #tpu.memory_space<vmem>>)
    %dma_wait3A_245 = arith.constant 8 : i32
    %dma_wait3A_246 = arith.constant 1024 : i32
    %dma_wait3A_247 = arith.constant 0 : i32
    %dma_wait3A_248 = tpu.memref_slice %arg6[%dma_wait3A_246, %dma_wait3A_247] : memref<2048x16xi32, #tpu.memory_space<vmem>> -> memref<128x16xi32, #tpu.memory_space<vmem>>
    %dma_wait3A_249 = arith.constant 0 : i32
    %dma_wait3A_250 = tpu.memref_slice %arg5[%dma_wait3A_245, %dma_wait3A_249] : memref<16x128xi32, #tpu.memory_space<vmem>> -> memref<1x128xi32, #tpu.memory_space<vmem>>
    %dma_wait3A_251 = tpu.memref_squeeze %dma_wait3A_250 : memref<1x128xi32, #tpu.memory_space<vmem>> -> memref<128xi32, #tpu.memory_space<vmem>>
    %dma_wait3A_252 = arith.constant 0 : i32
    %dma_wait3A_253 = arith.constant 0 : i32
    %dma_wait3A_254 = tpu.memref_slice %arg2[%dma_wait3A_252, %dma_wait3A_253] : memref<8192x16xi32, #tpu.memory_space<hbm>> -> memref<8192x16xi32, #tpu.memory_space<hbm>>
    tpu.wait_indirect_dma semaphore(%arg7 : memref<!tpu.dma_semaphore, #tpu.memory_space<semaphore_mem>>) src(%dma_wait3A_254 : memref<8192x16xi32, #tpu.memory_space<hbm>>) dst(%dma_wait3A_248 : memref<128x16xi32, #tpu.memory_space<vmem>>)
    %dma_wait3A_255 = arith.constant 9 : i32
    %dma_wait3A_256 = arith.constant 1152 : i32
    %dma_wait3A_257 = arith.constant 0 : i32
    %dma_wait3A_258 = tpu.memref_slice %arg6[%dma_wait3A_256, %dma_wait3A_257] : memref<2048x16xi32, #tpu.memory_space<vmem>> -> memref<128x16xi32, #tpu.memory_space<vmem>>
    %dma_wait3A_259 = arith.constant 0 : i32
    %dma_wait3A_260 = tpu.memref_slice %arg5[%dma_wait3A_255, %dma_wait3A_259] : memref<16x128xi32, #tpu.memory_space<vmem>> -> memref<1x128xi32, #tpu.memory_space<vmem>>
    %dma_wait3A_261 = tpu.memref_squeeze %dma_wait3A_260 : memref<1x128xi32, #tpu.memory_space<vmem>> -> memref<128xi32, #tpu.memory_space<vmem>>
    %dma_wait3A_262 = arith.constant 0 : i32
    %dma_wait3A_263 = arith.constant 0 : i32
    %dma_wait3A_264 = tpu.memref_slice %arg2[%dma_wait3A_262, %dma_wait3A_263] : memref<8192x16xi32, #tpu.memory_space<hbm>> -> memref<8192x16xi32, #tpu.memory_space<hbm>>
    tpu.wait_indirect_dma semaphore(%arg7 : memref<!tpu.dma_semaphore, #tpu.memory_space<semaphore_mem>>) src(%dma_wait3A_264 : memref<8192x16xi32, #tpu.memory_space<hbm>>) dst(%dma_wait3A_258 : memref<128x16xi32, #tpu.memory_space<vmem>>)
    %dma_wait3A_265 = arith.constant 10 : i32
    %dma_wait3A_266 = arith.constant 1280 : i32
    %dma_wait3A_267 = arith.constant 0 : i32
    %dma_wait3A_268 = tpu.memref_slice %arg6[%dma_wait3A_266, %dma_wait3A_267] : memref<2048x16xi32, #tpu.memory_space<vmem>> -> memref<128x16xi32, #tpu.memory_space<vmem>>
    %dma_wait3A_269 = arith.constant 0 : i32
    %dma_wait3A_270 = tpu.memref_slice %arg5[%dma_wait3A_265, %dma_wait3A_269] : memref<16x128xi32, #tpu.memory_space<vmem>> -> memref<1x128xi32, #tpu.memory_space<vmem>>
    %dma_wait3A_271 = tpu.memref_squeeze %dma_wait3A_270 : memref<1x128xi32, #tpu.memory_space<vmem>> -> memref<128xi32, #tpu.memory_space<vmem>>
    %dma_wait3A_272 = arith.constant 0 : i32
    %dma_wait3A_273 = arith.constant 0 : i32
    %dma_wait3A_274 = tpu.memref_slice %arg2[%dma_wait3A_272, %dma_wait3A_273] : memref<8192x16xi32, #tpu.memory_space<hbm>> -> memref<8192x16xi32, #tpu.memory_space<hbm>>
    tpu.wait_indirect_dma semaphore(%arg7 : memref<!tpu.dma_semaphore, #tpu.memory_space<semaphore_mem>>) src(%dma_wait3A_274 : memref<8192x16xi32, #tpu.memory_space<hbm>>) dst(%dma_wait3A_268 : memref<128x16xi32, #tpu.memory_space<vmem>>)
    %dma_wait3A_275 = arith.constant 11 : i32
    %dma_wait3A_276 = arith.constant 1408 : i32
    %dma_wait3A_277 = arith.constant 0 : i32
    %dma_wait3A_278 = tpu.memref_slice %arg6[%dma_wait3A_276, %dma_wait3A_277] : memref<2048x16xi32, #tpu.memory_space<vmem>> -> memref<128x16xi32, #tpu.memory_space<vmem>>
    %dma_wait3A_279 = arith.constant 0 : i32
    %dma_wait3A_280 = tpu.memref_slice %arg5[%dma_wait3A_275, %dma_wait3A_279] : memref<16x128xi32, #tpu.memory_space<vmem>> -> memref<1x128xi32, #tpu.memory_space<vmem>>
    %dma_wait3A_281 = tpu.memref_squeeze %dma_wait3A_280 : memref<1x128xi32, #tpu.memory_space<vmem>> -> memref<128xi32, #tpu.memory_space<vmem>>
    %dma_wait3A_282 = arith.constant 0 : i32
    %dma_wait3A_283 = arith.constant 0 : i32
    %dma_wait3A_284 = tpu.memref_slice %arg2[%dma_wait3A_282, %dma_wait3A_283] : memref<8192x16xi32, #tpu.memory_space<hbm>> -> memref<8192x16xi32, #tpu.memory_space<hbm>>
    tpu.wait_indirect_dma semaphore(%arg7 : memref<!tpu.dma_semaphore, #tpu.memory_space<semaphore_mem>>) src(%dma_wait3A_284 : memref<8192x16xi32, #tpu.memory_space<hbm>>) dst(%dma_wait3A_278 : memref<128x16xi32, #tpu.memory_space<vmem>>)
    %dma_wait3A_285 = arith.constant 12 : i32
    %dma_wait3A_286 = arith.constant 1536 : i32
    %dma_wait3A_287 = arith.constant 0 : i32
    %dma_wait3A_288 = tpu.memref_slice %arg6[%dma_wait3A_286, %dma_wait3A_287] : memref<2048x16xi32, #tpu.memory_space<vmem>> -> memref<128x16xi32, #tpu.memory_space<vmem>>
    %dma_wait3A_289 = arith.constant 0 : i32
    %dma_wait3A_290 = tpu.memref_slice %arg5[%dma_wait3A_285, %dma_wait3A_289] : memref<16x128xi32, #tpu.memory_space<vmem>> -> memref<1x128xi32, #tpu.memory_space<vmem>>
    %dma_wait3A_291 = tpu.memref_squeeze %dma_wait3A_290 : memref<1x128xi32, #tpu.memory_space<vmem>> -> memref<128xi32, #tpu.memory_space<vmem>>
    %dma_wait3A_292 = arith.constant 0 : i32
    %dma_wait3A_293 = arith.constant 0 : i32
    %dma_wait3A_294 = tpu.memref_slice %arg2[%dma_wait3A_292, %dma_wait3A_293] : memref<8192x16xi32, #tpu.memory_space<hbm>> -> memref<8192x16xi32, #tpu.memory_space<hbm>>
    tpu.wait_indirect_dma semaphore(%arg7 : memref<!tpu.dma_semaphore, #tpu.memory_space<semaphore_mem>>) src(%dma_wait3A_294 : memref<8192x16xi32, #tpu.memory_space<hbm>>) dst(%dma_wait3A_288 : memref<128x16xi32, #tpu.memory_space<vmem>>)
    %dma_wait3A_295 = arith.constant 13 : i32
    %dma_wait3A_296 = arith.constant 1664 : i32
    %dma_wait3A_297 = arith.constant 0 : i32
    %dma_wait3A_298 = tpu.memref_slice %arg6[%dma_wait3A_296, %dma_wait3A_297] : memref<2048x16xi32, #tpu.memory_space<vmem>> -> memref<128x16xi32, #tpu.memory_space<vmem>>
    %dma_wait3A_299 = arith.constant 0 : i32
    %dma_wait3A_300 = tpu.memref_slice %arg5[%dma_wait3A_295, %dma_wait3A_299] : memref<16x128xi32, #tpu.memory_space<vmem>> -> memref<1x128xi32, #tpu.memory_space<vmem>>
    %dma_wait3A_301 = tpu.memref_squeeze %dma_wait3A_300 : memref<1x128xi32, #tpu.memory_space<vmem>> -> memref<128xi32, #tpu.memory_space<vmem>>
    %dma_wait3A_302 = arith.constant 0 : i32
    %dma_wait3A_303 = arith.constant 0 : i32
    %dma_wait3A_304 = tpu.memref_slice %arg2[%dma_wait3A_302, %dma_wait3A_303] : memref<8192x16xi32, #tpu.memory_space<hbm>> -> memref<8192x16xi32, #tpu.memory_space<hbm>>
    tpu.wait_indirect_dma semaphore(%arg7 : memref<!tpu.dma_semaphore, #tpu.memory_space<semaphore_mem>>) src(%dma_wait3A_304 : memref<8192x16xi32, #tpu.memory_space<hbm>>) dst(%dma_wait3A_298 : memref<128x16xi32, #tpu.memory_space<vmem>>)
    %dma_wait3A_305 = arith.constant 14 : i32
    %dma_wait3A_306 = arith.constant 1792 : i32
    %dma_wait3A_307 = arith.constant 0 : i32
    %dma_wait3A_308 = tpu.memref_slice %arg6[%dma_wait3A_306, %dma_wait3A_307] : memref<2048x16xi32, #tpu.memory_space<vmem>> -> memref<128x16xi32, #tpu.memory_space<vmem>>
    %dma_wait3A_309 = arith.constant 0 : i32
    %dma_wait3A_310 = tpu.memref_slice %arg5[%dma_wait3A_305, %dma_wait3A_309] : memref<16x128xi32, #tpu.memory_space<vmem>> -> memref<1x128xi32, #tpu.memory_space<vmem>>
    %dma_wait3A_311 = tpu.memref_squeeze %dma_wait3A_310 : memref<1x128xi32, #tpu.memory_space<vmem>> -> memref<128xi32, #tpu.memory_space<vmem>>
    %dma_wait3A_312 = arith.constant 0 : i32
    %dma_wait3A_313 = arith.constant 0 : i32
    %dma_wait3A_314 = tpu.memref_slice %arg2[%dma_wait3A_312, %dma_wait3A_313] : memref<8192x16xi32, #tpu.memory_space<hbm>> -> memref<8192x16xi32, #tpu.memory_space<hbm>>
    tpu.wait_indirect_dma semaphore(%arg7 : memref<!tpu.dma_semaphore, #tpu.memory_space<semaphore_mem>>) src(%dma_wait3A_314 : memref<8192x16xi32, #tpu.memory_space<hbm>>) dst(%dma_wait3A_308 : memref<128x16xi32, #tpu.memory_space<vmem>>)
    %dma_wait3A_315 = arith.constant 15 : i32
    %dma_wait3A_316 = arith.constant 1920 : i32
    %dma_wait3A_317 = arith.constant 0 : i32
    %dma_wait3A_318 = tpu.memref_slice %arg6[%dma_wait3A_316, %dma_wait3A_317] : memref<2048x16xi32, #tpu.memory_space<vmem>> -> memref<128x16xi32, #tpu.memory_space<vmem>>
    %dma_wait3A_319 = arith.constant 0 : i32
    %dma_wait3A_320 = tpu.memref_slice %arg5[%dma_wait3A_315, %dma_wait3A_319] : memref<16x128xi32, #tpu.memory_space<vmem>> -> memref<1x128xi32, #tpu.memory_space<vmem>>
    %dma_wait3A_321 = tpu.memref_squeeze %dma_wait3A_320 : memref<1x128xi32, #tpu.memory_space<vmem>> -> memref<128xi32, #tpu.memory_space<vmem>>
    %dma_wait3A_322 = arith.constant 0 : i32
    %dma_wait3A_323 = arith.constant 0 : i32
    %dma_wait3A_324 = tpu.memref_slice %arg2[%dma_wait3A_322, %dma_wait3A_323] : memref<8192x16xi32, #tpu.memory_space<hbm>> -> memref<8192x16xi32, #tpu.memory_space<hbm>>
    tpu.wait_indirect_dma semaphore(%arg7 : memref<!tpu.dma_semaphore, #tpu.memory_space<semaphore_mem>>) src(%dma_wait3A_324 : memref<8192x16xi32, #tpu.memory_space<hbm>>) dst(%dma_wait3A_318 : memref<128x16xi32, #tpu.memory_space<vmem>>)
    %mul3A_325 = arith.constant 128 : i32
    %mul3A_326 = arith.muli %mul3A_6, %mul3A_325 : i32
    "tpu.region"() ({
      %run_scoped3A = tpu.sem_alloc : memref<!tpu.dma_semaphore, #tpu.memory_space<semaphore_mem>>
      %dma_start3A_655 = arith.constant 0 : i32
      %dma_start3A_656 = tpu.memref_slice %arg4[%mul3A_326, %dma_start3A_655] : memref<131072x16xi32, #tpu.memory_space<hbm>> -> memref<2048x16xi32, #tpu.memory_space<hbm>>
      %dma_start3A_657 = arith.constant 0 : i32
      %dma_start3A_658 = tpu.memref_slice %arg4[%mul3A_326, %dma_start3A_657] : memref<131072x16xi32, #tpu.memory_space<hbm>> -> memref<2048x16xi32, #tpu.memory_space<hbm>>
      tpu.enqueue_dma source(%arg6 : memref<2048x16xi32, #tpu.memory_space<vmem>>) target(%dma_start3A_658 : memref<2048x16xi32, #tpu.memory_space<hbm>>) target_semaphore(%run_scoped3A : memref<!tpu.dma_semaphore, #tpu.memory_space<semaphore_mem>>)
      %dma_wait3A_659 = arith.constant 0 : i32
      %dma_wait3A_660 = tpu.memref_slice %arg4[%mul3A_326, %dma_wait3A_659] : memref<131072x16xi32, #tpu.memory_space<hbm>> -> memref<2048x16xi32, #tpu.memory_space<hbm>>
      %dma_wait3A_661 = arith.constant 0 : i32
      %dma_wait3A_662 = tpu.memref_slice %arg4[%mul3A_326, %dma_wait3A_661] : memref<131072x16xi32, #tpu.memory_space<hbm>> -> memref<2048x16xi32, #tpu.memory_space<hbm>>
      tpu.wait_dma2 semaphore(%run_scoped3A : memref<!tpu.dma_semaphore, #tpu.memory_space<semaphore_mem>>) src(%arg6 : memref<2048x16xi32, #tpu.memory_space<vmem>>) dst(%dma_wait3A_662 : memref<2048x16xi32, #tpu.memory_space<hbm>>)
      tpu.yield
    }) : () -> ()
    %mul3A_327 = arith.constant 2 : i32
    %mul3A_328 = arith.muli %add3A, %mul3A_327 : i32
    %add3A_329 = arith.constant 1 : i32
    %add3A_330 = arith.addi %mul3A_328, %add3A_329 : i32
    %mul3A_331 = arith.constant 16 : i32
    %mul3A_332 = arith.muli %add3A_330, %mul3A_331 : i32
    "tpu.region"() ({
      %run_scoped3A = tpu.sem_alloc : memref<!tpu.dma_semaphore, #tpu.memory_space<semaphore_mem>>
      %dma_start3A_655 = arith.constant 0 : i32
      %dma_start3A_656 = tpu.memref_slice %arg3[%mul3A_332, %dma_start3A_655] : memref<1024x128xi32, #tpu.memory_space<hbm>> -> memref<16x128xi32, #tpu.memory_space<hbm>>
      %dma_start3A_657 = arith.constant 0 : i32
      %dma_start3A_658 = tpu.memref_slice %arg3[%mul3A_332, %dma_start3A_657] : memref<1024x128xi32, #tpu.memory_space<hbm>> -> memref<16x128xi32, #tpu.memory_space<hbm>>
      tpu.enqueue_dma source(%dma_start3A_658 : memref<16x128xi32, #tpu.memory_space<hbm>>) target(%arg5 : memref<16x128xi32, #tpu.memory_space<vmem>>) target_semaphore(%run_scoped3A : memref<!tpu.dma_semaphore, #tpu.memory_space<semaphore_mem>>)
      %dma_wait3A_659 = arith.constant 0 : i32
      %dma_wait3A_660 = tpu.memref_slice %arg3[%mul3A_332, %dma_wait3A_659] : memref<1024x128xi32, #tpu.memory_space<hbm>> -> memref<16x128xi32, #tpu.memory_space<hbm>>
      %dma_wait3A_661 = arith.constant 0 : i32
      %dma_wait3A_662 = tpu.memref_slice %arg3[%mul3A_332, %dma_wait3A_661] : memref<1024x128xi32, #tpu.memory_space<hbm>> -> memref<16x128xi32, #tpu.memory_space<hbm>>
      tpu.wait_dma2 semaphore(%run_scoped3A : memref<!tpu.dma_semaphore, #tpu.memory_space<semaphore_mem>>) src(%dma_wait3A_662 : memref<16x128xi32, #tpu.memory_space<hbm>>) dst(%arg5 : memref<16x128xi32, #tpu.memory_space<vmem>>)
      tpu.yield
    }) : () -> ()
    %dma_start3A_333 = arith.constant 0 : i32
    %dma_start3A_334 = arith.constant 0 : i32
    %dma_start3A_335 = arith.constant 0 : i32
    %dma_start3A_336 = tpu.memref_slice %arg6[%dma_start3A_334, %dma_start3A_335] : memref<2048x16xi32, #tpu.memory_space<vmem>> -> memref<128x16xi32, #tpu.memory_space<vmem>>
    %dma_start3A_337 = arith.constant 0 : i32
    %dma_start3A_338 = tpu.memref_slice %arg5[%dma_start3A_333, %dma_start3A_337] : memref<16x128xi32, #tpu.memory_space<vmem>> -> memref<1x128xi32, #tpu.memory_space<vmem>>
    %dma_start3A_339 = tpu.memref_squeeze %dma_start3A_338 : memref<1x128xi32, #tpu.memory_space<vmem>> -> memref<128xi32, #tpu.memory_space<vmem>>
    %dma_start3A_340 = arith.constant 0 : i32
    %dma_start3A_341 = arith.constant 0 : i32
    %dma_start3A_342 = tpu.memref_slice %arg2[%dma_start3A_340, %dma_start3A_341] : memref<8192x16xi32, #tpu.memory_space<hbm>> -> memref<8192x16xi32, #tpu.memory_space<hbm>>
    tpu.enqueue_indirect_dma source(%dma_start3A_342 : memref<8192x16xi32, #tpu.memory_space<hbm>>) target(%dma_start3A_336 : memref<128x16xi32, #tpu.memory_space<vmem>>) offsets(%dma_start3A_339 : memref<128xi32, #tpu.memory_space<vmem>>) semaphore(%arg7 : memref<!tpu.dma_semaphore, #tpu.memory_space<semaphore_mem>>)
    %dma_start3A_343 = arith.constant 1 : i32
    %dma_start3A_344 = arith.constant 128 : i32
    %dma_start3A_345 = arith.constant 0 : i32
    %dma_start3A_346 = tpu.memref_slice %arg6[%dma_start3A_344, %dma_start3A_345] : memref<2048x16xi32, #tpu.memory_space<vmem>> -> memref<128x16xi32, #tpu.memory_space<vmem>>
    %dma_start3A_347 = arith.constant 0 : i32
    %dma_start3A_348 = tpu.memref_slice %arg5[%dma_start3A_343, %dma_start3A_347] : memref<16x128xi32, #tpu.memory_space<vmem>> -> memref<1x128xi32, #tpu.memory_space<vmem>>
    %dma_start3A_349 = tpu.memref_squeeze %dma_start3A_348 : memref<1x128xi32, #tpu.memory_space<vmem>> -> memref<128xi32, #tpu.memory_space<vmem>>
    %dma_start3A_350 = arith.constant 0 : i32
    %dma_start3A_351 = arith.constant 0 : i32
    %dma_start3A_352 = tpu.memref_slice %arg2[%dma_start3A_350, %dma_start3A_351] : memref<8192x16xi32, #tpu.memory_space<hbm>> -> memref<8192x16xi32, #tpu.memory_space<hbm>>
    tpu.enqueue_indirect_dma source(%dma_start3A_352 : memref<8192x16xi32, #tpu.memory_space<hbm>>) target(%dma_start3A_346 : memref<128x16xi32, #tpu.memory_space<vmem>>) offsets(%dma_start3A_349 : memref<128xi32, #tpu.memory_space<vmem>>) semaphore(%arg7 : memref<!tpu.dma_semaphore, #tpu.memory_space<semaphore_mem>>)
    %dma_start3A_353 = arith.constant 2 : i32
    %dma_start3A_354 = arith.constant 256 : i32
    %dma_start3A_355 = arith.constant 0 : i32
    %dma_start3A_356 = tpu.memref_slice %arg6[%dma_start3A_354, %dma_start3A_355] : memref<2048x16xi32, #tpu.memory_space<vmem>> -> memref<128x16xi32, #tpu.memory_space<vmem>>
    %dma_start3A_357 = arith.constant 0 : i32
    %dma_start3A_358 = tpu.memref_slice %arg5[%dma_start3A_353, %dma_start3A_357] : memref<16x128xi32, #tpu.memory_space<vmem>> -> memref<1x128xi32, #tpu.memory_space<vmem>>
    %dma_start3A_359 = tpu.memref_squeeze %dma_start3A_358 : memref<1x128xi32, #tpu.memory_space<vmem>> -> memref<128xi32, #tpu.memory_space<vmem>>
    %dma_start3A_360 = arith.constant 0 : i32
    %dma_start3A_361 = arith.constant 0 : i32
    %dma_start3A_362 = tpu.memref_slice %arg2[%dma_start3A_360, %dma_start3A_361] : memref<8192x16xi32, #tpu.memory_space<hbm>> -> memref<8192x16xi32, #tpu.memory_space<hbm>>
    tpu.enqueue_indirect_dma source(%dma_start3A_362 : memref<8192x16xi32, #tpu.memory_space<hbm>>) target(%dma_start3A_356 : memref<128x16xi32, #tpu.memory_space<vmem>>) offsets(%dma_start3A_359 : memref<128xi32, #tpu.memory_space<vmem>>) semaphore(%arg7 : memref<!tpu.dma_semaphore, #tpu.memory_space<semaphore_mem>>)
    %dma_start3A_363 = arith.constant 3 : i32
    %dma_start3A_364 = arith.constant 384 : i32
    %dma_start3A_365 = arith.constant 0 : i32
    %dma_start3A_366 = tpu.memref_slice %arg6[%dma_start3A_364, %dma_start3A_365] : memref<2048x16xi32, #tpu.memory_space<vmem>> -> memref<128x16xi32, #tpu.memory_space<vmem>>
    %dma_start3A_367 = arith.constant 0 : i32
    %dma_start3A_368 = tpu.memref_slice %arg5[%dma_start3A_363, %dma_start3A_367] : memref<16x128xi32, #tpu.memory_space<vmem>> -> memref<1x128xi32, #tpu.memory_space<vmem>>
    %dma_start3A_369 = tpu.memref_squeeze %dma_start3A_368 : memref<1x128xi32, #tpu.memory_space<vmem>> -> memref<128xi32, #tpu.memory_space<vmem>>
    %dma_start3A_370 = arith.constant 0 : i32
    %dma_start3A_371 = arith.constant 0 : i32
    %dma_start3A_372 = tpu.memref_slice %arg2[%dma_start3A_370, %dma_start3A_371] : memref<8192x16xi32, #tpu.memory_space<hbm>> -> memref<8192x16xi32, #tpu.memory_space<hbm>>
    tpu.enqueue_indirect_dma source(%dma_start3A_372 : memref<8192x16xi32, #tpu.memory_space<hbm>>) target(%dma_start3A_366 : memref<128x16xi32, #tpu.memory_space<vmem>>) offsets(%dma_start3A_369 : memref<128xi32, #tpu.memory_space<vmem>>) semaphore(%arg7 : memref<!tpu.dma_semaphore, #tpu.memory_space<semaphore_mem>>)
    %dma_start3A_373 = arith.constant 4 : i32
    %dma_start3A_374 = arith.constant 512 : i32
    %dma_start3A_375 = arith.constant 0 : i32
    %dma_start3A_376 = tpu.memref_slice %arg6[%dma_start3A_374, %dma_start3A_375] : memref<2048x16xi32, #tpu.memory_space<vmem>> -> memref<128x16xi32, #tpu.memory_space<vmem>>
    %dma_start3A_377 = arith.constant 0 : i32
    %dma_start3A_378 = tpu.memref_slice %arg5[%dma_start3A_373, %dma_start3A_377] : memref<16x128xi32, #tpu.memory_space<vmem>> -> memref<1x128xi32, #tpu.memory_space<vmem>>
    %dma_start3A_379 = tpu.memref_squeeze %dma_start3A_378 : memref<1x128xi32, #tpu.memory_space<vmem>> -> memref<128xi32, #tpu.memory_space<vmem>>
    %dma_start3A_380 = arith.constant 0 : i32
    %dma_start3A_381 = arith.constant 0 : i32
    %dma_start3A_382 = tpu.memref_slice %arg2[%dma_start3A_380, %dma_start3A_381] : memref<8192x16xi32, #tpu.memory_space<hbm>> -> memref<8192x16xi32, #tpu.memory_space<hbm>>
    tpu.enqueue_indirect_dma source(%dma_start3A_382 : memref<8192x16xi32, #tpu.memory_space<hbm>>) target(%dma_start3A_376 : memref<128x16xi32, #tpu.memory_space<vmem>>) offsets(%dma_start3A_379 : memref<128xi32, #tpu.memory_space<vmem>>) semaphore(%arg7 : memref<!tpu.dma_semaphore, #tpu.memory_space<semaphore_mem>>)
    %dma_start3A_383 = arith.constant 5 : i32
    %dma_start3A_384 = arith.constant 640 : i32
    %dma_start3A_385 = arith.constant 0 : i32
    %dma_start3A_386 = tpu.memref_slice %arg6[%dma_start3A_384, %dma_start3A_385] : memref<2048x16xi32, #tpu.memory_space<vmem>> -> memref<128x16xi32, #tpu.memory_space<vmem>>
    %dma_start3A_387 = arith.constant 0 : i32
    %dma_start3A_388 = tpu.memref_slice %arg5[%dma_start3A_383, %dma_start3A_387] : memref<16x128xi32, #tpu.memory_space<vmem>> -> memref<1x128xi32, #tpu.memory_space<vmem>>
    %dma_start3A_389 = tpu.memref_squeeze %dma_start3A_388 : memref<1x128xi32, #tpu.memory_space<vmem>> -> memref<128xi32, #tpu.memory_space<vmem>>
    %dma_start3A_390 = arith.constant 0 : i32
    %dma_start3A_391 = arith.constant 0 : i32
    %dma_start3A_392 = tpu.memref_slice %arg2[%dma_start3A_390, %dma_start3A_391] : memref<8192x16xi32, #tpu.memory_space<hbm>> -> memref<8192x16xi32, #tpu.memory_space<hbm>>
    tpu.enqueue_indirect_dma source(%dma_start3A_392 : memref<8192x16xi32, #tpu.memory_space<hbm>>) target(%dma_start3A_386 : memref<128x16xi32, #tpu.memory_space<vmem>>) offsets(%dma_start3A_389 : memref<128xi32, #tpu.memory_space<vmem>>) semaphore(%arg7 : memref<!tpu.dma_semaphore, #tpu.memory_space<semaphore_mem>>)
    %dma_start3A_393 = arith.constant 6 : i32
    %dma_start3A_394 = arith.constant 768 : i32
    %dma_start3A_395 = arith.constant 0 : i32
    %dma_start3A_396 = tpu.memref_slice %arg6[%dma_start3A_394, %dma_start3A_395] : memref<2048x16xi32, #tpu.memory_space<vmem>> -> memref<128x16xi32, #tpu.memory_space<vmem>>
    %dma_start3A_397 = arith.constant 0 : i32
    %dma_start3A_398 = tpu.memref_slice %arg5[%dma_start3A_393, %dma_start3A_397] : memref<16x128xi32, #tpu.memory_space<vmem>> -> memref<1x128xi32, #tpu.memory_space<vmem>>
    %dma_start3A_399 = tpu.memref_squeeze %dma_start3A_398 : memref<1x128xi32, #tpu.memory_space<vmem>> -> memref<128xi32, #tpu.memory_space<vmem>>
    %dma_start3A_400 = arith.constant 0 : i32
    %dma_start3A_401 = arith.constant 0 : i32
    %dma_start3A_402 = tpu.memref_slice %arg2[%dma_start3A_400, %dma_start3A_401] : memref<8192x16xi32, #tpu.memory_space<hbm>> -> memref<8192x16xi32, #tpu.memory_space<hbm>>
    tpu.enqueue_indirect_dma source(%dma_start3A_402 : memref<8192x16xi32, #tpu.memory_space<hbm>>) target(%dma_start3A_396 : memref<128x16xi32, #tpu.memory_space<vmem>>) offsets(%dma_start3A_399 : memref<128xi32, #tpu.memory_space<vmem>>) semaphore(%arg7 : memref<!tpu.dma_semaphore, #tpu.memory_space<semaphore_mem>>)
    %dma_start3A_403 = arith.constant 7 : i32
    %dma_start3A_404 = arith.constant 896 : i32
    %dma_start3A_405 = arith.constant 0 : i32
    %dma_start3A_406 = tpu.memref_slice %arg6[%dma_start3A_404, %dma_start3A_405] : memref<2048x16xi32, #tpu.memory_space<vmem>> -> memref<128x16xi32, #tpu.memory_space<vmem>>
    %dma_start3A_407 = arith.constant 0 : i32
    %dma_start3A_408 = tpu.memref_slice %arg5[%dma_start3A_403, %dma_start3A_407] : memref<16x128xi32, #tpu.memory_space<vmem>> -> memref<1x128xi32, #tpu.memory_space<vmem>>
    %dma_start3A_409 = tpu.memref_squeeze %dma_start3A_408 : memref<1x128xi32, #tpu.memory_space<vmem>> -> memref<128xi32, #tpu.memory_space<vmem>>
    %dma_start3A_410 = arith.constant 0 : i32
    %dma_start3A_411 = arith.constant 0 : i32
    %dma_start3A_412 = tpu.memref_slice %arg2[%dma_start3A_410, %dma_start3A_411] : memref<8192x16xi32, #tpu.memory_space<hbm>> -> memref<8192x16xi32, #tpu.memory_space<hbm>>
    tpu.enqueue_indirect_dma source(%dma_start3A_412 : memref<8192x16xi32, #tpu.memory_space<hbm>>) target(%dma_start3A_406 : memref<128x16xi32, #tpu.memory_space<vmem>>) offsets(%dma_start3A_409 : memref<128xi32, #tpu.memory_space<vmem>>) semaphore(%arg7 : memref<!tpu.dma_semaphore, #tpu.memory_space<semaphore_mem>>)
    %dma_start3A_413 = arith.constant 8 : i32
    %dma_start3A_414 = arith.constant 1024 : i32
    %dma_start3A_415 = arith.constant 0 : i32
    %dma_start3A_416 = tpu.memref_slice %arg6[%dma_start3A_414, %dma_start3A_415] : memref<2048x16xi32, #tpu.memory_space<vmem>> -> memref<128x16xi32, #tpu.memory_space<vmem>>
    %dma_start3A_417 = arith.constant 0 : i32
    %dma_start3A_418 = tpu.memref_slice %arg5[%dma_start3A_413, %dma_start3A_417] : memref<16x128xi32, #tpu.memory_space<vmem>> -> memref<1x128xi32, #tpu.memory_space<vmem>>
    %dma_start3A_419 = tpu.memref_squeeze %dma_start3A_418 : memref<1x128xi32, #tpu.memory_space<vmem>> -> memref<128xi32, #tpu.memory_space<vmem>>
    %dma_start3A_420 = arith.constant 0 : i32
    %dma_start3A_421 = arith.constant 0 : i32
    %dma_start3A_422 = tpu.memref_slice %arg2[%dma_start3A_420, %dma_start3A_421] : memref<8192x16xi32, #tpu.memory_space<hbm>> -> memref<8192x16xi32, #tpu.memory_space<hbm>>
    tpu.enqueue_indirect_dma source(%dma_start3A_422 : memref<8192x16xi32, #tpu.memory_space<hbm>>) target(%dma_start3A_416 : memref<128x16xi32, #tpu.memory_space<vmem>>) offsets(%dma_start3A_419 : memref<128xi32, #tpu.memory_space<vmem>>) semaphore(%arg7 : memref<!tpu.dma_semaphore, #tpu.memory_space<semaphore_mem>>)
    %dma_start3A_423 = arith.constant 9 : i32
    %dma_start3A_424 = arith.constant 1152 : i32
    %dma_start3A_425 = arith.constant 0 : i32
    %dma_start3A_426 = tpu.memref_slice %arg6[%dma_start3A_424, %dma_start3A_425] : memref<2048x16xi32, #tpu.memory_space<vmem>> -> memref<128x16xi32, #tpu.memory_space<vmem>>
    %dma_start3A_427 = arith.constant 0 : i32
    %dma_start3A_428 = tpu.memref_slice %arg5[%dma_start3A_423, %dma_start3A_427] : memref<16x128xi32, #tpu.memory_space<vmem>> -> memref<1x128xi32, #tpu.memory_space<vmem>>
    %dma_start3A_429 = tpu.memref_squeeze %dma_start3A_428 : memref<1x128xi32, #tpu.memory_space<vmem>> -> memref<128xi32, #tpu.memory_space<vmem>>
    %dma_start3A_430 = arith.constant 0 : i32
    %dma_start3A_431 = arith.constant 0 : i32
    %dma_start3A_432 = tpu.memref_slice %arg2[%dma_start3A_430, %dma_start3A_431] : memref<8192x16xi32, #tpu.memory_space<hbm>> -> memref<8192x16xi32, #tpu.memory_space<hbm>>
    tpu.enqueue_indirect_dma source(%dma_start3A_432 : memref<8192x16xi32, #tpu.memory_space<hbm>>) target(%dma_start3A_426 : memref<128x16xi32, #tpu.memory_space<vmem>>) offsets(%dma_start3A_429 : memref<128xi32, #tpu.memory_space<vmem>>) semaphore(%arg7 : memref<!tpu.dma_semaphore, #tpu.memory_space<semaphore_mem>>)
    %dma_start3A_433 = arith.constant 10 : i32
    %dma_start3A_434 = arith.constant 1280 : i32
    %dma_start3A_435 = arith.constant 0 : i32
    %dma_start3A_436 = tpu.memref_slice %arg6[%dma_start3A_434, %dma_start3A_435] : memref<2048x16xi32, #tpu.memory_space<vmem>> -> memref<128x16xi32, #tpu.memory_space<vmem>>
    %dma_start3A_437 = arith.constant 0 : i32
    %dma_start3A_438 = tpu.memref_slice %arg5[%dma_start3A_433, %dma_start3A_437] : memref<16x128xi32, #tpu.memory_space<vmem>> -> memref<1x128xi32, #tpu.memory_space<vmem>>
    %dma_start3A_439 = tpu.memref_squeeze %dma_start3A_438 : memref<1x128xi32, #tpu.memory_space<vmem>> -> memref<128xi32, #tpu.memory_space<vmem>>
    %dma_start3A_440 = arith.constant 0 : i32
    %dma_start3A_441 = arith.constant 0 : i32
    %dma_start3A_442 = tpu.memref_slice %arg2[%dma_start3A_440, %dma_start3A_441] : memref<8192x16xi32, #tpu.memory_space<hbm>> -> memref<8192x16xi32, #tpu.memory_space<hbm>>
    tpu.enqueue_indirect_dma source(%dma_start3A_442 : memref<8192x16xi32, #tpu.memory_space<hbm>>) target(%dma_start3A_436 : memref<128x16xi32, #tpu.memory_space<vmem>>) offsets(%dma_start3A_439 : memref<128xi32, #tpu.memory_space<vmem>>) semaphore(%arg7 : memref<!tpu.dma_semaphore, #tpu.memory_space<semaphore_mem>>)
    %dma_start3A_443 = arith.constant 11 : i32
    %dma_start3A_444 = arith.constant 1408 : i32
    %dma_start3A_445 = arith.constant 0 : i32
    %dma_start3A_446 = tpu.memref_slice %arg6[%dma_start3A_444, %dma_start3A_445] : memref<2048x16xi32, #tpu.memory_space<vmem>> -> memref<128x16xi32, #tpu.memory_space<vmem>>
    %dma_start3A_447 = arith.constant 0 : i32
    %dma_start3A_448 = tpu.memref_slice %arg5[%dma_start3A_443, %dma_start3A_447] : memref<16x128xi32, #tpu.memory_space<vmem>> -> memref<1x128xi32, #tpu.memory_space<vmem>>
    %dma_start3A_449 = tpu.memref_squeeze %dma_start3A_448 : memref<1x128xi32, #tpu.memory_space<vmem>> -> memref<128xi32, #tpu.memory_space<vmem>>
    %dma_start3A_450 = arith.constant 0 : i32
    %dma_start3A_451 = arith.constant 0 : i32
    %dma_start3A_452 = tpu.memref_slice %arg2[%dma_start3A_450, %dma_start3A_451] : memref<8192x16xi32, #tpu.memory_space<hbm>> -> memref<8192x16xi32, #tpu.memory_space<hbm>>
    tpu.enqueue_indirect_dma source(%dma_start3A_452 : memref<8192x16xi32, #tpu.memory_space<hbm>>) target(%dma_start3A_446 : memref<128x16xi32, #tpu.memory_space<vmem>>) offsets(%dma_start3A_449 : memref<128xi32, #tpu.memory_space<vmem>>) semaphore(%arg7 : memref<!tpu.dma_semaphore, #tpu.memory_space<semaphore_mem>>)
    %dma_start3A_453 = arith.constant 12 : i32
    %dma_start3A_454 = arith.constant 1536 : i32
    %dma_start3A_455 = arith.constant 0 : i32
    %dma_start3A_456 = tpu.memref_slice %arg6[%dma_start3A_454, %dma_start3A_455] : memref<2048x16xi32, #tpu.memory_space<vmem>> -> memref<128x16xi32, #tpu.memory_space<vmem>>
    %dma_start3A_457 = arith.constant 0 : i32
    %dma_start3A_458 = tpu.memref_slice %arg5[%dma_start3A_453, %dma_start3A_457] : memref<16x128xi32, #tpu.memory_space<vmem>> -> memref<1x128xi32, #tpu.memory_space<vmem>>
    %dma_start3A_459 = tpu.memref_squeeze %dma_start3A_458 : memref<1x128xi32, #tpu.memory_space<vmem>> -> memref<128xi32, #tpu.memory_space<vmem>>
    %dma_start3A_460 = arith.constant 0 : i32
    %dma_start3A_461 = arith.constant 0 : i32
    %dma_start3A_462 = tpu.memref_slice %arg2[%dma_start3A_460, %dma_start3A_461] : memref<8192x16xi32, #tpu.memory_space<hbm>> -> memref<8192x16xi32, #tpu.memory_space<hbm>>
    tpu.enqueue_indirect_dma source(%dma_start3A_462 : memref<8192x16xi32, #tpu.memory_space<hbm>>) target(%dma_start3A_456 : memref<128x16xi32, #tpu.memory_space<vmem>>) offsets(%dma_start3A_459 : memref<128xi32, #tpu.memory_space<vmem>>) semaphore(%arg7 : memref<!tpu.dma_semaphore, #tpu.memory_space<semaphore_mem>>)
    %dma_start3A_463 = arith.constant 13 : i32
    %dma_start3A_464 = arith.constant 1664 : i32
    %dma_start3A_465 = arith.constant 0 : i32
    %dma_start3A_466 = tpu.memref_slice %arg6[%dma_start3A_464, %dma_start3A_465] : memref<2048x16xi32, #tpu.memory_space<vmem>> -> memref<128x16xi32, #tpu.memory_space<vmem>>
    %dma_start3A_467 = arith.constant 0 : i32
    %dma_start3A_468 = tpu.memref_slice %arg5[%dma_start3A_463, %dma_start3A_467] : memref<16x128xi32, #tpu.memory_space<vmem>> -> memref<1x128xi32, #tpu.memory_space<vmem>>
    %dma_start3A_469 = tpu.memref_squeeze %dma_start3A_468 : memref<1x128xi32, #tpu.memory_space<vmem>> -> memref<128xi32, #tpu.memory_space<vmem>>
    %dma_start3A_470 = arith.constant 0 : i32
    %dma_start3A_471 = arith.constant 0 : i32
    %dma_start3A_472 = tpu.memref_slice %arg2[%dma_start3A_470, %dma_start3A_471] : memref<8192x16xi32, #tpu.memory_space<hbm>> -> memref<8192x16xi32, #tpu.memory_space<hbm>>
    tpu.enqueue_indirect_dma source(%dma_start3A_472 : memref<8192x16xi32, #tpu.memory_space<hbm>>) target(%dma_start3A_466 : memref<128x16xi32, #tpu.memory_space<vmem>>) offsets(%dma_start3A_469 : memref<128xi32, #tpu.memory_space<vmem>>) semaphore(%arg7 : memref<!tpu.dma_semaphore, #tpu.memory_space<semaphore_mem>>)
    %dma_start3A_473 = arith.constant 14 : i32
    %dma_start3A_474 = arith.constant 1792 : i32
    %dma_start3A_475 = arith.constant 0 : i32
    %dma_start3A_476 = tpu.memref_slice %arg6[%dma_start3A_474, %dma_start3A_475] : memref<2048x16xi32, #tpu.memory_space<vmem>> -> memref<128x16xi32, #tpu.memory_space<vmem>>
    %dma_start3A_477 = arith.constant 0 : i32
    %dma_start3A_478 = tpu.memref_slice %arg5[%dma_start3A_473, %dma_start3A_477] : memref<16x128xi32, #tpu.memory_space<vmem>> -> memref<1x128xi32, #tpu.memory_space<vmem>>
    %dma_start3A_479 = tpu.memref_squeeze %dma_start3A_478 : memref<1x128xi32, #tpu.memory_space<vmem>> -> memref<128xi32, #tpu.memory_space<vmem>>
    %dma_start3A_480 = arith.constant 0 : i32
    %dma_start3A_481 = arith.constant 0 : i32
    %dma_start3A_482 = tpu.memref_slice %arg2[%dma_start3A_480, %dma_start3A_481] : memref<8192x16xi32, #tpu.memory_space<hbm>> -> memref<8192x16xi32, #tpu.memory_space<hbm>>
    tpu.enqueue_indirect_dma source(%dma_start3A_482 : memref<8192x16xi32, #tpu.memory_space<hbm>>) target(%dma_start3A_476 : memref<128x16xi32, #tpu.memory_space<vmem>>) offsets(%dma_start3A_479 : memref<128xi32, #tpu.memory_space<vmem>>) semaphore(%arg7 : memref<!tpu.dma_semaphore, #tpu.memory_space<semaphore_mem>>)
    %dma_start3A_483 = arith.constant 15 : i32
    %dma_start3A_484 = arith.constant 1920 : i32
    %dma_start3A_485 = arith.constant 0 : i32
    %dma_start3A_486 = tpu.memref_slice %arg6[%dma_start3A_484, %dma_start3A_485] : memref<2048x16xi32, #tpu.memory_space<vmem>> -> memref<128x16xi32, #tpu.memory_space<vmem>>
    %dma_start3A_487 = arith.constant 0 : i32
    %dma_start3A_488 = tpu.memref_slice %arg5[%dma_start3A_483, %dma_start3A_487] : memref<16x128xi32, #tpu.memory_space<vmem>> -> memref<1x128xi32, #tpu.memory_space<vmem>>
    %dma_start3A_489 = tpu.memref_squeeze %dma_start3A_488 : memref<1x128xi32, #tpu.memory_space<vmem>> -> memref<128xi32, #tpu.memory_space<vmem>>
    %dma_start3A_490 = arith.constant 0 : i32
    %dma_start3A_491 = arith.constant 0 : i32
    %dma_start3A_492 = tpu.memref_slice %arg2[%dma_start3A_490, %dma_start3A_491] : memref<8192x16xi32, #tpu.memory_space<hbm>> -> memref<8192x16xi32, #tpu.memory_space<hbm>>
    tpu.enqueue_indirect_dma source(%dma_start3A_492 : memref<8192x16xi32, #tpu.memory_space<hbm>>) target(%dma_start3A_486 : memref<128x16xi32, #tpu.memory_space<vmem>>) offsets(%dma_start3A_489 : memref<128xi32, #tpu.memory_space<vmem>>) semaphore(%arg7 : memref<!tpu.dma_semaphore, #tpu.memory_space<semaphore_mem>>)
    %dma_wait3A_493 = arith.constant 0 : i32
    %dma_wait3A_494 = arith.constant 0 : i32
    %dma_wait3A_495 = arith.constant 0 : i32
    %dma_wait3A_496 = tpu.memref_slice %arg6[%dma_wait3A_494, %dma_wait3A_495] : memref<2048x16xi32, #tpu.memory_space<vmem>> -> memref<128x16xi32, #tpu.memory_space<vmem>>
    %dma_wait3A_497 = arith.constant 0 : i32
    %dma_wait3A_498 = tpu.memref_slice %arg5[%dma_wait3A_493, %dma_wait3A_497] : memref<16x128xi32, #tpu.memory_space<vmem>> -> memref<1x128xi32, #tpu.memory_space<vmem>>
    %dma_wait3A_499 = tpu.memref_squeeze %dma_wait3A_498 : memref<1x128xi32, #tpu.memory_space<vmem>> -> memref<128xi32, #tpu.memory_space<vmem>>
    %dma_wait3A_500 = arith.constant 0 : i32
    %dma_wait3A_501 = arith.constant 0 : i32
    %dma_wait3A_502 = tpu.memref_slice %arg2[%dma_wait3A_500, %dma_wait3A_501] : memref<8192x16xi32, #tpu.memory_space<hbm>> -> memref<8192x16xi32, #tpu.memory_space<hbm>>
    tpu.wait_indirect_dma semaphore(%arg7 : memref<!tpu.dma_semaphore, #tpu.memory_space<semaphore_mem>>) src(%dma_wait3A_502 : memref<8192x16xi32, #tpu.memory_space<hbm>>) dst(%dma_wait3A_496 : memref<128x16xi32, #tpu.memory_space<vmem>>)
    %dma_wait3A_503 = arith.constant 1 : i32
    %dma_wait3A_504 = arith.constant 128 : i32
    %dma_wait3A_505 = arith.constant 0 : i32
    %dma_wait3A_506 = tpu.memref_slice %arg6[%dma_wait3A_504, %dma_wait3A_505] : memref<2048x16xi32, #tpu.memory_space<vmem>> -> memref<128x16xi32, #tpu.memory_space<vmem>>
    %dma_wait3A_507 = arith.constant 0 : i32
    %dma_wait3A_508 = tpu.memref_slice %arg5[%dma_wait3A_503, %dma_wait3A_507] : memref<16x128xi32, #tpu.memory_space<vmem>> -> memref<1x128xi32, #tpu.memory_space<vmem>>
    %dma_wait3A_509 = tpu.memref_squeeze %dma_wait3A_508 : memref<1x128xi32, #tpu.memory_space<vmem>> -> memref<128xi32, #tpu.memory_space<vmem>>
    %dma_wait3A_510 = arith.constant 0 : i32
    %dma_wait3A_511 = arith.constant 0 : i32
    %dma_wait3A_512 = tpu.memref_slice %arg2[%dma_wait3A_510, %dma_wait3A_511] : memref<8192x16xi32, #tpu.memory_space<hbm>> -> memref<8192x16xi32, #tpu.memory_space<hbm>>
    tpu.wait_indirect_dma semaphore(%arg7 : memref<!tpu.dma_semaphore, #tpu.memory_space<semaphore_mem>>) src(%dma_wait3A_512 : memref<8192x16xi32, #tpu.memory_space<hbm>>) dst(%dma_wait3A_506 : memref<128x16xi32, #tpu.memory_space<vmem>>)
    %dma_wait3A_513 = arith.constant 2 : i32
    %dma_wait3A_514 = arith.constant 256 : i32
    %dma_wait3A_515 = arith.constant 0 : i32
    %dma_wait3A_516 = tpu.memref_slice %arg6[%dma_wait3A_514, %dma_wait3A_515] : memref<2048x16xi32, #tpu.memory_space<vmem>> -> memref<128x16xi32, #tpu.memory_space<vmem>>
    %dma_wait3A_517 = arith.constant 0 : i32
    %dma_wait3A_518 = tpu.memref_slice %arg5[%dma_wait3A_513, %dma_wait3A_517] : memref<16x128xi32, #tpu.memory_space<vmem>> -> memref<1x128xi32, #tpu.memory_space<vmem>>
    %dma_wait3A_519 = tpu.memref_squeeze %dma_wait3A_518 : memref<1x128xi32, #tpu.memory_space<vmem>> -> memref<128xi32, #tpu.memory_space<vmem>>
    %dma_wait3A_520 = arith.constant 0 : i32
    %dma_wait3A_521 = arith.constant 0 : i32
    %dma_wait3A_522 = tpu.memref_slice %arg2[%dma_wait3A_520, %dma_wait3A_521] : memref<8192x16xi32, #tpu.memory_space<hbm>> -> memref<8192x16xi32, #tpu.memory_space<hbm>>
    tpu.wait_indirect_dma semaphore(%arg7 : memref<!tpu.dma_semaphore, #tpu.memory_space<semaphore_mem>>) src(%dma_wait3A_522 : memref<8192x16xi32, #tpu.memory_space<hbm>>) dst(%dma_wait3A_516 : memref<128x16xi32, #tpu.memory_space<vmem>>)
    %dma_wait3A_523 = arith.constant 3 : i32
    %dma_wait3A_524 = arith.constant 384 : i32
    %dma_wait3A_525 = arith.constant 0 : i32
    %dma_wait3A_526 = tpu.memref_slice %arg6[%dma_wait3A_524, %dma_wait3A_525] : memref<2048x16xi32, #tpu.memory_space<vmem>> -> memref<128x16xi32, #tpu.memory_space<vmem>>
    %dma_wait3A_527 = arith.constant 0 : i32
    %dma_wait3A_528 = tpu.memref_slice %arg5[%dma_wait3A_523, %dma_wait3A_527] : memref<16x128xi32, #tpu.memory_space<vmem>> -> memref<1x128xi32, #tpu.memory_space<vmem>>
    %dma_wait3A_529 = tpu.memref_squeeze %dma_wait3A_528 : memref<1x128xi32, #tpu.memory_space<vmem>> -> memref<128xi32, #tpu.memory_space<vmem>>
    %dma_wait3A_530 = arith.constant 0 : i32
    %dma_wait3A_531 = arith.constant 0 : i32
    %dma_wait3A_532 = tpu.memref_slice %arg2[%dma_wait3A_530, %dma_wait3A_531] : memref<8192x16xi32, #tpu.memory_space<hbm>> -> memref<8192x16xi32, #tpu.memory_space<hbm>>
    tpu.wait_indirect_dma semaphore(%arg7 : memref<!tpu.dma_semaphore, #tpu.memory_space<semaphore_mem>>) src(%dma_wait3A_532 : memref<8192x16xi32, #tpu.memory_space<hbm>>) dst(%dma_wait3A_526 : memref<128x16xi32, #tpu.memory_space<vmem>>)
    %dma_wait3A_533 = arith.constant 4 : i32
    %dma_wait3A_534 = arith.constant 512 : i32
    %dma_wait3A_535 = arith.constant 0 : i32
    %dma_wait3A_536 = tpu.memref_slice %arg6[%dma_wait3A_534, %dma_wait3A_535] : memref<2048x16xi32, #tpu.memory_space<vmem>> -> memref<128x16xi32, #tpu.memory_space<vmem>>
    %dma_wait3A_537 = arith.constant 0 : i32
    %dma_wait3A_538 = tpu.memref_slice %arg5[%dma_wait3A_533, %dma_wait3A_537] : memref<16x128xi32, #tpu.memory_space<vmem>> -> memref<1x128xi32, #tpu.memory_space<vmem>>
    %dma_wait3A_539 = tpu.memref_squeeze %dma_wait3A_538 : memref<1x128xi32, #tpu.memory_space<vmem>> -> memref<128xi32, #tpu.memory_space<vmem>>
    %dma_wait3A_540 = arith.constant 0 : i32
    %dma_wait3A_541 = arith.constant 0 : i32
    %dma_wait3A_542 = tpu.memref_slice %arg2[%dma_wait3A_540, %dma_wait3A_541] : memref<8192x16xi32, #tpu.memory_space<hbm>> -> memref<8192x16xi32, #tpu.memory_space<hbm>>
    tpu.wait_indirect_dma semaphore(%arg7 : memref<!tpu.dma_semaphore, #tpu.memory_space<semaphore_mem>>) src(%dma_wait3A_542 : memref<8192x16xi32, #tpu.memory_space<hbm>>) dst(%dma_wait3A_536 : memref<128x16xi32, #tpu.memory_space<vmem>>)
    %dma_wait3A_543 = arith.constant 5 : i32
    %dma_wait3A_544 = arith.constant 640 : i32
    %dma_wait3A_545 = arith.constant 0 : i32
    %dma_wait3A_546 = tpu.memref_slice %arg6[%dma_wait3A_544, %dma_wait3A_545] : memref<2048x16xi32, #tpu.memory_space<vmem>> -> memref<128x16xi32, #tpu.memory_space<vmem>>
    %dma_wait3A_547 = arith.constant 0 : i32
    %dma_wait3A_548 = tpu.memref_slice %arg5[%dma_wait3A_543, %dma_wait3A_547] : memref<16x128xi32, #tpu.memory_space<vmem>> -> memref<1x128xi32, #tpu.memory_space<vmem>>
    %dma_wait3A_549 = tpu.memref_squeeze %dma_wait3A_548 : memref<1x128xi32, #tpu.memory_space<vmem>> -> memref<128xi32, #tpu.memory_space<vmem>>
    %dma_wait3A_550 = arith.constant 0 : i32
    %dma_wait3A_551 = arith.constant 0 : i32
    %dma_wait3A_552 = tpu.memref_slice %arg2[%dma_wait3A_550, %dma_wait3A_551] : memref<8192x16xi32, #tpu.memory_space<hbm>> -> memref<8192x16xi32, #tpu.memory_space<hbm>>
    tpu.wait_indirect_dma semaphore(%arg7 : memref<!tpu.dma_semaphore, #tpu.memory_space<semaphore_mem>>) src(%dma_wait3A_552 : memref<8192x16xi32, #tpu.memory_space<hbm>>) dst(%dma_wait3A_546 : memref<128x16xi32, #tpu.memory_space<vmem>>)
    %dma_wait3A_553 = arith.constant 6 : i32
    %dma_wait3A_554 = arith.constant 768 : i32
    %dma_wait3A_555 = arith.constant 0 : i32
    %dma_wait3A_556 = tpu.memref_slice %arg6[%dma_wait3A_554, %dma_wait3A_555] : memref<2048x16xi32, #tpu.memory_space<vmem>> -> memref<128x16xi32, #tpu.memory_space<vmem>>
    %dma_wait3A_557 = arith.constant 0 : i32
    %dma_wait3A_558 = tpu.memref_slice %arg5[%dma_wait3A_553, %dma_wait3A_557] : memref<16x128xi32, #tpu.memory_space<vmem>> -> memref<1x128xi32, #tpu.memory_space<vmem>>
    %dma_wait3A_559 = tpu.memref_squeeze %dma_wait3A_558 : memref<1x128xi32, #tpu.memory_space<vmem>> -> memref<128xi32, #tpu.memory_space<vmem>>
    %dma_wait3A_560 = arith.constant 0 : i32
    %dma_wait3A_561 = arith.constant 0 : i32
    %dma_wait3A_562 = tpu.memref_slice %arg2[%dma_wait3A_560, %dma_wait3A_561] : memref<8192x16xi32, #tpu.memory_space<hbm>> -> memref<8192x16xi32, #tpu.memory_space<hbm>>
    tpu.wait_indirect_dma semaphore(%arg7 : memref<!tpu.dma_semaphore, #tpu.memory_space<semaphore_mem>>) src(%dma_wait3A_562 : memref<8192x16xi32, #tpu.memory_space<hbm>>) dst(%dma_wait3A_556 : memref<128x16xi32, #tpu.memory_space<vmem>>)
    %dma_wait3A_563 = arith.constant 7 : i32
    %dma_wait3A_564 = arith.constant 896 : i32
    %dma_wait3A_565 = arith.constant 0 : i32
    %dma_wait3A_566 = tpu.memref_slice %arg6[%dma_wait3A_564, %dma_wait3A_565] : memref<2048x16xi32, #tpu.memory_space<vmem>> -> memref<128x16xi32, #tpu.memory_space<vmem>>
    %dma_wait3A_567 = arith.constant 0 : i32
    %dma_wait3A_568 = tpu.memref_slice %arg5[%dma_wait3A_563, %dma_wait3A_567] : memref<16x128xi32, #tpu.memory_space<vmem>> -> memref<1x128xi32, #tpu.memory_space<vmem>>
    %dma_wait3A_569 = tpu.memref_squeeze %dma_wait3A_568 : memref<1x128xi32, #tpu.memory_space<vmem>> -> memref<128xi32, #tpu.memory_space<vmem>>
    %dma_wait3A_570 = arith.constant 0 : i32
    %dma_wait3A_571 = arith.constant 0 : i32
    %dma_wait3A_572 = tpu.memref_slice %arg2[%dma_wait3A_570, %dma_wait3A_571] : memref<8192x16xi32, #tpu.memory_space<hbm>> -> memref<8192x16xi32, #tpu.memory_space<hbm>>
    tpu.wait_indirect_dma semaphore(%arg7 : memref<!tpu.dma_semaphore, #tpu.memory_space<semaphore_mem>>) src(%dma_wait3A_572 : memref<8192x16xi32, #tpu.memory_space<hbm>>) dst(%dma_wait3A_566 : memref<128x16xi32, #tpu.memory_space<vmem>>)
    %dma_wait3A_573 = arith.constant 8 : i32
    %dma_wait3A_574 = arith.constant 1024 : i32
    %dma_wait3A_575 = arith.constant 0 : i32
    %dma_wait3A_576 = tpu.memref_slice %arg6[%dma_wait3A_574, %dma_wait3A_575] : memref<2048x16xi32, #tpu.memory_space<vmem>> -> memref<128x16xi32, #tpu.memory_space<vmem>>
    %dma_wait3A_577 = arith.constant 0 : i32
    %dma_wait3A_578 = tpu.memref_slice %arg5[%dma_wait3A_573, %dma_wait3A_577] : memref<16x128xi32, #tpu.memory_space<vmem>> -> memref<1x128xi32, #tpu.memory_space<vmem>>
    %dma_wait3A_579 = tpu.memref_squeeze %dma_wait3A_578 : memref<1x128xi32, #tpu.memory_space<vmem>> -> memref<128xi32, #tpu.memory_space<vmem>>
    %dma_wait3A_580 = arith.constant 0 : i32
    %dma_wait3A_581 = arith.constant 0 : i32
    %dma_wait3A_582 = tpu.memref_slice %arg2[%dma_wait3A_580, %dma_wait3A_581] : memref<8192x16xi32, #tpu.memory_space<hbm>> -> memref<8192x16xi32, #tpu.memory_space<hbm>>
    tpu.wait_indirect_dma semaphore(%arg7 : memref<!tpu.dma_semaphore, #tpu.memory_space<semaphore_mem>>) src(%dma_wait3A_582 : memref<8192x16xi32, #tpu.memory_space<hbm>>) dst(%dma_wait3A_576 : memref<128x16xi32, #tpu.memory_space<vmem>>)
    %dma_wait3A_583 = arith.constant 9 : i32
    %dma_wait3A_584 = arith.constant 1152 : i32
    %dma_wait3A_585 = arith.constant 0 : i32
    %dma_wait3A_586 = tpu.memref_slice %arg6[%dma_wait3A_584, %dma_wait3A_585] : memref<2048x16xi32, #tpu.memory_space<vmem>> -> memref<128x16xi32, #tpu.memory_space<vmem>>
    %dma_wait3A_587 = arith.constant 0 : i32
    %dma_wait3A_588 = tpu.memref_slice %arg5[%dma_wait3A_583, %dma_wait3A_587] : memref<16x128xi32, #tpu.memory_space<vmem>> -> memref<1x128xi32, #tpu.memory_space<vmem>>
    %dma_wait3A_589 = tpu.memref_squeeze %dma_wait3A_588 : memref<1x128xi32, #tpu.memory_space<vmem>> -> memref<128xi32, #tpu.memory_space<vmem>>
    %dma_wait3A_590 = arith.constant 0 : i32
    %dma_wait3A_591 = arith.constant 0 : i32
    %dma_wait3A_592 = tpu.memref_slice %arg2[%dma_wait3A_590, %dma_wait3A_591] : memref<8192x16xi32, #tpu.memory_space<hbm>> -> memref<8192x16xi32, #tpu.memory_space<hbm>>
    tpu.wait_indirect_dma semaphore(%arg7 : memref<!tpu.dma_semaphore, #tpu.memory_space<semaphore_mem>>) src(%dma_wait3A_592 : memref<8192x16xi32, #tpu.memory_space<hbm>>) dst(%dma_wait3A_586 : memref<128x16xi32, #tpu.memory_space<vmem>>)
    %dma_wait3A_593 = arith.constant 10 : i32
    %dma_wait3A_594 = arith.constant 1280 : i32
    %dma_wait3A_595 = arith.constant 0 : i32
    %dma_wait3A_596 = tpu.memref_slice %arg6[%dma_wait3A_594, %dma_wait3A_595] : memref<2048x16xi32, #tpu.memory_space<vmem>> -> memref<128x16xi32, #tpu.memory_space<vmem>>
    %dma_wait3A_597 = arith.constant 0 : i32
    %dma_wait3A_598 = tpu.memref_slice %arg5[%dma_wait3A_593, %dma_wait3A_597] : memref<16x128xi32, #tpu.memory_space<vmem>> -> memref<1x128xi32, #tpu.memory_space<vmem>>
    %dma_wait3A_599 = tpu.memref_squeeze %dma_wait3A_598 : memref<1x128xi32, #tpu.memory_space<vmem>> -> memref<128xi32, #tpu.memory_space<vmem>>
    %dma_wait3A_600 = arith.constant 0 : i32
    %dma_wait3A_601 = arith.constant 0 : i32
    %dma_wait3A_602 = tpu.memref_slice %arg2[%dma_wait3A_600, %dma_wait3A_601] : memref<8192x16xi32, #tpu.memory_space<hbm>> -> memref<8192x16xi32, #tpu.memory_space<hbm>>
    tpu.wait_indirect_dma semaphore(%arg7 : memref<!tpu.dma_semaphore, #tpu.memory_space<semaphore_mem>>) src(%dma_wait3A_602 : memref<8192x16xi32, #tpu.memory_space<hbm>>) dst(%dma_wait3A_596 : memref<128x16xi32, #tpu.memory_space<vmem>>)
    %dma_wait3A_603 = arith.constant 11 : i32
    %dma_wait3A_604 = arith.constant 1408 : i32
    %dma_wait3A_605 = arith.constant 0 : i32
    %dma_wait3A_606 = tpu.memref_slice %arg6[%dma_wait3A_604, %dma_wait3A_605] : memref<2048x16xi32, #tpu.memory_space<vmem>> -> memref<128x16xi32, #tpu.memory_space<vmem>>
    %dma_wait3A_607 = arith.constant 0 : i32
    %dma_wait3A_608 = tpu.memref_slice %arg5[%dma_wait3A_603, %dma_wait3A_607] : memref<16x128xi32, #tpu.memory_space<vmem>> -> memref<1x128xi32, #tpu.memory_space<vmem>>
    %dma_wait3A_609 = tpu.memref_squeeze %dma_wait3A_608 : memref<1x128xi32, #tpu.memory_space<vmem>> -> memref<128xi32, #tpu.memory_space<vmem>>
    %dma_wait3A_610 = arith.constant 0 : i32
    %dma_wait3A_611 = arith.constant 0 : i32
    %dma_wait3A_612 = tpu.memref_slice %arg2[%dma_wait3A_610, %dma_wait3A_611] : memref<8192x16xi32, #tpu.memory_space<hbm>> -> memref<8192x16xi32, #tpu.memory_space<hbm>>
    tpu.wait_indirect_dma semaphore(%arg7 : memref<!tpu.dma_semaphore, #tpu.memory_space<semaphore_mem>>) src(%dma_wait3A_612 : memref<8192x16xi32, #tpu.memory_space<hbm>>) dst(%dma_wait3A_606 : memref<128x16xi32, #tpu.memory_space<vmem>>)
    %dma_wait3A_613 = arith.constant 12 : i32
    %dma_wait3A_614 = arith.constant 1536 : i32
    %dma_wait3A_615 = arith.constant 0 : i32
    %dma_wait3A_616 = tpu.memref_slice %arg6[%dma_wait3A_614, %dma_wait3A_615] : memref<2048x16xi32, #tpu.memory_space<vmem>> -> memref<128x16xi32, #tpu.memory_space<vmem>>
    %dma_wait3A_617 = arith.constant 0 : i32
    %dma_wait3A_618 = tpu.memref_slice %arg5[%dma_wait3A_613, %dma_wait3A_617] : memref<16x128xi32, #tpu.memory_space<vmem>> -> memref<1x128xi32, #tpu.memory_space<vmem>>
    %dma_wait3A_619 = tpu.memref_squeeze %dma_wait3A_618 : memref<1x128xi32, #tpu.memory_space<vmem>> -> memref<128xi32, #tpu.memory_space<vmem>>
    %dma_wait3A_620 = arith.constant 0 : i32
    %dma_wait3A_621 = arith.constant 0 : i32
    %dma_wait3A_622 = tpu.memref_slice %arg2[%dma_wait3A_620, %dma_wait3A_621] : memref<8192x16xi32, #tpu.memory_space<hbm>> -> memref<8192x16xi32, #tpu.memory_space<hbm>>
    tpu.wait_indirect_dma semaphore(%arg7 : memref<!tpu.dma_semaphore, #tpu.memory_space<semaphore_mem>>) src(%dma_wait3A_622 : memref<8192x16xi32, #tpu.memory_space<hbm>>) dst(%dma_wait3A_616 : memref<128x16xi32, #tpu.memory_space<vmem>>)
    %dma_wait3A_623 = arith.constant 13 : i32
    %dma_wait3A_624 = arith.constant 1664 : i32
    %dma_wait3A_625 = arith.constant 0 : i32
    %dma_wait3A_626 = tpu.memref_slice %arg6[%dma_wait3A_624, %dma_wait3A_625] : memref<2048x16xi32, #tpu.memory_space<vmem>> -> memref<128x16xi32, #tpu.memory_space<vmem>>
    %dma_wait3A_627 = arith.constant 0 : i32
    %dma_wait3A_628 = tpu.memref_slice %arg5[%dma_wait3A_623, %dma_wait3A_627] : memref<16x128xi32, #tpu.memory_space<vmem>> -> memref<1x128xi32, #tpu.memory_space<vmem>>
    %dma_wait3A_629 = tpu.memref_squeeze %dma_wait3A_628 : memref<1x128xi32, #tpu.memory_space<vmem>> -> memref<128xi32, #tpu.memory_space<vmem>>
    %dma_wait3A_630 = arith.constant 0 : i32
    %dma_wait3A_631 = arith.constant 0 : i32
    %dma_wait3A_632 = tpu.memref_slice %arg2[%dma_wait3A_630, %dma_wait3A_631] : memref<8192x16xi32, #tpu.memory_space<hbm>> -> memref<8192x16xi32, #tpu.memory_space<hbm>>
    tpu.wait_indirect_dma semaphore(%arg7 : memref<!tpu.dma_semaphore, #tpu.memory_space<semaphore_mem>>) src(%dma_wait3A_632 : memref<8192x16xi32, #tpu.memory_space<hbm>>) dst(%dma_wait3A_626 : memref<128x16xi32, #tpu.memory_space<vmem>>)
    %dma_wait3A_633 = arith.constant 14 : i32
    %dma_wait3A_634 = arith.constant 1792 : i32
    %dma_wait3A_635 = arith.constant 0 : i32
    %dma_wait3A_636 = tpu.memref_slice %arg6[%dma_wait3A_634, %dma_wait3A_635] : memref<2048x16xi32, #tpu.memory_space<vmem>> -> memref<128x16xi32, #tpu.memory_space<vmem>>
    %dma_wait3A_637 = arith.constant 0 : i32
    %dma_wait3A_638 = tpu.memref_slice %arg5[%dma_wait3A_633, %dma_wait3A_637] : memref<16x128xi32, #tpu.memory_space<vmem>> -> memref<1x128xi32, #tpu.memory_space<vmem>>
    %dma_wait3A_639 = tpu.memref_squeeze %dma_wait3A_638 : memref<1x128xi32, #tpu.memory_space<vmem>> -> memref<128xi32, #tpu.memory_space<vmem>>
    %dma_wait3A_640 = arith.constant 0 : i32
    %dma_wait3A_641 = arith.constant 0 : i32
    %dma_wait3A_642 = tpu.memref_slice %arg2[%dma_wait3A_640, %dma_wait3A_641] : memref<8192x16xi32, #tpu.memory_space<hbm>> -> memref<8192x16xi32, #tpu.memory_space<hbm>>
    tpu.wait_indirect_dma semaphore(%arg7 : memref<!tpu.dma_semaphore, #tpu.memory_space<semaphore_mem>>) src(%dma_wait3A_642 : memref<8192x16xi32, #tpu.memory_space<hbm>>) dst(%dma_wait3A_636 : memref<128x16xi32, #tpu.memory_space<vmem>>)
    %dma_wait3A_643 = arith.constant 15 : i32
    %dma_wait3A_644 = arith.constant 1920 : i32
    %dma_wait3A_645 = arith.constant 0 : i32
    %dma_wait3A_646 = tpu.memref_slice %arg6[%dma_wait3A_644, %dma_wait3A_645] : memref<2048x16xi32, #tpu.memory_space<vmem>> -> memref<128x16xi32, #tpu.memory_space<vmem>>
    %dma_wait3A_647 = arith.constant 0 : i32
    %dma_wait3A_648 = tpu.memref_slice %arg5[%dma_wait3A_643, %dma_wait3A_647] : memref<16x128xi32, #tpu.memory_space<vmem>> -> memref<1x128xi32, #tpu.memory_space<vmem>>
    %dma_wait3A_649 = tpu.memref_squeeze %dma_wait3A_648 : memref<1x128xi32, #tpu.memory_space<vmem>> -> memref<128xi32, #tpu.memory_space<vmem>>
    %dma_wait3A_650 = arith.constant 0 : i32
    %dma_wait3A_651 = arith.constant 0 : i32
    %dma_wait3A_652 = tpu.memref_slice %arg2[%dma_wait3A_650, %dma_wait3A_651] : memref<8192x16xi32, #tpu.memory_space<hbm>> -> memref<8192x16xi32, #tpu.memory_space<hbm>>
    tpu.wait_indirect_dma semaphore(%arg7 : memref<!tpu.dma_semaphore, #tpu.memory_space<semaphore_mem>>) src(%dma_wait3A_652 : memref<8192x16xi32, #tpu.memory_space<hbm>>) dst(%dma_wait3A_646 : memref<128x16xi32, #tpu.memory_space<vmem>>)
    %mul3A_653 = arith.constant 128 : i32
    %mul3A_654 = arith.muli %mul3A_332, %mul3A_653 : i32
    "tpu.region"() ({
      %run_scoped3A = tpu.sem_alloc : memref<!tpu.dma_semaphore, #tpu.memory_space<semaphore_mem>>
      %dma_start3A_655 = arith.constant 0 : i32
      %dma_start3A_656 = tpu.memref_slice %arg4[%mul3A_654, %dma_start3A_655] : memref<131072x16xi32, #tpu.memory_space<hbm>> -> memref<2048x16xi32, #tpu.memory_space<hbm>>
      %dma_start3A_657 = arith.constant 0 : i32
      %dma_start3A_658 = tpu.memref_slice %arg4[%mul3A_654, %dma_start3A_657] : memref<131072x16xi32, #tpu.memory_space<hbm>> -> memref<2048x16xi32, #tpu.memory_space<hbm>>
      tpu.enqueue_dma source(%arg6 : memref<2048x16xi32, #tpu.memory_space<vmem>>) target(%dma_start3A_658 : memref<2048x16xi32, #tpu.memory_space<hbm>>) target_semaphore(%run_scoped3A : memref<!tpu.dma_semaphore, #tpu.memory_space<semaphore_mem>>)
      %dma_wait3A_659 = arith.constant 0 : i32
      %dma_wait3A_660 = tpu.memref_slice %arg4[%mul3A_654, %dma_wait3A_659] : memref<131072x16xi32, #tpu.memory_space<hbm>> -> memref<2048x16xi32, #tpu.memory_space<hbm>>
      %dma_wait3A_661 = arith.constant 0 : i32
      %dma_wait3A_662 = tpu.memref_slice %arg4[%mul3A_654, %dma_wait3A_661] : memref<131072x16xi32, #tpu.memory_space<hbm>> -> memref<2048x16xi32, #tpu.memory_space<hbm>>
      tpu.wait_dma2 semaphore(%run_scoped3A : memref<!tpu.dma_semaphore, #tpu.memory_space<semaphore_mem>>) src(%arg6 : memref<2048x16xi32, #tpu.memory_space<vmem>>) dst(%dma_wait3A_662 : memref<2048x16xi32, #tpu.memory_space<hbm>>)
      tpu.yield
    }) : () -> ()
    return
  }
}

#map = affine_map<(d0, d1) -> (0, 0)>
module attributes {stable_mosaic.version = 14 : i64} {
  func.func @gather_k(%arg0: i32, %arg1: i32, %arg2: memref<8192x16xi32, #tpu.memory_space<hbm>>, %arg3: memref<1024x128xi32, #tpu.memory_space<hbm>>, %arg4: memref<131072x16xi32, #tpu.memory_space<hbm>>, %arg5: memref<16x128xi32, #tpu.memory_space<vmem>>, %arg6: memref<2048x16xi32, #tpu.memory_space<vmem>>, %arg7: memref<!tpu.dma_semaphore, #tpu.memory_space<semaphore_mem>>) attributes {dimension_semantics = [#tpu.dimension_semantics<core_parallel>, #tpu.dimension_semantics<subcore_parallel>], iteration_bounds = array<i64: 2, 16>, scalar_prefetch = 0 : i64, scratch_operands = 3 : i64, tpu.core_type = #tpu.core_type<sc_vector_subcore>, window_params = [{transform_indices = #map}, {transform_indices = #map}, {transform_indices = #map}]} {
    %mul3A = arith.constant 2 : i32
    %mul3A_0 = arith.muli %arg1, %mul3A : i32
    %add3A = arith.addi %mul3A_0, %arg0 : i32
    %mul3A_1 = arith.constant 2 : i32
    %mul3A_2 = arith.muli %add3A, %mul3A_1 : i32
    %add3A_3 = arith.constant 0 : i32
    %add3A_4 = arith.addi %mul3A_2, %add3A_3 : i32
    %mul3A_5 = arith.constant 16 : i32
    %mul3A_6 = arith.muli %add3A_4, %mul3A_5 : i32
    "tpu.region"() ({
      %run_scoped3A = tpu.sem_alloc : memref<!tpu.dma_semaphore, #tpu.memory_space<semaphore_mem>>
      %dma_start3A_655 = arith.constant 0 : i32
      %dma_start3A_656 = tpu.memref_slice %arg3[%mul3A_6, %dma_start3A_655] : memref<1024x128xi32, #tpu.memory_space<hbm>> -> memref<16x128xi32, #tpu.memory_space<hbm>>
      %dma_start3A_657 = arith.constant 0 : i32
      %dma_start3A_658 = tpu.memref_slice %arg3[%mul3A_6, %dma_start3A_657] : memref<1024x128xi32, #tpu.memory_space<hbm>> -> memref<16x128xi32, #tpu.memory_space<hbm>>
      tpu.enqueue_dma source(%dma_start3A_658 : memref<16x128xi32, #tpu.memory_space<hbm>>) target(%arg5 : memref<16x128xi32, #tpu.memory_space<vmem>>) target_semaphore(%run_scoped3A : memref<!tpu.dma_semaphore, #tpu.memory_space<semaphore_mem>>)
      %dma_wait3A_659 = arith.constant 0 : i32
      %dma_wait3A_660 = tpu.memref_slice %arg3[%mul3A_6, %dma_wait3A_659] : memref<1024x128xi32, #tpu.memory_space<hbm>> -> memref<16x128xi32, #tpu.memory_space<hbm>>
      %dma_wait3A_661 = arith.constant 0 : i32
      %dma_wait3A_662 = tpu.memref_slice %arg3[%mul3A_6, %dma_wait3A_661] : memref<1024x128xi32, #tpu.memory_space<hbm>> -> memref<16x128xi32, #tpu.memory_space<hbm>>
      tpu.wait_dma2 semaphore(%run_scoped3A : memref<!tpu.dma_semaphore, #tpu.memory_space<semaphore_mem>>) src(%dma_wait3A_662 : memref<16x128xi32, #tpu.memory_space<hbm>>) dst(%arg5 : memref<16x128xi32, #tpu.memory_space<vmem>>)
      tpu.yield
    }) : () -> ()
    %dma_start3A = arith.constant 0 : i32
    %dma_start3A_7 = arith.constant 0 : i32
    %dma_start3A_8 = arith.constant 0 : i32
    %dma_start3A_9 = tpu.memref_slice %arg6[%dma_start3A_7, %dma_start3A_8] : memref<2048x16xi32, #tpu.memory_space<vmem>> -> memref<128x16xi32, #tpu.memory_space<vmem>>
    %dma_start3A_10 = arith.constant 0 : i32
    %dma_start3A_11 = tpu.memref_slice %arg5[%dma_start3A, %dma_start3A_10] : memref<16x128xi32, #tpu.memory_space<vmem>> -> memref<1x128xi32, #tpu.memory_space<vmem>>
    %dma_start3A_12 = tpu.memref_squeeze %dma_start3A_11 : memref<1x128xi32, #tpu.memory_space<vmem>> -> memref<128xi32, #tpu.memory_space<vmem>>
    %dma_start3A_13 = arith.constant 0 : i32
    %dma_start3A_14 = arith.constant 0 : i32
    %dma_start3A_15 = tpu.memref_slice %arg2[%dma_start3A_13, %dma_start3A_14] : memref<8192x16xi32, #tpu.memory_space<hbm>> -> memref<8192x16xi32, #tpu.memory_space<hbm>>
    tpu.enqueue_indirect_dma source(%dma_start3A_15 : memref<8192x16xi32, #tpu.memory_space<hbm>>) target(%dma_start3A_9 : memref<128x16xi32, #tpu.memory_space<vmem>>) offsets(%dma_start3A_12 : memref<128xi32, #tpu.memory_space<vmem>>) semaphore(%arg7 : memref<!tpu.dma_semaphore, #tpu.memory_space<semaphore_mem>>)
    %dma_start3A_16 = arith.constant 1 : i32
    %dma_start3A_17 = arith.constant 128 : i32
    %dma_start3A_18 = arith.constant 0 : i32
    %dma_start3A_19 = tpu.memref_slice %arg6[%dma_start3A_17, %dma_start3A_18] : memref<2048x16xi32, #tpu.memory_space<vmem>> -> memref<128x16xi32, #tpu.memory_space<vmem>>
    %dma_start3A_20 = arith.constant 0 : i32
    %dma_start3A_21 = tpu.memref_slice %arg5[%dma_start3A_16, %dma_start3A_20] : memref<16x128xi32, #tpu.memory_space<vmem>> -> memref<1x128xi32, #tpu.memory_space<vmem>>
    %dma_start3A_22 = tpu.memref_squeeze %dma_start3A_21 : memref<1x128xi32, #tpu.memory_space<vmem>> -> memref<128xi32, #tpu.memory_space<vmem>>
    %dma_start3A_23 = arith.constant 0 : i32
    %dma_start3A_24 = arith.constant 0 : i32
    %dma_start3A_25 = tpu.memref_slice %arg2[%dma_start3A_23, %dma_start3A_24] : memref<8192x16xi32, #tpu.memory_space<hbm>> -> memref<8192x16xi32, #tpu.memory_space<hbm>>
    tpu.enqueue_indirect_dma source(%dma_start3A_25 : memref<8192x16xi32, #tpu.memory_space<hbm>>) target(%dma_start3A_19 : memref<128x16xi32, #tpu.memory_space<vmem>>) offsets(%dma_start3A_22 : memref<128xi32, #tpu.memory_space<vmem>>) semaphore(%arg7 : memref<!tpu.dma_semaphore, #tpu.memory_space<semaphore_mem>>)
    %dma_start3A_26 = arith.constant 2 : i32
    %dma_start3A_27 = arith.constant 256 : i32
    %dma_start3A_28 = arith.constant 0 : i32
    %dma_start3A_29 = tpu.memref_slice %arg6[%dma_start3A_27, %dma_start3A_28] : memref<2048x16xi32, #tpu.memory_space<vmem>> -> memref<128x16xi32, #tpu.memory_space<vmem>>
    %dma_start3A_30 = arith.constant 0 : i32
    %dma_start3A_31 = tpu.memref_slice %arg5[%dma_start3A_26, %dma_start3A_30] : memref<16x128xi32, #tpu.memory_space<vmem>> -> memref<1x128xi32, #tpu.memory_space<vmem>>
    %dma_start3A_32 = tpu.memref_squeeze %dma_start3A_31 : memref<1x128xi32, #tpu.memory_space<vmem>> -> memref<128xi32, #tpu.memory_space<vmem>>
    %dma_start3A_33 = arith.constant 0 : i32
    %dma_start3A_34 = arith.constant 0 : i32
    %dma_start3A_35 = tpu.memref_slice %arg2[%dma_start3A_33, %dma_start3A_34] : memref<8192x16xi32, #tpu.memory_space<hbm>> -> memref<8192x16xi32, #tpu.memory_space<hbm>>
    tpu.enqueue_indirect_dma source(%dma_start3A_35 : memref<8192x16xi32, #tpu.memory_space<hbm>>) target(%dma_start3A_29 : memref<128x16xi32, #tpu.memory_space<vmem>>) offsets(%dma_start3A_32 : memref<128xi32, #tpu.memory_space<vmem>>) semaphore(%arg7 : memref<!tpu.dma_semaphore, #tpu.memory_space<semaphore_mem>>)
    %dma_start3A_36 = arith.constant 3 : i32
    %dma_start3A_37 = arith.constant 384 : i32
    %dma_start3A_38 = arith.constant 0 : i32
    %dma_start3A_39 = tpu.memref_slice %arg6[%dma_start3A_37, %dma_start3A_38] : memref<2048x16xi32, #tpu.memory_space<vmem>> -> memref<128x16xi32, #tpu.memory_space<vmem>>
    %dma_start3A_40 = arith.constant 0 : i32
    %dma_start3A_41 = tpu.memref_slice %arg5[%dma_start3A_36, %dma_start3A_40] : memref<16x128xi32, #tpu.memory_space<vmem>> -> memref<1x128xi32, #tpu.memory_space<vmem>>
    %dma_start3A_42 = tpu.memref_squeeze %dma_start3A_41 : memref<1x128xi32, #tpu.memory_space<vmem>> -> memref<128xi32, #tpu.memory_space<vmem>>
    %dma_start3A_43 = arith.constant 0 : i32
    %dma_start3A_44 = arith.constant 0 : i32
    %dma_start3A_45 = tpu.memref_slice %arg2[%dma_start3A_43, %dma_start3A_44] : memref<8192x16xi32, #tpu.memory_space<hbm>> -> memref<8192x16xi32, #tpu.memory_space<hbm>>
    tpu.enqueue_indirect_dma source(%dma_start3A_45 : memref<8192x16xi32, #tpu.memory_space<hbm>>) target(%dma_start3A_39 : memref<128x16xi32, #tpu.memory_space<vmem>>) offsets(%dma_start3A_42 : memref<128xi32, #tpu.memory_space<vmem>>) semaphore(%arg7 : memref<!tpu.dma_semaphore, #tpu.memory_space<semaphore_mem>>)
    %dma_start3A_46 = arith.constant 4 : i32
    %dma_start3A_47 = arith.constant 512 : i32
    %dma_start3A_48 = arith.constant 0 : i32
    %dma_start3A_49 = tpu.memref_slice %arg6[%dma_start3A_47, %dma_start3A_48] : memref<2048x16xi32, #tpu.memory_space<vmem>> -> memref<128x16xi32, #tpu.memory_space<vmem>>
    %dma_start3A_50 = arith.constant 0 : i32
    %dma_start3A_51 = tpu.memref_slice %arg5[%dma_start3A_46, %dma_start3A_50] : memref<16x128xi32, #tpu.memory_space<vmem>> -> memref<1x128xi32, #tpu.memory_space<vmem>>
    %dma_start3A_52 = tpu.memref_squeeze %dma_start3A_51 : memref<1x128xi32, #tpu.memory_space<vmem>> -> memref<128xi32, #tpu.memory_space<vmem>>
    %dma_start3A_53 = arith.constant 0 : i32
    %dma_start3A_54 = arith.constant 0 : i32
    %dma_start3A_55 = tpu.memref_slice %arg2[%dma_start3A_53, %dma_start3A_54] : memref<8192x16xi32, #tpu.memory_space<hbm>> -> memref<8192x16xi32, #tpu.memory_space<hbm>>
    tpu.enqueue_indirect_dma source(%dma_start3A_55 : memref<8192x16xi32, #tpu.memory_space<hbm>>) target(%dma_start3A_49 : memref<128x16xi32, #tpu.memory_space<vmem>>) offsets(%dma_start3A_52 : memref<128xi32, #tpu.memory_space<vmem>>) semaphore(%arg7 : memref<!tpu.dma_semaphore, #tpu.memory_space<semaphore_mem>>)
    %dma_start3A_56 = arith.constant 5 : i32
    %dma_start3A_57 = arith.constant 640 : i32
    %dma_start3A_58 = arith.constant 0 : i32
    %dma_start3A_59 = tpu.memref_slice %arg6[%dma_start3A_57, %dma_start3A_58] : memref<2048x16xi32, #tpu.memory_space<vmem>> -> memref<128x16xi32, #tpu.memory_space<vmem>>
    %dma_start3A_60 = arith.constant 0 : i32
    %dma_start3A_61 = tpu.memref_slice %arg5[%dma_start3A_56, %dma_start3A_60] : memref<16x128xi32, #tpu.memory_space<vmem>> -> memref<1x128xi32, #tpu.memory_space<vmem>>
    %dma_start3A_62 = tpu.memref_squeeze %dma_start3A_61 : memref<1x128xi32, #tpu.memory_space<vmem>> -> memref<128xi32, #tpu.memory_space<vmem>>
    %dma_start3A_63 = arith.constant 0 : i32
    %dma_start3A_64 = arith.constant 0 : i32
    %dma_start3A_65 = tpu.memref_slice %arg2[%dma_start3A_63, %dma_start3A_64] : memref<8192x16xi32, #tpu.memory_space<hbm>> -> memref<8192x16xi32, #tpu.memory_space<hbm>>
    tpu.enqueue_indirect_dma source(%dma_start3A_65 : memref<8192x16xi32, #tpu.memory_space<hbm>>) target(%dma_start3A_59 : memref<128x16xi32, #tpu.memory_space<vmem>>) offsets(%dma_start3A_62 : memref<128xi32, #tpu.memory_space<vmem>>) semaphore(%arg7 : memref<!tpu.dma_semaphore, #tpu.memory_space<semaphore_mem>>)
    %dma_start3A_66 = arith.constant 6 : i32
    %dma_start3A_67 = arith.constant 768 : i32
    %dma_start3A_68 = arith.constant 0 : i32
    %dma_start3A_69 = tpu.memref_slice %arg6[%dma_start3A_67, %dma_start3A_68] : memref<2048x16xi32, #tpu.memory_space<vmem>> -> memref<128x16xi32, #tpu.memory_space<vmem>>
    %dma_start3A_70 = arith.constant 0 : i32
    %dma_start3A_71 = tpu.memref_slice %arg5[%dma_start3A_66, %dma_start3A_70] : memref<16x128xi32, #tpu.memory_space<vmem>> -> memref<1x128xi32, #tpu.memory_space<vmem>>
    %dma_start3A_72 = tpu.memref_squeeze %dma_start3A_71 : memref<1x128xi32, #tpu.memory_space<vmem>> -> memref<128xi32, #tpu.memory_space<vmem>>
    %dma_start3A_73 = arith.constant 0 : i32
    %dma_start3A_74 = arith.constant 0 : i32
    %dma_start3A_75 = tpu.memref_slice %arg2[%dma_start3A_73, %dma_start3A_74] : memref<8192x16xi32, #tpu.memory_space<hbm>> -> memref<8192x16xi32, #tpu.memory_space<hbm>>
    tpu.enqueue_indirect_dma source(%dma_start3A_75 : memref<8192x16xi32, #tpu.memory_space<hbm>>) target(%dma_start3A_69 : memref<128x16xi32, #tpu.memory_space<vmem>>) offsets(%dma_start3A_72 : memref<128xi32, #tpu.memory_space<vmem>>) semaphore(%arg7 : memref<!tpu.dma_semaphore, #tpu.memory_space<semaphore_mem>>)
    %dma_start3A_76 = arith.constant 7 : i32
    %dma_start3A_77 = arith.constant 896 : i32
    %dma_start3A_78 = arith.constant 0 : i32
    %dma_start3A_79 = tpu.memref_slice %arg6[%dma_start3A_77, %dma_start3A_78] : memref<2048x16xi32, #tpu.memory_space<vmem>> -> memref<128x16xi32, #tpu.memory_space<vmem>>
    %dma_start3A_80 = arith.constant 0 : i32
    %dma_start3A_81 = tpu.memref_slice %arg5[%dma_start3A_76, %dma_start3A_80] : memref<16x128xi32, #tpu.memory_space<vmem>> -> memref<1x128xi32, #tpu.memory_space<vmem>>
    %dma_start3A_82 = tpu.memref_squeeze %dma_start3A_81 : memref<1x128xi32, #tpu.memory_space<vmem>> -> memref<128xi32, #tpu.memory_space<vmem>>
    %dma_start3A_83 = arith.constant 0 : i32
    %dma_start3A_84 = arith.constant 0 : i32
    %dma_start3A_85 = tpu.memref_slice %arg2[%dma_start3A_83, %dma_start3A_84] : memref<8192x16xi32, #tpu.memory_space<hbm>> -> memref<8192x16xi32, #tpu.memory_space<hbm>>
    tpu.enqueue_indirect_dma source(%dma_start3A_85 : memref<8192x16xi32, #tpu.memory_space<hbm>>) target(%dma_start3A_79 : memref<128x16xi32, #tpu.memory_space<vmem>>) offsets(%dma_start3A_82 : memref<128xi32, #tpu.memory_space<vmem>>) semaphore(%arg7 : memref<!tpu.dma_semaphore, #tpu.memory_space<semaphore_mem>>)
    %dma_start3A_86 = arith.constant 8 : i32
    %dma_start3A_87 = arith.constant 1024 : i32
    %dma_start3A_88 = arith.constant 0 : i32
    %dma_start3A_89 = tpu.memref_slice %arg6[%dma_start3A_87, %dma_start3A_88] : memref<2048x16xi32, #tpu.memory_space<vmem>> -> memref<128x16xi32, #tpu.memory_space<vmem>>
    %dma_start3A_90 = arith.constant 0 : i32
    %dma_start3A_91 = tpu.memref_slice %arg5[%dma_start3A_86, %dma_start3A_90] : memref<16x128xi32, #tpu.memory_space<vmem>> -> memref<1x128xi32, #tpu.memory_space<vmem>>
    %dma_start3A_92 = tpu.memref_squeeze %dma_start3A_91 : memref<1x128xi32, #tpu.memory_space<vmem>> -> memref<128xi32, #tpu.memory_space<vmem>>
    %dma_start3A_93 = arith.constant 0 : i32
    %dma_start3A_94 = arith.constant 0 : i32
    %dma_start3A_95 = tpu.memref_slice %arg2[%dma_start3A_93, %dma_start3A_94] : memref<8192x16xi32, #tpu.memory_space<hbm>> -> memref<8192x16xi32, #tpu.memory_space<hbm>>
    tpu.enqueue_indirect_dma source(%dma_start3A_95 : memref<8192x16xi32, #tpu.memory_space<hbm>>) target(%dma_start3A_89 : memref<128x16xi32, #tpu.memory_space<vmem>>) offsets(%dma_start3A_92 : memref<128xi32, #tpu.memory_space<vmem>>) semaphore(%arg7 : memref<!tpu.dma_semaphore, #tpu.memory_space<semaphore_mem>>)
    %dma_start3A_96 = arith.constant 9 : i32
    %dma_start3A_97 = arith.constant 1152 : i32
    %dma_start3A_98 = arith.constant 0 : i32
    %dma_start3A_99 = tpu.memref_slice %arg6[%dma_start3A_97, %dma_start3A_98] : memref<2048x16xi32, #tpu.memory_space<vmem>> -> memref<128x16xi32, #tpu.memory_space<vmem>>
    %dma_start3A_100 = arith.constant 0 : i32
    %dma_start3A_101 = tpu.memref_slice %arg5[%dma_start3A_96, %dma_start3A_100] : memref<16x128xi32, #tpu.memory_space<vmem>> -> memref<1x128xi32, #tpu.memory_space<vmem>>
    %dma_start3A_102 = tpu.memref_squeeze %dma_start3A_101 : memref<1x128xi32, #tpu.memory_space<vmem>> -> memref<128xi32, #tpu.memory_space<vmem>>
    %dma_start3A_103 = arith.constant 0 : i32
    %dma_start3A_104 = arith.constant 0 : i32
    %dma_start3A_105 = tpu.memref_slice %arg2[%dma_start3A_103, %dma_start3A_104] : memref<8192x16xi32, #tpu.memory_space<hbm>> -> memref<8192x16xi32, #tpu.memory_space<hbm>>
    tpu.enqueue_indirect_dma source(%dma_start3A_105 : memref<8192x16xi32, #tpu.memory_space<hbm>>) target(%dma_start3A_99 : memref<128x16xi32, #tpu.memory_space<vmem>>) offsets(%dma_start3A_102 : memref<128xi32, #tpu.memory_space<vmem>>) semaphore(%arg7 : memref<!tpu.dma_semaphore, #tpu.memory_space<semaphore_mem>>)
    %dma_start3A_106 = arith.constant 10 : i32
    %dma_start3A_107 = arith.constant 1280 : i32
    %dma_start3A_108 = arith.constant 0 : i32
    %dma_start3A_109 = tpu.memref_slice %arg6[%dma_start3A_107, %dma_start3A_108] : memref<2048x16xi32, #tpu.memory_space<vmem>> -> memref<128x16xi32, #tpu.memory_space<vmem>>
    %dma_start3A_110 = arith.constant 0 : i32
    %dma_start3A_111 = tpu.memref_slice %arg5[%dma_start3A_106, %dma_start3A_110] : memref<16x128xi32, #tpu.memory_space<vmem>> -> memref<1x128xi32, #tpu.memory_space<vmem>>
    %dma_start3A_112 = tpu.memref_squeeze %dma_start3A_111 : memref<1x128xi32, #tpu.memory_space<vmem>> -> memref<128xi32, #tpu.memory_space<vmem>>
    %dma_start3A_113 = arith.constant 0 : i32
    %dma_start3A_114 = arith.constant 0 : i32
    %dma_start3A_115 = tpu.memref_slice %arg2[%dma_start3A_113, %dma_start3A_114] : memref<8192x16xi32, #tpu.memory_space<hbm>> -> memref<8192x16xi32, #tpu.memory_space<hbm>>
    tpu.enqueue_indirect_dma source(%dma_start3A_115 : memref<8192x16xi32, #tpu.memory_space<hbm>>) target(%dma_start3A_109 : memref<128x16xi32, #tpu.memory_space<vmem>>) offsets(%dma_start3A_112 : memref<128xi32, #tpu.memory_space<vmem>>) semaphore(%arg7 : memref<!tpu.dma_semaphore, #tpu.memory_space<semaphore_mem>>)
    %dma_start3A_116 = arith.constant 11 : i32
    %dma_start3A_117 = arith.constant 1408 : i32
    %dma_start3A_118 = arith.constant 0 : i32
    %dma_start3A_119 = tpu.memref_slice %arg6[%dma_start3A_117, %dma_start3A_118] : memref<2048x16xi32, #tpu.memory_space<vmem>> -> memref<128x16xi32, #tpu.memory_space<vmem>>
    %dma_start3A_120 = arith.constant 0 : i32
    %dma_start3A_121 = tpu.memref_slice %arg5[%dma_start3A_116, %dma_start3A_120] : memref<16x128xi32, #tpu.memory_space<vmem>> -> memref<1x128xi32, #tpu.memory_space<vmem>>
    %dma_start3A_122 = tpu.memref_squeeze %dma_start3A_121 : memref<1x128xi32, #tpu.memory_space<vmem>> -> memref<128xi32, #tpu.memory_space<vmem>>
    %dma_start3A_123 = arith.constant 0 : i32
    %dma_start3A_124 = arith.constant 0 : i32
    %dma_start3A_125 = tpu.memref_slice %arg2[%dma_start3A_123, %dma_start3A_124] : memref<8192x16xi32, #tpu.memory_space<hbm>> -> memref<8192x16xi32, #tpu.memory_space<hbm>>
    tpu.enqueue_indirect_dma source(%dma_start3A_125 : memref<8192x16xi32, #tpu.memory_space<hbm>>) target(%dma_start3A_119 : memref<128x16xi32, #tpu.memory_space<vmem>>) offsets(%dma_start3A_122 : memref<128xi32, #tpu.memory_space<vmem>>) semaphore(%arg7 : memref<!tpu.dma_semaphore, #tpu.memory_space<semaphore_mem>>)
    %dma_start3A_126 = arith.constant 12 : i32
    %dma_start3A_127 = arith.constant 1536 : i32
    %dma_start3A_128 = arith.constant 0 : i32
    %dma_start3A_129 = tpu.memref_slice %arg6[%dma_start3A_127, %dma_start3A_128] : memref<2048x16xi32, #tpu.memory_space<vmem>> -> memref<128x16xi32, #tpu.memory_space<vmem>>
    %dma_start3A_130 = arith.constant 0 : i32
    %dma_start3A_131 = tpu.memref_slice %arg5[%dma_start3A_126, %dma_start3A_130] : memref<16x128xi32, #tpu.memory_space<vmem>> -> memref<1x128xi32, #tpu.memory_space<vmem>>
    %dma_start3A_132 = tpu.memref_squeeze %dma_start3A_131 : memref<1x128xi32, #tpu.memory_space<vmem>> -> memref<128xi32, #tpu.memory_space<vmem>>
    %dma_start3A_133 = arith.constant 0 : i32
    %dma_start3A_134 = arith.constant 0 : i32
    %dma_start3A_135 = tpu.memref_slice %arg2[%dma_start3A_133, %dma_start3A_134] : memref<8192x16xi32, #tpu.memory_space<hbm>> -> memref<8192x16xi32, #tpu.memory_space<hbm>>
    tpu.enqueue_indirect_dma source(%dma_start3A_135 : memref<8192x16xi32, #tpu.memory_space<hbm>>) target(%dma_start3A_129 : memref<128x16xi32, #tpu.memory_space<vmem>>) offsets(%dma_start3A_132 : memref<128xi32, #tpu.memory_space<vmem>>) semaphore(%arg7 : memref<!tpu.dma_semaphore, #tpu.memory_space<semaphore_mem>>)
    %dma_start3A_136 = arith.constant 13 : i32
    %dma_start3A_137 = arith.constant 1664 : i32
    %dma_start3A_138 = arith.constant 0 : i32
    %dma_start3A_139 = tpu.memref_slice %arg6[%dma_start3A_137, %dma_start3A_138] : memref<2048x16xi32, #tpu.memory_space<vmem>> -> memref<128x16xi32, #tpu.memory_space<vmem>>
    %dma_start3A_140 = arith.constant 0 : i32
    %dma_start3A_141 = tpu.memref_slice %arg5[%dma_start3A_136, %dma_start3A_140] : memref<16x128xi32, #tpu.memory_space<vmem>> -> memref<1x128xi32, #tpu.memory_space<vmem>>
    %dma_start3A_142 = tpu.memref_squeeze %dma_start3A_141 : memref<1x128xi32, #tpu.memory_space<vmem>> -> memref<128xi32, #tpu.memory_space<vmem>>
    %dma_start3A_143 = arith.constant 0 : i32
    %dma_start3A_144 = arith.constant 0 : i32
    %dma_start3A_145 = tpu.memref_slice %arg2[%dma_start3A_143, %dma_start3A_144] : memref<8192x16xi32, #tpu.memory_space<hbm>> -> memref<8192x16xi32, #tpu.memory_space<hbm>>
    tpu.enqueue_indirect_dma source(%dma_start3A_145 : memref<8192x16xi32, #tpu.memory_space<hbm>>) target(%dma_start3A_139 : memref<128x16xi32, #tpu.memory_space<vmem>>) offsets(%dma_start3A_142 : memref<128xi32, #tpu.memory_space<vmem>>) semaphore(%arg7 : memref<!tpu.dma_semaphore, #tpu.memory_space<semaphore_mem>>)
    %dma_start3A_146 = arith.constant 14 : i32
    %dma_start3A_147 = arith.constant 1792 : i32
    %dma_start3A_148 = arith.constant 0 : i32
    %dma_start3A_149 = tpu.memref_slice %arg6[%dma_start3A_147, %dma_start3A_148] : memref<2048x16xi32, #tpu.memory_space<vmem>> -> memref<128x16xi32, #tpu.memory_space<vmem>>
    %dma_start3A_150 = arith.constant 0 : i32
    %dma_start3A_151 = tpu.memref_slice %arg5[%dma_start3A_146, %dma_start3A_150] : memref<16x128xi32, #tpu.memory_space<vmem>> -> memref<1x128xi32, #tpu.memory_space<vmem>>
    %dma_start3A_152 = tpu.memref_squeeze %dma_start3A_151 : memref<1x128xi32, #tpu.memory_space<vmem>> -> memref<128xi32, #tpu.memory_space<vmem>>
    %dma_start3A_153 = arith.constant 0 : i32
    %dma_start3A_154 = arith.constant 0 : i32
    %dma_start3A_155 = tpu.memref_slice %arg2[%dma_start3A_153, %dma_start3A_154] : memref<8192x16xi32, #tpu.memory_space<hbm>> -> memref<8192x16xi32, #tpu.memory_space<hbm>>
    tpu.enqueue_indirect_dma source(%dma_start3A_155 : memref<8192x16xi32, #tpu.memory_space<hbm>>) target(%dma_start3A_149 : memref<128x16xi32, #tpu.memory_space<vmem>>) offsets(%dma_start3A_152 : memref<128xi32, #tpu.memory_space<vmem>>) semaphore(%arg7 : memref<!tpu.dma_semaphore, #tpu.memory_space<semaphore_mem>>)
    %dma_start3A_156 = arith.constant 15 : i32
    %dma_start3A_157 = arith.constant 1920 : i32
    %dma_start3A_158 = arith.constant 0 : i32
    %dma_start3A_159 = tpu.memref_slice %arg6[%dma_start3A_157, %dma_start3A_158] : memref<2048x16xi32, #tpu.memory_space<vmem>> -> memref<128x16xi32, #tpu.memory_space<vmem>>
    %dma_start3A_160 = arith.constant 0 : i32
    %dma_start3A_161 = tpu.memref_slice %arg5[%dma_start3A_156, %dma_start3A_160] : memref<16x128xi32, #tpu.memory_space<vmem>> -> memref<1x128xi32, #tpu.memory_space<vmem>>
    %dma_start3A_162 = tpu.memref_squeeze %dma_start3A_161 : memref<1x128xi32, #tpu.memory_space<vmem>> -> memref<128xi32, #tpu.memory_space<vmem>>
    %dma_start3A_163 = arith.constant 0 : i32
    %dma_start3A_164 = arith.constant 0 : i32
    %dma_start3A_165 = tpu.memref_slice %arg2[%dma_start3A_163, %dma_start3A_164] : memref<8192x16xi32, #tpu.memory_space<hbm>> -> memref<8192x16xi32, #tpu.memory_space<hbm>>
    tpu.enqueue_indirect_dma source(%dma_start3A_165 : memref<8192x16xi32, #tpu.memory_space<hbm>>) target(%dma_start3A_159 : memref<128x16xi32, #tpu.memory_space<vmem>>) offsets(%dma_start3A_162 : memref<128xi32, #tpu.memory_space<vmem>>) semaphore(%arg7 : memref<!tpu.dma_semaphore, #tpu.memory_space<semaphore_mem>>)
    %dma_wait3A = arith.constant 0 : i32
    %dma_wait3A_166 = arith.constant 0 : i32
    %dma_wait3A_167 = arith.constant 0 : i32
    %dma_wait3A_168 = tpu.memref_slice %arg6[%dma_wait3A_166, %dma_wait3A_167] : memref<2048x16xi32, #tpu.memory_space<vmem>> -> memref<128x16xi32, #tpu.memory_space<vmem>>
    %dma_wait3A_169 = arith.constant 0 : i32
    %dma_wait3A_170 = tpu.memref_slice %arg5[%dma_wait3A, %dma_wait3A_169] : memref<16x128xi32, #tpu.memory_space<vmem>> -> memref<1x128xi32, #tpu.memory_space<vmem>>
    %dma_wait3A_171 = tpu.memref_squeeze %dma_wait3A_170 : memref<1x128xi32, #tpu.memory_space<vmem>> -> memref<128xi32, #tpu.memory_space<vmem>>
    %dma_wait3A_172 = arith.constant 0 : i32
    %dma_wait3A_173 = arith.constant 0 : i32
    %dma_wait3A_174 = tpu.memref_slice %arg2[%dma_wait3A_172, %dma_wait3A_173] : memref<8192x16xi32, #tpu.memory_space<hbm>> -> memref<8192x16xi32, #tpu.memory_space<hbm>>
    tpu.wait_indirect_dma semaphore(%arg7 : memref<!tpu.dma_semaphore, #tpu.memory_space<semaphore_mem>>) src(%dma_wait3A_174 : memref<8192x16xi32, #tpu.memory_space<hbm>>) dst(%dma_wait3A_168 : memref<128x16xi32, #tpu.memory_space<vmem>>)
    %dma_wait3A_175 = arith.constant 1 : i32
    %dma_wait3A_176 = arith.constant 128 : i32
    %dma_wait3A_177 = arith.constant 0 : i32
    %dma_wait3A_178 = tpu.memref_slice %arg6[%dma_wait3A_176, %dma_wait3A_177] : memref<2048x16xi32, #tpu.memory_space<vmem>> -> memref<128x16xi32, #tpu.memory_space<vmem>>
    %dma_wait3A_179 = arith.constant 0 : i32
    %dma_wait3A_180 = tpu.memref_slice %arg5[%dma_wait3A_175, %dma_wait3A_179] : memref<16x128xi32, #tpu.memory_space<vmem>> -> memref<1x128xi32, #tpu.memory_space<vmem>>
    %dma_wait3A_181 = tpu.memref_squeeze %dma_wait3A_180 : memref<1x128xi32, #tpu.memory_space<vmem>> -> memref<128xi32, #tpu.memory_space<vmem>>
    %dma_wait3A_182 = arith.constant 0 : i32
    %dma_wait3A_183 = arith.constant 0 : i32
    %dma_wait3A_184 = tpu.memref_slice %arg2[%dma_wait3A_182, %dma_wait3A_183] : memref<8192x16xi32, #tpu.memory_space<hbm>> -> memref<8192x16xi32, #tpu.memory_space<hbm>>
    tpu.wait_indirect_dma semaphore(%arg7 : memref<!tpu.dma_semaphore, #tpu.memory_space<semaphore_mem>>) src(%dma_wait3A_184 : memref<8192x16xi32, #tpu.memory_space<hbm>>) dst(%dma_wait3A_178 : memref<128x16xi32, #tpu.memory_space<vmem>>)
    %dma_wait3A_185 = arith.constant 2 : i32
    %dma_wait3A_186 = arith.constant 256 : i32
    %dma_wait3A_187 = arith.constant 0 : i32
    %dma_wait3A_188 = tpu.memref_slice %arg6[%dma_wait3A_186, %dma_wait3A_187] : memref<2048x16xi32, #tpu.memory_space<vmem>> -> memref<128x16xi32, #tpu.memory_space<vmem>>
    %dma_wait3A_189 = arith.constant 0 : i32
    %dma_wait3A_190 = tpu.memref_slice %arg5[%dma_wait3A_185, %dma_wait3A_189] : memref<16x128xi32, #tpu.memory_space<vmem>> -> memref<1x128xi32, #tpu.memory_space<vmem>>
    %dma_wait3A_191 = tpu.memref_squeeze %dma_wait3A_190 : memref<1x128xi32, #tpu.memory_space<vmem>> -> memref<128xi32, #tpu.memory_space<vmem>>
    %dma_wait3A_192 = arith.constant 0 : i32
    %dma_wait3A_193 = arith.constant 0 : i32
    %dma_wait3A_194 = tpu.memref_slice %arg2[%dma_wait3A_192, %dma_wait3A_193] : memref<8192x16xi32, #tpu.memory_space<hbm>> -> memref<8192x16xi32, #tpu.memory_space<hbm>>
    tpu.wait_indirect_dma semaphore(%arg7 : memref<!tpu.dma_semaphore, #tpu.memory_space<semaphore_mem>>) src(%dma_wait3A_194 : memref<8192x16xi32, #tpu.memory_space<hbm>>) dst(%dma_wait3A_188 : memref<128x16xi32, #tpu.memory_space<vmem>>)
    %dma_wait3A_195 = arith.constant 3 : i32
    %dma_wait3A_196 = arith.constant 384 : i32
    %dma_wait3A_197 = arith.constant 0 : i32
    %dma_wait3A_198 = tpu.memref_slice %arg6[%dma_wait3A_196, %dma_wait3A_197] : memref<2048x16xi32, #tpu.memory_space<vmem>> -> memref<128x16xi32, #tpu.memory_space<vmem>>
    %dma_wait3A_199 = arith.constant 0 : i32
    %dma_wait3A_200 = tpu.memref_slice %arg5[%dma_wait3A_195, %dma_wait3A_199] : memref<16x128xi32, #tpu.memory_space<vmem>> -> memref<1x128xi32, #tpu.memory_space<vmem>>
    %dma_wait3A_201 = tpu.memref_squeeze %dma_wait3A_200 : memref<1x128xi32, #tpu.memory_space<vmem>> -> memref<128xi32, #tpu.memory_space<vmem>>
    %dma_wait3A_202 = arith.constant 0 : i32
    %dma_wait3A_203 = arith.constant 0 : i32
    %dma_wait3A_204 = tpu.memref_slice %arg2[%dma_wait3A_202, %dma_wait3A_203] : memref<8192x16xi32, #tpu.memory_space<hbm>> -> memref<8192x16xi32, #tpu.memory_space<hbm>>
    tpu.wait_indirect_dma semaphore(%arg7 : memref<!tpu.dma_semaphore, #tpu.memory_space<semaphore_mem>>) src(%dma_wait3A_204 : memref<8192x16xi32, #tpu.memory_space<hbm>>) dst(%dma_wait3A_198 : memref<128x16xi32, #tpu.memory_space<vmem>>)
    %dma_wait3A_205 = arith.constant 4 : i32
    %dma_wait3A_206 = arith.constant 512 : i32
    %dma_wait3A_207 = arith.constant 0 : i32
    %dma_wait3A_208 = tpu.memref_slice %arg6[%dma_wait3A_206, %dma_wait3A_207] : memref<2048x16xi32, #tpu.memory_space<vmem>> -> memref<128x16xi32, #tpu.memory_space<vmem>>
    %dma_wait3A_209 = arith.constant 0 : i32
    %dma_wait3A_210 = tpu.memref_slice %arg5[%dma_wait3A_205, %dma_wait3A_209] : memref<16x128xi32, #tpu.memory_space<vmem>> -> memref<1x128xi32, #tpu.memory_space<vmem>>
    %dma_wait3A_211 = tpu.memref_squeeze %dma_wait3A_210 : memref<1x128xi32, #tpu.memory_space<vmem>> -> memref<128xi32, #tpu.memory_space<vmem>>
    %dma_wait3A_212 = arith.constant 0 : i32
    %dma_wait3A_213 = arith.constant 0 : i32
    %dma_wait3A_214 = tpu.memref_slice %arg2[%dma_wait3A_212, %dma_wait3A_213] : memref<8192x16xi32, #tpu.memory_space<hbm>> -> memref<8192x16xi32, #tpu.memory_space<hbm>>
    tpu.wait_indirect_dma semaphore(%arg7 : memref<!tpu.dma_semaphore, #tpu.memory_space<semaphore_mem>>) src(%dma_wait3A_214 : memref<8192x16xi32, #tpu.memory_space<hbm>>) dst(%dma_wait3A_208 : memref<128x16xi32, #tpu.memory_space<vmem>>)
    %dma_wait3A_215 = arith.constant 5 : i32
    %dma_wait3A_216 = arith.constant 640 : i32
    %dma_wait3A_217 = arith.constant 0 : i32
    %dma_wait3A_218 = tpu.memref_slice %arg6[%dma_wait3A_216, %dma_wait3A_217] : memref<2048x16xi32, #tpu.memory_space<vmem>> -> memref<128x16xi32, #tpu.memory_space<vmem>>
    %dma_wait3A_219 = arith.constant 0 : i32
    %dma_wait3A_220 = tpu.memref_slice %arg5[%dma_wait3A_215, %dma_wait3A_219] : memref<16x128xi32, #tpu.memory_space<vmem>> -> memref<1x128xi32, #tpu.memory_space<vmem>>
    %dma_wait3A_221 = tpu.memref_squeeze %dma_wait3A_220 : memref<1x128xi32, #tpu.memory_space<vmem>> -> memref<128xi32, #tpu.memory_space<vmem>>
    %dma_wait3A_222 = arith.constant 0 : i32
    %dma_wait3A_223 = arith.constant 0 : i32
    %dma_wait3A_224 = tpu.memref_slice %arg2[%dma_wait3A_222, %dma_wait3A_223] : memref<8192x16xi32, #tpu.memory_space<hbm>> -> memref<8192x16xi32, #tpu.memory_space<hbm>>
    tpu.wait_indirect_dma semaphore(%arg7 : memref<!tpu.dma_semaphore, #tpu.memory_space<semaphore_mem>>) src(%dma_wait3A_224 : memref<8192x16xi32, #tpu.memory_space<hbm>>) dst(%dma_wait3A_218 : memref<128x16xi32, #tpu.memory_space<vmem>>)
    %dma_wait3A_225 = arith.constant 6 : i32
    %dma_wait3A_226 = arith.constant 768 : i32
    %dma_wait3A_227 = arith.constant 0 : i32
    %dma_wait3A_228 = tpu.memref_slice %arg6[%dma_wait3A_226, %dma_wait3A_227] : memref<2048x16xi32, #tpu.memory_space<vmem>> -> memref<128x16xi32, #tpu.memory_space<vmem>>
    %dma_wait3A_229 = arith.constant 0 : i32
    %dma_wait3A_230 = tpu.memref_slice %arg5[%dma_wait3A_225, %dma_wait3A_229] : memref<16x128xi32, #tpu.memory_space<vmem>> -> memref<1x128xi32, #tpu.memory_space<vmem>>
    %dma_wait3A_231 = tpu.memref_squeeze %dma_wait3A_230 : memref<1x128xi32, #tpu.memory_space<vmem>> -> memref<128xi32, #tpu.memory_space<vmem>>
    %dma_wait3A_232 = arith.constant 0 : i32
    %dma_wait3A_233 = arith.constant 0 : i32
    %dma_wait3A_234 = tpu.memref_slice %arg2[%dma_wait3A_232, %dma_wait3A_233] : memref<8192x16xi32, #tpu.memory_space<hbm>> -> memref<8192x16xi32, #tpu.memory_space<hbm>>
    tpu.wait_indirect_dma semaphore(%arg7 : memref<!tpu.dma_semaphore, #tpu.memory_space<semaphore_mem>>) src(%dma_wait3A_234 : memref<8192x16xi32, #tpu.memory_space<hbm>>) dst(%dma_wait3A_228 : memref<128x16xi32, #tpu.memory_space<vmem>>)
    %dma_wait3A_235 = arith.constant 7 : i32
    %dma_wait3A_236 = arith.constant 896 : i32
    %dma_wait3A_237 = arith.constant 0 : i32
    %dma_wait3A_238 = tpu.memref_slice %arg6[%dma_wait3A_236, %dma_wait3A_237] : memref<2048x16xi32, #tpu.memory_space<vmem>> -> memref<128x16xi32, #tpu.memory_space<vmem>>
    %dma_wait3A_239 = arith.constant 0 : i32
    %dma_wait3A_240 = tpu.memref_slice %arg5[%dma_wait3A_235, %dma_wait3A_239] : memref<16x128xi32, #tpu.memory_space<vmem>> -> memref<1x128xi32, #tpu.memory_space<vmem>>
    %dma_wait3A_241 = tpu.memref_squeeze %dma_wait3A_240 : memref<1x128xi32, #tpu.memory_space<vmem>> -> memref<128xi32, #tpu.memory_space<vmem>>
    %dma_wait3A_242 = arith.constant 0 : i32
    %dma_wait3A_243 = arith.constant 0 : i32
    %dma_wait3A_244 = tpu.memref_slice %arg2[%dma_wait3A_242, %dma_wait3A_243] : memref<8192x16xi32, #tpu.memory_space<hbm>> -> memref<8192x16xi32, #tpu.memory_space<hbm>>
    tpu.wait_indirect_dma semaphore(%arg7 : memref<!tpu.dma_semaphore, #tpu.memory_space<semaphore_mem>>) src(%dma_wait3A_244 : memref<8192x16xi32, #tpu.memory_space<hbm>>) dst(%dma_wait3A_238 : memref<128x16xi32, #tpu.memory_space<vmem>>)
    %dma_wait3A_245 = arith.constant 8 : i32
    %dma_wait3A_246 = arith.constant 1024 : i32
    %dma_wait3A_247 = arith.constant 0 : i32
    %dma_wait3A_248 = tpu.memref_slice %arg6[%dma_wait3A_246, %dma_wait3A_247] : memref<2048x16xi32, #tpu.memory_space<vmem>> -> memref<128x16xi32, #tpu.memory_space<vmem>>
    %dma_wait3A_249 = arith.constant 0 : i32
    %dma_wait3A_250 = tpu.memref_slice %arg5[%dma_wait3A_245, %dma_wait3A_249] : memref<16x128xi32, #tpu.memory_space<vmem>> -> memref<1x128xi32, #tpu.memory_space<vmem>>
    %dma_wait3A_251 = tpu.memref_squeeze %dma_wait3A_250 : memref<1x128xi32, #tpu.memory_space<vmem>> -> memref<128xi32, #tpu.memory_space<vmem>>
    %dma_wait3A_252 = arith.constant 0 : i32
    %dma_wait3A_253 = arith.constant 0 : i32
    %dma_wait3A_254 = tpu.memref_slice %arg2[%dma_wait3A_252, %dma_wait3A_253] : memref<8192x16xi32, #tpu.memory_space<hbm>> -> memref<8192x16xi32, #tpu.memory_space<hbm>>
    tpu.wait_indirect_dma semaphore(%arg7 : memref<!tpu.dma_semaphore, #tpu.memory_space<semaphore_mem>>) src(%dma_wait3A_254 : memref<8192x16xi32, #tpu.memory_space<hbm>>) dst(%dma_wait3A_248 : memref<128x16xi32, #tpu.memory_space<vmem>>)
    %dma_wait3A_255 = arith.constant 9 : i32
    %dma_wait3A_256 = arith.constant 1152 : i32
    %dma_wait3A_257 = arith.constant 0 : i32
    %dma_wait3A_258 = tpu.memref_slice %arg6[%dma_wait3A_256, %dma_wait3A_257] : memref<2048x16xi32, #tpu.memory_space<vmem>> -> memref<128x16xi32, #tpu.memory_space<vmem>>
    %dma_wait3A_259 = arith.constant 0 : i32
    %dma_wait3A_260 = tpu.memref_slice %arg5[%dma_wait3A_255, %dma_wait3A_259] : memref<16x128xi32, #tpu.memory_space<vmem>> -> memref<1x128xi32, #tpu.memory_space<vmem>>
    %dma_wait3A_261 = tpu.memref_squeeze %dma_wait3A_260 : memref<1x128xi32, #tpu.memory_space<vmem>> -> memref<128xi32, #tpu.memory_space<vmem>>
    %dma_wait3A_262 = arith.constant 0 : i32
    %dma_wait3A_263 = arith.constant 0 : i32
    %dma_wait3A_264 = tpu.memref_slice %arg2[%dma_wait3A_262, %dma_wait3A_263] : memref<8192x16xi32, #tpu.memory_space<hbm>> -> memref<8192x16xi32, #tpu.memory_space<hbm>>
    tpu.wait_indirect_dma semaphore(%arg7 : memref<!tpu.dma_semaphore, #tpu.memory_space<semaphore_mem>>) src(%dma_wait3A_264 : memref<8192x16xi32, #tpu.memory_space<hbm>>) dst(%dma_wait3A_258 : memref<128x16xi32, #tpu.memory_space<vmem>>)
    %dma_wait3A_265 = arith.constant 10 : i32
    %dma_wait3A_266 = arith.constant 1280 : i32
    %dma_wait3A_267 = arith.constant 0 : i32
    %dma_wait3A_268 = tpu.memref_slice %arg6[%dma_wait3A_266, %dma_wait3A_267] : memref<2048x16xi32, #tpu.memory_space<vmem>> -> memref<128x16xi32, #tpu.memory_space<vmem>>
    %dma_wait3A_269 = arith.constant 0 : i32
    %dma_wait3A_270 = tpu.memref_slice %arg5[%dma_wait3A_265, %dma_wait3A_269] : memref<16x128xi32, #tpu.memory_space<vmem>> -> memref<1x128xi32, #tpu.memory_space<vmem>>
    %dma_wait3A_271 = tpu.memref_squeeze %dma_wait3A_270 : memref<1x128xi32, #tpu.memory_space<vmem>> -> memref<128xi32, #tpu.memory_space<vmem>>
    %dma_wait3A_272 = arith.constant 0 : i32
    %dma_wait3A_273 = arith.constant 0 : i32
    %dma_wait3A_274 = tpu.memref_slice %arg2[%dma_wait3A_272, %dma_wait3A_273] : memref<8192x16xi32, #tpu.memory_space<hbm>> -> memref<8192x16xi32, #tpu.memory_space<hbm>>
    tpu.wait_indirect_dma semaphore(%arg7 : memref<!tpu.dma_semaphore, #tpu.memory_space<semaphore_mem>>) src(%dma_wait3A_274 : memref<8192x16xi32, #tpu.memory_space<hbm>>) dst(%dma_wait3A_268 : memref<128x16xi32, #tpu.memory_space<vmem>>)
    %dma_wait3A_275 = arith.constant 11 : i32
    %dma_wait3A_276 = arith.constant 1408 : i32
    %dma_wait3A_277 = arith.constant 0 : i32
    %dma_wait3A_278 = tpu.memref_slice %arg6[%dma_wait3A_276, %dma_wait3A_277] : memref<2048x16xi32, #tpu.memory_space<vmem>> -> memref<128x16xi32, #tpu.memory_space<vmem>>
    %dma_wait3A_279 = arith.constant 0 : i32
    %dma_wait3A_280 = tpu.memref_slice %arg5[%dma_wait3A_275, %dma_wait3A_279] : memref<16x128xi32, #tpu.memory_space<vmem>> -> memref<1x128xi32, #tpu.memory_space<vmem>>
    %dma_wait3A_281 = tpu.memref_squeeze %dma_wait3A_280 : memref<1x128xi32, #tpu.memory_space<vmem>> -> memref<128xi32, #tpu.memory_space<vmem>>
    %dma_wait3A_282 = arith.constant 0 : i32
    %dma_wait3A_283 = arith.constant 0 : i32
    %dma_wait3A_284 = tpu.memref_slice %arg2[%dma_wait3A_282, %dma_wait3A_283] : memref<8192x16xi32, #tpu.memory_space<hbm>> -> memref<8192x16xi32, #tpu.memory_space<hbm>>
    tpu.wait_indirect_dma semaphore(%arg7 : memref<!tpu.dma_semaphore, #tpu.memory_space<semaphore_mem>>) src(%dma_wait3A_284 : memref<8192x16xi32, #tpu.memory_space<hbm>>) dst(%dma_wait3A_278 : memref<128x16xi32, #tpu.memory_space<vmem>>)
    %dma_wait3A_285 = arith.constant 12 : i32
    %dma_wait3A_286 = arith.constant 1536 : i32
    %dma_wait3A_287 = arith.constant 0 : i32
    %dma_wait3A_288 = tpu.memref_slice %arg6[%dma_wait3A_286, %dma_wait3A_287] : memref<2048x16xi32, #tpu.memory_space<vmem>> -> memref<128x16xi32, #tpu.memory_space<vmem>>
    %dma_wait3A_289 = arith.constant 0 : i32
    %dma_wait3A_290 = tpu.memref_slice %arg5[%dma_wait3A_285, %dma_wait3A_289] : memref<16x128xi32, #tpu.memory_space<vmem>> -> memref<1x128xi32, #tpu.memory_space<vmem>>
    %dma_wait3A_291 = tpu.memref_squeeze %dma_wait3A_290 : memref<1x128xi32, #tpu.memory_space<vmem>> -> memref<128xi32, #tpu.memory_space<vmem>>
    %dma_wait3A_292 = arith.constant 0 : i32
    %dma_wait3A_293 = arith.constant 0 : i32
    %dma_wait3A_294 = tpu.memref_slice %arg2[%dma_wait3A_292, %dma_wait3A_293] : memref<8192x16xi32, #tpu.memory_space<hbm>> -> memref<8192x16xi32, #tpu.memory_space<hbm>>
    tpu.wait_indirect_dma semaphore(%arg7 : memref<!tpu.dma_semaphore, #tpu.memory_space<semaphore_mem>>) src(%dma_wait3A_294 : memref<8192x16xi32, #tpu.memory_space<hbm>>) dst(%dma_wait3A_288 : memref<128x16xi32, #tpu.memory_space<vmem>>)
    %dma_wait3A_295 = arith.constant 13 : i32
    %dma_wait3A_296 = arith.constant 1664 : i32
    %dma_wait3A_297 = arith.constant 0 : i32
    %dma_wait3A_298 = tpu.memref_slice %arg6[%dma_wait3A_296, %dma_wait3A_297] : memref<2048x16xi32, #tpu.memory_space<vmem>> -> memref<128x16xi32, #tpu.memory_space<vmem>>
    %dma_wait3A_299 = arith.constant 0 : i32
    %dma_wait3A_300 = tpu.memref_slice %arg5[%dma_wait3A_295, %dma_wait3A_299] : memref<16x128xi32, #tpu.memory_space<vmem>> -> memref<1x128xi32, #tpu.memory_space<vmem>>
    %dma_wait3A_301 = tpu.memref_squeeze %dma_wait3A_300 : memref<1x128xi32, #tpu.memory_space<vmem>> -> memref<128xi32, #tpu.memory_space<vmem>>
    %dma_wait3A_302 = arith.constant 0 : i32
    %dma_wait3A_303 = arith.constant 0 : i32
    %dma_wait3A_304 = tpu.memref_slice %arg2[%dma_wait3A_302, %dma_wait3A_303] : memref<8192x16xi32, #tpu.memory_space<hbm>> -> memref<8192x16xi32, #tpu.memory_space<hbm>>
    tpu.wait_indirect_dma semaphore(%arg7 : memref<!tpu.dma_semaphore, #tpu.memory_space<semaphore_mem>>) src(%dma_wait3A_304 : memref<8192x16xi32, #tpu.memory_space<hbm>>) dst(%dma_wait3A_298 : memref<128x16xi32, #tpu.memory_space<vmem>>)
    %dma_wait3A_305 = arith.constant 14 : i32
    %dma_wait3A_306 = arith.constant 1792 : i32
    %dma_wait3A_307 = arith.constant 0 : i32
    %dma_wait3A_308 = tpu.memref_slice %arg6[%dma_wait3A_306, %dma_wait3A_307] : memref<2048x16xi32, #tpu.memory_space<vmem>> -> memref<128x16xi32, #tpu.memory_space<vmem>>
    %dma_wait3A_309 = arith.constant 0 : i32
    %dma_wait3A_310 = tpu.memref_slice %arg5[%dma_wait3A_305, %dma_wait3A_309] : memref<16x128xi32, #tpu.memory_space<vmem>> -> memref<1x128xi32, #tpu.memory_space<vmem>>
    %dma_wait3A_311 = tpu.memref_squeeze %dma_wait3A_310 : memref<1x128xi32, #tpu.memory_space<vmem>> -> memref<128xi32, #tpu.memory_space<vmem>>
    %dma_wait3A_312 = arith.constant 0 : i32
    %dma_wait3A_313 = arith.constant 0 : i32
    %dma_wait3A_314 = tpu.memref_slice %arg2[%dma_wait3A_312, %dma_wait3A_313] : memref<8192x16xi32, #tpu.memory_space<hbm>> -> memref<8192x16xi32, #tpu.memory_space<hbm>>
    tpu.wait_indirect_dma semaphore(%arg7 : memref<!tpu.dma_semaphore, #tpu.memory_space<semaphore_mem>>) src(%dma_wait3A_314 : memref<8192x16xi32, #tpu.memory_space<hbm>>) dst(%dma_wait3A_308 : memref<128x16xi32, #tpu.memory_space<vmem>>)
    %dma_wait3A_315 = arith.constant 15 : i32
    %dma_wait3A_316 = arith.constant 1920 : i32
    %dma_wait3A_317 = arith.constant 0 : i32
    %dma_wait3A_318 = tpu.memref_slice %arg6[%dma_wait3A_316, %dma_wait3A_317] : memref<2048x16xi32, #tpu.memory_space<vmem>> -> memref<128x16xi32, #tpu.memory_space<vmem>>
    %dma_wait3A_319 = arith.constant 0 : i32
    %dma_wait3A_320 = tpu.memref_slice %arg5[%dma_wait3A_315, %dma_wait3A_319] : memref<16x128xi32, #tpu.memory_space<vmem>> -> memref<1x128xi32, #tpu.memory_space<vmem>>
    %dma_wait3A_321 = tpu.memref_squeeze %dma_wait3A_320 : memref<1x128xi32, #tpu.memory_space<vmem>> -> memref<128xi32, #tpu.memory_space<vmem>>
    %dma_wait3A_322 = arith.constant 0 : i32
    %dma_wait3A_323 = arith.constant 0 : i32
    %dma_wait3A_324 = tpu.memref_slice %arg2[%dma_wait3A_322, %dma_wait3A_323] : memref<8192x16xi32, #tpu.memory_space<hbm>> -> memref<8192x16xi32, #tpu.memory_space<hbm>>
    tpu.wait_indirect_dma semaphore(%arg7 : memref<!tpu.dma_semaphore, #tpu.memory_space<semaphore_mem>>) src(%dma_wait3A_324 : memref<8192x16xi32, #tpu.memory_space<hbm>>) dst(%dma_wait3A_318 : memref<128x16xi32, #tpu.memory_space<vmem>>)
    %mul3A_325 = arith.constant 128 : i32
    %mul3A_326 = arith.muli %mul3A_6, %mul3A_325 : i32
    "tpu.region"() ({
      %run_scoped3A = tpu.sem_alloc : memref<!tpu.dma_semaphore, #tpu.memory_space<semaphore_mem>>
      %dma_start3A_655 = arith.constant 0 : i32
      %dma_start3A_656 = tpu.memref_slice %arg4[%mul3A_326, %dma_start3A_655] : memref<131072x16xi32, #tpu.memory_space<hbm>> -> memref<2048x16xi32, #tpu.memory_space<hbm>>
      %dma_start3A_657 = arith.constant 0 : i32
      %dma_start3A_658 = tpu.memref_slice %arg4[%mul3A_326, %dma_start3A_657] : memref<131072x16xi32, #tpu.memory_space<hbm>> -> memref<2048x16xi32, #tpu.memory_space<hbm>>
      tpu.enqueue_dma source(%arg6 : memref<2048x16xi32, #tpu.memory_space<vmem>>) target(%dma_start3A_658 : memref<2048x16xi32, #tpu.memory_space<hbm>>) target_semaphore(%run_scoped3A : memref<!tpu.dma_semaphore, #tpu.memory_space<semaphore_mem>>)
      %dma_wait3A_659 = arith.constant 0 : i32
      %dma_wait3A_660 = tpu.memref_slice %arg4[%mul3A_326, %dma_wait3A_659] : memref<131072x16xi32, #tpu.memory_space<hbm>> -> memref<2048x16xi32, #tpu.memory_space<hbm>>
      %dma_wait3A_661 = arith.constant 0 : i32
      %dma_wait3A_662 = tpu.memref_slice %arg4[%mul3A_326, %dma_wait3A_661] : memref<131072x16xi32, #tpu.memory_space<hbm>> -> memref<2048x16xi32, #tpu.memory_space<hbm>>
      tpu.wait_dma2 semaphore(%run_scoped3A : memref<!tpu.dma_semaphore, #tpu.memory_space<semaphore_mem>>) src(%arg6 : memref<2048x16xi32, #tpu.memory_space<vmem>>) dst(%dma_wait3A_662 : memref<2048x16xi32, #tpu.memory_space<hbm>>)
      tpu.yield
    }) : () -> ()
    %mul3A_327 = arith.constant 2 : i32
    %mul3A_328 = arith.muli %add3A, %mul3A_327 : i32
    %add3A_329 = arith.constant 1 : i32
    %add3A_330 = arith.addi %mul3A_328, %add3A_329 : i32
    %mul3A_331 = arith.constant 16 : i32
    %mul3A_332 = arith.muli %add3A_330, %mul3A_331 : i32
    "tpu.region"() ({
      %run_scoped3A = tpu.sem_alloc : memref<!tpu.dma_semaphore, #tpu.memory_space<semaphore_mem>>
      %dma_start3A_655 = arith.constant 0 : i32
      %dma_start3A_656 = tpu.memref_slice %arg3[%mul3A_332, %dma_start3A_655] : memref<1024x128xi32, #tpu.memory_space<hbm>> -> memref<16x128xi32, #tpu.memory_space<hbm>>
      %dma_start3A_657 = arith.constant 0 : i32
      %dma_start3A_658 = tpu.memref_slice %arg3[%mul3A_332, %dma_start3A_657] : memref<1024x128xi32, #tpu.memory_space<hbm>> -> memref<16x128xi32, #tpu.memory_space<hbm>>
      tpu.enqueue_dma source(%dma_start3A_658 : memref<16x128xi32, #tpu.memory_space<hbm>>) target(%arg5 : memref<16x128xi32, #tpu.memory_space<vmem>>) target_semaphore(%run_scoped3A : memref<!tpu.dma_semaphore, #tpu.memory_space<semaphore_mem>>)
      %dma_wait3A_659 = arith.constant 0 : i32
      %dma_wait3A_660 = tpu.memref_slice %arg3[%mul3A_332, %dma_wait3A_659] : memref<1024x128xi32, #tpu.memory_space<hbm>> -> memref<16x128xi32, #tpu.memory_space<hbm>>
      %dma_wait3A_661 = arith.constant 0 : i32
      %dma_wait3A_662 = tpu.memref_slice %arg3[%mul3A_332, %dma_wait3A_661] : memref<1024x128xi32, #tpu.memory_space<hbm>> -> memref<16x128xi32, #tpu.memory_space<hbm>>
      tpu.wait_dma2 semaphore(%run_scoped3A : memref<!tpu.dma_semaphore, #tpu.memory_space<semaphore_mem>>) src(%dma_wait3A_662 : memref<16x128xi32, #tpu.memory_space<hbm>>) dst(%arg5 : memref<16x128xi32, #tpu.memory_space<vmem>>)
      tpu.yield
    }) : () -> ()
    %dma_start3A_333 = arith.constant 0 : i32
    %dma_start3A_334 = arith.constant 0 : i32
    %dma_start3A_335 = arith.constant 0 : i32
    %dma_start3A_336 = tpu.memref_slice %arg6[%dma_start3A_334, %dma_start3A_335] : memref<2048x16xi32, #tpu.memory_space<vmem>> -> memref<128x16xi32, #tpu.memory_space<vmem>>
    %dma_start3A_337 = arith.constant 0 : i32
    %dma_start3A_338 = tpu.memref_slice %arg5[%dma_start3A_333, %dma_start3A_337] : memref<16x128xi32, #tpu.memory_space<vmem>> -> memref<1x128xi32, #tpu.memory_space<vmem>>
    %dma_start3A_339 = tpu.memref_squeeze %dma_start3A_338 : memref<1x128xi32, #tpu.memory_space<vmem>> -> memref<128xi32, #tpu.memory_space<vmem>>
    %dma_start3A_340 = arith.constant 0 : i32
    %dma_start3A_341 = arith.constant 0 : i32
    %dma_start3A_342 = tpu.memref_slice %arg2[%dma_start3A_340, %dma_start3A_341] : memref<8192x16xi32, #tpu.memory_space<hbm>> -> memref<8192x16xi32, #tpu.memory_space<hbm>>
    tpu.enqueue_indirect_dma source(%dma_start3A_342 : memref<8192x16xi32, #tpu.memory_space<hbm>>) target(%dma_start3A_336 : memref<128x16xi32, #tpu.memory_space<vmem>>) offsets(%dma_start3A_339 : memref<128xi32, #tpu.memory_space<vmem>>) semaphore(%arg7 : memref<!tpu.dma_semaphore, #tpu.memory_space<semaphore_mem>>)
    %dma_start3A_343 = arith.constant 1 : i32
    %dma_start3A_344 = arith.constant 128 : i32
    %dma_start3A_345 = arith.constant 0 : i32
    %dma_start3A_346 = tpu.memref_slice %arg6[%dma_start3A_344, %dma_start3A_345] : memref<2048x16xi32, #tpu.memory_space<vmem>> -> memref<128x16xi32, #tpu.memory_space<vmem>>
    %dma_start3A_347 = arith.constant 0 : i32
    %dma_start3A_348 = tpu.memref_slice %arg5[%dma_start3A_343, %dma_start3A_347] : memref<16x128xi32, #tpu.memory_space<vmem>> -> memref<1x128xi32, #tpu.memory_space<vmem>>
    %dma_start3A_349 = tpu.memref_squeeze %dma_start3A_348 : memref<1x128xi32, #tpu.memory_space<vmem>> -> memref<128xi32, #tpu.memory_space<vmem>>
    %dma_start3A_350 = arith.constant 0 : i32
    %dma_start3A_351 = arith.constant 0 : i32
    %dma_start3A_352 = tpu.memref_slice %arg2[%dma_start3A_350, %dma_start3A_351] : memref<8192x16xi32, #tpu.memory_space<hbm>> -> memref<8192x16xi32, #tpu.memory_space<hbm>>
    tpu.enqueue_indirect_dma source(%dma_start3A_352 : memref<8192x16xi32, #tpu.memory_space<hbm>>) target(%dma_start3A_346 : memref<128x16xi32, #tpu.memory_space<vmem>>) offsets(%dma_start3A_349 : memref<128xi32, #tpu.memory_space<vmem>>) semaphore(%arg7 : memref<!tpu.dma_semaphore, #tpu.memory_space<semaphore_mem>>)
    %dma_start3A_353 = arith.constant 2 : i32
    %dma_start3A_354 = arith.constant 256 : i32
    %dma_start3A_355 = arith.constant 0 : i32
    %dma_start3A_356 = tpu.memref_slice %arg6[%dma_start3A_354, %dma_start3A_355] : memref<2048x16xi32, #tpu.memory_space<vmem>> -> memref<128x16xi32, #tpu.memory_space<vmem>>
    %dma_start3A_357 = arith.constant 0 : i32
    %dma_start3A_358 = tpu.memref_slice %arg5[%dma_start3A_353, %dma_start3A_357] : memref<16x128xi32, #tpu.memory_space<vmem>> -> memref<1x128xi32, #tpu.memory_space<vmem>>
    %dma_start3A_359 = tpu.memref_squeeze %dma_start3A_358 : memref<1x128xi32, #tpu.memory_space<vmem>> -> memref<128xi32, #tpu.memory_space<vmem>>
    %dma_start3A_360 = arith.constant 0 : i32
    %dma_start3A_361 = arith.constant 0 : i32
    %dma_start3A_362 = tpu.memref_slice %arg2[%dma_start3A_360, %dma_start3A_361] : memref<8192x16xi32, #tpu.memory_space<hbm>> -> memref<8192x16xi32, #tpu.memory_space<hbm>>
    tpu.enqueue_indirect_dma source(%dma_start3A_362 : memref<8192x16xi32, #tpu.memory_space<hbm>>) target(%dma_start3A_356 : memref<128x16xi32, #tpu.memory_space<vmem>>) offsets(%dma_start3A_359 : memref<128xi32, #tpu.memory_space<vmem>>) semaphore(%arg7 : memref<!tpu.dma_semaphore, #tpu.memory_space<semaphore_mem>>)
    %dma_start3A_363 = arith.constant 3 : i32
    %dma_start3A_364 = arith.constant 384 : i32
    %dma_start3A_365 = arith.constant 0 : i32
    %dma_start3A_366 = tpu.memref_slice %arg6[%dma_start3A_364, %dma_start3A_365] : memref<2048x16xi32, #tpu.memory_space<vmem>> -> memref<128x16xi32, #tpu.memory_space<vmem>>
    %dma_start3A_367 = arith.constant 0 : i32
    %dma_start3A_368 = tpu.memref_slice %arg5[%dma_start3A_363, %dma_start3A_367] : memref<16x128xi32, #tpu.memory_space<vmem>> -> memref<1x128xi32, #tpu.memory_space<vmem>>
    %dma_start3A_369 = tpu.memref_squeeze %dma_start3A_368 : memref<1x128xi32, #tpu.memory_space<vmem>> -> memref<128xi32, #tpu.memory_space<vmem>>
    %dma_start3A_370 = arith.constant 0 : i32
    %dma_start3A_371 = arith.constant 0 : i32
    %dma_start3A_372 = tpu.memref_slice %arg2[%dma_start3A_370, %dma_start3A_371] : memref<8192x16xi32, #tpu.memory_space<hbm>> -> memref<8192x16xi32, #tpu.memory_space<hbm>>
    tpu.enqueue_indirect_dma source(%dma_start3A_372 : memref<8192x16xi32, #tpu.memory_space<hbm>>) target(%dma_start3A_366 : memref<128x16xi32, #tpu.memory_space<vmem>>) offsets(%dma_start3A_369 : memref<128xi32, #tpu.memory_space<vmem>>) semaphore(%arg7 : memref<!tpu.dma_semaphore, #tpu.memory_space<semaphore_mem>>)
    %dma_start3A_373 = arith.constant 4 : i32
    %dma_start3A_374 = arith.constant 512 : i32
    %dma_start3A_375 = arith.constant 0 : i32
    %dma_start3A_376 = tpu.memref_slice %arg6[%dma_start3A_374, %dma_start3A_375] : memref<2048x16xi32, #tpu.memory_space<vmem>> -> memref<128x16xi32, #tpu.memory_space<vmem>>
    %dma_start3A_377 = arith.constant 0 : i32
    %dma_start3A_378 = tpu.memref_slice %arg5[%dma_start3A_373, %dma_start3A_377] : memref<16x128xi32, #tpu.memory_space<vmem>> -> memref<1x128xi32, #tpu.memory_space<vmem>>
    %dma_start3A_379 = tpu.memref_squeeze %dma_start3A_378 : memref<1x128xi32, #tpu.memory_space<vmem>> -> memref<128xi32, #tpu.memory_space<vmem>>
    %dma_start3A_380 = arith.constant 0 : i32
    %dma_start3A_381 = arith.constant 0 : i32
    %dma_start3A_382 = tpu.memref_slice %arg2[%dma_start3A_380, %dma_start3A_381] : memref<8192x16xi32, #tpu.memory_space<hbm>> -> memref<8192x16xi32, #tpu.memory_space<hbm>>
    tpu.enqueue_indirect_dma source(%dma_start3A_382 : memref<8192x16xi32, #tpu.memory_space<hbm>>) target(%dma_start3A_376 : memref<128x16xi32, #tpu.memory_space<vmem>>) offsets(%dma_start3A_379 : memref<128xi32, #tpu.memory_space<vmem>>) semaphore(%arg7 : memref<!tpu.dma_semaphore, #tpu.memory_space<semaphore_mem>>)
    %dma_start3A_383 = arith.constant 5 : i32
    %dma_start3A_384 = arith.constant 640 : i32
    %dma_start3A_385 = arith.constant 0 : i32
    %dma_start3A_386 = tpu.memref_slice %arg6[%dma_start3A_384, %dma_start3A_385] : memref<2048x16xi32, #tpu.memory_space<vmem>> -> memref<128x16xi32, #tpu.memory_space<vmem>>
    %dma_start3A_387 = arith.constant 0 : i32
    %dma_start3A_388 = tpu.memref_slice %arg5[%dma_start3A_383, %dma_start3A_387] : memref<16x128xi32, #tpu.memory_space<vmem>> -> memref<1x128xi32, #tpu.memory_space<vmem>>
    %dma_start3A_389 = tpu.memref_squeeze %dma_start3A_388 : memref<1x128xi32, #tpu.memory_space<vmem>> -> memref<128xi32, #tpu.memory_space<vmem>>
    %dma_start3A_390 = arith.constant 0 : i32
    %dma_start3A_391 = arith.constant 0 : i32
    %dma_start3A_392 = tpu.memref_slice %arg2[%dma_start3A_390, %dma_start3A_391] : memref<8192x16xi32, #tpu.memory_space<hbm>> -> memref<8192x16xi32, #tpu.memory_space<hbm>>
    tpu.enqueue_indirect_dma source(%dma_start3A_392 : memref<8192x16xi32, #tpu.memory_space<hbm>>) target(%dma_start3A_386 : memref<128x16xi32, #tpu.memory_space<vmem>>) offsets(%dma_start3A_389 : memref<128xi32, #tpu.memory_space<vmem>>) semaphore(%arg7 : memref<!tpu.dma_semaphore, #tpu.memory_space<semaphore_mem>>)
    %dma_start3A_393 = arith.constant 6 : i32
    %dma_start3A_394 = arith.constant 768 : i32
    %dma_start3A_395 = arith.constant 0 : i32
    %dma_start3A_396 = tpu.memref_slice %arg6[%dma_start3A_394, %dma_start3A_395] : memref<2048x16xi32, #tpu.memory_space<vmem>> -> memref<128x16xi32, #tpu.memory_space<vmem>>
    %dma_start3A_397 = arith.constant 0 : i32
    %dma_start3A_398 = tpu.memref_slice %arg5[%dma_start3A_393, %dma_start3A_397] : memref<16x128xi32, #tpu.memory_space<vmem>> -> memref<1x128xi32, #tpu.memory_space<vmem>>
    %dma_start3A_399 = tpu.memref_squeeze %dma_start3A_398 : memref<1x128xi32, #tpu.memory_space<vmem>> -> memref<128xi32, #tpu.memory_space<vmem>>
    %dma_start3A_400 = arith.constant 0 : i32
    %dma_start3A_401 = arith.constant 0 : i32
    %dma_start3A_402 = tpu.memref_slice %arg2[%dma_start3A_400, %dma_start3A_401] : memref<8192x16xi32, #tpu.memory_space<hbm>> -> memref<8192x16xi32, #tpu.memory_space<hbm>>
    tpu.enqueue_indirect_dma source(%dma_start3A_402 : memref<8192x16xi32, #tpu.memory_space<hbm>>) target(%dma_start3A_396 : memref<128x16xi32, #tpu.memory_space<vmem>>) offsets(%dma_start3A_399 : memref<128xi32, #tpu.memory_space<vmem>>) semaphore(%arg7 : memref<!tpu.dma_semaphore, #tpu.memory_space<semaphore_mem>>)
    %dma_start3A_403 = arith.constant 7 : i32
    %dma_start3A_404 = arith.constant 896 : i32
    %dma_start3A_405 = arith.constant 0 : i32
    %dma_start3A_406 = tpu.memref_slice %arg6[%dma_start3A_404, %dma_start3A_405] : memref<2048x16xi32, #tpu.memory_space<vmem>> -> memref<128x16xi32, #tpu.memory_space<vmem>>
    %dma_start3A_407 = arith.constant 0 : i32
    %dma_start3A_408 = tpu.memref_slice %arg5[%dma_start3A_403, %dma_start3A_407] : memref<16x128xi32, #tpu.memory_space<vmem>> -> memref<1x128xi32, #tpu.memory_space<vmem>>
    %dma_start3A_409 = tpu.memref_squeeze %dma_start3A_408 : memref<1x128xi32, #tpu.memory_space<vmem>> -> memref<128xi32, #tpu.memory_space<vmem>>
    %dma_start3A_410 = arith.constant 0 : i32
    %dma_start3A_411 = arith.constant 0 : i32
    %dma_start3A_412 = tpu.memref_slice %arg2[%dma_start3A_410, %dma_start3A_411] : memref<8192x16xi32, #tpu.memory_space<hbm>> -> memref<8192x16xi32, #tpu.memory_space<hbm>>
    tpu.enqueue_indirect_dma source(%dma_start3A_412 : memref<8192x16xi32, #tpu.memory_space<hbm>>) target(%dma_start3A_406 : memref<128x16xi32, #tpu.memory_space<vmem>>) offsets(%dma_start3A_409 : memref<128xi32, #tpu.memory_space<vmem>>) semaphore(%arg7 : memref<!tpu.dma_semaphore, #tpu.memory_space<semaphore_mem>>)
    %dma_start3A_413 = arith.constant 8 : i32
    %dma_start3A_414 = arith.constant 1024 : i32
    %dma_start3A_415 = arith.constant 0 : i32
    %dma_start3A_416 = tpu.memref_slice %arg6[%dma_start3A_414, %dma_start3A_415] : memref<2048x16xi32, #tpu.memory_space<vmem>> -> memref<128x16xi32, #tpu.memory_space<vmem>>
    %dma_start3A_417 = arith.constant 0 : i32
    %dma_start3A_418 = tpu.memref_slice %arg5[%dma_start3A_413, %dma_start3A_417] : memref<16x128xi32, #tpu.memory_space<vmem>> -> memref<1x128xi32, #tpu.memory_space<vmem>>
    %dma_start3A_419 = tpu.memref_squeeze %dma_start3A_418 : memref<1x128xi32, #tpu.memory_space<vmem>> -> memref<128xi32, #tpu.memory_space<vmem>>
    %dma_start3A_420 = arith.constant 0 : i32
    %dma_start3A_421 = arith.constant 0 : i32
    %dma_start3A_422 = tpu.memref_slice %arg2[%dma_start3A_420, %dma_start3A_421] : memref<8192x16xi32, #tpu.memory_space<hbm>> -> memref<8192x16xi32, #tpu.memory_space<hbm>>
    tpu.enqueue_indirect_dma source(%dma_start3A_422 : memref<8192x16xi32, #tpu.memory_space<hbm>>) target(%dma_start3A_416 : memref<128x16xi32, #tpu.memory_space<vmem>>) offsets(%dma_start3A_419 : memref<128xi32, #tpu.memory_space<vmem>>) semaphore(%arg7 : memref<!tpu.dma_semaphore, #tpu.memory_space<semaphore_mem>>)
    %dma_start3A_423 = arith.constant 9 : i32
    %dma_start3A_424 = arith.constant 1152 : i32
    %dma_start3A_425 = arith.constant 0 : i32
    %dma_start3A_426 = tpu.memref_slice %arg6[%dma_start3A_424, %dma_start3A_425] : memref<2048x16xi32, #tpu.memory_space<vmem>> -> memref<128x16xi32, #tpu.memory_space<vmem>>
    %dma_start3A_427 = arith.constant 0 : i32
    %dma_start3A_428 = tpu.memref_slice %arg5[%dma_start3A_423, %dma_start3A_427] : memref<16x128xi32, #tpu.memory_space<vmem>> -> memref<1x128xi32, #tpu.memory_space<vmem>>
    %dma_start3A_429 = tpu.memref_squeeze %dma_start3A_428 : memref<1x128xi32, #tpu.memory_space<vmem>> -> memref<128xi32, #tpu.memory_space<vmem>>
    %dma_start3A_430 = arith.constant 0 : i32
    %dma_start3A_431 = arith.constant 0 : i32
    %dma_start3A_432 = tpu.memref_slice %arg2[%dma_start3A_430, %dma_start3A_431] : memref<8192x16xi32, #tpu.memory_space<hbm>> -> memref<8192x16xi32, #tpu.memory_space<hbm>>
    tpu.enqueue_indirect_dma source(%dma_start3A_432 : memref<8192x16xi32, #tpu.memory_space<hbm>>) target(%dma_start3A_426 : memref<128x16xi32, #tpu.memory_space<vmem>>) offsets(%dma_start3A_429 : memref<128xi32, #tpu.memory_space<vmem>>) semaphore(%arg7 : memref<!tpu.dma_semaphore, #tpu.memory_space<semaphore_mem>>)
    %dma_start3A_433 = arith.constant 10 : i32
    %dma_start3A_434 = arith.constant 1280 : i32
    %dma_start3A_435 = arith.constant 0 : i32
    %dma_start3A_436 = tpu.memref_slice %arg6[%dma_start3A_434, %dma_start3A_435] : memref<2048x16xi32, #tpu.memory_space<vmem>> -> memref<128x16xi32, #tpu.memory_space<vmem>>
    %dma_start3A_437 = arith.constant 0 : i32
    %dma_start3A_438 = tpu.memref_slice %arg5[%dma_start3A_433, %dma_start3A_437] : memref<16x128xi32, #tpu.memory_space<vmem>> -> memref<1x128xi32, #tpu.memory_space<vmem>>
    %dma_start3A_439 = tpu.memref_squeeze %dma_start3A_438 : memref<1x128xi32, #tpu.memory_space<vmem>> -> memref<128xi32, #tpu.memory_space<vmem>>
    %dma_start3A_440 = arith.constant 0 : i32
    %dma_start3A_441 = arith.constant 0 : i32
    %dma_start3A_442 = tpu.memref_slice %arg2[%dma_start3A_440, %dma_start3A_441] : memref<8192x16xi32, #tpu.memory_space<hbm>> -> memref<8192x16xi32, #tpu.memory_space<hbm>>
    tpu.enqueue_indirect_dma source(%dma_start3A_442 : memref<8192x16xi32, #tpu.memory_space<hbm>>) target(%dma_start3A_436 : memref<128x16xi32, #tpu.memory_space<vmem>>) offsets(%dma_start3A_439 : memref<128xi32, #tpu.memory_space<vmem>>) semaphore(%arg7 : memref<!tpu.dma_semaphore, #tpu.memory_space<semaphore_mem>>)
    %dma_start3A_443 = arith.constant 11 : i32
    %dma_start3A_444 = arith.constant 1408 : i32
    %dma_start3A_445 = arith.constant 0 : i32
    %dma_start3A_446 = tpu.memref_slice %arg6[%dma_start3A_444, %dma_start3A_445] : memref<2048x16xi32, #tpu.memory_space<vmem>> -> memref<128x16xi32, #tpu.memory_space<vmem>>
    %dma_start3A_447 = arith.constant 0 : i32
    %dma_start3A_448 = tpu.memref_slice %arg5[%dma_start3A_443, %dma_start3A_447] : memref<16x128xi32, #tpu.memory_space<vmem>> -> memref<1x128xi32, #tpu.memory_space<vmem>>
    %dma_start3A_449 = tpu.memref_squeeze %dma_start3A_448 : memref<1x128xi32, #tpu.memory_space<vmem>> -> memref<128xi32, #tpu.memory_space<vmem>>
    %dma_start3A_450 = arith.constant 0 : i32
    %dma_start3A_451 = arith.constant 0 : i32
    %dma_start3A_452 = tpu.memref_slice %arg2[%dma_start3A_450, %dma_start3A_451] : memref<8192x16xi32, #tpu.memory_space<hbm>> -> memref<8192x16xi32, #tpu.memory_space<hbm>>
    tpu.enqueue_indirect_dma source(%dma_start3A_452 : memref<8192x16xi32, #tpu.memory_space<hbm>>) target(%dma_start3A_446 : memref<128x16xi32, #tpu.memory_space<vmem>>) offsets(%dma_start3A_449 : memref<128xi32, #tpu.memory_space<vmem>>) semaphore(%arg7 : memref<!tpu.dma_semaphore, #tpu.memory_space<semaphore_mem>>)
    %dma_start3A_453 = arith.constant 12 : i32
    %dma_start3A_454 = arith.constant 1536 : i32
    %dma_start3A_455 = arith.constant 0 : i32
    %dma_start3A_456 = tpu.memref_slice %arg6[%dma_start3A_454, %dma_start3A_455] : memref<2048x16xi32, #tpu.memory_space<vmem>> -> memref<128x16xi32, #tpu.memory_space<vmem>>
    %dma_start3A_457 = arith.constant 0 : i32
    %dma_start3A_458 = tpu.memref_slice %arg5[%dma_start3A_453, %dma_start3A_457] : memref<16x128xi32, #tpu.memory_space<vmem>> -> memref<1x128xi32, #tpu.memory_space<vmem>>
    %dma_start3A_459 = tpu.memref_squeeze %dma_start3A_458 : memref<1x128xi32, #tpu.memory_space<vmem>> -> memref<128xi32, #tpu.memory_space<vmem>>
    %dma_start3A_460 = arith.constant 0 : i32
    %dma_start3A_461 = arith.constant 0 : i32
    %dma_start3A_462 = tpu.memref_slice %arg2[%dma_start3A_460, %dma_start3A_461] : memref<8192x16xi32, #tpu.memory_space<hbm>> -> memref<8192x16xi32, #tpu.memory_space<hbm>>
    tpu.enqueue_indirect_dma source(%dma_start3A_462 : memref<8192x16xi32, #tpu.memory_space<hbm>>) target(%dma_start3A_456 : memref<128x16xi32, #tpu.memory_space<vmem>>) offsets(%dma_start3A_459 : memref<128xi32, #tpu.memory_space<vmem>>) semaphore(%arg7 : memref<!tpu.dma_semaphore, #tpu.memory_space<semaphore_mem>>)
    %dma_start3A_463 = arith.constant 13 : i32
    %dma_start3A_464 = arith.constant 1664 : i32
    %dma_start3A_465 = arith.constant 0 : i32
    %dma_start3A_466 = tpu.memref_slice %arg6[%dma_start3A_464, %dma_start3A_465] : memref<2048x16xi32, #tpu.memory_space<vmem>> -> memref<128x16xi32, #tpu.memory_space<vmem>>
    %dma_start3A_467 = arith.constant 0 : i32
    %dma_start3A_468 = tpu.memref_slice %arg5[%dma_start3A_463, %dma_start3A_467] : memref<16x128xi32, #tpu.memory_space<vmem>> -> memref<1x128xi32, #tpu.memory_space<vmem>>
    %dma_start3A_469 = tpu.memref_squeeze %dma_start3A_468 : memref<1x128xi32, #tpu.memory_space<vmem>> -> memref<128xi32, #tpu.memory_space<vmem>>
    %dma_start3A_470 = arith.constant 0 : i32
    %dma_start3A_471 = arith.constant 0 : i32
    %dma_start3A_472 = tpu.memref_slice %arg2[%dma_start3A_470, %dma_start3A_471] : memref<8192x16xi32, #tpu.memory_space<hbm>> -> memref<8192x16xi32, #tpu.memory_space<hbm>>
    tpu.enqueue_indirect_dma source(%dma_start3A_472 : memref<8192x16xi32, #tpu.memory_space<hbm>>) target(%dma_start3A_466 : memref<128x16xi32, #tpu.memory_space<vmem>>) offsets(%dma_start3A_469 : memref<128xi32, #tpu.memory_space<vmem>>) semaphore(%arg7 : memref<!tpu.dma_semaphore, #tpu.memory_space<semaphore_mem>>)
    %dma_start3A_473 = arith.constant 14 : i32
    %dma_start3A_474 = arith.constant 1792 : i32
    %dma_start3A_475 = arith.constant 0 : i32
    %dma_start3A_476 = tpu.memref_slice %arg6[%dma_start3A_474, %dma_start3A_475] : memref<2048x16xi32, #tpu.memory_space<vmem>> -> memref<128x16xi32, #tpu.memory_space<vmem>>
    %dma_start3A_477 = arith.constant 0 : i32
    %dma_start3A_478 = tpu.memref_slice %arg5[%dma_start3A_473, %dma_start3A_477] : memref<16x128xi32, #tpu.memory_space<vmem>> -> memref<1x128xi32, #tpu.memory_space<vmem>>
    %dma_start3A_479 = tpu.memref_squeeze %dma_start3A_478 : memref<1x128xi32, #tpu.memory_space<vmem>> -> memref<128xi32, #tpu.memory_space<vmem>>
    %dma_start3A_480 = arith.constant 0 : i32
    %dma_start3A_481 = arith.constant 0 : i32
    %dma_start3A_482 = tpu.memref_slice %arg2[%dma_start3A_480, %dma_start3A_481] : memref<8192x16xi32, #tpu.memory_space<hbm>> -> memref<8192x16xi32, #tpu.memory_space<hbm>>
    tpu.enqueue_indirect_dma source(%dma_start3A_482 : memref<8192x16xi32, #tpu.memory_space<hbm>>) target(%dma_start3A_476 : memref<128x16xi32, #tpu.memory_space<vmem>>) offsets(%dma_start3A_479 : memref<128xi32, #tpu.memory_space<vmem>>) semaphore(%arg7 : memref<!tpu.dma_semaphore, #tpu.memory_space<semaphore_mem>>)
    %dma_start3A_483 = arith.constant 15 : i32
    %dma_start3A_484 = arith.constant 1920 : i32
    %dma_start3A_485 = arith.constant 0 : i32
    %dma_start3A_486 = tpu.memref_slice %arg6[%dma_start3A_484, %dma_start3A_485] : memref<2048x16xi32, #tpu.memory_space<vmem>> -> memref<128x16xi32, #tpu.memory_space<vmem>>
    %dma_start3A_487 = arith.constant 0 : i32
    %dma_start3A_488 = tpu.memref_slice %arg5[%dma_start3A_483, %dma_start3A_487] : memref<16x128xi32, #tpu.memory_space<vmem>> -> memref<1x128xi32, #tpu.memory_space<vmem>>
    %dma_start3A_489 = tpu.memref_squeeze %dma_start3A_488 : memref<1x128xi32, #tpu.memory_space<vmem>> -> memref<128xi32, #tpu.memory_space<vmem>>
    %dma_start3A_490 = arith.constant 0 : i32
    %dma_start3A_491 = arith.constant 0 : i32
    %dma_start3A_492 = tpu.memref_slice %arg2[%dma_start3A_490, %dma_start3A_491] : memref<8192x16xi32, #tpu.memory_space<hbm>> -> memref<8192x16xi32, #tpu.memory_space<hbm>>
    tpu.enqueue_indirect_dma source(%dma_start3A_492 : memref<8192x16xi32, #tpu.memory_space<hbm>>) target(%dma_start3A_486 : memref<128x16xi32, #tpu.memory_space<vmem>>) offsets(%dma_start3A_489 : memref<128xi32, #tpu.memory_space<vmem>>) semaphore(%arg7 : memref<!tpu.dma_semaphore, #tpu.memory_space<semaphore_mem>>)
    %dma_wait3A_493 = arith.constant 0 : i32
    %dma_wait3A_494 = arith.constant 0 : i32
    %dma_wait3A_495 = arith.constant 0 : i32
    %dma_wait3A_496 = tpu.memref_slice %arg6[%dma_wait3A_494, %dma_wait3A_495] : memref<2048x16xi32, #tpu.memory_space<vmem>> -> memref<128x16xi32, #tpu.memory_space<vmem>>
    %dma_wait3A_497 = arith.constant 0 : i32
    %dma_wait3A_498 = tpu.memref_slice %arg5[%dma_wait3A_493, %dma_wait3A_497] : memref<16x128xi32, #tpu.memory_space<vmem>> -> memref<1x128xi32, #tpu.memory_space<vmem>>
    %dma_wait3A_499 = tpu.memref_squeeze %dma_wait3A_498 : memref<1x128xi32, #tpu.memory_space<vmem>> -> memref<128xi32, #tpu.memory_space<vmem>>
    %dma_wait3A_500 = arith.constant 0 : i32
    %dma_wait3A_501 = arith.constant 0 : i32
    %dma_wait3A_502 = tpu.memref_slice %arg2[%dma_wait3A_500, %dma_wait3A_501] : memref<8192x16xi32, #tpu.memory_space<hbm>> -> memref<8192x16xi32, #tpu.memory_space<hbm>>
    tpu.wait_indirect_dma semaphore(%arg7 : memref<!tpu.dma_semaphore, #tpu.memory_space<semaphore_mem>>) src(%dma_wait3A_502 : memref<8192x16xi32, #tpu.memory_space<hbm>>) dst(%dma_wait3A_496 : memref<128x16xi32, #tpu.memory_space<vmem>>)
    %dma_wait3A_503 = arith.constant 1 : i32
    %dma_wait3A_504 = arith.constant 128 : i32
    %dma_wait3A_505 = arith.constant 0 : i32
    %dma_wait3A_506 = tpu.memref_slice %arg6[%dma_wait3A_504, %dma_wait3A_505] : memref<2048x16xi32, #tpu.memory_space<vmem>> -> memref<128x16xi32, #tpu.memory_space<vmem>>
    %dma_wait3A_507 = arith.constant 0 : i32
    %dma_wait3A_508 = tpu.memref_slice %arg5[%dma_wait3A_503, %dma_wait3A_507] : memref<16x128xi32, #tpu.memory_space<vmem>> -> memref<1x128xi32, #tpu.memory_space<vmem>>
    %dma_wait3A_509 = tpu.memref_squeeze %dma_wait3A_508 : memref<1x128xi32, #tpu.memory_space<vmem>> -> memref<128xi32, #tpu.memory_space<vmem>>
    %dma_wait3A_510 = arith.constant 0 : i32
    %dma_wait3A_511 = arith.constant 0 : i32
    %dma_wait3A_512 = tpu.memref_slice %arg2[%dma_wait3A_510, %dma_wait3A_511] : memref<8192x16xi32, #tpu.memory_space<hbm>> -> memref<8192x16xi32, #tpu.memory_space<hbm>>
    tpu.wait_indirect_dma semaphore(%arg7 : memref<!tpu.dma_semaphore, #tpu.memory_space<semaphore_mem>>) src(%dma_wait3A_512 : memref<8192x16xi32, #tpu.memory_space<hbm>>) dst(%dma_wait3A_506 : memref<128x16xi32, #tpu.memory_space<vmem>>)
    %dma_wait3A_513 = arith.constant 2 : i32
    %dma_wait3A_514 = arith.constant 256 : i32
    %dma_wait3A_515 = arith.constant 0 : i32
    %dma_wait3A_516 = tpu.memref_slice %arg6[%dma_wait3A_514, %dma_wait3A_515] : memref<2048x16xi32, #tpu.memory_space<vmem>> -> memref<128x16xi32, #tpu.memory_space<vmem>>
    %dma_wait3A_517 = arith.constant 0 : i32
    %dma_wait3A_518 = tpu.memref_slice %arg5[%dma_wait3A_513, %dma_wait3A_517] : memref<16x128xi32, #tpu.memory_space<vmem>> -> memref<1x128xi32, #tpu.memory_space<vmem>>
    %dma_wait3A_519 = tpu.memref_squeeze %dma_wait3A_518 : memref<1x128xi32, #tpu.memory_space<vmem>> -> memref<128xi32, #tpu.memory_space<vmem>>
    %dma_wait3A_520 = arith.constant 0 : i32
    %dma_wait3A_521 = arith.constant 0 : i32
    %dma_wait3A_522 = tpu.memref_slice %arg2[%dma_wait3A_520, %dma_wait3A_521] : memref<8192x16xi32, #tpu.memory_space<hbm>> -> memref<8192x16xi32, #tpu.memory_space<hbm>>
    tpu.wait_indirect_dma semaphore(%arg7 : memref<!tpu.dma_semaphore, #tpu.memory_space<semaphore_mem>>) src(%dma_wait3A_522 : memref<8192x16xi32, #tpu.memory_space<hbm>>) dst(%dma_wait3A_516 : memref<128x16xi32, #tpu.memory_space<vmem>>)
    %dma_wait3A_523 = arith.constant 3 : i32
    %dma_wait3A_524 = arith.constant 384 : i32
    %dma_wait3A_525 = arith.constant 0 : i32
    %dma_wait3A_526 = tpu.memref_slice %arg6[%dma_wait3A_524, %dma_wait3A_525] : memref<2048x16xi32, #tpu.memory_space<vmem>> -> memref<128x16xi32, #tpu.memory_space<vmem>>
    %dma_wait3A_527 = arith.constant 0 : i32
    %dma_wait3A_528 = tpu.memref_slice %arg5[%dma_wait3A_523, %dma_wait3A_527] : memref<16x128xi32, #tpu.memory_space<vmem>> -> memref<1x128xi32, #tpu.memory_space<vmem>>
    %dma_wait3A_529 = tpu.memref_squeeze %dma_wait3A_528 : memref<1x128xi32, #tpu.memory_space<vmem>> -> memref<128xi32, #tpu.memory_space<vmem>>
    %dma_wait3A_530 = arith.constant 0 : i32
    %dma_wait3A_531 = arith.constant 0 : i32
    %dma_wait3A_532 = tpu.memref_slice %arg2[%dma_wait3A_530, %dma_wait3A_531] : memref<8192x16xi32, #tpu.memory_space<hbm>> -> memref<8192x16xi32, #tpu.memory_space<hbm>>
    tpu.wait_indirect_dma semaphore(%arg7 : memref<!tpu.dma_semaphore, #tpu.memory_space<semaphore_mem>>) src(%dma_wait3A_532 : memref<8192x16xi32, #tpu.memory_space<hbm>>) dst(%dma_wait3A_526 : memref<128x16xi32, #tpu.memory_space<vmem>>)
    %dma_wait3A_533 = arith.constant 4 : i32
    %dma_wait3A_534 = arith.constant 512 : i32
    %dma_wait3A_535 = arith.constant 0 : i32
    %dma_wait3A_536 = tpu.memref_slice %arg6[%dma_wait3A_534, %dma_wait3A_535] : memref<2048x16xi32, #tpu.memory_space<vmem>> -> memref<128x16xi32, #tpu.memory_space<vmem>>
    %dma_wait3A_537 = arith.constant 0 : i32
    %dma_wait3A_538 = tpu.memref_slice %arg5[%dma_wait3A_533, %dma_wait3A_537] : memref<16x128xi32, #tpu.memory_space<vmem>> -> memref<1x128xi32, #tpu.memory_space<vmem>>
    %dma_wait3A_539 = tpu.memref_squeeze %dma_wait3A_538 : memref<1x128xi32, #tpu.memory_space<vmem>> -> memref<128xi32, #tpu.memory_space<vmem>>
    %dma_wait3A_540 = arith.constant 0 : i32
    %dma_wait3A_541 = arith.constant 0 : i32
    %dma_wait3A_542 = tpu.memref_slice %arg2[%dma_wait3A_540, %dma_wait3A_541] : memref<8192x16xi32, #tpu.memory_space<hbm>> -> memref<8192x16xi32, #tpu.memory_space<hbm>>
    tpu.wait_indirect_dma semaphore(%arg7 : memref<!tpu.dma_semaphore, #tpu.memory_space<semaphore_mem>>) src(%dma_wait3A_542 : memref<8192x16xi32, #tpu.memory_space<hbm>>) dst(%dma_wait3A_536 : memref<128x16xi32, #tpu.memory_space<vmem>>)
    %dma_wait3A_543 = arith.constant 5 : i32
    %dma_wait3A_544 = arith.constant 640 : i32
    %dma_wait3A_545 = arith.constant 0 : i32
    %dma_wait3A_546 = tpu.memref_slice %arg6[%dma_wait3A_544, %dma_wait3A_545] : memref<2048x16xi32, #tpu.memory_space<vmem>> -> memref<128x16xi32, #tpu.memory_space<vmem>>
    %dma_wait3A_547 = arith.constant 0 : i32
    %dma_wait3A_548 = tpu.memref_slice %arg5[%dma_wait3A_543, %dma_wait3A_547] : memref<16x128xi32, #tpu.memory_space<vmem>> -> memref<1x128xi32, #tpu.memory_space<vmem>>
    %dma_wait3A_549 = tpu.memref_squeeze %dma_wait3A_548 : memref<1x128xi32, #tpu.memory_space<vmem>> -> memref<128xi32, #tpu.memory_space<vmem>>
    %dma_wait3A_550 = arith.constant 0 : i32
    %dma_wait3A_551 = arith.constant 0 : i32
    %dma_wait3A_552 = tpu.memref_slice %arg2[%dma_wait3A_550, %dma_wait3A_551] : memref<8192x16xi32, #tpu.memory_space<hbm>> -> memref<8192x16xi32, #tpu.memory_space<hbm>>
    tpu.wait_indirect_dma semaphore(%arg7 : memref<!tpu.dma_semaphore, #tpu.memory_space<semaphore_mem>>) src(%dma_wait3A_552 : memref<8192x16xi32, #tpu.memory_space<hbm>>) dst(%dma_wait3A_546 : memref<128x16xi32, #tpu.memory_space<vmem>>)
    %dma_wait3A_553 = arith.constant 6 : i32
    %dma_wait3A_554 = arith.constant 768 : i32
    %dma_wait3A_555 = arith.constant 0 : i32
    %dma_wait3A_556 = tpu.memref_slice %arg6[%dma_wait3A_554, %dma_wait3A_555] : memref<2048x16xi32, #tpu.memory_space<vmem>> -> memref<128x16xi32, #tpu.memory_space<vmem>>
    %dma_wait3A_557 = arith.constant 0 : i32
    %dma_wait3A_558 = tpu.memref_slice %arg5[%dma_wait3A_553, %dma_wait3A_557] : memref<16x128xi32, #tpu.memory_space<vmem>> -> memref<1x128xi32, #tpu.memory_space<vmem>>
    %dma_wait3A_559 = tpu.memref_squeeze %dma_wait3A_558 : memref<1x128xi32, #tpu.memory_space<vmem>> -> memref<128xi32, #tpu.memory_space<vmem>>
    %dma_wait3A_560 = arith.constant 0 : i32
    %dma_wait3A_561 = arith.constant 0 : i32
    %dma_wait3A_562 = tpu.memref_slice %arg2[%dma_wait3A_560, %dma_wait3A_561] : memref<8192x16xi32, #tpu.memory_space<hbm>> -> memref<8192x16xi32, #tpu.memory_space<hbm>>
    tpu.wait_indirect_dma semaphore(%arg7 : memref<!tpu.dma_semaphore, #tpu.memory_space<semaphore_mem>>) src(%dma_wait3A_562 : memref<8192x16xi32, #tpu.memory_space<hbm>>) dst(%dma_wait3A_556 : memref<128x16xi32, #tpu.memory_space<vmem>>)
    %dma_wait3A_563 = arith.constant 7 : i32
    %dma_wait3A_564 = arith.constant 896 : i32
    %dma_wait3A_565 = arith.constant 0 : i32
    %dma_wait3A_566 = tpu.memref_slice %arg6[%dma_wait3A_564, %dma_wait3A_565] : memref<2048x16xi32, #tpu.memory_space<vmem>> -> memref<128x16xi32, #tpu.memory_space<vmem>>
    %dma_wait3A_567 = arith.constant 0 : i32
    %dma_wait3A_568 = tpu.memref_slice %arg5[%dma_wait3A_563, %dma_wait3A_567] : memref<16x128xi32, #tpu.memory_space<vmem>> -> memref<1x128xi32, #tpu.memory_space<vmem>>
    %dma_wait3A_569 = tpu.memref_squeeze %dma_wait3A_568 : memref<1x128xi32, #tpu.memory_space<vmem>> -> memref<128xi32, #tpu.memory_space<vmem>>
    %dma_wait3A_570 = arith.constant 0 : i32
    %dma_wait3A_571 = arith.constant 0 : i32
    %dma_wait3A_572 = tpu.memref_slice %arg2[%dma_wait3A_570, %dma_wait3A_571] : memref<8192x16xi32, #tpu.memory_space<hbm>> -> memref<8192x16xi32, #tpu.memory_space<hbm>>
    tpu.wait_indirect_dma semaphore(%arg7 : memref<!tpu.dma_semaphore, #tpu.memory_space<semaphore_mem>>) src(%dma_wait3A_572 : memref<8192x16xi32, #tpu.memory_space<hbm>>) dst(%dma_wait3A_566 : memref<128x16xi32, #tpu.memory_space<vmem>>)
    %dma_wait3A_573 = arith.constant 8 : i32
    %dma_wait3A_574 = arith.constant 1024 : i32
    %dma_wait3A_575 = arith.constant 0 : i32
    %dma_wait3A_576 = tpu.memref_slice %arg6[%dma_wait3A_574, %dma_wait3A_575] : memref<2048x16xi32, #tpu.memory_space<vmem>> -> memref<128x16xi32, #tpu.memory_space<vmem>>
    %dma_wait3A_577 = arith.constant 0 : i32
    %dma_wait3A_578 = tpu.memref_slice %arg5[%dma_wait3A_573, %dma_wait3A_577] : memref<16x128xi32, #tpu.memory_space<vmem>> -> memref<1x128xi32, #tpu.memory_space<vmem>>
    %dma_wait3A_579 = tpu.memref_squeeze %dma_wait3A_578 : memref<1x128xi32, #tpu.memory_space<vmem>> -> memref<128xi32, #tpu.memory_space<vmem>>
    %dma_wait3A_580 = arith.constant 0 : i32
    %dma_wait3A_581 = arith.constant 0 : i32
    %dma_wait3A_582 = tpu.memref_slice %arg2[%dma_wait3A_580, %dma_wait3A_581] : memref<8192x16xi32, #tpu.memory_space<hbm>> -> memref<8192x16xi32, #tpu.memory_space<hbm>>
    tpu.wait_indirect_dma semaphore(%arg7 : memref<!tpu.dma_semaphore, #tpu.memory_space<semaphore_mem>>) src(%dma_wait3A_582 : memref<8192x16xi32, #tpu.memory_space<hbm>>) dst(%dma_wait3A_576 : memref<128x16xi32, #tpu.memory_space<vmem>>)
    %dma_wait3A_583 = arith.constant 9 : i32
    %dma_wait3A_584 = arith.constant 1152 : i32
    %dma_wait3A_585 = arith.constant 0 : i32
    %dma_wait3A_586 = tpu.memref_slice %arg6[%dma_wait3A_584, %dma_wait3A_585] : memref<2048x16xi32, #tpu.memory_space<vmem>> -> memref<128x16xi32, #tpu.memory_space<vmem>>
    %dma_wait3A_587 = arith.constant 0 : i32
    %dma_wait3A_588 = tpu.memref_slice %arg5[%dma_wait3A_583, %dma_wait3A_587] : memref<16x128xi32, #tpu.memory_space<vmem>> -> memref<1x128xi32, #tpu.memory_space<vmem>>
    %dma_wait3A_589 = tpu.memref_squeeze %dma_wait3A_588 : memref<1x128xi32, #tpu.memory_space<vmem>> -> memref<128xi32, #tpu.memory_space<vmem>>
    %dma_wait3A_590 = arith.constant 0 : i32
    %dma_wait3A_591 = arith.constant 0 : i32
    %dma_wait3A_592 = tpu.memref_slice %arg2[%dma_wait3A_590, %dma_wait3A_591] : memref<8192x16xi32, #tpu.memory_space<hbm>> -> memref<8192x16xi32, #tpu.memory_space<hbm>>
    tpu.wait_indirect_dma semaphore(%arg7 : memref<!tpu.dma_semaphore, #tpu.memory_space<semaphore_mem>>) src(%dma_wait3A_592 : memref<8192x16xi32, #tpu.memory_space<hbm>>) dst(%dma_wait3A_586 : memref<128x16xi32, #tpu.memory_space<vmem>>)
    %dma_wait3A_593 = arith.constant 10 : i32
    %dma_wait3A_594 = arith.constant 1280 : i32
    %dma_wait3A_595 = arith.constant 0 : i32
    %dma_wait3A_596 = tpu.memref_slice %arg6[%dma_wait3A_594, %dma_wait3A_595] : memref<2048x16xi32, #tpu.memory_space<vmem>> -> memref<128x16xi32, #tpu.memory_space<vmem>>
    %dma_wait3A_597 = arith.constant 0 : i32
    %dma_wait3A_598 = tpu.memref_slice %arg5[%dma_wait3A_593, %dma_wait3A_597] : memref<16x128xi32, #tpu.memory_space<vmem>> -> memref<1x128xi32, #tpu.memory_space<vmem>>
    %dma_wait3A_599 = tpu.memref_squeeze %dma_wait3A_598 : memref<1x128xi32, #tpu.memory_space<vmem>> -> memref<128xi32, #tpu.memory_space<vmem>>
    %dma_wait3A_600 = arith.constant 0 : i32
    %dma_wait3A_601 = arith.constant 0 : i32
    %dma_wait3A_602 = tpu.memref_slice %arg2[%dma_wait3A_600, %dma_wait3A_601] : memref<8192x16xi32, #tpu.memory_space<hbm>> -> memref<8192x16xi32, #tpu.memory_space<hbm>>
    tpu.wait_indirect_dma semaphore(%arg7 : memref<!tpu.dma_semaphore, #tpu.memory_space<semaphore_mem>>) src(%dma_wait3A_602 : memref<8192x16xi32, #tpu.memory_space<hbm>>) dst(%dma_wait3A_596 : memref<128x16xi32, #tpu.memory_space<vmem>>)
    %dma_wait3A_603 = arith.constant 11 : i32
    %dma_wait3A_604 = arith.constant 1408 : i32
    %dma_wait3A_605 = arith.constant 0 : i32
    %dma_wait3A_606 = tpu.memref_slice %arg6[%dma_wait3A_604, %dma_wait3A_605] : memref<2048x16xi32, #tpu.memory_space<vmem>> -> memref<128x16xi32, #tpu.memory_space<vmem>>
    %dma_wait3A_607 = arith.constant 0 : i32
    %dma_wait3A_608 = tpu.memref_slice %arg5[%dma_wait3A_603, %dma_wait3A_607] : memref<16x128xi32, #tpu.memory_space<vmem>> -> memref<1x128xi32, #tpu.memory_space<vmem>>
    %dma_wait3A_609 = tpu.memref_squeeze %dma_wait3A_608 : memref<1x128xi32, #tpu.memory_space<vmem>> -> memref<128xi32, #tpu.memory_space<vmem>>
    %dma_wait3A_610 = arith.constant 0 : i32
    %dma_wait3A_611 = arith.constant 0 : i32
    %dma_wait3A_612 = tpu.memref_slice %arg2[%dma_wait3A_610, %dma_wait3A_611] : memref<8192x16xi32, #tpu.memory_space<hbm>> -> memref<8192x16xi32, #tpu.memory_space<hbm>>
    tpu.wait_indirect_dma semaphore(%arg7 : memref<!tpu.dma_semaphore, #tpu.memory_space<semaphore_mem>>) src(%dma_wait3A_612 : memref<8192x16xi32, #tpu.memory_space<hbm>>) dst(%dma_wait3A_606 : memref<128x16xi32, #tpu.memory_space<vmem>>)
    %dma_wait3A_613 = arith.constant 12 : i32
    %dma_wait3A_614 = arith.constant 1536 : i32
    %dma_wait3A_615 = arith.constant 0 : i32
    %dma_wait3A_616 = tpu.memref_slice %arg6[%dma_wait3A_614, %dma_wait3A_615] : memref<2048x16xi32, #tpu.memory_space<vmem>> -> memref<128x16xi32, #tpu.memory_space<vmem>>
    %dma_wait3A_617 = arith.constant 0 : i32
    %dma_wait3A_618 = tpu.memref_slice %arg5[%dma_wait3A_613, %dma_wait3A_617] : memref<16x128xi32, #tpu.memory_space<vmem>> -> memref<1x128xi32, #tpu.memory_space<vmem>>
    %dma_wait3A_619 = tpu.memref_squeeze %dma_wait3A_618 : memref<1x128xi32, #tpu.memory_space<vmem>> -> memref<128xi32, #tpu.memory_space<vmem>>
    %dma_wait3A_620 = arith.constant 0 : i32
    %dma_wait3A_621 = arith.constant 0 : i32
    %dma_wait3A_622 = tpu.memref_slice %arg2[%dma_wait3A_620, %dma_wait3A_621] : memref<8192x16xi32, #tpu.memory_space<hbm>> -> memref<8192x16xi32, #tpu.memory_space<hbm>>
    tpu.wait_indirect_dma semaphore(%arg7 : memref<!tpu.dma_semaphore, #tpu.memory_space<semaphore_mem>>) src(%dma_wait3A_622 : memref<8192x16xi32, #tpu.memory_space<hbm>>) dst(%dma_wait3A_616 : memref<128x16xi32, #tpu.memory_space<vmem>>)
    %dma_wait3A_623 = arith.constant 13 : i32
    %dma_wait3A_624 = arith.constant 1664 : i32
    %dma_wait3A_625 = arith.constant 0 : i32
    %dma_wait3A_626 = tpu.memref_slice %arg6[%dma_wait3A_624, %dma_wait3A_625] : memref<2048x16xi32, #tpu.memory_space<vmem>> -> memref<128x16xi32, #tpu.memory_space<vmem>>
    %dma_wait3A_627 = arith.constant 0 : i32
    %dma_wait3A_628 = tpu.memref_slice %arg5[%dma_wait3A_623, %dma_wait3A_627] : memref<16x128xi32, #tpu.memory_space<vmem>> -> memref<1x128xi32, #tpu.memory_space<vmem>>
    %dma_wait3A_629 = tpu.memref_squeeze %dma_wait3A_628 : memref<1x128xi32, #tpu.memory_space<vmem>> -> memref<128xi32, #tpu.memory_space<vmem>>
    %dma_wait3A_630 = arith.constant 0 : i32
    %dma_wait3A_631 = arith.constant 0 : i32
    %dma_wait3A_632 = tpu.memref_slice %arg2[%dma_wait3A_630, %dma_wait3A_631] : memref<8192x16xi32, #tpu.memory_space<hbm>> -> memref<8192x16xi32, #tpu.memory_space<hbm>>
    tpu.wait_indirect_dma semaphore(%arg7 : memref<!tpu.dma_semaphore, #tpu.memory_space<semaphore_mem>>) src(%dma_wait3A_632 : memref<8192x16xi32, #tpu.memory_space<hbm>>) dst(%dma_wait3A_626 : memref<128x16xi32, #tpu.memory_space<vmem>>)
    %dma_wait3A_633 = arith.constant 14 : i32
    %dma_wait3A_634 = arith.constant 1792 : i32
    %dma_wait3A_635 = arith.constant 0 : i32
    %dma_wait3A_636 = tpu.memref_slice %arg6[%dma_wait3A_634, %dma_wait3A_635] : memref<2048x16xi32, #tpu.memory_space<vmem>> -> memref<128x16xi32, #tpu.memory_space<vmem>>
    %dma_wait3A_637 = arith.constant 0 : i32
    %dma_wait3A_638 = tpu.memref_slice %arg5[%dma_wait3A_633, %dma_wait3A_637] : memref<16x128xi32, #tpu.memory_space<vmem>> -> memref<1x128xi32, #tpu.memory_space<vmem>>
    %dma_wait3A_639 = tpu.memref_squeeze %dma_wait3A_638 : memref<1x128xi32, #tpu.memory_space<vmem>> -> memref<128xi32, #tpu.memory_space<vmem>>
    %dma_wait3A_640 = arith.constant 0 : i32
    %dma_wait3A_641 = arith.constant 0 : i32
    %dma_wait3A_642 = tpu.memref_slice %arg2[%dma_wait3A_640, %dma_wait3A_641] : memref<8192x16xi32, #tpu.memory_space<hbm>> -> memref<8192x16xi32, #tpu.memory_space<hbm>>
    tpu.wait_indirect_dma semaphore(%arg7 : memref<!tpu.dma_semaphore, #tpu.memory_space<semaphore_mem>>) src(%dma_wait3A_642 : memref<8192x16xi32, #tpu.memory_space<hbm>>) dst(%dma_wait3A_636 : memref<128x16xi32, #tpu.memory_space<vmem>>)
    %dma_wait3A_643 = arith.constant 15 : i32
    %dma_wait3A_644 = arith.constant 1920 : i32
    %dma_wait3A_645 = arith.constant 0 : i32
    %dma_wait3A_646 = tpu.memref_slice %arg6[%dma_wait3A_644, %dma_wait3A_645] : memref<2048x16xi32, #tpu.memory_space<vmem>> -> memref<128x16xi32, #tpu.memory_space<vmem>>
    %dma_wait3A_647 = arith.constant 0 : i32
    %dma_wait3A_648 = tpu.memref_slice %arg5[%dma_wait3A_643, %dma_wait3A_647] : memref<16x128xi32, #tpu.memory_space<vmem>> -> memref<1x128xi32, #tpu.memory_space<vmem>>
    %dma_wait3A_649 = tpu.memref_squeeze %dma_wait3A_648 : memref<1x128xi32, #tpu.memory_space<vmem>> -> memref<128xi32, #tpu.memory_space<vmem>>
    %dma_wait3A_650 = arith.constant 0 : i32
    %dma_wait3A_651 = arith.constant 0 : i32
    %dma_wait3A_652 = tpu.memref_slice %arg2[%dma_wait3A_650, %dma_wait3A_651] : memref<8192x16xi32, #tpu.memory_space<hbm>> -> memref<8192x16xi32, #tpu.memory_space<hbm>>
    tpu.wait_indirect_dma semaphore(%arg7 : memref<!tpu.dma_semaphore, #tpu.memory_space<semaphore_mem>>) src(%dma_wait3A_652 : memref<8192x16xi32, #tpu.memory_space<hbm>>) dst(%dma_wait3A_646 : memref<128x16xi32, #tpu.memory_space<vmem>>)
    %mul3A_653 = arith.constant 128 : i32
    %mul3A_654 = arith.muli %mul3A_332, %mul3A_653 : i32
    "tpu.region"() ({
      %run_scoped3A = tpu.sem_alloc : memref<!tpu.dma_semaphore, #tpu.memory_space<semaphore_mem>>
      %dma_start3A_655 = arith.constant 0 : i32
      %dma_start3A_656 = tpu.memref_slice %arg4[%mul3A_654, %dma_start3A_655] : memref<131072x16xi32, #tpu.memory_space<hbm>> -> memref<2048x16xi32, #tpu.memory_space<hbm>>
      %dma_start3A_657 = arith.constant 0 : i32
      %dma_start3A_658 = tpu.memref_slice %arg4[%mul3A_654, %dma_start3A_657] : memref<131072x16xi32, #tpu.memory_space<hbm>> -> memref<2048x16xi32, #tpu.memory_space<hbm>>
      tpu.enqueue_dma source(%arg6 : memref<2048x16xi32, #tpu.memory_space<vmem>>) target(%dma_start3A_658 : memref<2048x16xi32, #tpu.memory_space<hbm>>) target_semaphore(%run_scoped3A : memref<!tpu.dma_semaphore, #tpu.memory_space<semaphore_mem>>)
      %dma_wait3A_659 = arith.constant 0 : i32
      %dma_wait3A_660 = tpu.memref_slice %arg4[%mul3A_654, %dma_wait3A_659] : memref<131072x16xi32, #tpu.memory_space<hbm>> -> memref<2048x16xi32, #tpu.memory_space<hbm>>
      %dma_wait3A_661 = arith.constant 0 : i32
      %dma_wait3A_662 = tpu.memref_slice %arg4[%mul3A_654, %dma_wait3A_661] : memref<131072x16xi32, #tpu.memory_space<hbm>> -> memref<2048x16xi32, #tpu.memory_space<hbm>>
      tpu.wait_dma2 semaphore(%run_scoped3A : memref<!tpu.dma_semaphore, #tpu.memory_space<semaphore_mem>>) src(%arg6 : memref<2048x16xi32, #tpu.memory_space<vmem>>) dst(%dma_wait3A_662 : memref<2048x16xi32, #tpu.memory_space<hbm>>)
      tpu.yield
    }) : () -> ()
    return
  }
}

module attributes {stable_mosaic.version = 14 : i64} {
  func.func @_knn_body(%arg0: i32, %arg1: memref<512x8xf32, #tpu.memory_space<vmem>>, %arg2: memref<2048x8xf32, #tpu.memory_space<vmem>>, %arg3: memref<8x2048xf32, #tpu.memory_space<vmem>>, %arg4: memref<2048x32xf32, #tpu.memory_space<vmem>>, %arg5: memref<8x32xf32, #tpu.memory_space<vmem>>, %arg6: memref<32x32xf32, #tpu.memory_space<vmem>>, %arg7: memref<16x512xi32, #tpu.memory_space<vmem>>, %arg8: memref<2048x16xi32, #tpu.memory_space<vmem>>, %arg9: memref<512x32xf32, #tpu.memory_space<vmem>>, %arg10: memref<8x32xf32, #tpu.memory_space<vmem>>) attributes {dimension_semantics = [#tpu.dimension_semantics<arbitrary>], iteration_bounds = array<i64: 16>, scalar_prefetch = 0 : i64, scratch_operands = 0 : i64, tpu.core_type = #tpu.core_type<tc>, window_params = [{transform_indices = @transform_0, window_bounds = array<i64: 512, 8>}, {transform_indices = @transform_1, window_bounds = array<i64: 2048, 8>}, {transform_indices = @transform_2, window_bounds = array<i64: 8, 2048>}, {transform_indices = @transform_3, window_bounds = array<i64: 2048, 32>}, {pipeline_mode = #tpu.pipeline_mode<synchronous>, transform_indices = @transform_4, window_bounds = array<i64: 8, 32>}, {pipeline_mode = #tpu.pipeline_mode<synchronous>, transform_indices = @transform_5, window_bounds = array<i64: 32, 32>}, {transform_indices = @transform_6, window_bounds = array<i64: 16, 512>}, {transform_indices = @transform_7, window_bounds = array<i64: 2048, 16>}, {transform_indices = @transform_8, window_bounds = array<i64: 512, 32>}, {pipeline_mode = #tpu.pipeline_mode<synchronous>, transform_indices = @transform_9, window_bounds = array<i64: 8, 32>}]} {
    %jit3A = arith.constant 4 : i32
    %div3A = arith.divsi %arg0, %jit3A : i32
    %sign3A = arith.constant 0 : i32
    %sign3A_0 = arith.cmpi sgt, %arg0, %sign3A : i32
    %sign3A_1 = arith.extui %sign3A_0 : i1 to i32
    %sign3A_2 = arith.constant 0 : i32
    %sign3A_3 = arith.cmpi slt, %arg0, %sign3A_2 : i32
    %sign3A_4 = arith.extui %sign3A_3 : i1 to i32
    %sign3A_5 = arith.subi %sign3A_1, %sign3A_4 : i32
    %sign3A_6 = arith.constant 0 : i32
    %sign3A_7 = arith.cmpi sgt, %jit3A, %sign3A_6 : i32
    %sign3A_8 = arith.extui %sign3A_7 : i1 to i32
    %sign3A_9 = arith.constant 0 : i32
    %sign3A_10 = arith.cmpi slt, %jit3A, %sign3A_9 : i32
    %sign3A_11 = arith.extui %sign3A_10 : i1 to i32
    %sign3A_12 = arith.subi %sign3A_8, %sign3A_11 : i32
    %ne3A = arith.cmpi ne, %sign3A_5, %sign3A_12 : i32
    %rem3A = arith.remsi %arg0, %jit3A : i32
    %ne3A_13 = arith.constant 0 : i32
    %ne3A_14 = arith.cmpi ne, %rem3A, %ne3A_13 : i32
    %and3A = arith.andi %ne3A, %ne3A_14 : i1
    %sub3A = arith.constant 1 : i32
    %sub3A_15 = arith.subi %div3A, %sub3A : i32
    %select_n3A = arith.select %and3A, %sub3A_15, %div3A : i32
    %get3A = arith.constant 0 : index
    %get3A_16 = arith.constant 0 : index
    %get3A_17 = vector.load %arg1[%get3A, %get3A_16] : memref<512x8xf32, #tpu.memory_space<vmem>>, vector<512x8xf32>
    %get3A_18 = arith.constant 0 : index
    %get3A_19 = arith.constant 0 : index
    %get3A_20 = vector.load %arg3[%get3A_18, %get3A_19] : memref<8x2048xf32, #tpu.memory_space<vmem>>, vector<8x2048xf32>
    %get3A_21 = arith.constant 0 : index
    %get3A_22 = arith.constant 0 : index
    %get3A_23 = vector.load %arg5[%get3A_21, %get3A_22] : memref<8x32xf32, #tpu.memory_space<vmem>>, vector<8x32xf32>
    %get3A_24 = arith.constant 0 : index
    %get3A_25 = arith.constant 0 : index
    %get3A_26 = vector.load %arg2[%get3A_24, %get3A_25] : memref<2048x8xf32, #tpu.memory_space<vmem>>, vector<2048x8xf32>
    %dot_general3A = arith.constant dense<0.000000e+00> : vector<2048x32xf32>
    %dot_general3A_27 = tpu.matmul %get3A_26, %get3A_23, %dot_general3A {dimension_numbers = #tpu.dot_dimension_numbers<[1], [0], [0], [1], [0, 0, 1, 1], [], []>, transpose_lhs_hint = false} : vector<2048x8xf32>, vector<8x32xf32>, vector<2048x32xf32> -> vector<2048x32xf32>
    %get3A_28 = arith.constant 0 : index
    %get3A_29 = arith.constant 0 : index
    %get3A_30 = vector.load %arg4[%get3A_28, %get3A_29] : memref<2048x32xf32, #tpu.memory_space<vmem>>, vector<2048x32xf32>
    %get3A_31 = arith.constant 0 : index
    %get3A_32 = arith.constant 0 : index
    %get3A_33 = vector.load %arg6[%get3A_31, %get3A_32] : memref<32x32xf32, #tpu.memory_space<vmem>>, vector<32x32xf32>
    %dot_general3A_34 = arith.constant dense<0.000000e+00> : vector<2048x32xf32>
    %dot_general3A_35 = tpu.matmul %get3A_30, %get3A_33, %dot_general3A_34 {dimension_numbers = #tpu.dot_dimension_numbers<[1], [0], [0], [1], [0, 0, 1, 1], [], []>, transpose_lhs_hint = false} : vector<2048x32xf32>, vector<32x32xf32>, vector<2048x32xf32> -> vector<2048x32xf32>
    %add3A = arith.addf %dot_general3A_27, %dot_general3A_35 : vector<2048x32xf32>
    %slice3A = vector.extract_strided_slice %add3A {offsets = [0, 0], sizes = [2048, 16], strides = [1, 1]} : vector<2048x32xf32> to vector<2048x16xf32>
    %bitcast_convert_type3A = tpu.bitcast %slice3A : vector<2048x16xf32> -> vector<2048x16xi32>
    %add3A_36 = arith.constant 32767 : i32
    %add3A_37 = vector.broadcast %add3A_36 : i32 to vector<2048x16xi32>
    %add3A_38 = arith.addi %bitcast_convert_type3A, %add3A_37 : vector<2048x16xi32>
    %shift_right_arithmetic3A = arith.constant 16 : i32
    %shift_right_arithmetic3A_39 = vector.broadcast %shift_right_arithmetic3A : i32 to vector<2048x16xi32>
    %shift_right_arithmetic3A_40 = arith.shrsi %bitcast_convert_type3A, %shift_right_arithmetic3A_39 : vector<2048x16xi32>
    %and3A_41 = arith.constant 1 : i32
    %and3A_42 = vector.broadcast %and3A_41 : i32 to vector<2048x16xi32>
    %and3A_43 = arith.andi %shift_right_arithmetic3A_40, %and3A_42 : vector<2048x16xi32>
    %add3A_44 = arith.addi %add3A_38, %and3A_43 : vector<2048x16xi32>
    %shift_right_arithmetic3A_45 = arith.constant 16 : i32
    %shift_right_arithmetic3A_46 = vector.broadcast %shift_right_arithmetic3A_45 : i32 to vector<2048x16xi32>
    %shift_right_arithmetic3A_47 = arith.shrsi %add3A_44, %shift_right_arithmetic3A_46 : vector<2048x16xi32>
    %and3A_48 = arith.constant 65535 : i32
    %and3A_49 = vector.broadcast %and3A_48 : i32 to vector<2048x16xi32>
    %and3A_50 = arith.andi %shift_right_arithmetic3A_47, %and3A_49 : vector<2048x16xi32>
    %slice3A_51 = vector.extract_strided_slice %add3A {offsets = [0, 16], sizes = [2048, 16], strides = [1, 1]} : vector<2048x32xf32> to vector<2048x16xf32>
    %bitcast_convert_type3A_52 = tpu.bitcast %slice3A_51 : vector<2048x16xf32> -> vector<2048x16xi32>
    %add3A_53 = arith.constant 32767 : i32
    %add3A_54 = vector.broadcast %add3A_53 : i32 to vector<2048x16xi32>
    %add3A_55 = arith.addi %bitcast_convert_type3A_52, %add3A_54 : vector<2048x16xi32>
    %shift_right_arithmetic3A_56 = arith.constant 16 : i32
    %shift_right_arithmetic3A_57 = vector.broadcast %shift_right_arithmetic3A_56 : i32 to vector<2048x16xi32>
    %shift_right_arithmetic3A_58 = arith.shrsi %bitcast_convert_type3A_52, %shift_right_arithmetic3A_57 : vector<2048x16xi32>
    %and3A_59 = arith.constant 1 : i32
    %and3A_60 = vector.broadcast %and3A_59 : i32 to vector<2048x16xi32>
    %and3A_61 = arith.andi %shift_right_arithmetic3A_58, %and3A_60 : vector<2048x16xi32>
    %add3A_62 = arith.addi %add3A_55, %and3A_61 : vector<2048x16xi32>
    %shift_right_arithmetic3A_63 = arith.constant 16 : i32
    %shift_right_arithmetic3A_64 = vector.broadcast %shift_right_arithmetic3A_63 : i32 to vector<2048x16xi32>
    %shift_right_arithmetic3A_65 = arith.shrsi %add3A_62, %shift_right_arithmetic3A_64 : vector<2048x16xi32>
    %shift_left3A = arith.constant 16 : i32
    %shift_left3A_66 = vector.broadcast %shift_left3A : i32 to vector<2048x16xi32>
    %shift_left3A_67 = arith.shli %shift_right_arithmetic3A_65, %shift_left3A_66 : vector<2048x16xi32>
    %or3A = arith.ori %and3A_50, %shift_left3A_67 : vector<2048x16xi32>
    %swap3A = arith.constant 0 : index
    %swap3A_68 = arith.constant 0 : index
    %swap3A_69 = vector.load %arg8[%swap3A, %swap3A_68] : memref<2048x16xi32, #tpu.memory_space<vmem>>, vector<2048x16xi32>
    tpu.vector_store %arg8[%swap3A, %swap3A_68], %or3A {strides = array<i32>} : memref<2048x16xi32, #tpu.memory_space<vmem>>, vector<2048x16xi32>,
    %dot_general3A_70 = arith.constant dense<0.000000e+00> : vector<512x32xf32>
    %dot_general3A_71 = tpu.matmul %get3A_17, %get3A_23, %dot_general3A_70 {dimension_numbers = #tpu.dot_dimension_numbers<[1], [0], [0], [1], [0, 0, 1, 1], [], []>, transpose_lhs_hint = false} : vector<512x8xf32>, vector<8x32xf32>, vector<512x32xf32> -> vector<512x32xf32>
    %swap3A_72 = arith.constant 0 : index
    %swap3A_73 = arith.constant 0 : index
    %swap3A_74 = vector.load %arg9[%swap3A_72, %swap3A_73] : memref<512x32xf32, #tpu.memory_space<vmem>>, vector<512x32xf32>
    tpu.vector_store %arg9[%swap3A_72, %swap3A_73], %dot_general3A_71 {strides = array<i32>} : memref<512x32xf32, #tpu.memory_space<vmem>>, vector<512x32xf32>,
    %mul3A = arith.mulf %get3A_17, %get3A_17 : vector<512x8xf32>
    %reduce_sum3A = arith.constant dense<0.000000e+00> : vector<512xf32>
    %reduce_sum3A_75 = vector.multi_reduction <add>, %mul3A, %reduce_sum3A [1] : vector<512x8xf32> to vector<512xf32>
    %broadcast_in_dim3A = vector.shape_cast %reduce_sum3A_75 : vector<512xf32> to vector<512x1xf32>
    %mul3A_76 = arith.mulf %get3A_20, %get3A_20 : vector<8x2048xf32>
    %reduce_sum3A_77 = arith.constant dense<0.000000e+00> : vector<2048xf32>
    %reduce_sum3A_78 = vector.multi_reduction <add>, %mul3A_76, %reduce_sum3A_77 [0] : vector<8x2048xf32> to vector<2048xf32>
    %broadcast_in_dim3A_79 = vector.shape_cast %reduce_sum3A_78 : vector<2048xf32> to vector<1x2048xf32>
    %dot_general3A_80 = arith.constant dense<0.000000e+00> : vector<512x2048xf32>
    %dot_general3A_81 = tpu.matmul %get3A_17, %get3A_20, %dot_general3A_80 {dimension_numbers = #tpu.dot_dimension_numbers<[1], [0], [0], [1], [0, 0, 1, 1], [], []>, transpose_lhs_hint = false} : vector<512x8xf32>, vector<8x2048xf32>, vector<512x2048xf32> -> vector<512x2048xf32>
    %add3A_82 = vector.broadcast %broadcast_in_dim3A : vector<512x1xf32> to vector<512x2048xf32>
    %add3A_83 = vector.broadcast %broadcast_in_dim3A_79 : vector<1x2048xf32> to vector<512x2048xf32>
    %add3A_84 = arith.addf %add3A_82, %add3A_83 : vector<512x2048xf32>
    %mul3A_85 = arith.constant 2.000000e+00 : f32
    %mul3A_86 = vector.broadcast %mul3A_85 : f32 to vector<512x2048xf32>
    %mul3A_87 = arith.mulf %mul3A_86, %dot_general3A_81 : vector<512x2048xf32>
    %sub3A_88 = arith.subf %add3A_84, %mul3A_87 : vector<512x2048xf32>
    %max3A = arith.constant 1.17549435E-38 : f32
    %max3A_89 = vector.broadcast %max3A : f32 to vector<512x2048xf32>
    %max3A_90 = arith.maximumf %sub3A_88, %max3A_89 : vector<512x2048xf32>
    %iota3A = tpu.iota {dimensions = array<i32: 1>} : vector<512x2048xi32>
    %bitcast_convert_type3A_91 = tpu.bitcast %max3A_90 : vector<512x2048xf32> -> vector<512x2048xi32>
    %and3A_92 = arith.constant -2048 : i32
    %and3A_93 = vector.broadcast %and3A_92 : i32 to vector<512x2048xi32>
    %and3A_94 = arith.andi %bitcast_convert_type3A_91, %and3A_93 : vector<512x2048xi32>
    %or3A_95 = arith.ori %and3A_94, %iota3A : vector<512x2048xi32>
    %bitcast_convert_type3A_96 = tpu.bitcast %or3A_95 : vector<512x2048xi32> -> vector<512x2048xf32>
    %reduce_min3A = arith.constant dense<0x7F800000> : vector<512xf32>
    %reduce_min3A_97 = vector.multi_reduction <minimumf>, %bitcast_convert_type3A_96, %reduce_min3A [1] : vector<512x2048xf32> to vector<512xf32>
    %broadcast_in_dim3A_98 = vector.shape_cast %reduce_min3A_97 : vector<512xf32> to vector<512x1xf32>
    %bitcast_convert_type3A_99 = tpu.bitcast %broadcast_in_dim3A_98 : vector<512x1xf32> -> vector<512x1xi32>
    %and3A_100 = arith.constant 2047 : i32
    %and3A_101 = vector.broadcast %and3A_100 : i32 to vector<512x1xi32>
    %and3A_102 = arith.andi %bitcast_convert_type3A_99, %and3A_101 : vector<512x1xi32>
    %eq3A = vector.broadcast %broadcast_in_dim3A_98 : vector<512x1xf32> to vector<512x2048xf32>
    %eq3A_103 = arith.cmpf oeq, %bitcast_convert_type3A_96, %eq3A : vector<512x2048xf32>
    %jit3A_104 = arith.constant 3.40282347E+38 : f32
    %broadcast_in_dim3A_105 = vector.broadcast %jit3A_104 : f32 to vector<512x2048xf32>
    %select_n3A_106 = arith.select %eq3A_103, %broadcast_in_dim3A_105, %bitcast_convert_type3A_96 : vector<512x2048xi1>, vector<512x2048xf32>
    %reduce_min3A_107 = arith.constant dense<0x7F800000> : vector<512xf32>
    %reduce_min3A_108 = vector.multi_reduction <minimumf>, %select_n3A_106, %reduce_min3A_107 [1] : vector<512x2048xf32> to vector<512xf32>
    %broadcast_in_dim3A_109 = vector.shape_cast %reduce_min3A_108 : vector<512xf32> to vector<512x1xf32>
    %bitcast_convert_type3A_110 = tpu.bitcast %broadcast_in_dim3A_109 : vector<512x1xf32> -> vector<512x1xi32>
    %and3A_111 = arith.constant 2047 : i32
    %and3A_112 = vector.broadcast %and3A_111 : i32 to vector<512x1xi32>
    %and3A_113 = arith.andi %bitcast_convert_type3A_110, %and3A_112 : vector<512x1xi32>
    %eq3A_114 = vector.broadcast %broadcast_in_dim3A_109 : vector<512x1xf32> to vector<512x2048xf32>
    %eq3A_115 = arith.cmpf oeq, %select_n3A_106, %eq3A_114 : vector<512x2048xf32>
    %jit3A_116 = arith.constant 3.40282347E+38 : f32
    %broadcast_in_dim3A_117 = vector.broadcast %jit3A_116 : f32 to vector<512x2048xf32>
    %select_n3A_118 = arith.select %eq3A_115, %broadcast_in_dim3A_117, %select_n3A_106 : vector<512x2048xi1>, vector<512x2048xf32>
    %reduce_min3A_119 = arith.constant dense<0x7F800000> : vector<512xf32>
    %reduce_min3A_120 = vector.multi_reduction <minimumf>, %select_n3A_118, %reduce_min3A_119 [1] : vector<512x2048xf32> to vector<512xf32>
    %broadcast_in_dim3A_121 = vector.shape_cast %reduce_min3A_120 : vector<512xf32> to vector<512x1xf32>
    %bitcast_convert_type3A_122 = tpu.bitcast %broadcast_in_dim3A_121 : vector<512x1xf32> -> vector<512x1xi32>
    %and3A_123 = arith.constant 2047 : i32
    %and3A_124 = vector.broadcast %and3A_123 : i32 to vector<512x1xi32>
    %and3A_125 = arith.andi %bitcast_convert_type3A_122, %and3A_124 : vector<512x1xi32>
    %eq3A_126 = vector.broadcast %broadcast_in_dim3A_121 : vector<512x1xf32> to vector<512x2048xf32>
    %eq3A_127 = arith.cmpf oeq, %select_n3A_118, %eq3A_126 : vector<512x2048xf32>
    %jit3A_128 = arith.constant 3.40282347E+38 : f32
    %broadcast_in_dim3A_129 = vector.broadcast %jit3A_128 : f32 to vector<512x2048xf32>
    %select_n3A_130 = arith.select %eq3A_127, %broadcast_in_dim3A_129, %select_n3A_118 : vector<512x2048xi1>, vector<512x2048xf32>
    %reduce_min3A_131 = arith.constant dense<0x7F800000> : vector<512xf32>
    %reduce_min3A_132 = vector.multi_reduction <minimumf>, %select_n3A_130, %reduce_min3A_131 [1] : vector<512x2048xf32> to vector<512xf32>
    %broadcast_in_dim3A_133 = vector.shape_cast %reduce_min3A_132 : vector<512xf32> to vector<512x1xf32>
    %bitcast_convert_type3A_134 = tpu.bitcast %broadcast_in_dim3A_133 : vector<512x1xf32> -> vector<512x1xi32>
    %and3A_135 = arith.constant 2047 : i32
    %and3A_136 = vector.broadcast %and3A_135 : i32 to vector<512x1xi32>
    %and3A_137 = arith.andi %bitcast_convert_type3A_134, %and3A_136 : vector<512x1xi32>
    %eq3A_138 = vector.broadcast %broadcast_in_dim3A_133 : vector<512x1xf32> to vector<512x2048xf32>
    %eq3A_139 = arith.cmpf oeq, %select_n3A_130, %eq3A_138 : vector<512x2048xf32>
    %jit3A_140 = arith.constant 3.40282347E+38 : f32
    %broadcast_in_dim3A_141 = vector.broadcast %jit3A_140 : f32 to vector<512x2048xf32>
    %select_n3A_142 = arith.select %eq3A_139, %broadcast_in_dim3A_141, %select_n3A_130 : vector<512x2048xi1>, vector<512x2048xf32>
    %reduce_min3A_143 = arith.constant dense<0x7F800000> : vector<512xf32>
    %reduce_min3A_144 = vector.multi_reduction <minimumf>, %select_n3A_142, %reduce_min3A_143 [1] : vector<512x2048xf32> to vector<512xf32>
    %broadcast_in_dim3A_145 = vector.shape_cast %reduce_min3A_144 : vector<512xf32> to vector<512x1xf32>
    %bitcast_convert_type3A_146 = tpu.bitcast %broadcast_in_dim3A_145 : vector<512x1xf32> -> vector<512x1xi32>
    %and3A_147 = arith.constant 2047 : i32
    %and3A_148 = vector.broadcast %and3A_147 : i32 to vector<512x1xi32>
    %and3A_149 = arith.andi %bitcast_convert_type3A_146, %and3A_148 : vector<512x1xi32>
    %eq3A_150 = vector.broadcast %broadcast_in_dim3A_145 : vector<512x1xf32> to vector<512x2048xf32>
    %eq3A_151 = arith.cmpf oeq, %select_n3A_142, %eq3A_150 : vector<512x2048xf32>
    %jit3A_152 = arith.constant 3.40282347E+38 : f32
    %broadcast_in_dim3A_153 = vector.broadcast %jit3A_152 : f32 to vector<512x2048xf32>
    %select_n3A_154 = arith.select %eq3A_151, %broadcast_in_dim3A_153, %select_n3A_142 : vector<512x2048xi1>, vector<512x2048xf32>
    %reduce_min3A_155 = arith.constant dense<0x7F800000> : vector<512xf32>
    %reduce_min3A_156 = vector.multi_reduction <minimumf>, %select_n3A_154, %reduce_min3A_155 [1] : vector<512x2048xf32> to vector<512xf32>
    %broadcast_in_dim3A_157 = vector.shape_cast %reduce_min3A_156 : vector<512xf32> to vector<512x1xf32>
    %bitcast_convert_type3A_158 = tpu.bitcast %broadcast_in_dim3A_157 : vector<512x1xf32> -> vector<512x1xi32>
    %and3A_159 = arith.constant 2047 : i32
    %and3A_160 = vector.broadcast %and3A_159 : i32 to vector<512x1xi32>
    %and3A_161 = arith.andi %bitcast_convert_type3A_158, %and3A_160 : vector<512x1xi32>
    %eq3A_162 = vector.broadcast %broadcast_in_dim3A_157 : vector<512x1xf32> to vector<512x2048xf32>
    %eq3A_163 = arith.cmpf oeq, %select_n3A_154, %eq3A_162 : vector<512x2048xf32>
    %jit3A_164 = arith.constant 3.40282347E+38 : f32
    %broadcast_in_dim3A_165 = vector.broadcast %jit3A_164 : f32 to vector<512x2048xf32>
    %select_n3A_166 = arith.select %eq3A_163, %broadcast_in_dim3A_165, %select_n3A_154 : vector<512x2048xi1>, vector<512x2048xf32>
    %reduce_min3A_167 = arith.constant dense<0x7F800000> : vector<512xf32>
    %reduce_min3A_168 = vector.multi_reduction <minimumf>, %select_n3A_166, %reduce_min3A_167 [1] : vector<512x2048xf32> to vector<512xf32>
    %broadcast_in_dim3A_169 = vector.shape_cast %reduce_min3A_168 : vector<512xf32> to vector<512x1xf32>
    %bitcast_convert_type3A_170 = tpu.bitcast %broadcast_in_dim3A_169 : vector<512x1xf32> -> vector<512x1xi32>
    %and3A_171 = arith.constant 2047 : i32
    %and3A_172 = vector.broadcast %and3A_171 : i32 to vector<512x1xi32>
    %and3A_173 = arith.andi %bitcast_convert_type3A_170, %and3A_172 : vector<512x1xi32>
    %eq3A_174 = vector.broadcast %broadcast_in_dim3A_169 : vector<512x1xf32> to vector<512x2048xf32>
    %eq3A_175 = arith.cmpf oeq, %select_n3A_166, %eq3A_174 : vector<512x2048xf32>
    %jit3A_176 = arith.constant 3.40282347E+38 : f32
    %broadcast_in_dim3A_177 = vector.broadcast %jit3A_176 : f32 to vector<512x2048xf32>
    %select_n3A_178 = arith.select %eq3A_175, %broadcast_in_dim3A_177, %select_n3A_166 : vector<512x2048xi1>, vector<512x2048xf32>
    %reduce_min3A_179 = arith.constant dense<0x7F800000> : vector<512xf32>
    %reduce_min3A_180 = vector.multi_reduction <minimumf>, %select_n3A_178, %reduce_min3A_179 [1] : vector<512x2048xf32> to vector<512xf32>
    %broadcast_in_dim3A_181 = vector.shape_cast %reduce_min3A_180 : vector<512xf32> to vector<512x1xf32>
    %bitcast_convert_type3A_182 = tpu.bitcast %broadcast_in_dim3A_181 : vector<512x1xf32> -> vector<512x1xi32>
    %and3A_183 = arith.constant 2047 : i32
    %and3A_184 = vector.broadcast %and3A_183 : i32 to vector<512x1xi32>
    %and3A_185 = arith.andi %bitcast_convert_type3A_182, %and3A_184 : vector<512x1xi32>
    %eq3A_186 = vector.broadcast %broadcast_in_dim3A_181 : vector<512x1xf32> to vector<512x2048xf32>
    %eq3A_187 = arith.cmpf oeq, %select_n3A_178, %eq3A_186 : vector<512x2048xf32>
    %jit3A_188 = arith.constant 3.40282347E+38 : f32
    %broadcast_in_dim3A_189 = vector.broadcast %jit3A_188 : f32 to vector<512x2048xf32>
    %select_n3A_190 = arith.select %eq3A_187, %broadcast_in_dim3A_189, %select_n3A_178 : vector<512x2048xi1>, vector<512x2048xf32>
    %reduce_min3A_191 = arith.constant dense<0x7F800000> : vector<512xf32>
    %reduce_min3A_192 = vector.multi_reduction <minimumf>, %select_n3A_190, %reduce_min3A_191 [1] : vector<512x2048xf32> to vector<512xf32>
    %broadcast_in_dim3A_193 = vector.shape_cast %reduce_min3A_192 : vector<512xf32> to vector<512x1xf32>
    %bitcast_convert_type3A_194 = tpu.bitcast %broadcast_in_dim3A_193 : vector<512x1xf32> -> vector<512x1xi32>
    %and3A_195 = arith.constant 2047 : i32
    %and3A_196 = vector.broadcast %and3A_195 : i32 to vector<512x1xi32>
    %and3A_197 = arith.andi %bitcast_convert_type3A_194, %and3A_196 : vector<512x1xi32>
    %eq3A_198 = vector.broadcast %broadcast_in_dim3A_193 : vector<512x1xf32> to vector<512x2048xf32>
    %eq3A_199 = arith.cmpf oeq, %select_n3A_190, %eq3A_198 : vector<512x2048xf32>
    %jit3A_200 = arith.constant 3.40282347E+38 : f32
    %broadcast_in_dim3A_201 = vector.broadcast %jit3A_200 : f32 to vector<512x2048xf32>
    %select_n3A_202 = arith.select %eq3A_199, %broadcast_in_dim3A_201, %select_n3A_190 : vector<512x2048xi1>, vector<512x2048xf32>
    %reduce_min3A_203 = arith.constant dense<0x7F800000> : vector<512xf32>
    %reduce_min3A_204 = vector.multi_reduction <minimumf>, %select_n3A_202, %reduce_min3A_203 [1] : vector<512x2048xf32> to vector<512xf32>
    %broadcast_in_dim3A_205 = vector.shape_cast %reduce_min3A_204 : vector<512xf32> to vector<512x1xf32>
    %bitcast_convert_type3A_206 = tpu.bitcast %broadcast_in_dim3A_205 : vector<512x1xf32> -> vector<512x1xi32>
    %and3A_207 = arith.constant 2047 : i32
    %and3A_208 = vector.broadcast %and3A_207 : i32 to vector<512x1xi32>
    %and3A_209 = arith.andi %bitcast_convert_type3A_206, %and3A_208 : vector<512x1xi32>
    %eq3A_210 = vector.broadcast %broadcast_in_dim3A_205 : vector<512x1xf32> to vector<512x2048xf32>
    %eq3A_211 = arith.cmpf oeq, %select_n3A_202, %eq3A_210 : vector<512x2048xf32>
    %jit3A_212 = arith.constant 3.40282347E+38 : f32
    %broadcast_in_dim3A_213 = vector.broadcast %jit3A_212 : f32 to vector<512x2048xf32>
    %select_n3A_214 = arith.select %eq3A_211, %broadcast_in_dim3A_213, %select_n3A_202 : vector<512x2048xi1>, vector<512x2048xf32>
    %reduce_min3A_215 = arith.constant dense<0x7F800000> : vector<512xf32>
    %reduce_min3A_216 = vector.multi_reduction <minimumf>, %select_n3A_214, %reduce_min3A_215 [1] : vector<512x2048xf32> to vector<512xf32>
    %broadcast_in_dim3A_217 = vector.shape_cast %reduce_min3A_216 : vector<512xf32> to vector<512x1xf32>
    %bitcast_convert_type3A_218 = tpu.bitcast %broadcast_in_dim3A_217 : vector<512x1xf32> -> vector<512x1xi32>
    %and3A_219 = arith.constant 2047 : i32
    %and3A_220 = vector.broadcast %and3A_219 : i32 to vector<512x1xi32>
    %and3A_221 = arith.andi %bitcast_convert_type3A_218, %and3A_220 : vector<512x1xi32>
    %eq3A_222 = vector.broadcast %broadcast_in_dim3A_217 : vector<512x1xf32> to vector<512x2048xf32>
    %eq3A_223 = arith.cmpf oeq, %select_n3A_214, %eq3A_222 : vector<512x2048xf32>
    %jit3A_224 = arith.constant 3.40282347E+38 : f32
    %broadcast_in_dim3A_225 = vector.broadcast %jit3A_224 : f32 to vector<512x2048xf32>
    %select_n3A_226 = arith.select %eq3A_223, %broadcast_in_dim3A_225, %select_n3A_214 : vector<512x2048xi1>, vector<512x2048xf32>
    %reduce_min3A_227 = arith.constant dense<0x7F800000> : vector<512xf32>
    %reduce_min3A_228 = vector.multi_reduction <minimumf>, %select_n3A_226, %reduce_min3A_227 [1] : vector<512x2048xf32> to vector<512xf32>
    %broadcast_in_dim3A_229 = vector.shape_cast %reduce_min3A_228 : vector<512xf32> to vector<512x1xf32>
    %bitcast_convert_type3A_230 = tpu.bitcast %broadcast_in_dim3A_229 : vector<512x1xf32> -> vector<512x1xi32>
    %and3A_231 = arith.constant 2047 : i32
    %and3A_232 = vector.broadcast %and3A_231 : i32 to vector<512x1xi32>
    %and3A_233 = arith.andi %bitcast_convert_type3A_230, %and3A_232 : vector<512x1xi32>
    %eq3A_234 = vector.broadcast %broadcast_in_dim3A_229 : vector<512x1xf32> to vector<512x2048xf32>
    %eq3A_235 = arith.cmpf oeq, %select_n3A_226, %eq3A_234 : vector<512x2048xf32>
    %jit3A_236 = arith.constant 3.40282347E+38 : f32
    %broadcast_in_dim3A_237 = vector.broadcast %jit3A_236 : f32 to vector<512x2048xf32>
    %select_n3A_238 = arith.select %eq3A_235, %broadcast_in_dim3A_237, %select_n3A_226 : vector<512x2048xi1>, vector<512x2048xf32>
    %reduce_min3A_239 = arith.constant dense<0x7F800000> : vector<512xf32>
    %reduce_min3A_240 = vector.multi_reduction <minimumf>, %select_n3A_238, %reduce_min3A_239 [1] : vector<512x2048xf32> to vector<512xf32>
    %broadcast_in_dim3A_241 = vector.shape_cast %reduce_min3A_240 : vector<512xf32> to vector<512x1xf32>
    %bitcast_convert_type3A_242 = tpu.bitcast %broadcast_in_dim3A_241 : vector<512x1xf32> -> vector<512x1xi32>
    %and3A_243 = arith.constant 2047 : i32
    %and3A_244 = vector.broadcast %and3A_243 : i32 to vector<512x1xi32>
    %and3A_245 = arith.andi %bitcast_convert_type3A_242, %and3A_244 : vector<512x1xi32>
    %eq3A_246 = vector.broadcast %broadcast_in_dim3A_241 : vector<512x1xf32> to vector<512x2048xf32>
    %eq3A_247 = arith.cmpf oeq, %select_n3A_238, %eq3A_246 : vector<512x2048xf32>
    %jit3A_248 = arith.constant 3.40282347E+38 : f32
    %broadcast_in_dim3A_249 = vector.broadcast %jit3A_248 : f32 to vector<512x2048xf32>
    %select_n3A_250 = arith.select %eq3A_247, %broadcast_in_dim3A_249, %select_n3A_238 : vector<512x2048xi1>, vector<512x2048xf32>
    %reduce_min3A_251 = arith.constant dense<0x7F800000> : vector<512xf32>
    %reduce_min3A_252 = vector.multi_reduction <minimumf>, %select_n3A_250, %reduce_min3A_251 [1] : vector<512x2048xf32> to vector<512xf32>
    %broadcast_in_dim3A_253 = vector.shape_cast %reduce_min3A_252 : vector<512xf32> to vector<512x1xf32>
    %bitcast_convert_type3A_254 = tpu.bitcast %broadcast_in_dim3A_253 : vector<512x1xf32> -> vector<512x1xi32>
    %and3A_255 = arith.constant 2047 : i32
    %and3A_256 = vector.broadcast %and3A_255 : i32 to vector<512x1xi32>
    %and3A_257 = arith.andi %bitcast_convert_type3A_254, %and3A_256 : vector<512x1xi32>
    %eq3A_258 = vector.broadcast %broadcast_in_dim3A_253 : vector<512x1xf32> to vector<512x2048xf32>
    %eq3A_259 = arith.cmpf oeq, %select_n3A_250, %eq3A_258 : vector<512x2048xf32>
    %jit3A_260 = arith.constant 3.40282347E+38 : f32
    %broadcast_in_dim3A_261 = vector.broadcast %jit3A_260 : f32 to vector<512x2048xf32>
    %select_n3A_262 = arith.select %eq3A_259, %broadcast_in_dim3A_261, %select_n3A_250 : vector<512x2048xi1>, vector<512x2048xf32>
    %reduce_min3A_263 = arith.constant dense<0x7F800000> : vector<512xf32>
    %reduce_min3A_264 = vector.multi_reduction <minimumf>, %select_n3A_262, %reduce_min3A_263 [1] : vector<512x2048xf32> to vector<512xf32>
    %broadcast_in_dim3A_265 = vector.shape_cast %reduce_min3A_264 : vector<512xf32> to vector<512x1xf32>
    %bitcast_convert_type3A_266 = tpu.bitcast %broadcast_in_dim3A_265 : vector<512x1xf32> -> vector<512x1xi32>
    %and3A_267 = arith.constant 2047 : i32
    %and3A_268 = vector.broadcast %and3A_267 : i32 to vector<512x1xi32>
    %and3A_269 = arith.andi %bitcast_convert_type3A_266, %and3A_268 : vector<512x1xi32>
    %eq3A_270 = vector.broadcast %broadcast_in_dim3A_265 : vector<512x1xf32> to vector<512x2048xf32>
    %eq3A_271 = arith.cmpf oeq, %select_n3A_262, %eq3A_270 : vector<512x2048xf32>
    %jit3A_272 = arith.constant 3.40282347E+38 : f32
    %broadcast_in_dim3A_273 = vector.broadcast %jit3A_272 : f32 to vector<512x2048xf32>
    %select_n3A_274 = arith.select %eq3A_271, %broadcast_in_dim3A_273, %select_n3A_262 : vector<512x2048xi1>, vector<512x2048xf32>
    %reduce_min3A_275 = arith.constant dense<0x7F800000> : vector<512xf32>
    %reduce_min3A_276 = vector.multi_reduction <minimumf>, %select_n3A_274, %reduce_min3A_275 [1] : vector<512x2048xf32> to vector<512xf32>
    %broadcast_in_dim3A_277 = vector.shape_cast %reduce_min3A_276 : vector<512xf32> to vector<512x1xf32>
    %bitcast_convert_type3A_278 = tpu.bitcast %broadcast_in_dim3A_277 : vector<512x1xf32> -> vector<512x1xi32>
    %and3A_279 = arith.constant 2047 : i32
    %and3A_280 = vector.broadcast %and3A_279 : i32 to vector<512x1xi32>
    %and3A_281 = arith.andi %bitcast_convert_type3A_278, %and3A_280 : vector<512x1xi32>
    %eq3A_282 = vector.broadcast %broadcast_in_dim3A_277 : vector<512x1xf32> to vector<512x2048xf32>
    %eq3A_283 = arith.cmpf oeq, %select_n3A_274, %eq3A_282 : vector<512x2048xf32>
    %jit3A_284 = arith.constant 3.40282347E+38 : f32
    %broadcast_in_dim3A_285 = vector.broadcast %jit3A_284 : f32 to vector<512x2048xf32>
    %select_n3A_286 = arith.select %eq3A_283, %broadcast_in_dim3A_285, %select_n3A_274 : vector<512x2048xi1>, vector<512x2048xf32>
    %concatenate3A = tpu.concatenate %and3A_102, %and3A_113, %and3A_125, %and3A_137, %and3A_149, %and3A_161, %and3A_173, %and3A_185, %and3A_197, %and3A_209, %and3A_221, %and3A_233, %and3A_245, %and3A_257, %and3A_269, %and3A_281 in 1 : vector<512x1xi32>, vector<512x1xi32>, vector<512x1xi32>, vector<512x1xi32>, vector<512x1xi32>, vector<512x1xi32>, vector<512x1xi32>, vector<512x1xi32>, vector<512x1xi32>, vector<512x1xi32>, vector<512x1xi32>, vector<512x1xi32>, vector<512x1xi32>, vector<512x1xi32>, vector<512x1xi32>, vector<512x1xi32> -> vector<512x16xi32>
    %mul3A_287 = arith.constant 2048 : i32
    %mul3A_288 = arith.muli %select_n3A, %mul3A_287 : i32
    %add3A_289 = vector.broadcast %mul3A_288 : i32 to vector<512x16xi32>
    %add3A_290 = arith.addi %concatenate3A, %add3A_289 : vector<512x16xi32>
    %transpose3A = tpu.transpose %add3A_290, [1, 0] : vector<512x16xi32> -> vector<16x512xi32>
    %swap3A_291 = arith.constant 0 : index
    %swap3A_292 = arith.constant 0 : index
    %swap3A_293 = vector.load %arg7[%swap3A_291, %swap3A_292] : memref<16x512xi32, #tpu.memory_space<vmem>>, vector<16x512xi32>
    tpu.vector_store %arg7[%swap3A_291, %swap3A_292], %transpose3A {strides = array<i32>} : memref<16x512xi32, #tpu.memory_space<vmem>>, vector<16x512xi32>,
    %eq3A_294 = arith.constant 3.40282347E+38 : f32
    %eq3A_295 = vector.broadcast %eq3A_294 : f32 to vector<512x2048xf32>
    %eq3A_296 = arith.cmpf oeq, %select_n3A_286, %eq3A_295 : vector<512x2048xf32>
    %convert_element_type3A = arith.extui %eq3A_296 : vector<512x2048xi1> to vector<512x2048xi32>
    %convert_element_type3A_297 = arith.sitofp %convert_element_type3A : vector<512x2048xi32> to vector<512x2048xf32>
    %dot_general3A_298 = arith.constant dense<0.000000e+00> : vector<512x32xf32>
    %dot_general3A_299 = tpu.matmul %convert_element_type3A_297, %add3A, %dot_general3A_298 {dimension_numbers = #tpu.dot_dimension_numbers<[1], [0], [0], [1], [0, 0, 1, 1], [], []>, transpose_lhs_hint = false} : vector<512x2048xf32>, vector<2048x32xf32>, vector<512x32xf32> -> vector<512x32xf32>
    %mul3A_300 = arith.mulf %add3A, %add3A : vector<2048x32xf32>
    %dot_general3A_301 = arith.constant dense<0.000000e+00> : vector<512x32xf32>
    %dot_general3A_302 = tpu.matmul %convert_element_type3A_297, %mul3A_300, %dot_general3A_301 {dimension_numbers = #tpu.dot_dimension_numbers<[1], [0], [0], [1], [0, 0, 1, 1], [], []>, transpose_lhs_hint = false} : vector<512x2048xf32>, vector<2048x32xf32>, vector<512x32xf32> -> vector<512x32xf32>
    %mul3A_303 = arith.constant 1.600000e+01 : f32
    %mul3A_304 = vector.broadcast %mul3A_303 : f32 to vector<512x32xf32>
    %mul3A_305 = arith.mulf %mul3A_304, %dot_general3A_71 : vector<512x32xf32>
    %sub3A_306 = arith.subf %dot_general3A_299, %mul3A_305 : vector<512x32xf32>
    %reduce_sum3A_307 = arith.constant dense<0.000000e+00> : vector<32xf32>
    %reduce_sum3A_308 = vector.multi_reduction <add>, %sub3A_306, %reduce_sum3A_307 [0] : vector<512x32xf32> to vector<32xf32>
    %broadcast_in_dim3A_309 = vector.shape_cast %reduce_sum3A_308 : vector<32xf32> to vector<1x32xf32>
    %mul3A_310 = arith.constant 2.000000e+00 : f32
    %mul3A_311 = vector.broadcast %mul3A_310 : f32 to vector<512x32xf32>
    %mul3A_312 = arith.mulf %mul3A_311, %dot_general3A_71 : vector<512x32xf32>
    %mul3A_313 = arith.mulf %mul3A_312, %dot_general3A_299 : vector<512x32xf32>
    %sub3A_314 = arith.subf %dot_general3A_302, %mul3A_313 : vector<512x32xf32>
    %mul3A_315 = arith.mulf %dot_general3A_71, %dot_general3A_71 : vector<512x32xf32>
    %mul3A_316 = arith.constant 1.600000e+01 : f32
    %mul3A_317 = vector.broadcast %mul3A_316 : f32 to vector<512x32xf32>
    %mul3A_318 = arith.mulf %mul3A_317, %mul3A_315 : vector<512x32xf32>
    %add3A_319 = arith.addf %sub3A_314, %mul3A_318 : vector<512x32xf32>
    %reduce_sum3A_320 = arith.constant dense<0.000000e+00> : vector<32xf32>
    %reduce_sum3A_321 = vector.multi_reduction <add>, %add3A_319, %reduce_sum3A_320 [0] : vector<512x32xf32> to vector<32xf32>
    %broadcast_in_dim3A_322 = vector.shape_cast %reduce_sum3A_321 : vector<32xf32> to vector<1x32xf32>
    %broadcast_in_dim3A_323 = arith.constant 0.000000e+00 : f32
    %broadcast_in_dim3A_324 = vector.broadcast %broadcast_in_dim3A_323 : f32 to vector<6x32xf32>
    %concatenate3A_325 = tpu.concatenate %broadcast_in_dim3A_309, %broadcast_in_dim3A_322, %broadcast_in_dim3A_324 in 0 : vector<1x32xf32>, vector<1x32xf32>, vector<6x32xf32> -> vector<8x32xf32>
    %eq3A_326 = arith.constant 0 : i32
    %eq3A_327 = arith.cmpi eq, %arg0, %eq3A_326 : i32
    %convert_element_type3A_328 = arith.extui %eq3A_327 : i1 to i32
    %cond3A = arith.constant 0 : i32
    %cond3A_329 = arith.cmpi ne, %convert_element_type3A_328, %cond3A : i32
    scf.if %cond3A_329 {
      %broadcast_in_dim3A_337 = arith.constant 0.000000e+00 : f32
      %broadcast_in_dim3A_338 = vector.broadcast %broadcast_in_dim3A_337 : f32 to vector<8x32xf32>
      %swap3A_339 = arith.constant 0 : index
      %swap3A_340 = arith.constant 0 : index
      %swap3A_341 = vector.load %arg10[%swap3A_339, %swap3A_340] : memref<8x32xf32, #tpu.memory_space<vmem>>, vector<8x32xf32>
      tpu.vector_store %arg10[%swap3A_339, %swap3A_340], %broadcast_in_dim3A_338 {strides = array<i32>} : memref<8x32xf32, #tpu.memory_space<vmem>>, vector<8x32xf32>,
    } else {
    }
    %get3A_330 = arith.constant 0 : index
    %get3A_331 = arith.constant 0 : index
    %get3A_332 = vector.load %arg10[%get3A_330, %get3A_331] : memref<8x32xf32, #tpu.memory_space<vmem>>, vector<8x32xf32>
    %add3A_333 = arith.addf %get3A_332, %concatenate3A_325 : vector<8x32xf32>
    %swap3A_334 = arith.constant 0 : index
    %swap3A_335 = arith.constant 0 : index
    %swap3A_336 = vector.load %arg10[%swap3A_334, %swap3A_335] : memref<8x32xf32, #tpu.memory_space<vmem>>, vector<8x32xf32>
    tpu.vector_store %arg10[%swap3A_334, %swap3A_335], %add3A_333 {strides = array<i32>} : memref<8x32xf32, #tpu.memory_space<vmem>>, vector<8x32xf32>,
    return
  }
  func.func @transform_0(%arg0: i32) -> (i32, i32) {
    %c0_i32 = arith.constant 0 : i32
    %c0_i32_0 = arith.constant 0 : i32
    return %arg0, %c0_i32 : i32, i32
  }
  func.func @transform_1(%arg0: i32) -> (i32, i32) {
    %jit3A = arith.constant 4 : i32
    %div3A = arith.divsi %arg0, %jit3A : i32
    %sign3A = arith.constant 0 : i32
    %sign3A_0 = arith.cmpi sgt, %arg0, %sign3A : i32
    %sign3A_1 = arith.extui %sign3A_0 : i1 to i32
    %sign3A_2 = arith.constant 0 : i32
    %sign3A_3 = arith.cmpi slt, %arg0, %sign3A_2 : i32
    %sign3A_4 = arith.extui %sign3A_3 : i1 to i32
    %sign3A_5 = arith.subi %sign3A_1, %sign3A_4 : i32
    %sign3A_6 = arith.constant 0 : i32
    %sign3A_7 = arith.cmpi sgt, %jit3A, %sign3A_6 : i32
    %sign3A_8 = arith.extui %sign3A_7 : i1 to i32
    %sign3A_9 = arith.constant 0 : i32
    %sign3A_10 = arith.cmpi slt, %jit3A, %sign3A_9 : i32
    %sign3A_11 = arith.extui %sign3A_10 : i1 to i32
    %sign3A_12 = arith.subi %sign3A_8, %sign3A_11 : i32
    %ne3A = arith.cmpi ne, %sign3A_5, %sign3A_12 : i32
    %rem3A = arith.remsi %arg0, %jit3A : i32
    %ne3A_13 = arith.constant 0 : i32
    %ne3A_14 = arith.cmpi ne, %rem3A, %ne3A_13 : i32
    %and3A = arith.andi %ne3A, %ne3A_14 : i1
    %sub3A = arith.constant 1 : i32
    %sub3A_15 = arith.subi %div3A, %sub3A : i32
    %select_n3A = arith.select %and3A, %sub3A_15, %div3A : i32
    %c0_i32 = arith.constant 0 : i32
    %c0_i32_16 = arith.constant 0 : i32
    return %select_n3A, %c0_i32 : i32, i32
  }
  func.func @transform_2(%arg0: i32) -> (i32, i32) {
    %jit3A = arith.constant 4 : i32
    %div3A = arith.divsi %arg0, %jit3A : i32
    %sign3A = arith.constant 0 : i32
    %sign3A_0 = arith.cmpi sgt, %arg0, %sign3A : i32
    %sign3A_1 = arith.extui %sign3A_0 : i1 to i32
    %sign3A_2 = arith.constant 0 : i32
    %sign3A_3 = arith.cmpi slt, %arg0, %sign3A_2 : i32
    %sign3A_4 = arith.extui %sign3A_3 : i1 to i32
    %sign3A_5 = arith.subi %sign3A_1, %sign3A_4 : i32
    %sign3A_6 = arith.constant 0 : i32
    %sign3A_7 = arith.cmpi sgt, %jit3A, %sign3A_6 : i32
    %sign3A_8 = arith.extui %sign3A_7 : i1 to i32
    %sign3A_9 = arith.constant 0 : i32
    %sign3A_10 = arith.cmpi slt, %jit3A, %sign3A_9 : i32
    %sign3A_11 = arith.extui %sign3A_10 : i1 to i32
    %sign3A_12 = arith.subi %sign3A_8, %sign3A_11 : i32
    %ne3A = arith.cmpi ne, %sign3A_5, %sign3A_12 : i32
    %rem3A = arith.remsi %arg0, %jit3A : i32
    %ne3A_13 = arith.constant 0 : i32
    %ne3A_14 = arith.cmpi ne, %rem3A, %ne3A_13 : i32
    %and3A = arith.andi %ne3A, %ne3A_14 : i1
    %sub3A = arith.constant 1 : i32
    %sub3A_15 = arith.subi %div3A, %sub3A : i32
    %select_n3A = arith.select %and3A, %sub3A_15, %div3A : i32
    %c0_i32 = arith.constant 0 : i32
    %c0_i32_16 = arith.constant 0 : i32
    return %c0_i32, %select_n3A : i32, i32
  }
  func.func @transform_3(%arg0: i32) -> (i32, i32) {
    %jit3A = arith.constant 4 : i32
    %div3A = arith.divsi %arg0, %jit3A : i32
    %sign3A = arith.constant 0 : i32
    %sign3A_0 = arith.cmpi sgt, %arg0, %sign3A : i32
    %sign3A_1 = arith.extui %sign3A_0 : i1 to i32
    %sign3A_2 = arith.constant 0 : i32
    %sign3A_3 = arith.cmpi slt, %arg0, %sign3A_2 : i32
    %sign3A_4 = arith.extui %sign3A_3 : i1 to i32
    %sign3A_5 = arith.subi %sign3A_1, %sign3A_4 : i32
    %sign3A_6 = arith.constant 0 : i32
    %sign3A_7 = arith.cmpi sgt, %jit3A, %sign3A_6 : i32
    %sign3A_8 = arith.extui %sign3A_7 : i1 to i32
    %sign3A_9 = arith.constant 0 : i32
    %sign3A_10 = arith.cmpi slt, %jit3A, %sign3A_9 : i32
    %sign3A_11 = arith.extui %sign3A_10 : i1 to i32
    %sign3A_12 = arith.subi %sign3A_8, %sign3A_11 : i32
    %ne3A = arith.cmpi ne, %sign3A_5, %sign3A_12 : i32
    %rem3A = arith.remsi %arg0, %jit3A : i32
    %ne3A_13 = arith.constant 0 : i32
    %ne3A_14 = arith.cmpi ne, %rem3A, %ne3A_13 : i32
    %and3A = arith.andi %ne3A, %ne3A_14 : i1
    %sub3A = arith.constant 1 : i32
    %sub3A_15 = arith.subi %div3A, %sub3A : i32
    %select_n3A = arith.select %and3A, %sub3A_15, %div3A : i32
    %c0_i32 = arith.constant 0 : i32
    %c0_i32_16 = arith.constant 0 : i32
    return %select_n3A, %c0_i32 : i32, i32
  }
  func.func @transform_4(%arg0: i32) -> (i32, i32) {
    %c0_i32 = arith.constant 0 : i32
    %c0_i32_0 = arith.constant 0 : i32
    %c0_i32_1 = arith.constant 0 : i32
    return %c0_i32, %c0_i32_0 : i32, i32
  }
  func.func @transform_5(%arg0: i32) -> (i32, i32) {
    %c0_i32 = arith.constant 0 : i32
    %c0_i32_0 = arith.constant 0 : i32
    %c0_i32_1 = arith.constant 0 : i32
    return %c0_i32, %c0_i32_0 : i32, i32
  }
  func.func @transform_6(%arg0: i32) -> (i32, i32) {
    %c0_i32 = arith.constant 0 : i32
    %c0_i32_0 = arith.constant 0 : i32
    return %c0_i32, %arg0 : i32, i32
  }
  func.func @transform_7(%arg0: i32) -> (i32, i32) {
    %jit3A = arith.constant 4 : i32
    %div3A = arith.divsi %arg0, %jit3A : i32
    %sign3A = arith.constant 0 : i32
    %sign3A_0 = arith.cmpi sgt, %arg0, %sign3A : i32
    %sign3A_1 = arith.extui %sign3A_0 : i1 to i32
    %sign3A_2 = arith.constant 0 : i32
    %sign3A_3 = arith.cmpi slt, %arg0, %sign3A_2 : i32
    %sign3A_4 = arith.extui %sign3A_3 : i1 to i32
    %sign3A_5 = arith.subi %sign3A_1, %sign3A_4 : i32
    %sign3A_6 = arith.constant 0 : i32
    %sign3A_7 = arith.cmpi sgt, %jit3A, %sign3A_6 : i32
    %sign3A_8 = arith.extui %sign3A_7 : i1 to i32
    %sign3A_9 = arith.constant 0 : i32
    %sign3A_10 = arith.cmpi slt, %jit3A, %sign3A_9 : i32
    %sign3A_11 = arith.extui %sign3A_10 : i1 to i32
    %sign3A_12 = arith.subi %sign3A_8, %sign3A_11 : i32
    %ne3A = arith.cmpi ne, %sign3A_5, %sign3A_12 : i32
    %rem3A = arith.remsi %arg0, %jit3A : i32
    %ne3A_13 = arith.constant 0 : i32
    %ne3A_14 = arith.cmpi ne, %rem3A, %ne3A_13 : i32
    %and3A = arith.andi %ne3A, %ne3A_14 : i1
    %sub3A = arith.constant 1 : i32
    %sub3A_15 = arith.subi %div3A, %sub3A : i32
    %select_n3A = arith.select %and3A, %sub3A_15, %div3A : i32
    %c0_i32 = arith.constant 0 : i32
    %c0_i32_16 = arith.constant 0 : i32
    return %select_n3A, %c0_i32 : i32, i32
  }
  func.func @transform_8(%arg0: i32) -> (i32, i32) {
    %c0_i32 = arith.constant 0 : i32
    %c0_i32_0 = arith.constant 0 : i32
    return %arg0, %c0_i32 : i32, i32
  }
  func.func @transform_9(%arg0: i32) -> (i32, i32) {
    %c0_i32 = arith.constant 0 : i32
    %c0_i32_0 = arith.constant 0 : i32
    %c0_i32_1 = arith.constant 0 : i32
    return %c0_i32, %c0_i32_0 : i32, i32
  }
}

module attributes {stable_mosaic.version = 14 : i64} {
  func.func @_mlp_body(%arg0: i32, %arg1: memref<16x512x16xi32, #tpu.memory_space<vmem>>, %arg2: memref<512x32xf32, #tpu.memory_space<vmem>>, %arg3: memref<8x32xf32, #tpu.memory_space<vmem>>, %arg4: memref<1x32xf32, #tpu.memory_space<vmem>>, %arg5: memref<1x32xf32, #tpu.memory_space<vmem>>, %arg6: memref<32x64xf32, #tpu.memory_space<vmem>>, %arg7: memref<1x64xf32, #tpu.memory_space<vmem>>, %arg8: memref<512x64xf32, #tpu.memory_space<vmem>>) attributes {dimension_semantics = [#tpu.dimension_semantics<arbitrary>], iteration_bounds = array<i64: 16>, scalar_prefetch = 0 : i64, scratch_operands = 0 : i64, tpu.core_type = #tpu.core_type<tc>, window_params = [{transform_indices = @transform_0, window_bounds = array<i64: 16, 512, 16>}, {transform_indices = @transform_1, window_bounds = array<i64: 512, 32>}, {pipeline_mode = #tpu.pipeline_mode<synchronous>, transform_indices = @transform_2, window_bounds = array<i64: 8, 32>}, {pipeline_mode = #tpu.pipeline_mode<synchronous>, transform_indices = @transform_3, window_bounds = array<i64: 1, 32>}, {pipeline_mode = #tpu.pipeline_mode<synchronous>, transform_indices = @transform_4, window_bounds = array<i64: 1, 32>}, {pipeline_mode = #tpu.pipeline_mode<synchronous>, transform_indices = @transform_5, window_bounds = array<i64: 32, 64>}, {pipeline_mode = #tpu.pipeline_mode<synchronous>, transform_indices = @transform_6, window_bounds = array<i64: 1, 64>}, {transform_indices = @transform_7, window_bounds = array<i64: 512, 64>}]} {
    %get3A = arith.constant 0 : index
    %get3A_0 = arith.constant 0 : index
    %get3A_1 = vector.load %arg3[%get3A, %get3A_0] : memref<8x32xf32, #tpu.memory_space<vmem>>, vector<1x32xf32>
    %mul3A = arith.constant 3.81469727E-6 : f32
    %mul3A_2 = vector.broadcast %mul3A : f32 to vector<1x32xf32>
    %mul3A_3 = arith.mulf %get3A_1, %mul3A_2 : vector<1x32xf32>
    %get3A_4 = arith.constant 1 : index
    %get3A_5 = arith.constant 0 : index
    %get3A_6 = vector.load %arg3[%get3A_4, %get3A_5] : memref<8x32xf32, #tpu.memory_space<vmem>>, vector<1x32xf32>
    %mul3A_7 = arith.constant 3.81469727E-6 : f32
    %mul3A_8 = vector.broadcast %mul3A_7 : f32 to vector<1x32xf32>
    %mul3A_9 = arith.mulf %get3A_6, %mul3A_8 : vector<1x32xf32>
    %mul3A_10 = arith.mulf %mul3A_3, %mul3A_3 : vector<1x32xf32>
    %sub3A = arith.subf %mul3A_9, %mul3A_10 : vector<1x32xf32>
    %get3A_11 = arith.constant 0 : index
    %get3A_12 = arith.constant 0 : index
    %get3A_13 = vector.load %arg4[%get3A_11, %get3A_12] : memref<1x32xf32, #tpu.memory_space<vmem>>, vector<1x32xf32>
    %add3A = arith.constant 9.99999974E-6 : f32
    %add3A_14 = vector.broadcast %add3A : f32 to vector<1x32xf32>
    %add3A_15 = arith.addf %sub3A, %add3A_14 : vector<1x32xf32>
    %sqrt3A = math.sqrt %add3A_15 : vector<1x32xf32>
    %div3A = arith.divf %get3A_13, %sqrt3A : vector<1x32xf32>
    %get3A_16 = arith.constant 0 : index
    %get3A_17 = arith.constant 0 : index
    %get3A_18 = vector.load %arg5[%get3A_16, %get3A_17] : memref<1x32xf32, #tpu.memory_space<vmem>>, vector<1x32xf32>
    %mul3A_19 = arith.mulf %div3A, %mul3A_3 : vector<1x32xf32>
    %sub3A_20 = arith.subf %get3A_18, %mul3A_19 : vector<1x32xf32>
    %get3A_21 = arith.constant 0 : index
    %get3A_22 = arith.constant 0 : index
    %get3A_23 = vector.load %arg2[%get3A_21, %get3A_22] : memref<512x32xf32, #tpu.memory_space<vmem>>, vector<512x32xf32>
    %mul3A_24 = vector.broadcast %div3A : vector<1x32xf32> to vector<512x32xf32>
    %mul3A_25 = arith.mulf %mul3A_24, %get3A_23 : vector<512x32xf32>
    %sub3A_26 = vector.broadcast %sub3A_20 : vector<1x32xf32> to vector<512x32xf32>
    %sub3A_27 = arith.subf %sub3A_26, %mul3A_25 : vector<512x32xf32>
    %get3A_28 = arith.constant 0 : index
    %get3A_29 = arith.constant 0 : index
    %get3A_30 = vector.load %arg6[%get3A_28, %get3A_29] : memref<32x64xf32, #tpu.memory_space<vmem>>, vector<32x64xf32>
    %broadcast_in_dim3A = arith.constant 0xFF800000 : f32
    %broadcast_in_dim3A_31 = vector.broadcast %broadcast_in_dim3A : f32 to vector<512x64xf32>
    %get3A_32 = arith.constant 0 : index
    %get3A_33 = arith.constant 0 : index
    %get3A_34 = arith.constant 0 : index
    %get3A_35 = vector.load %arg1[%get3A_32, %get3A_33, %get3A_34] : memref<16x512x16xi32, #tpu.memory_space<vmem>>, vector<1x512x16xi32>
    %get3A_36 = vector.shape_cast %get3A_35 : vector<1x512x16xi32> to vector<512x16xi32>
    %shift_left3A = arith.constant 16 : i32
    %shift_left3A_37 = vector.broadcast %shift_left3A : i32 to vector<512x16xi32>
    %shift_left3A_38 = arith.shli %get3A_36, %shift_left3A_37 : vector<512x16xi32>
    %bitcast_convert_type3A = tpu.bitcast %shift_left3A_38 : vector<512x16xi32> -> vector<512x16xf32>
    %and3A = arith.constant -65536 : i32
    %and3A_39 = vector.broadcast %and3A : i32 to vector<512x16xi32>
    %and3A_40 = arith.andi %get3A_36, %and3A_39 : vector<512x16xi32>
    %bitcast_convert_type3A_41 = tpu.bitcast %and3A_40 : vector<512x16xi32> -> vector<512x16xf32>
    %concatenate3A = tpu.concatenate %bitcast_convert_type3A, %bitcast_convert_type3A_41 in 1 : vector<512x16xf32>, vector<512x16xf32> -> vector<512x32xf32>
    %mul3A_42 = vector.broadcast %div3A : vector<1x32xf32> to vector<512x32xf32>
    %mul3A_43 = arith.mulf %concatenate3A, %mul3A_42 : vector<512x32xf32>
    %add3A_44 = arith.addf %mul3A_43, %sub3A_27 : vector<512x32xf32>
    %max3A = arith.constant 0.000000e+00 : f32
    %max3A_45 = vector.broadcast %max3A : f32 to vector<512x32xf32>
    %max3A_46 = arith.maximumf %add3A_44, %max3A_45 : vector<512x32xf32>
    %dot_general3A = arith.constant dense<0.000000e+00> : vector<512x64xf32>
    %dot_general3A_47 = tpu.matmul %max3A_46, %get3A_30, %dot_general3A {dimension_numbers = #tpu.dot_dimension_numbers<[1], [0], [0], [1], [0, 0, 1, 1], [], []>, transpose_lhs_hint = false} : vector<512x32xf32>, vector<32x64xf32>, vector<512x64xf32> -> vector<512x64xf32>
    %max3A_48 = arith.maximumf %broadcast_in_dim3A_31, %dot_general3A_47 : vector<512x64xf32>
    %get3A_49 = arith.constant 1 : index
    %get3A_50 = arith.constant 0 : index
    %get3A_51 = arith.constant 0 : index
    %get3A_52 = vector.load %arg1[%get3A_49, %get3A_50, %get3A_51] : memref<16x512x16xi32, #tpu.memory_space<vmem>>, vector<1x512x16xi32>
    %get3A_53 = vector.shape_cast %get3A_52 : vector<1x512x16xi32> to vector<512x16xi32>
    %shift_left3A_54 = arith.constant 16 : i32
    %shift_left3A_55 = vector.broadcast %shift_left3A_54 : i32 to vector<512x16xi32>
    %shift_left3A_56 = arith.shli %get3A_53, %shift_left3A_55 : vector<512x16xi32>
    %bitcast_convert_type3A_57 = tpu.bitcast %shift_left3A_56 : vector<512x16xi32> -> vector<512x16xf32>
    %and3A_58 = arith.constant -65536 : i32
    %and3A_59 = vector.broadcast %and3A_58 : i32 to vector<512x16xi32>
    %and3A_60 = arith.andi %get3A_53, %and3A_59 : vector<512x16xi32>
    %bitcast_convert_type3A_61 = tpu.bitcast %and3A_60 : vector<512x16xi32> -> vector<512x16xf32>
    %concatenate3A_62 = tpu.concatenate %bitcast_convert_type3A_57, %bitcast_convert_type3A_61 in 1 : vector<512x16xf32>, vector<512x16xf32> -> vector<512x32xf32>
    %mul3A_63 = vector.broadcast %div3A : vector<1x32xf32> to vector<512x32xf32>
    %mul3A_64 = arith.mulf %concatenate3A_62, %mul3A_63 : vector<512x32xf32>
    %add3A_65 = arith.addf %mul3A_64, %sub3A_27 : vector<512x32xf32>
    %max3A_66 = arith.constant 0.000000e+00 : f32
    %max3A_67 = vector.broadcast %max3A_66 : f32 to vector<512x32xf32>
    %max3A_68 = arith.maximumf %add3A_65, %max3A_67 : vector<512x32xf32>
    %dot_general3A_69 = arith.constant dense<0.000000e+00> : vector<512x64xf32>
    %dot_general3A_70 = tpu.matmul %max3A_68, %get3A_30, %dot_general3A_69 {dimension_numbers = #tpu.dot_dimension_numbers<[1], [0], [0], [1], [0, 0, 1, 1], [], []>, transpose_lhs_hint = false} : vector<512x32xf32>, vector<32x64xf32>, vector<512x64xf32> -> vector<512x64xf32>
    %max3A_71 = arith.maximumf %max3A_48, %dot_general3A_70 : vector<512x64xf32>
    %get3A_72 = arith.constant 2 : index
    %get3A_73 = arith.constant 0 : index
    %get3A_74 = arith.constant 0 : index
    %get3A_75 = vector.load %arg1[%get3A_72, %get3A_73, %get3A_74] : memref<16x512x16xi32, #tpu.memory_space<vmem>>, vector<1x512x16xi32>
    %get3A_76 = vector.shape_cast %get3A_75 : vector<1x512x16xi32> to vector<512x16xi32>
    %shift_left3A_77 = arith.constant 16 : i32
    %shift_left3A_78 = vector.broadcast %shift_left3A_77 : i32 to vector<512x16xi32>
    %shift_left3A_79 = arith.shli %get3A_76, %shift_left3A_78 : vector<512x16xi32>
    %bitcast_convert_type3A_80 = tpu.bitcast %shift_left3A_79 : vector<512x16xi32> -> vector<512x16xf32>
    %and3A_81 = arith.constant -65536 : i32
    %and3A_82 = vector.broadcast %and3A_81 : i32 to vector<512x16xi32>
    %and3A_83 = arith.andi %get3A_76, %and3A_82 : vector<512x16xi32>
    %bitcast_convert_type3A_84 = tpu.bitcast %and3A_83 : vector<512x16xi32> -> vector<512x16xf32>
    %concatenate3A_85 = tpu.concatenate %bitcast_convert_type3A_80, %bitcast_convert_type3A_84 in 1 : vector<512x16xf32>, vector<512x16xf32> -> vector<512x32xf32>
    %mul3A_86 = vector.broadcast %div3A : vector<1x32xf32> to vector<512x32xf32>
    %mul3A_87 = arith.mulf %concatenate3A_85, %mul3A_86 : vector<512x32xf32>
    %add3A_88 = arith.addf %mul3A_87, %sub3A_27 : vector<512x32xf32>
    %max3A_89 = arith.constant 0.000000e+00 : f32
    %max3A_90 = vector.broadcast %max3A_89 : f32 to vector<512x32xf32>
    %max3A_91 = arith.maximumf %add3A_88, %max3A_90 : vector<512x32xf32>
    %dot_general3A_92 = arith.constant dense<0.000000e+00> : vector<512x64xf32>
    %dot_general3A_93 = tpu.matmul %max3A_91, %get3A_30, %dot_general3A_92 {dimension_numbers = #tpu.dot_dimension_numbers<[1], [0], [0], [1], [0, 0, 1, 1], [], []>, transpose_lhs_hint = false} : vector<512x32xf32>, vector<32x64xf32>, vector<512x64xf32> -> vector<512x64xf32>
    %max3A_94 = arith.maximumf %max3A_71, %dot_general3A_93 : vector<512x64xf32>
    %get3A_95 = arith.constant 3 : index
    %get3A_96 = arith.constant 0 : index
    %get3A_97 = arith.constant 0 : index
    %get3A_98 = vector.load %arg1[%get3A_95, %get3A_96, %get3A_97] : memref<16x512x16xi32, #tpu.memory_space<vmem>>, vector<1x512x16xi32>
    %get3A_99 = vector.shape_cast %get3A_98 : vector<1x512x16xi32> to vector<512x16xi32>
    %shift_left3A_100 = arith.constant 16 : i32
    %shift_left3A_101 = vector.broadcast %shift_left3A_100 : i32 to vector<512x16xi32>
    %shift_left3A_102 = arith.shli %get3A_99, %shift_left3A_101 : vector<512x16xi32>
    %bitcast_convert_type3A_103 = tpu.bitcast %shift_left3A_102 : vector<512x16xi32> -> vector<512x16xf32>
    %and3A_104 = arith.constant -65536 : i32
    %and3A_105 = vector.broadcast %and3A_104 : i32 to vector<512x16xi32>
    %and3A_106 = arith.andi %get3A_99, %and3A_105 : vector<512x16xi32>
    %bitcast_convert_type3A_107 = tpu.bitcast %and3A_106 : vector<512x16xi32> -> vector<512x16xf32>
    %concatenate3A_108 = tpu.concatenate %bitcast_convert_type3A_103, %bitcast_convert_type3A_107 in 1 : vector<512x16xf32>, vector<512x16xf32> -> vector<512x32xf32>
    %mul3A_109 = vector.broadcast %div3A : vector<1x32xf32> to vector<512x32xf32>
    %mul3A_110 = arith.mulf %concatenate3A_108, %mul3A_109 : vector<512x32xf32>
    %add3A_111 = arith.addf %mul3A_110, %sub3A_27 : vector<512x32xf32>
    %max3A_112 = arith.constant 0.000000e+00 : f32
    %max3A_113 = vector.broadcast %max3A_112 : f32 to vector<512x32xf32>
    %max3A_114 = arith.maximumf %add3A_111, %max3A_113 : vector<512x32xf32>
    %dot_general3A_115 = arith.constant dense<0.000000e+00> : vector<512x64xf32>
    %dot_general3A_116 = tpu.matmul %max3A_114, %get3A_30, %dot_general3A_115 {dimension_numbers = #tpu.dot_dimension_numbers<[1], [0], [0], [1], [0, 0, 1, 1], [], []>, transpose_lhs_hint = false} : vector<512x32xf32>, vector<32x64xf32>, vector<512x64xf32> -> vector<512x64xf32>
    %max3A_117 = arith.maximumf %max3A_94, %dot_general3A_116 : vector<512x64xf32>
    %get3A_118 = arith.constant 4 : index
    %get3A_119 = arith.constant 0 : index
    %get3A_120 = arith.constant 0 : index
    %get3A_121 = vector.load %arg1[%get3A_118, %get3A_119, %get3A_120] : memref<16x512x16xi32, #tpu.memory_space<vmem>>, vector<1x512x16xi32>
    %get3A_122 = vector.shape_cast %get3A_121 : vector<1x512x16xi32> to vector<512x16xi32>
    %shift_left3A_123 = arith.constant 16 : i32
    %shift_left3A_124 = vector.broadcast %shift_left3A_123 : i32 to vector<512x16xi32>
    %shift_left3A_125 = arith.shli %get3A_122, %shift_left3A_124 : vector<512x16xi32>
    %bitcast_convert_type3A_126 = tpu.bitcast %shift_left3A_125 : vector<512x16xi32> -> vector<512x16xf32>
    %and3A_127 = arith.constant -65536 : i32
    %and3A_128 = vector.broadcast %and3A_127 : i32 to vector<512x16xi32>
    %and3A_129 = arith.andi %get3A_122, %and3A_128 : vector<512x16xi32>
    %bitcast_convert_type3A_130 = tpu.bitcast %and3A_129 : vector<512x16xi32> -> vector<512x16xf32>
    %concatenate3A_131 = tpu.concatenate %bitcast_convert_type3A_126, %bitcast_convert_type3A_130 in 1 : vector<512x16xf32>, vector<512x16xf32> -> vector<512x32xf32>
    %mul3A_132 = vector.broadcast %div3A : vector<1x32xf32> to vector<512x32xf32>
    %mul3A_133 = arith.mulf %concatenate3A_131, %mul3A_132 : vector<512x32xf32>
    %add3A_134 = arith.addf %mul3A_133, %sub3A_27 : vector<512x32xf32>
    %max3A_135 = arith.constant 0.000000e+00 : f32
    %max3A_136 = vector.broadcast %max3A_135 : f32 to vector<512x32xf32>
    %max3A_137 = arith.maximumf %add3A_134, %max3A_136 : vector<512x32xf32>
    %dot_general3A_138 = arith.constant dense<0.000000e+00> : vector<512x64xf32>
    %dot_general3A_139 = tpu.matmul %max3A_137, %get3A_30, %dot_general3A_138 {dimension_numbers = #tpu.dot_dimension_numbers<[1], [0], [0], [1], [0, 0, 1, 1], [], []>, transpose_lhs_hint = false} : vector<512x32xf32>, vector<32x64xf32>, vector<512x64xf32> -> vector<512x64xf32>
    %max3A_140 = arith.maximumf %max3A_117, %dot_general3A_139 : vector<512x64xf32>
    %get3A_141 = arith.constant 5 : index
    %get3A_142 = arith.constant 0 : index
    %get3A_143 = arith.constant 0 : index
    %get3A_144 = vector.load %arg1[%get3A_141, %get3A_142, %get3A_143] : memref<16x512x16xi32, #tpu.memory_space<vmem>>, vector<1x512x16xi32>
    %get3A_145 = vector.shape_cast %get3A_144 : vector<1x512x16xi32> to vector<512x16xi32>
    %shift_left3A_146 = arith.constant 16 : i32
    %shift_left3A_147 = vector.broadcast %shift_left3A_146 : i32 to vector<512x16xi32>
    %shift_left3A_148 = arith.shli %get3A_145, %shift_left3A_147 : vector<512x16xi32>
    %bitcast_convert_type3A_149 = tpu.bitcast %shift_left3A_148 : vector<512x16xi32> -> vector<512x16xf32>
    %and3A_150 = arith.constant -65536 : i32
    %and3A_151 = vector.broadcast %and3A_150 : i32 to vector<512x16xi32>
    %and3A_152 = arith.andi %get3A_145, %and3A_151 : vector<512x16xi32>
    %bitcast_convert_type3A_153 = tpu.bitcast %and3A_152 : vector<512x16xi32> -> vector<512x16xf32>
    %concatenate3A_154 = tpu.concatenate %bitcast_convert_type3A_149, %bitcast_convert_type3A_153 in 1 : vector<512x16xf32>, vector<512x16xf32> -> vector<512x32xf32>
    %mul3A_155 = vector.broadcast %div3A : vector<1x32xf32> to vector<512x32xf32>
    %mul3A_156 = arith.mulf %concatenate3A_154, %mul3A_155 : vector<512x32xf32>
    %add3A_157 = arith.addf %mul3A_156, %sub3A_27 : vector<512x32xf32>
    %max3A_158 = arith.constant 0.000000e+00 : f32
    %max3A_159 = vector.broadcast %max3A_158 : f32 to vector<512x32xf32>
    %max3A_160 = arith.maximumf %add3A_157, %max3A_159 : vector<512x32xf32>
    %dot_general3A_161 = arith.constant dense<0.000000e+00> : vector<512x64xf32>
    %dot_general3A_162 = tpu.matmul %max3A_160, %get3A_30, %dot_general3A_161 {dimension_numbers = #tpu.dot_dimension_numbers<[1], [0], [0], [1], [0, 0, 1, 1], [], []>, transpose_lhs_hint = false} : vector<512x32xf32>, vector<32x64xf32>, vector<512x64xf32> -> vector<512x64xf32>
    %max3A_163 = arith.maximumf %max3A_140, %dot_general3A_162 : vector<512x64xf32>
    %get3A_164 = arith.constant 6 : index
    %get3A_165 = arith.constant 0 : index
    %get3A_166 = arith.constant 0 : index
    %get3A_167 = vector.load %arg1[%get3A_164, %get3A_165, %get3A_166] : memref<16x512x16xi32, #tpu.memory_space<vmem>>, vector<1x512x16xi32>
    %get3A_168 = vector.shape_cast %get3A_167 : vector<1x512x16xi32> to vector<512x16xi32>
    %shift_left3A_169 = arith.constant 16 : i32
    %shift_left3A_170 = vector.broadcast %shift_left3A_169 : i32 to vector<512x16xi32>
    %shift_left3A_171 = arith.shli %get3A_168, %shift_left3A_170 : vector<512x16xi32>
    %bitcast_convert_type3A_172 = tpu.bitcast %shift_left3A_171 : vector<512x16xi32> -> vector<512x16xf32>
    %and3A_173 = arith.constant -65536 : i32
    %and3A_174 = vector.broadcast %and3A_173 : i32 to vector<512x16xi32>
    %and3A_175 = arith.andi %get3A_168, %and3A_174 : vector<512x16xi32>
    %bitcast_convert_type3A_176 = tpu.bitcast %and3A_175 : vector<512x16xi32> -> vector<512x16xf32>
    %concatenate3A_177 = tpu.concatenate %bitcast_convert_type3A_172, %bitcast_convert_type3A_176 in 1 : vector<512x16xf32>, vector<512x16xf32> -> vector<512x32xf32>
    %mul3A_178 = vector.broadcast %div3A : vector<1x32xf32> to vector<512x32xf32>
    %mul3A_179 = arith.mulf %concatenate3A_177, %mul3A_178 : vector<512x32xf32>
    %add3A_180 = arith.addf %mul3A_179, %sub3A_27 : vector<512x32xf32>
    %max3A_181 = arith.constant 0.000000e+00 : f32
    %max3A_182 = vector.broadcast %max3A_181 : f32 to vector<512x32xf32>
    %max3A_183 = arith.maximumf %add3A_180, %max3A_182 : vector<512x32xf32>
    %dot_general3A_184 = arith.constant dense<0.000000e+00> : vector<512x64xf32>
    %dot_general3A_185 = tpu.matmul %max3A_183, %get3A_30, %dot_general3A_184 {dimension_numbers = #tpu.dot_dimension_numbers<[1], [0], [0], [1], [0, 0, 1, 1], [], []>, transpose_lhs_hint = false} : vector<512x32xf32>, vector<32x64xf32>, vector<512x64xf32> -> vector<512x64xf32>
    %max3A_186 = arith.maximumf %max3A_163, %dot_general3A_185 : vector<512x64xf32>
    %get3A_187 = arith.constant 7 : index
    %get3A_188 = arith.constant 0 : index
    %get3A_189 = arith.constant 0 : index
    %get3A_190 = vector.load %arg1[%get3A_187, %get3A_188, %get3A_189] : memref<16x512x16xi32, #tpu.memory_space<vmem>>, vector<1x512x16xi32>
    %get3A_191 = vector.shape_cast %get3A_190 : vector<1x512x16xi32> to vector<512x16xi32>
    %shift_left3A_192 = arith.constant 16 : i32
    %shift_left3A_193 = vector.broadcast %shift_left3A_192 : i32 to vector<512x16xi32>
    %shift_left3A_194 = arith.shli %get3A_191, %shift_left3A_193 : vector<512x16xi32>
    %bitcast_convert_type3A_195 = tpu.bitcast %shift_left3A_194 : vector<512x16xi32> -> vector<512x16xf32>
    %and3A_196 = arith.constant -65536 : i32
    %and3A_197 = vector.broadcast %and3A_196 : i32 to vector<512x16xi32>
    %and3A_198 = arith.andi %get3A_191, %and3A_197 : vector<512x16xi32>
    %bitcast_convert_type3A_199 = tpu.bitcast %and3A_198 : vector<512x16xi32> -> vector<512x16xf32>
    %concatenate3A_200 = tpu.concatenate %bitcast_convert_type3A_195, %bitcast_convert_type3A_199 in 1 : vector<512x16xf32>, vector<512x16xf32> -> vector<512x32xf32>
    %mul3A_201 = vector.broadcast %div3A : vector<1x32xf32> to vector<512x32xf32>
    %mul3A_202 = arith.mulf %concatenate3A_200, %mul3A_201 : vector<512x32xf32>
    %add3A_203 = arith.addf %mul3A_202, %sub3A_27 : vector<512x32xf32>
    %max3A_204 = arith.constant 0.000000e+00 : f32
    %max3A_205 = vector.broadcast %max3A_204 : f32 to vector<512x32xf32>
    %max3A_206 = arith.maximumf %add3A_203, %max3A_205 : vector<512x32xf32>
    %dot_general3A_207 = arith.constant dense<0.000000e+00> : vector<512x64xf32>
    %dot_general3A_208 = tpu.matmul %max3A_206, %get3A_30, %dot_general3A_207 {dimension_numbers = #tpu.dot_dimension_numbers<[1], [0], [0], [1], [0, 0, 1, 1], [], []>, transpose_lhs_hint = false} : vector<512x32xf32>, vector<32x64xf32>, vector<512x64xf32> -> vector<512x64xf32>
    %max3A_209 = arith.maximumf %max3A_186, %dot_general3A_208 : vector<512x64xf32>
    %get3A_210 = arith.constant 8 : index
    %get3A_211 = arith.constant 0 : index
    %get3A_212 = arith.constant 0 : index
    %get3A_213 = vector.load %arg1[%get3A_210, %get3A_211, %get3A_212] : memref<16x512x16xi32, #tpu.memory_space<vmem>>, vector<1x512x16xi32>
    %get3A_214 = vector.shape_cast %get3A_213 : vector<1x512x16xi32> to vector<512x16xi32>
    %shift_left3A_215 = arith.constant 16 : i32
    %shift_left3A_216 = vector.broadcast %shift_left3A_215 : i32 to vector<512x16xi32>
    %shift_left3A_217 = arith.shli %get3A_214, %shift_left3A_216 : vector<512x16xi32>
    %bitcast_convert_type3A_218 = tpu.bitcast %shift_left3A_217 : vector<512x16xi32> -> vector<512x16xf32>
    %and3A_219 = arith.constant -65536 : i32
    %and3A_220 = vector.broadcast %and3A_219 : i32 to vector<512x16xi32>
    %and3A_221 = arith.andi %get3A_214, %and3A_220 : vector<512x16xi32>
    %bitcast_convert_type3A_222 = tpu.bitcast %and3A_221 : vector<512x16xi32> -> vector<512x16xf32>
    %concatenate3A_223 = tpu.concatenate %bitcast_convert_type3A_218, %bitcast_convert_type3A_222 in 1 : vector<512x16xf32>, vector<512x16xf32> -> vector<512x32xf32>
    %mul3A_224 = vector.broadcast %div3A : vector<1x32xf32> to vector<512x32xf32>
    %mul3A_225 = arith.mulf %concatenate3A_223, %mul3A_224 : vector<512x32xf32>
    %add3A_226 = arith.addf %mul3A_225, %sub3A_27 : vector<512x32xf32>
    %max3A_227 = arith.constant 0.000000e+00 : f32
    %max3A_228 = vector.broadcast %max3A_227 : f32 to vector<512x32xf32>
    %max3A_229 = arith.maximumf %add3A_226, %max3A_228 : vector<512x32xf32>
    %dot_general3A_230 = arith.constant dense<0.000000e+00> : vector<512x64xf32>
    %dot_general3A_231 = tpu.matmul %max3A_229, %get3A_30, %dot_general3A_230 {dimension_numbers = #tpu.dot_dimension_numbers<[1], [0], [0], [1], [0, 0, 1, 1], [], []>, transpose_lhs_hint = false} : vector<512x32xf32>, vector<32x64xf32>, vector<512x64xf32> -> vector<512x64xf32>
    %max3A_232 = arith.maximumf %max3A_209, %dot_general3A_231 : vector<512x64xf32>
    %get3A_233 = arith.constant 9 : index
    %get3A_234 = arith.constant 0 : index
    %get3A_235 = arith.constant 0 : index
    %get3A_236 = vector.load %arg1[%get3A_233, %get3A_234, %get3A_235] : memref<16x512x16xi32, #tpu.memory_space<vmem>>, vector<1x512x16xi32>
    %get3A_237 = vector.shape_cast %get3A_236 : vector<1x512x16xi32> to vector<512x16xi32>
    %shift_left3A_238 = arith.constant 16 : i32
    %shift_left3A_239 = vector.broadcast %shift_left3A_238 : i32 to vector<512x16xi32>
    %shift_left3A_240 = arith.shli %get3A_237, %shift_left3A_239 : vector<512x16xi32>
    %bitcast_convert_type3A_241 = tpu.bitcast %shift_left3A_240 : vector<512x16xi32> -> vector<512x16xf32>
    %and3A_242 = arith.constant -65536 : i32
    %and3A_243 = vector.broadcast %and3A_242 : i32 to vector<512x16xi32>
    %and3A_244 = arith.andi %get3A_237, %and3A_243 : vector<512x16xi32>
    %bitcast_convert_type3A_245 = tpu.bitcast %and3A_244 : vector<512x16xi32> -> vector<512x16xf32>
    %concatenate3A_246 = tpu.concatenate %bitcast_convert_type3A_241, %bitcast_convert_type3A_245 in 1 : vector<512x16xf32>, vector<512x16xf32> -> vector<512x32xf32>
    %mul3A_247 = vector.broadcast %div3A : vector<1x32xf32> to vector<512x32xf32>
    %mul3A_248 = arith.mulf %concatenate3A_246, %mul3A_247 : vector<512x32xf32>
    %add3A_249 = arith.addf %mul3A_248, %sub3A_27 : vector<512x32xf32>
    %max3A_250 = arith.constant 0.000000e+00 : f32
    %max3A_251 = vector.broadcast %max3A_250 : f32 to vector<512x32xf32>
    %max3A_252 = arith.maximumf %add3A_249, %max3A_251 : vector<512x32xf32>
    %dot_general3A_253 = arith.constant dense<0.000000e+00> : vector<512x64xf32>
    %dot_general3A_254 = tpu.matmul %max3A_252, %get3A_30, %dot_general3A_253 {dimension_numbers = #tpu.dot_dimension_numbers<[1], [0], [0], [1], [0, 0, 1, 1], [], []>, transpose_lhs_hint = false} : vector<512x32xf32>, vector<32x64xf32>, vector<512x64xf32> -> vector<512x64xf32>
    %max3A_255 = arith.maximumf %max3A_232, %dot_general3A_254 : vector<512x64xf32>
    %get3A_256 = arith.constant 10 : index
    %get3A_257 = arith.constant 0 : index
    %get3A_258 = arith.constant 0 : index
    %get3A_259 = vector.load %arg1[%get3A_256, %get3A_257, %get3A_258] : memref<16x512x16xi32, #tpu.memory_space<vmem>>, vector<1x512x16xi32>
    %get3A_260 = vector.shape_cast %get3A_259 : vector<1x512x16xi32> to vector<512x16xi32>
    %shift_left3A_261 = arith.constant 16 : i32
    %shift_left3A_262 = vector.broadcast %shift_left3A_261 : i32 to vector<512x16xi32>
    %shift_left3A_263 = arith.shli %get3A_260, %shift_left3A_262 : vector<512x16xi32>
    %bitcast_convert_type3A_264 = tpu.bitcast %shift_left3A_263 : vector<512x16xi32> -> vector<512x16xf32>
    %and3A_265 = arith.constant -65536 : i32
    %and3A_266 = vector.broadcast %and3A_265 : i32 to vector<512x16xi32>
    %and3A_267 = arith.andi %get3A_260, %and3A_266 : vector<512x16xi32>
    %bitcast_convert_type3A_268 = tpu.bitcast %and3A_267 : vector<512x16xi32> -> vector<512x16xf32>
    %concatenate3A_269 = tpu.concatenate %bitcast_convert_type3A_264, %bitcast_convert_type3A_268 in 1 : vector<512x16xf32>, vector<512x16xf32> -> vector<512x32xf32>
    %mul3A_270 = vector.broadcast %div3A : vector<1x32xf32> to vector<512x32xf32>
    %mul3A_271 = arith.mulf %concatenate3A_269, %mul3A_270 : vector<512x32xf32>
    %add3A_272 = arith.addf %mul3A_271, %sub3A_27 : vector<512x32xf32>
    %max3A_273 = arith.constant 0.000000e+00 : f32
    %max3A_274 = vector.broadcast %max3A_273 : f32 to vector<512x32xf32>
    %max3A_275 = arith.maximumf %add3A_272, %max3A_274 : vector<512x32xf32>
    %dot_general3A_276 = arith.constant dense<0.000000e+00> : vector<512x64xf32>
    %dot_general3A_277 = tpu.matmul %max3A_275, %get3A_30, %dot_general3A_276 {dimension_numbers = #tpu.dot_dimension_numbers<[1], [0], [0], [1], [0, 0, 1, 1], [], []>, transpose_lhs_hint = false} : vector<512x32xf32>, vector<32x64xf32>, vector<512x64xf32> -> vector<512x64xf32>
    %max3A_278 = arith.maximumf %max3A_255, %dot_general3A_277 : vector<512x64xf32>
    %get3A_279 = arith.constant 11 : index
    %get3A_280 = arith.constant 0 : index
    %get3A_281 = arith.constant 0 : index
    %get3A_282 = vector.load %arg1[%get3A_279, %get3A_280, %get3A_281] : memref<16x512x16xi32, #tpu.memory_space<vmem>>, vector<1x512x16xi32>
    %get3A_283 = vector.shape_cast %get3A_282 : vector<1x512x16xi32> to vector<512x16xi32>
    %shift_left3A_284 = arith.constant 16 : i32
    %shift_left3A_285 = vector.broadcast %shift_left3A_284 : i32 to vector<512x16xi32>
    %shift_left3A_286 = arith.shli %get3A_283, %shift_left3A_285 : vector<512x16xi32>
    %bitcast_convert_type3A_287 = tpu.bitcast %shift_left3A_286 : vector<512x16xi32> -> vector<512x16xf32>
    %and3A_288 = arith.constant -65536 : i32
    %and3A_289 = vector.broadcast %and3A_288 : i32 to vector<512x16xi32>
    %and3A_290 = arith.andi %get3A_283, %and3A_289 : vector<512x16xi32>
    %bitcast_convert_type3A_291 = tpu.bitcast %and3A_290 : vector<512x16xi32> -> vector<512x16xf32>
    %concatenate3A_292 = tpu.concatenate %bitcast_convert_type3A_287, %bitcast_convert_type3A_291 in 1 : vector<512x16xf32>, vector<512x16xf32> -> vector<512x32xf32>
    %mul3A_293 = vector.broadcast %div3A : vector<1x32xf32> to vector<512x32xf32>
    %mul3A_294 = arith.mulf %concatenate3A_292, %mul3A_293 : vector<512x32xf32>
    %add3A_295 = arith.addf %mul3A_294, %sub3A_27 : vector<512x32xf32>
    %max3A_296 = arith.constant 0.000000e+00 : f32
    %max3A_297 = vector.broadcast %max3A_296 : f32 to vector<512x32xf32>
    %max3A_298 = arith.maximumf %add3A_295, %max3A_297 : vector<512x32xf32>
    %dot_general3A_299 = arith.constant dense<0.000000e+00> : vector<512x64xf32>
    %dot_general3A_300 = tpu.matmul %max3A_298, %get3A_30, %dot_general3A_299 {dimension_numbers = #tpu.dot_dimension_numbers<[1], [0], [0], [1], [0, 0, 1, 1], [], []>, transpose_lhs_hint = false} : vector<512x32xf32>, vector<32x64xf32>, vector<512x64xf32> -> vector<512x64xf32>
    %max3A_301 = arith.maximumf %max3A_278, %dot_general3A_300 : vector<512x64xf32>
    %get3A_302 = arith.constant 12 : index
    %get3A_303 = arith.constant 0 : index
    %get3A_304 = arith.constant 0 : index
    %get3A_305 = vector.load %arg1[%get3A_302, %get3A_303, %get3A_304] : memref<16x512x16xi32, #tpu.memory_space<vmem>>, vector<1x512x16xi32>
    %get3A_306 = vector.shape_cast %get3A_305 : vector<1x512x16xi32> to vector<512x16xi32>
    %shift_left3A_307 = arith.constant 16 : i32
    %shift_left3A_308 = vector.broadcast %shift_left3A_307 : i32 to vector<512x16xi32>
    %shift_left3A_309 = arith.shli %get3A_306, %shift_left3A_308 : vector<512x16xi32>
    %bitcast_convert_type3A_310 = tpu.bitcast %shift_left3A_309 : vector<512x16xi32> -> vector<512x16xf32>
    %and3A_311 = arith.constant -65536 : i32
    %and3A_312 = vector.broadcast %and3A_311 : i32 to vector<512x16xi32>
    %and3A_313 = arith.andi %get3A_306, %and3A_312 : vector<512x16xi32>
    %bitcast_convert_type3A_314 = tpu.bitcast %and3A_313 : vector<512x16xi32> -> vector<512x16xf32>
    %concatenate3A_315 = tpu.concatenate %bitcast_convert_type3A_310, %bitcast_convert_type3A_314 in 1 : vector<512x16xf32>, vector<512x16xf32> -> vector<512x32xf32>
    %mul3A_316 = vector.broadcast %div3A : vector<1x32xf32> to vector<512x32xf32>
    %mul3A_317 = arith.mulf %concatenate3A_315, %mul3A_316 : vector<512x32xf32>
    %add3A_318 = arith.addf %mul3A_317, %sub3A_27 : vector<512x32xf32>
    %max3A_319 = arith.constant 0.000000e+00 : f32
    %max3A_320 = vector.broadcast %max3A_319 : f32 to vector<512x32xf32>
    %max3A_321 = arith.maximumf %add3A_318, %max3A_320 : vector<512x32xf32>
    %dot_general3A_322 = arith.constant dense<0.000000e+00> : vector<512x64xf32>
    %dot_general3A_323 = tpu.matmul %max3A_321, %get3A_30, %dot_general3A_322 {dimension_numbers = #tpu.dot_dimension_numbers<[1], [0], [0], [1], [0, 0, 1, 1], [], []>, transpose_lhs_hint = false} : vector<512x32xf32>, vector<32x64xf32>, vector<512x64xf32> -> vector<512x64xf32>
    %max3A_324 = arith.maximumf %max3A_301, %dot_general3A_323 : vector<512x64xf32>
    %get3A_325 = arith.constant 13 : index
    %get3A_326 = arith.constant 0 : index
    %get3A_327 = arith.constant 0 : index
    %get3A_328 = vector.load %arg1[%get3A_325, %get3A_326, %get3A_327] : memref<16x512x16xi32, #tpu.memory_space<vmem>>, vector<1x512x16xi32>
    %get3A_329 = vector.shape_cast %get3A_328 : vector<1x512x16xi32> to vector<512x16xi32>
    %shift_left3A_330 = arith.constant 16 : i32
    %shift_left3A_331 = vector.broadcast %shift_left3A_330 : i32 to vector<512x16xi32>
    %shift_left3A_332 = arith.shli %get3A_329, %shift_left3A_331 : vector<512x16xi32>
    %bitcast_convert_type3A_333 = tpu.bitcast %shift_left3A_332 : vector<512x16xi32> -> vector<512x16xf32>
    %and3A_334 = arith.constant -65536 : i32
    %and3A_335 = vector.broadcast %and3A_334 : i32 to vector<512x16xi32>
    %and3A_336 = arith.andi %get3A_329, %and3A_335 : vector<512x16xi32>
    %bitcast_convert_type3A_337 = tpu.bitcast %and3A_336 : vector<512x16xi32> -> vector<512x16xf32>
    %concatenate3A_338 = tpu.concatenate %bitcast_convert_type3A_333, %bitcast_convert_type3A_337 in 1 : vector<512x16xf32>, vector<512x16xf32> -> vector<512x32xf32>
    %mul3A_339 = vector.broadcast %div3A : vector<1x32xf32> to vector<512x32xf32>
    %mul3A_340 = arith.mulf %concatenate3A_338, %mul3A_339 : vector<512x32xf32>
    %add3A_341 = arith.addf %mul3A_340, %sub3A_27 : vector<512x32xf32>
    %max3A_342 = arith.constant 0.000000e+00 : f32
    %max3A_343 = vector.broadcast %max3A_342 : f32 to vector<512x32xf32>
    %max3A_344 = arith.maximumf %add3A_341, %max3A_343 : vector<512x32xf32>
    %dot_general3A_345 = arith.constant dense<0.000000e+00> : vector<512x64xf32>
    %dot_general3A_346 = tpu.matmul %max3A_344, %get3A_30, %dot_general3A_345 {dimension_numbers = #tpu.dot_dimension_numbers<[1], [0], [0], [1], [0, 0, 1, 1], [], []>, transpose_lhs_hint = false} : vector<512x32xf32>, vector<32x64xf32>, vector<512x64xf32> -> vector<512x64xf32>
    %max3A_347 = arith.maximumf %max3A_324, %dot_general3A_346 : vector<512x64xf32>
    %get3A_348 = arith.constant 14 : index
    %get3A_349 = arith.constant 0 : index
    %get3A_350 = arith.constant 0 : index
    %get3A_351 = vector.load %arg1[%get3A_348, %get3A_349, %get3A_350] : memref<16x512x16xi32, #tpu.memory_space<vmem>>, vector<1x512x16xi32>
    %get3A_352 = vector.shape_cast %get3A_351 : vector<1x512x16xi32> to vector<512x16xi32>
    %shift_left3A_353 = arith.constant 16 : i32
    %shift_left3A_354 = vector.broadcast %shift_left3A_353 : i32 to vector<512x16xi32>
    %shift_left3A_355 = arith.shli %get3A_352, %shift_left3A_354 : vector<512x16xi32>
    %bitcast_convert_type3A_356 = tpu.bitcast %shift_left3A_355 : vector<512x16xi32> -> vector<512x16xf32>
    %and3A_357 = arith.constant -65536 : i32
    %and3A_358 = vector.broadcast %and3A_357 : i32 to vector<512x16xi32>
    %and3A_359 = arith.andi %get3A_352, %and3A_358 : vector<512x16xi32>
    %bitcast_convert_type3A_360 = tpu.bitcast %and3A_359 : vector<512x16xi32> -> vector<512x16xf32>
    %concatenate3A_361 = tpu.concatenate %bitcast_convert_type3A_356, %bitcast_convert_type3A_360 in 1 : vector<512x16xf32>, vector<512x16xf32> -> vector<512x32xf32>
    %mul3A_362 = vector.broadcast %div3A : vector<1x32xf32> to vector<512x32xf32>
    %mul3A_363 = arith.mulf %concatenate3A_361, %mul3A_362 : vector<512x32xf32>
    %add3A_364 = arith.addf %mul3A_363, %sub3A_27 : vector<512x32xf32>
    %max3A_365 = arith.constant 0.000000e+00 : f32
    %max3A_366 = vector.broadcast %max3A_365 : f32 to vector<512x32xf32>
    %max3A_367 = arith.maximumf %add3A_364, %max3A_366 : vector<512x32xf32>
    %dot_general3A_368 = arith.constant dense<0.000000e+00> : vector<512x64xf32>
    %dot_general3A_369 = tpu.matmul %max3A_367, %get3A_30, %dot_general3A_368 {dimension_numbers = #tpu.dot_dimension_numbers<[1], [0], [0], [1], [0, 0, 1, 1], [], []>, transpose_lhs_hint = false} : vector<512x32xf32>, vector<32x64xf32>, vector<512x64xf32> -> vector<512x64xf32>
    %max3A_370 = arith.maximumf %max3A_347, %dot_general3A_369 : vector<512x64xf32>
    %get3A_371 = arith.constant 15 : index
    %get3A_372 = arith.constant 0 : index
    %get3A_373 = arith.constant 0 : index
    %get3A_374 = vector.load %arg1[%get3A_371, %get3A_372, %get3A_373] : memref<16x512x16xi32, #tpu.memory_space<vmem>>, vector<1x512x16xi32>
    %get3A_375 = vector.shape_cast %get3A_374 : vector<1x512x16xi32> to vector<512x16xi32>
    %shift_left3A_376 = arith.constant 16 : i32
    %shift_left3A_377 = vector.broadcast %shift_left3A_376 : i32 to vector<512x16xi32>
    %shift_left3A_378 = arith.shli %get3A_375, %shift_left3A_377 : vector<512x16xi32>
    %bitcast_convert_type3A_379 = tpu.bitcast %shift_left3A_378 : vector<512x16xi32> -> vector<512x16xf32>
    %and3A_380 = arith.constant -65536 : i32
    %and3A_381 = vector.broadcast %and3A_380 : i32 to vector<512x16xi32>
    %and3A_382 = arith.andi %get3A_375, %and3A_381 : vector<512x16xi32>
    %bitcast_convert_type3A_383 = tpu.bitcast %and3A_382 : vector<512x16xi32> -> vector<512x16xf32>
    %concatenate3A_384 = tpu.concatenate %bitcast_convert_type3A_379, %bitcast_convert_type3A_383 in 1 : vector<512x16xf32>, vector<512x16xf32> -> vector<512x32xf32>
    %mul3A_385 = vector.broadcast %div3A : vector<1x32xf32> to vector<512x32xf32>
    %mul3A_386 = arith.mulf %concatenate3A_384, %mul3A_385 : vector<512x32xf32>
    %add3A_387 = arith.addf %mul3A_386, %sub3A_27 : vector<512x32xf32>
    %max3A_388 = arith.constant 0.000000e+00 : f32
    %max3A_389 = vector.broadcast %max3A_388 : f32 to vector<512x32xf32>
    %max3A_390 = arith.maximumf %add3A_387, %max3A_389 : vector<512x32xf32>
    %dot_general3A_391 = arith.constant dense<0.000000e+00> : vector<512x64xf32>
    %dot_general3A_392 = tpu.matmul %max3A_390, %get3A_30, %dot_general3A_391 {dimension_numbers = #tpu.dot_dimension_numbers<[1], [0], [0], [1], [0, 0, 1, 1], [], []>, transpose_lhs_hint = false} : vector<512x32xf32>, vector<32x64xf32>, vector<512x64xf32> -> vector<512x64xf32>
    %max3A_393 = arith.maximumf %max3A_370, %dot_general3A_392 : vector<512x64xf32>
    %get3A_394 = arith.constant 0 : index
    %get3A_395 = arith.constant 0 : index
    %get3A_396 = vector.load %arg7[%get3A_394, %get3A_395] : memref<1x64xf32, #tpu.memory_space<vmem>>, vector<1x64xf32>
    %add3A_397 = vector.broadcast %get3A_396 : vector<1x64xf32> to vector<512x64xf32>
    %add3A_398 = arith.addf %max3A_393, %add3A_397 : vector<512x64xf32>
    %swap3A = arith.constant 0 : index
    %swap3A_399 = arith.constant 0 : index
    %swap3A_400 = vector.load %arg8[%swap3A, %swap3A_399] : memref<512x64xf32, #tpu.memory_space<vmem>>, vector<512x64xf32>
    tpu.vector_store %arg8[%swap3A, %swap3A_399], %add3A_398 {strides = array<i32>} : memref<512x64xf32, #tpu.memory_space<vmem>>, vector<512x64xf32>,
    return
  }
  func.func @transform_0(%arg0: i32) -> (i32, i32, i32) {
    %c0_i32 = arith.constant 0 : i32
    %c0_i32_0 = arith.constant 0 : i32
    %c0_i32_1 = arith.constant 0 : i32
    return %c0_i32, %arg0, %c0_i32_0 : i32, i32, i32
  }
  func.func @transform_1(%arg0: i32) -> (i32, i32) {
    %c0_i32 = arith.constant 0 : i32
    %c0_i32_0 = arith.constant 0 : i32
    return %arg0, %c0_i32 : i32, i32
  }
  func.func @transform_2(%arg0: i32) -> (i32, i32) {
    %c0_i32 = arith.constant 0 : i32
    %c0_i32_0 = arith.constant 0 : i32
    %c0_i32_1 = arith.constant 0 : i32
    return %c0_i32, %c0_i32_0 : i32, i32
  }
  func.func @transform_3(%arg0: i32) -> (i32, i32) {
    %c0_i32 = arith.constant 0 : i32
    %c0_i32_0 = arith.constant 0 : i32
    %c0_i32_1 = arith.constant 0 : i32
    return %c0_i32, %c0_i32_0 : i32, i32
  }
  func.func @transform_4(%arg0: i32) -> (i32, i32) {
    %c0_i32 = arith.constant 0 : i32
    %c0_i32_0 = arith.constant 0 : i32
    %c0_i32_1 = arith.constant 0 : i32
    return %c0_i32, %c0_i32_0 : i32, i32
  }
  func.func @transform_5(%arg0: i32) -> (i32, i32) {
    %c0_i32 = arith.constant 0 : i32
    %c0_i32_0 = arith.constant 0 : i32
    %c0_i32_1 = arith.constant 0 : i32
    return %c0_i32, %c0_i32_0 : i32, i32
  }
  func.func @transform_6(%arg0: i32) -> (i32, i32) {
    %c0_i32 = arith.constant 0 : i32
    %c0_i32_0 = arith.constant 0 : i32
    %c0_i32_1 = arith.constant 0 : i32
    return %c0_i32, %c0_i32_0 : i32, i32
  }
  func.func @transform_7(%arg0: i32) -> (i32, i32) {
    %c0_i32 = arith.constant 0 : i32
    %c0_i32_0 = arith.constant 0 : i32
    return %arg0, %c0_i32 : i32, i32
  }
}

</mosaic_0001>

<sc_bundles>
// kernel: kernel.11.cloned.1.call-start
scs
__scs_entry_jumppad:
0x0: {  	(pc) =	sbr.rel $0x88, $3  }
0x1: {  	(tag) =	ssettag $0x0;
	lr =	simm.s32 $0x1  }
0x2: {  	[smem:$0x3F9A] =	sst lr;
	_ =	strace $0xD0000000  }
0x3: {  	_ = 	snop  }
0x4: {  	_ = 	snop  }
0x5: {  	_ = 	snop  }
0x6: {  	_ = 	snop  }
0x7: {  	_ = 	snop  }
__scs_overlays_trampoline_lowered:
0x8: {  	[smem:$0x3FA9] =	sst s0  }
0x9: {  	[smem:$0x3FAA] =	sst s1  }
0xa: {  	[smem:$0x3FAB] =	sst s2  }
0xb: {  	[smem:$0x3FAC] =	sst s3  }
0xc: {  	[smem:$0x3FAD] =	sst s4  }
0xd: {  	[smem:$0x3FAE] =	sst s5  }
0xe: {  	[smem:$0x3FAF] =	sst s6  }
0xf: {  	[smem:$0x3FB0] =	sst s7  }
0x10: {  	[smem:$0x3FB1] =	sst s8  }
0x11: {  	[smem:$0x3FB2] =	sst s9;
	s0 =	simm.s32 @!p0 $0x0  }
0x12: {  	s1 =	sld [smem:$0x3F98];
	s0 =	simm.s32 @p0 $0x1  }
0x13: {  	[smem:$0x3FB3] =	sst s0;
	s0 =	simm.s32 @!p1 $0x0  }
0x14: {  	s2 =	sld [smem:$0x3F97];
	s0 =	simm.s32 @p1 $0x1  }
0x15: {  	[smem:$0x3FB4] =	sst s0;
	s0 =	simm.s32 @!p2 $0x0  }
0x16: {  	s3 =	sld [smem:$0x3FDB];
	s0 =	simm.s32 @p2 $0x1  }
0x17: {  	s4 =	simm.s32 $0x1BF5;
	[smem:$0x3FB6] =	sst s0  }
0x18: {  	s0 =	sld [smem:$0x3F99];
	_ =	swait.ge [sflag:s4], $0x0  }
0x19: {  	s7 =	sld [smem:$0x3F9A]  }
0x1a: {  	s8 =	sadd.s32 $0xFFFFE003, lr  }
0x1b: {  	s9 =	sadd.s32 $0xFFFFFEF7, lr;
	s5 =	simm.s32 $0xFFFFFFFF;
	p2 =	slt.u32 s8, $0xFFFFF086  }
0x1c: {  	p1 =	slt.u32 s9, $0xF7A;
	s5 =	simm.s32 @!p2 $0x0  }
0x1d: {  	s5 =	simm.s32 @p1 $0x1;
	p0 =	seq.s32 s7, s2  }
0x1e: {  	s7 =	smul.u32 @!p0 $0xF7A, s2;
	p2 =	seq.s32 @!p0 s5, $0x0  }
0x1f: {  	s9 =	smul.u32 $0xF7A, s1;
	s8 =	simm.s32 @!p0 $0x1BF5;
	p2 =	por !p2, p0  }
0x20: {  	[sflag:s8] =	ssyncset.s32 @!p0 $0xFFFFF086;
	s6 =	sadd.s32 @!p0 s3, s7;
	s7 =	simm.s32 @!p0 $0x108  }
0x21: {  	s3 =	sadd.s32 s3, s9;
	s6 =	sadd.s32 @!p0 $0x88, s6;
	s7 =	simm.s32 @p2 $0x1082  }
0x22: {  	[simem:s7], [sflag:s8] =	dma.local @!p0 [hbm:s6], $0xF7A  }
0x23: {  	s9 =	sor.u32 $0xD0000000, s2;
	s6 =	simm.s32 $0x108;
	_ =	swait.ge @!p0 [sflag:s8], $0x0  }
0x24: {  	s3 =	sadd.s32 $0x88, s3;
	s6 =	simm.s32 @!p1 $0x1082;
	[sflag:s4] =	ssyncset.s32 $0xFFFFF086  }
0x25: {  	[simem:s6], [sflag:s4] =	dma.local [hbm:s3], $0xF7A  }
0x26: {  	[smem:$0x3F9A] =	sst s1;
	(tag) =	ssettag s2;
	_ =	strace s9  }
0x27: {  	s1 =	sld [smem:$0x3FAA]  }
0x28: {  	s2 =	sld [smem:$0x3FAB]  }
0x29: {  	s4 =	sld [smem:$0x3FAD]  }
0x2a: {  	p0 =	seq.s32 s5, $0x0;
	s5 =	sld [smem:$0x3FAE]  }
0x2b: {  	s6 =	sld [smem:$0x3FAF]  }
0x2c: {  	s7 =	sld [smem:$0x3FB0]  }
0x2d: {  	s3 =	simm.s32 $0x108;
	s8 =	sld [smem:$0x3FB1]  }
0x2e: {  	s3 =	simm.s32 @!p0 $0x1082;
	s9 =	sld [smem:$0x3FB2]  }
0x2f: {  	lr =	sadd.s32 s0, s3;
	s0 =	sld [smem:$0x3FA9]  }
0x30: {  	s3 =	sld [smem:$0x3FAC]  }
0x31: {  	[smem:$0x3FB5] =	sst s10  }
0x32: {  	s10 =	sld [smem:$0x3FB3];
	_ =	sdelay $0x3  }
0x33: {  	p0 =	seq.s32 s10, $0x1;
	s10 =	sld [smem:$0x3FB5];
	_ =	sdelay $0x3  }
0x34: {  	[smem:$0x3FB5] =	sst s10  }
0x35: {  	s10 =	sld [smem:$0x3FB4];
	_ =	sdelay $0x3  }
0x36: {  	p1 =	seq.s32 s10, $0x1;
	s10 =	sld [smem:$0x3FB5];
	_ =	sdelay $0x3  }
0x37: {  	[smem:$0x3FB5] =	sst s10  }
0x38: {  	s10 =	sld [smem:$0x3FB6]  }
0x39: {  	_ = 	snop;
	(pc) =	sbr.ind lr, $3  }
0x3a: {  	_ = 	snop  }
0x3b: {  	_ = 	snop  }
0x3c: {  	p2 =	seq.s32 s10, $0x1;
	s10 =	sld [smem:$0x3FB5]  }
0x3d: {  	_ =	shalt  }
0x3e: {  	_ =	shalt  }
0x3f: {  	_ =	shalt  }
0x40: {  	_ =	shalt  }
0x41: {  	_ =	shalt  }
0x42: {  	_ =	shalt  }
0x43: {  	_ =	shalt  }
0x44: {  	_ =	shalt  }
0x45: {  	_ =	shalt  }
0x46: {  	_ =	shalt  }
0x47: {  	_ =	shalt  }
0x48: {  	_ =	shalt  }
0x49: {  	_ =	shalt  }
0x4a: {  	_ =	shalt  }
0x4b: {  	_ =	shalt  }
0x4c: {  	_ =	shalt  }
0x4d: {  	_ =	shalt  }
0x4e: {  	_ =	shalt  }
0x4f: {  	_ =	shalt  }
0x50: {  	_ =	shalt  }
0x51: {  	_ =	shalt  }
0x52: {  	_ =	shalt  }
0x53: {  	_ =	shalt  }
0x54: {  	_ =	shalt  }
0x55: {  	_ =	shalt  }
0x56: {  	_ =	shalt  }
0x57: {  	_ =	shalt  }
0x58: {  	_ =	shalt  }
0x59: {  	_ =	shalt  }
0x5a: {  	_ =	shalt  }
0x5b: {  	_ =	shalt  }
0x5c: {  	_ =	shalt  }
0x5d: {  	_ =	shalt  }
0x5e: {  	_ =	shalt  }
0x5f: {  	_ =	shalt  }
0x60: {  	_ =	shalt  }
0x61: {  	_ =	shalt  }
0x62: {  	_ =	shalt  }
0x63: {  	_ =	shalt  }
0x64: {  	_ =	shalt  }
0x65: {  	_ =	shalt  }
0x66: {  	_ =	shalt  }
0x67: {  	_ =	shalt  }
0x68: {  	_ =	shalt  }
0x69: {  	_ =	shalt  }
0x6a: {  	_ =	shalt  }
0x6b: {  	_ =	shalt  }
0x6c: {  	_ =	shalt  }
0x6d: {  	_ =	shalt  }
0x6e: {  	_ =	shalt  }
0x6f: {  	_ =	shalt  }
0x70: {  	_ =	shalt  }
0x71: {  	_ =	shalt  }
0x72: {  	_ =	shalt  }
0x73: {  	_ =	shalt  }
0x74: {  	_ =	shalt  }
0x75: {  	_ =	shalt  }
0x76: {  	_ =	shalt  }
0x77: {  	_ =	shalt  }
0x78: {  	_ =	shalt  }
0x79: {  	_ =	shalt  }
0x7a: {  	_ =	shalt  }
0x7b: {  	_ =	shalt  }
0x7c: {  	_ =	shalt  }
0x7d: {  	_ =	shalt  }
0x7e: {  	_ =	shalt  }
0x7f: {  	_ =	shalt  }
0x80: {  	_ =	shalt  }
0x81: {  	_ =	shalt  }
0x82: {  	_ =	shalt  }
0x83: {  	_ =	shalt  }
0x84: {  	_ =	shalt  }
0x85: {  	_ =	shalt  }
0x86: {  	_ =	shalt  }
0x87: {  	_ =	shalt  }
.Lfunc_end0:
.L_simem_size_0:
called_computation.1_lowered:
.L_overlay_start_0:
0x88: {  	s2 =	sld [smem:$0x3FD9]  }
0x89: {  	s3 =	sld [smem:$0x3FFE];
	_ =	sdelay $0x1  }
0x8a: {  	s1 =	srdreg.scid  }
0x8b: {  	s0 =	sand.u32 $0x1, s1  }
0x8c: {  	s17 =	sshll.u32 s0, $0xA;
	s2 =	sadd.s32 s3, s2  }
0x8d: {  	s2 =	sadd.s32 s2, s17  }
0x8e: {  	[smem:$0x3FC1] =	sst s2  }
0x8f: {  	_ = 	snop  }
0x90: {  	s18 =	sld [smem:$0x3FD0];
	(tm) =	ssettm $0x1  }
0x91: {  	s19 =	sld [smem:$0x3FFB];
	_ =	sdelay $0x3  }
0x92: {  	_ =	strace s19  }
0x93: {  	s2 =	sld [smem:$0x3FFC];
	_ =	sdelay $0x3  }
0x94: {  	_ =	strace s2  }
0x95: {  	s2 =	sld [smem:$0x3FFD];
	_ =	sdelay $0x3  }
0x96: {  	_ =	strace s2  }
0x97: {  	_ =	strace $0x8FFFFFFF  }
0x98: {  	s20 =	sld [smem:$0x3FDB];
	_ =	sdelay $0x1  }
0x99: {  	s4 =	simm.s32 $_scs_section_size  }
0x9a: {  	s5 =	simm.s32 $_size__tile_overlayer_lowered;
	s6 =	simm.s32 $_tile_overlayer_lowered  }
0x9b: {  	s7 =	simm.s32 $0x1BFF;
	s21 =	sshll.u32 s6, $0x1;
	s4 =	sadd.s32 s4, s20  }
0x9c: {  	s22 =	simm.s32 $0x0;
	s5 =	sshll.u32 s5, $0x1;
	s6 =	sadd.s32 s21, s4  }
0x9d: {  	[timem:s22], [sflag:s7] =	dma.local [hbm:s6], s5  }
0x9e: {  	_ =	swait.ge [sflag:s7], s5  }
0x9f: {  	s5 =	ssub.s32 $0x0, s5;
	[sflag:s7] =	ssyncset.done $0x0  }
0xa0: {  	[sflag:s7] =	ssyncadd.s32 s5;
	_ =	sdelay $0x1  }
0xa1: {  	s23 =	simm.s32 $0x1B8B  }
0xa2: {  	_ =	swait.ge [sflag:s23], $0x1  }
0xa3: {  	[sflag:s23] =	ssyncset.done $0x0  }
0xa4: {  	[sflag:s23] =	ssyncadd.s32 $0xFFFFFFFF  }
0xa5: {  	s5 =	sld [smem:$0x0]  }
0xa6: {  	s6 =	sand.u32 $0xFFFFFFFE, s1  }
0xa7: {  	p0 =	sne.s32 s1, s6  }
0xa8: {  	s6 =	sshll.u32 @p0 s6, $0xE  }
0xa9: {  	s6 =	sadd.s32 @p0 $0x11B8D, s6;
	s7 =	sshll.u32 @p0 s5, $0x11  }
0xaa: {  	s6 =	sor.u32 @p0 s7, s6  }
0xab: {  	[sflag:s6] =	ssyncadd.remote.s32 @p0 $0x1;
	_ =	sdelay $0x1  }
0xac: {  	s6 =	simm.s32 @p0 $0x1B8D  }
0xad: {  	_ =	swait.eq @p0 [sflag:s6], $0x1  }
0xae: {  	[sflag:s6] =	ssyncadd.s32 @p0 $0xFFFFFFFF  }
0xaf: {  	s7 =	sshll.u32 @!p0 s1, $0xE  }
0xb0: {  	s7 =	sor.u32 @!p0 $0x4000, s7;
	s6 =	simm.s32 @!p0 $0x1B8D  }
0xb1: {  	s5 =	sshll.u32 @!p0 s5, $0x11;
	s7 =	sadd.s32 @!p0 $0x11B8D, s7;
	_ =	swait.eq @!p0 [sflag:s6], $0x1  }
0xb2: {  	s5 =	sor.u32 @!p0 s5, s7;
	[sflag:s6] =	ssyncadd.s32 @!p0 $0xFFFFFFFF  }
0xb3: {  	s25 =	simm.s32 $0x1B8E;
	s24 =	sld [smem:$0x3FFE];
	[sflag:s5] =	ssyncadd.remote.s32 @!p0 $0x1  }
0xb4: {  	s26 =	simm.s32 $execute0_lowered;
	[smem:$0x3FD2] =	sst s25  }
0xb5: {  	s6 =	sshll.u32 s26, $0x1;
	_ =	strace $0x80000049;
	[dreg:$0x1] =	wrdreg $0xFFFFFFFF  }
0xb6: {  	s28 =	simm.s32 $_size_execute0_lowered;
	s4 =	sadd.s32 s4, s6;
	[dreg:$0x0] =	wrdreg $0x0  }
0xb7: {  	s6 =	sshll.u32 s28, $0x1;
	[dreg:$0x2] =	wrdreg s4  }
0xb8: {  	[dreg:$0x3] =	wrdreg s6  }
0xb9: {  	[dreg:$0x4] =	wrdreg $0xC0  }
0xba: {  	_ =	task [dreg:s22], $0x5FFFF  }
0xbb: {  	[dreg:$0x1] =	wrdreg $0xFFFFFFFF  }
0xbc: {  	[dreg:$0x0] =	wrdreg $0x60  }
0xbd: {  	[dreg:$0x2] =	wrdreg s18  }
0xbe: {  	[dreg:$0x3] =	wrdreg s24  }
0xbf: {  	[dreg:$0x4] =	wrdreg $0xA  }
0xc0: {  	_ =	task.clear_ibuf [dreg:s22], $0x5FFFF;
	_ =	strace $0x90000049  }
0xc1: {  	s29 =	simm.s32 $0xA;
	_ =	strace $0x8000004B  }
0xc2: {  	_ =	swait.ge [sflag:s29], $0x1  }
0xc3: {  	[sflag:s29] =	ssyncadd.s32 $0xFFFFFFFF  }
0xc4: {  	_ =	strace $0x9000004B  }
0xc5: {  	_ =	sfence  }
0xc6: {  	s30 =	sld [smem:$0x0];
	_ =	sdelay $0x2  }
0xc7: {  	s31 =	sshll.u32 s1, $0xD;
	s1 =	sshrl.u32 s1, $0x2  }
0xc8: {  	s4 =	sand.u32 $0x4000, s31;
	s1 =	sadd.s32 s1, s30  }
0xc9: {  	s0 =	sor.u32 s4, s0;
	s1 =	sshll.u32 s1, $0x11  }
0xca: {  	s0 =	sor.u32 s1, s0  }
0xcb: {  	s0 =	sadd.s32 $0x8F2B, s0  }
0xcc: {  	[sflag:s0] =	ssyncadd.remote.s32 $0x1  }
0xcd: {  	_ =	sfence.sel $0xFFFF  }
0xce: {  	[dreg:$0x0] =	wrdreg $0xFFFFFFFF;
	(pc) =	sbr.abs _section_cstart, $3  }
0xcf: {  	[dreg:$0x1] =	wrdreg $0xFFFFFFFF  }
0xd0: {  	_ =	task.clear_ibuf [dreg:s22], $0x2FFFF;
	_ =	strace $0x9FFFFFFF  }
0xd1: {  	(tm) =	ssettm $0x7FFFFFFF  }
tec
execute0_lowered:
.L_overlay_start_1:
0x0: {  	(tag) =	ssettag $0x1  }
0x1: {  	s5 =	rddreg [dreg:$0x0]  }
0x2: {  	s0 =	rddreg [dreg:$0x1]  }
0x3: {  	s2 =	simm.s32 $0x0;
	s1 =	srdreg.scid;
	s3 =	stileid.u32  }
0x4: {  	p0 =	por $0x0, $0x0;
	[smem:$0x7FF] =	sst s2;
	s1 =	sand.u32 $0x1, s1  }
0x5: {  	s3 =	sshll.u32 s3, $0x1;
	s4 =	sadd.s32 $0x49E00, s0;
	s6 =	ssub.s32 $0x2, s1  }
0x6: {  	s0 =	sadd.s32 $0x4DE00, s0;
	s1 =	sor.u32 s1, s3;
	s28 =	sshrl.u32 s6, $0x1  }
0x7: {  	_ =	strace $0x8000004A;
	s7 =	sshll.u32 s1, $0x9;
	s3 =	ssub.s32 s6, s28  }
0x8: {  	s8 =	sshll.u32 s1, $0xD;
	s1 =	sshllo.u32 s1, $0x1;
	s31 =	smax.u32 s3, $0x1  }
0x9: {  	s7 =	sadd.s32 s4, s7;
	s29 =	sadd.s32 s0, s8;
	p1 =	sne.s32 s31, $0x1  }
.Ltmp0:
0xa: {  	s30 =	sshll.u32 s1, $0x8;
	[dreg:$0x3] =	wrdreg s7;
	(pc) =	sbr.rel @!p1 .LBB2_4-.Ltmp0, $4  }
0xb: {  	s1 =	sshll.u32 s1, $0xC;
	[dreg:$0x4] =	wrdreg s29;
	s4 =	sadd.s32 s4, s30  }
0xc: {  	s6 =	simm.s32 $0x1;
	s0 =	sadd.s32 s0, s1;
	[dreg:$0x5] =	wrdreg s4  }
0xd: {  	s3 =	simm.s32 $0x2;
	s7 =	simm.s32 $0x80;
	[dreg:$0x6] =	wrdreg s0  }
0xe: {  	s4 =	simm.s32 $0x800;
	s0 =	sadd.s32 $0xFFFFFFFF, s31;
	s13 =	rddreg [dreg:$0x3]  }
0xf: {  	[tilespmem:s2], [sflag:$0x2] =	stream.linear.gather [hbm4b:s13+s2], $0x800, $0x38;
	[tilespmem:$0x8800] =	vst v63  }
0x10: {  	_ =	swait.ge [sflag:s3], $0x800  }
0x11: {  	[sflag:s3] =	ssyncset.done $0x0  }
0x12: {  	[sflag:s3] =	ssyncadd.s32 $0xFFFFF800  }
0x13: {  	[tilespmem:s4], [sflag:$0x1] =	stream.indirect.gather [hbm4b:s5+s7], $0x10, s2, s7, $0xb8;
	[tilespmem:$0x8800] =	vst v63  }
0x14: {  	s1 =	simm.s32 $0x1000  }
0x15: {  	[tilespmem:s1], [sflag:$0x1] =	stream.indirect.gather [hbm4b:s5+s7], $0x10, s7, s7, $0xb8;
	[tilespmem:$0x8800] =	vst v63  }
0x16: {  	s8 =	simm.s32 $0x100;
	s9 =	simm.s32 $0x1800  }
0x17: {  	[tilespmem:s9], [sflag:$0x1] =	stream.indirect.gather [hbm4b:s5+s7], $0x10, s8, s7, $0xb8;
	[tilespmem:$0x8800] =	vst v63  }
0x18: {  	s10 =	simm.s32 $0x180;
	s11 =	simm.s32 $0x2000  }
0x19: {  	[tilespmem:s11], [sflag:$0x1] =	stream.indirect.gather [hbm4b:s5+s7], $0x10, s10, s7, $0xb8;
	[tilespmem:$0x8800] =	vst v63  }
0x1a: {  	s12 =	simm.s32 $0x200;
	s26 =	simm.s32 $0x2800  }
0x1b: {  	[tilespmem:s26], [sflag:$0x1] =	stream.indirect.gather [hbm4b:s5+s7], $0x10, s12, s7, $0xb8;
	[tilespmem:$0x8800] =	vst v63  }
0x1c: {  	s28 =	simm.s32 $0x280;
	s29 =	simm.s32 $0x3000  }
0x1d: {  	[tilespmem:s29], [sflag:$0x1] =	stream.indirect.gather [hbm4b:s5+s7], $0x10, s28, s7, $0xb8;
	[tilespmem:$0x8800] =	vst v63  }
0x1e: {  	s30 =	simm.s32 $0x300;
	s24 =	simm.s32 $0x3800  }
0x1f: {  	[tilespmem:s24], [sflag:$0x1] =	stream.indirect.gather [hbm4b:s5+s7], $0x10, s30, s7, $0xb8;
	[tilespmem:$0x8800] =	vst v63  }
0x20: {  	s31 =	simm.s32 $0x380;
	s22 =	simm.s32 $0x4000  }
0x21: {  	[tilespmem:s22], [sflag:$0x1] =	stream.indirect.gather [hbm4b:s5+s7], $0x10, s31, s7, $0xb8;
	[tilespmem:$0x8800] =	vst v63  }
0x22: {  	s25 =	simm.s32 $0x400;
	s20 =	simm.s32 $0x4800  }
0x23: {  	[tilespmem:s20], [sflag:$0x1] =	stream.indirect.gather [hbm4b:s5+s7], $0x10, s25, s7, $0xb8;
	[tilespmem:$0x8800] =	vst v63  }
0x24: {  	s23 =	simm.s32 $0x480;
	s14 =	simm.s32 $0x5000  }
0x25: {  	[tilespmem:s14], [sflag:$0x1] =	stream.indirect.gather [hbm4b:s5+s7], $0x10, s23, s7, $0xb8;
	[tilespmem:$0x8800] =	vst v63  }
0x26: {  	s21 =	simm.s32 $0x500;
	s15 =	simm.s32 $0x5800  }
0x27: {  	[tilespmem:s15], [sflag:$0x1] =	stream.indirect.gather [hbm4b:s5+s7], $0x10, s21, s7, $0xb8;
	[tilespmem:$0x8800] =	vst v63  }
0x28: {  	s16 =	simm.s32 $0x580;
	s17 =	simm.s32 $0x6000  }
0x29: {  	[tilespmem:s17], [sflag:$0x1] =	stream.indirect.gather [hbm4b:s5+s7], $0x10, s16, s7, $0xb8;
	[tilespmem:$0x8800] =	vst v63  }
0x2a: {  	s18 =	simm.s32 $0x600;
	s19 =	simm.s32 $0x6800  }
0x2b: {  	[tilespmem:s19], [sflag:$0x1] =	stream.indirect.gather [hbm4b:s5+s7], $0x10, s18, s7, $0xb8;
	[tilespmem:$0x8800] =	vst v63  }
0x2c: {  	s4 =	simm.s32 $0x680;
	s1 =	simm.s32 $0x7000  }
0x2d: {  	[tilespmem:s1], [sflag:$0x1] =	stream.indirect.gather [hbm4b:s5+s7], $0x10, s4, s7, $0xb8;
	[tilespmem:$0x8800] =	vst v63  }
0x2e: {  	s8 =	simm.s32 $0x700;
	s10 =	simm.s32 $0x7800  }
0x2f: {  	[tilespmem:s10], [sflag:$0x1] =	stream.indirect.gather [hbm4b:s5+s7], $0x10, s8, s7, $0xb8;
	[tilespmem:$0x8800] =	vst v63  }
0x30: {  	s9 =	simm.s32 $0x780;
	s11 =	simm.s32 $0x8000  }
0x31: {  	[tilespmem:s11], [sflag:$0x1] =	stream.indirect.gather [hbm4b:s5+s7], $0x10, s9, s7, $0xb8;
	[tilespmem:$0x8800] =	vst v63  }
0x32: {  	_ =	swait.ge [sflag:s6], $0x800  }
0x33: {  	[sflag:s6] =	ssyncset.done $0x0  }
0x34: {  	[sflag:s6] =	ssyncadd.s32 $0xFFFFF800  }
0x35: {  	_ =	swait.ge [sflag:s6], $0x800  }
0x36: {  	[sflag:s6] =	ssyncset.done $0x0  }
0x37: {  	[sflag:s6] =	ssyncadd.s32 $0xFFFFF800  }
0x38: {  	_ =	swait.ge [sflag:s6], $0x800  }
0x39: {  	[sflag:s6] =	ssyncset.done $0x0  }
0x3a: {  	[sflag:s6] =	ssyncadd.s32 $0xFFFFF800  }
0x3b: {  	_ =	swait.ge [sflag:s6], $0x800  }
0x3c: {  	[sflag:s6] =	ssyncset.done $0x0  }
0x3d: {  	[sflag:s6] =	ssyncadd.s32 $0xFFFFF800  }
0x3e: {  	_ =	swait.ge [sflag:s6], $0x800  }
0x3f: {  	[sflag:s6] =	ssyncset.done $0x0  }
0x40: {  	[sflag:s6] =	ssyncadd.s32 $0xFFFFF800  }
0x41: {  	_ =	swait.ge [sflag:s6], $0x800  }
0x42: {  	[sflag:s6] =	ssyncset.done $0x0  }
0x43: {  	[sflag:s6] =	ssyncadd.s32 $0xFFFFF800  }
0x44: {  	_ =	swait.ge [sflag:s6], $0x800  }
0x45: {  	[sflag:s6] =	ssyncset.done $0x0  }
0x46: {  	[sflag:s6] =	ssyncadd.s32 $0xFFFFF800  }
0x47: {  	_ =	swait.ge [sflag:s6], $0x800  }
0x48: {  	[sflag:s6] =	ssyncset.done $0x0  }
0x49: {  	[sflag:s6] =	ssyncadd.s32 $0xFFFFF800  }
0x4a: {  	_ =	swait.ge [sflag:s6], $0x800  }
0x4b: {  	[sflag:s6] =	ssyncset.done $0x0  }
0x4c: {  	[sflag:s6] =	ssyncadd.s32 $0xFFFFF800  }
0x4d: {  	_ =	swait.ge [sflag:s6], $0x800  }
0x4e: {  	[sflag:s6] =	ssyncset.done $0x0  }
0x4f: {  	[sflag:s6] =	ssyncadd.s32 $0xFFFFF800  }
0x50: {  	_ =	swait.ge [sflag:s6], $0x800  }
0x51: {  	[sflag:s6] =	ssyncset.done $0x0  }
0x52: {  	[sflag:s6] =	ssyncadd.s32 $0xFFFFF800  }
0x53: {  	_ =	swait.ge [sflag:s6], $0x800  }
0x54: {  	[sflag:s6] =	ssyncset.done $0x0  }
0x55: {  	[sflag:s6] =	ssyncadd.s32 $0xFFFFF800  }
0x56: {  	_ =	swait.ge [sflag:s6], $0x800  }
0x57: {  	[sflag:s6] =	ssyncset.done $0x0  }
0x58: {  	[sflag:s6] =	ssyncadd.s32 $0xFFFFF800  }
0x59: {  	_ =	swait.ge [sflag:s6], $0x800  }
0x5a: {  	[sflag:s6] =	ssyncset.done $0x0  }
0x5b: {  	[sflag:s6] =	ssyncadd.s32 $0xFFFFF800  }
0x5c: {  	_ =	swait.ge [sflag:s6], $0x800  }
0x5d: {  	[sflag:s6] =	ssyncset.done $0x0  }
0x5e: {  	[sflag:s6] =	ssyncadd.s32 $0xFFFFF800  }
0x5f: {  	_ =	swait.ge [sflag:s6], $0x800  }
0x60: {  	s2 =	simm.s32 $0x800;
	[sflag:s6] =	ssyncset.done $0x0  }
0x61: {  	s12 =	simm.s32 $0x0;
	s13 =	rddreg [dreg:$0x4];
	[sflag:s6] =	ssyncadd.s32 $0xFFFFF800  }
0x62: {  	[hbm4b:s13+s12] =	stream.linear.scatter [tilespmem:s2], [sflag:$0x2], $0x8000, $0x38;
	[tilespmem:$0x8800] =	vst v63  }
0x63: {  	_ =	swait.ge [sflag:s3], $0x8000  }
0x64: {  	[sflag:s3] =	ssyncset.done $0x0  }
0x65: {  	s13 =	rddreg [dreg:$0x5];
	[sflag:s3] =	ssyncadd.s32 $0xFFFF8000  }
0x66: {  	[tilespmem:s12], [sflag:$0x2] =	stream.linear.gather [hbm4b:s13+s12], $0x800, $0x38;
	[tilespmem:$0x8800] =	vst v63  }
0x67: {  	_ =	swait.ge [sflag:s3], $0x800  }
0x68: {  	[sflag:s3] =	ssyncset.done $0x0  }
0x69: {  	[sflag:s3] =	ssyncadd.s32 $0xFFFFF800  }
0x6a: {  	[tilespmem:s2], [sflag:$0x1] =	stream.indirect.gather [hbm4b:s5+s7], $0x10, s12, s7, $0xb8;
	[tilespmem:$0x8800] =	vst v63  }
0x6b: {  	s13 =	simm.s32 $0x1000  }
0x6c: {  	[tilespmem:s13], [sflag:$0x1] =	stream.indirect.gather [hbm4b:s5+s7], $0x10, s7, s7, $0xb8;
	[tilespmem:$0x8800] =	vst v63  }
0x6d: {  	s12 =	simm.s32 $0x100;
	s13 =	simm.s32 $0x1800  }
0x6e: {  	[tilespmem:s13], [sflag:$0x1] =	stream.indirect.gather [hbm4b:s5+s7], $0x10, s12, s7, $0xb8;
	[tilespmem:$0x8800] =	vst v63  }
0x6f: {  	s12 =	simm.s32 $0x180;
	s13 =	simm.s32 $0x2000  }
0x70: {  	[tilespmem:s13], [sflag:$0x1] =	stream.indirect.gather [hbm4b:s5+s7], $0x10, s12, s7, $0xb8;
	[tilespmem:$0x8800] =	vst v63  }
0x71: {  	s13 =	simm.s32 $0x200  }
0x72: {  	[tilespmem:s26], [sflag:$0x1] =	stream.indirect.gather [hbm4b:s5+s7], $0x10, s13, s7, $0xb8;
	[tilespmem:$0x8800] =	vst v63  }
0x73: {  	_ = 	snop  }
0x74: {  	[tilespmem:s29], [sflag:$0x1] =	stream.indirect.gather [hbm4b:s5+s7], $0x10, s28, s7, $0xb8;
	[tilespmem:$0x8800] =	vst v63  }
0x75: {  	_ = 	snop  }
0x76: {  	[tilespmem:s24], [sflag:$0x1] =	stream.indirect.gather [hbm4b:s5+s7], $0x10, s30, s7, $0xb8;
	[tilespmem:$0x8800] =	vst v63  }
0x77: {  	_ = 	snop  }
0x78: {  	[tilespmem:s22], [sflag:$0x1] =	stream.indirect.gather [hbm4b:s5+s7], $0x10, s31, s7, $0xb8;
	[tilespmem:$0x8800] =	vst v63  }
0x79: {  	_ = 	snop  }
0x7a: {  	[tilespmem:s20], [sflag:$0x1] =	stream.indirect.gather [hbm4b:s5+s7], $0x10, s25, s7, $0xb8;
	[tilespmem:$0x8800] =	vst v63  }
0x7b: {  	_ = 	snop  }
0x7c: {  	[tilespmem:s14], [sflag:$0x1] =	stream.indirect.gather [hbm4b:s5+s7], $0x10, s23, s7, $0xb8;
	[tilespmem:$0x8800] =	vst v63  }
0x7d: {  	_ = 	snop  }
0x7e: {  	[tilespmem:s15], [sflag:$0x1] =	stream.indirect.gather [hbm4b:s5+s7], $0x10, s21, s7, $0xb8;
	[tilespmem:$0x8800] =	vst v63  }
0x7f: {  	_ = 	snop  }
0x80: {  	[tilespmem:s17], [sflag:$0x1] =	stream.indirect.gather [hbm4b:s5+s7], $0x10, s16, s7, $0xb8;
	[tilespmem:$0x8800] =	vst v63  }
0x81: {  	_ = 	snop  }
0x82: {  	[tilespmem:s19], [sflag:$0x1] =	stream.indirect.gather [hbm4b:s5+s7], $0x10, s18, s7, $0xb8;
	[tilespmem:$0x8800] =	vst v63  }
0x83: {  	_ = 	snop  }
0x84: {  	[tilespmem:s1], [sflag:$0x1] =	stream.indirect.gather [hbm4b:s5+s7], $0x10, s4, s7, $0xb8;
	[tilespmem:$0x8800] =	vst v63  }
0x85: {  	_ = 	snop  }
0x86: {  	[tilespmem:s10], [sflag:$0x1] =	stream.indirect.gather [hbm4b:s5+s7], $0x10, s8, s7, $0xb8;
	[tilespmem:$0x8800] =	vst v63  }
0x87: {  	_ = 	snop  }
0x88: {  	[tilespmem:s11], [sflag:$0x1] =	stream.indirect.gather [hbm4b:s5+s7], $0x10, s9, s7, $0xb8;
	[tilespmem:$0x8800] =	vst v63  }
0x89: {  	_ =	swait.ge [sflag:s6], $0x800  }
0x8a: {  	[sflag:s6] =	ssyncset.done $0x0  }
0x8b: {  	[sflag:s6] =	ssyncadd.s32 $0xFFFFF800  }
0x8c: {  	_ =	swait.ge [sflag:s6], $0x800  }
0x8d: {  	[sflag:s6] =	ssyncset.done $0x0  }
0x8e: {  	[sflag:s6] =	ssyncadd.s32 $0xFFFFF800  }
0x8f: {  	_ =	swait.ge [sflag:s6], $0x800  }
0x90: {  	[sflag:s6] =	ssyncset.done $0x0  }
0x91: {  	[sflag:s6] =	ssyncadd.s32 $0xFFFFF800  }
0x92: {  	_ =	swait.ge [sflag:s6], $0x800  }
0x93: {  	[sflag:s6] =	ssyncset.done $0x0  }
0x94: {  	[sflag:s6] =	ssyncadd.s32 $0xFFFFF800  }
0x95: {  	_ =	swait.ge [sflag:s6], $0x800  }
0x96: {  	[sflag:s6] =	ssyncset.done $0x0  }
0x97: {  	[sflag:s6] =	ssyncadd.s32 $0xFFFFF800  }
0x98: {  	_ =	swait.ge [sflag:s6], $0x800  }
0x99: {  	[sflag:s6] =	ssyncset.done $0x0  }
0x9a: {  	[sflag:s6] =	ssyncadd.s32 $0xFFFFF800  }
0x9b: {  	_ =	swait.ge [sflag:s6], $0x800  }
0x9c: {  	[sflag:s6] =	ssyncset.done $0x0  }
0x9d: {  	[sflag:s6] =	ssyncadd.s32 $0xFFFFF800  }
0x9e: {  	_ =	swait.ge [sflag:s6], $0x800  }
0x9f: {  	[sflag:s6] =	ssyncset.done $0x0  }
0xa0: {  	[sflag:s6] =	ssyncadd.s32 $0xFFFFF800  }
0xa1: {  	_ =	swait.ge [sflag:s6], $0x800  }
0xa2: {  	[sflag:s6] =	ssyncset.done $0x0  }
0xa3: {  	[sflag:s6] =	ssyncadd.s32 $0xFFFFF800  }
0xa4: {  	_ =	swait.ge [sflag:s6], $0x800  }
0xa5: {  	[sflag:s6] =	ssyncset.done $0x0  }
0xa6: {  	[sflag:s6] =	ssyncadd.s32 $0xFFFFF800  }
0xa7: {  	_ =	swait.ge [sflag:s6], $0x800  }
0xa8: {  	[sflag:s6] =	ssyncset.done $0x0  }
0xa9: {  	[sflag:s6] =	ssyncadd.s32 $0xFFFFF800  }
0xaa: {  	_ =	swait.ge [sflag:s6], $0x800  }
0xab: {  	[sflag:s6] =	ssyncset.done $0x0  }
0xac: {  	[sflag:s6] =	ssyncadd.s32 $0xFFFFF800  }
0xad: {  	_ =	swait.ge [sflag:s6], $0x800  }
0xae: {  	[sflag:s6] =	ssyncset.done $0x0  }
0xaf: {  	[sflag:s6] =	ssyncadd.s32 $0xFFFFF800  }
0xb0: {  	_ =	swait.ge [sflag:s6], $0x800  }
0xb1: {  	[sflag:s6] =	ssyncset.done $0x0  }
0xb2: {  	[sflag:s6] =	ssyncadd.s32 $0xFFFFF800  }
0xb3: {  	_ =	swait.ge [sflag:s6], $0x800  }
0xb4: {  	[sflag:s6] =	ssyncset.done $0x0  }
0xb5: {  	[sflag:s6] =	ssyncadd.s32 $0xFFFFF800  }
0xb6: {  	p1 =	sne.s32 s0, $0x1;
	_ =	swait.ge [sflag:s6], $0x800  }
.Ltmp1:
0xb7: {  	s2 =	simm.s32 $0x0;
	[sflag:s6] =	ssyncset.done $0x0;
	(pc) =	sbr.rel @!p1 .LBB2_4-.Ltmp1, $4  }
0xb8: {  	s4 =	simm.s32 $0x800;
	s31 =	rddreg [dreg:$0x6];
	[sflag:s6] =	ssyncadd.s32 $0xFFFFF800  }
0xb9: {  	[hbm4b:s31+s2] =	stream.linear.scatter [tilespmem:s4], [sflag:$0x2], $0x8000, $0x38;
	[tilespmem:$0x8800] =	vst v63  }
0xba: {  	p0 =	por $0x1, $0x1;
	_ =	swait.ge [sflag:s3], $0x8000  }
0xbb: {  	s12 =	sadd.s32 $0xFFFFFFFF, s0;
	s13 =	rddreg [dreg:$0x3];
	[sflag:s3] =	ssyncset.done $0x0  }
0xbc: {  	s20 =	simm.s32 $0x1000;
	s21 =	simm.s32 $0x100;
	s22 =	simm.s32 $0x1800  }
0xbd: {  	s23 =	simm.s32 $0x180;
	s24 =	simm.s32 $0x2000;
	s25 =	simm.s32 $0x200  }
0xbe: {  	s26 =	simm.s32 $0x2800;
	s28 =	simm.s32 $0x280;
	s29 =	simm.s32 $0x3000  }
0xbf: {  	s30 =	simm.s32 $0x300;
	s31 =	simm.s32 $0x380;
	s8 =	simm.s32 $0x4000  }
0xc0: {  	s9 =	simm.s32 $0x4800;
	s11 =	simm.s32 $0x5000;
	s15 =	simm.s32 $0x5800  }
0xc1: {  	s16 =	simm.s32 $0x580;
	s17 =	simm.s32 $0x6000;
	s18 =	simm.s32 $0x600  }
0xc2: {  	s19 =	simm.s32 $0x6800;
	s1 =	simm.s32 $0x7000;
	s14 =	simm.s32 $0x8000  }
.LBB2_3:
0xc3: {  	[sflag:s3] =	ssyncadd.s32 $0xFFFF8000  }
0xc4: {  	[tilespmem:s2], [sflag:$0x2] =	stream.linear.gather [hbm4b:s13+s2], $0x800, $0x38;
	[tilespmem:$0x8800] =	vst v63  }
0xc5: {  	_ =	swait.ge [sflag:s3], $0x800  }
0xc6: {  	[sflag:s3] =	ssyncset.done $0x0  }
0xc7: {  	[sflag:s3] =	ssyncadd.s32 $0xFFFFF800  }
0xc8: {  	[tilespmem:s4], [sflag:$0x1] =	stream.indirect.gather [hbm4b:s5+s7], $0x10, s2, s7, $0xb8;
	[tilespmem:$0x8800] =	vst v63  }
0xc9: {  	_ = 	snop  }
0xca: {  	[tilespmem:s20], [sflag:$0x1] =	stream.indirect.gather [hbm4b:s5+s7], $0x10, s7, s7, $0xb8;
	[tilespmem:$0x8800] =	vst v63  }
0xcb: {  	_ = 	snop  }
0xcc: {  	[tilespmem:s22], [sflag:$0x1] =	stream.indirect.gather [hbm4b:s5+s7], $0x10, s21, s7, $0xb8;
	[tilespmem:$0x8800] =	vst v63  }
0xcd: {  	_ = 	snop  }
0xce: {  	[tilespmem:s24], [sflag:$0x1] =	stream.indirect.gather [hbm4b:s5+s7], $0x10, s23, s7, $0xb8;
	[tilespmem:$0x8800] =	vst v63  }
0xcf: {  	_ = 	snop  }
0xd0: {  	[tilespmem:s26], [sflag:$0x1] =	stream.indirect.gather [hbm4b:s5+s7], $0x10, s25, s7, $0xb8;
	[tilespmem:$0x8800] =	vst v63  }
0xd1: {  	_ = 	snop  }
0xd2: {  	[tilespmem:s29], [sflag:$0x1] =	stream.indirect.gather [hbm4b:s5+s7], $0x10, s28, s7, $0xb8;
	[tilespmem:$0x8800] =	vst v63  }
0xd3: {  	s4 =	simm.s32 $0x3800  }
0xd4: {  	[tilespmem:s4], [sflag:$0x1] =	stream.indirect.gather [hbm4b:s5+s7], $0x10, s30, s7, $0xb8;
	[tilespmem:$0x8800] =	vst v63  }
0xd5: {  	_ = 	snop  }
0xd6: {  	[tilespmem:s8], [sflag:$0x1] =	stream.indirect.gather [hbm4b:s5+s7], $0x10, s31, s7, $0xb8;
	[tilespmem:$0x8800] =	vst v63  }
0xd7: {  	s0 =	simm.s32 $0x400  }
0xd8: {  	[tilespmem:s9], [sflag:$0x1] =	stream.indirect.gather [hbm4b:s5+s7], $0x10, s0, s7, $0xb8;
	[tilespmem:$0x8800] =	vst v63  }
0xd9: {  	s2 =	simm.s32 $0x480  }
0xda: {  	[tilespmem:s11], [sflag:$0x1] =	stream.indirect.gather [hbm4b:s5+s7], $0x10, s2, s7, $0xb8;
	[tilespmem:$0x8800] =	vst v63  }
0xdb: {  	s10 =	simm.s32 $0x500  }
0xdc: {  	[tilespmem:s15], [sflag:$0x1] =	stream.indirect.gather [hbm4b:s5+s7], $0x10, s10, s7, $0xb8;
	[tilespmem:$0x8800] =	vst v63  }
0xdd: {  	_ = 	snop  }
0xde: {  	[tilespmem:s17], [sflag:$0x1] =	stream.indirect.gather [hbm4b:s5+s7], $0x10, s16, s7, $0xb8;
	[tilespmem:$0x8800] =	vst v63  }
0xdf: {  	_ = 	snop  }
0xe0: {  	[tilespmem:s19], [sflag:$0x1] =	stream.indirect.gather [hbm4b:s5+s7], $0x10, s18, s7, $0xb8;
	[tilespmem:$0x8800] =	vst v63  }
0xe1: {  	s10 =	simm.s32 $0x680  }
0xe2: {  	[tilespmem:s1], [sflag:$0x1] =	stream.indirect.gather [hbm4b:s5+s7], $0x10, s10, s7, $0xb8;
	[tilespmem:$0x8800] =	vst v63  }
0xe3: {  	s13 =	simm.s32 $0x700;
	s10 =	simm.s32 $0x7800  }
0xe4: {  	[tilespmem:s10], [sflag:$0x1] =	stream.indirect.gather [hbm4b:s5+s7], $0x10, s13, s7, $0xb8;
	[tilespmem:$0x8800] =	vst v63  }
0xe5: {  	s13 =	simm.s32 $0x780  }
0xe6: {  	[tilespmem:s14], [sflag:$0x1] =	stream.indirect.gather [hbm4b:s5+s7], $0x10, s13, s7, $0xb8;
	[tilespmem:$0x8800] =	vst v63  }
0xe7: {  	_ =	swait.ge [sflag:s6], $0x800  }
0xe8: {  	[sflag:s6] =	ssyncset.done $0x0  }
0xe9: {  	[sflag:s6] =	ssyncadd.s32 $0xFFFFF800  }
0xea: {  	_ =	swait.ge [sflag:s6], $0x800  }
0xeb: {  	[sflag:s6] =	ssyncset.done $0x0  }
0xec: {  	[sflag:s6] =	ssyncadd.s32 $0xFFFFF800  }
0xed: {  	_ =	swait.ge [sflag:s6], $0x800  }
0xee: {  	[sflag:s6] =	ssyncset.done $0x0  }
0xef: {  	[sflag:s6] =	ssyncadd.s32 $0xFFFFF800  }
0xf0: {  	_ =	swait.ge [sflag:s6], $0x800  }
0xf1: {  	[sflag:s6] =	ssyncset.done $0x0  }
0xf2: {  	[sflag:s6] =	ssyncadd.s32 $0xFFFFF800  }
0xf3: {  	_ =	swait.ge [sflag:s6], $0x800  }
0xf4: {  	[sflag:s6] =	ssyncset.done $0x0  }
0xf5: {  	[sflag:s6] =	ssyncadd.s32 $0xFFFFF800  }
0xf6: {  	_ =	swait.ge [sflag:s6], $0x800  }
0xf7: {  	[sflag:s6] =	ssyncset.done $0x0  }
0xf8: {  	[sflag:s6] =	ssyncadd.s32 $0xFFFFF800  }
0xf9: {  	_ =	swait.ge [sflag:s6], $0x800  }
0xfa: {  	[sflag:s6] =	ssyncset.done $0x0  }
0xfb: {  	[sflag:s6] =	ssyncadd.s32 $0xFFFFF800  }
0xfc: {  	_ =	swait.ge [sflag:s6], $0x800  }
0xfd: {  	[sflag:s6] =	ssyncset.done $0x0  }
0xfe: {  	[sflag:s6] =	ssyncadd.s32 $0xFFFFF800  }
0xff: {  	_ =	swait.ge [sflag:s6], $0x800  }
0x100: {  	[sflag:s6] =	ssyncset.done $0x0  }
0x101: {  	[sflag:s6] =	ssyncadd.s32 $0xFFFFF800  }
0x102: {  	_ =	swait.ge [sflag:s6], $0x800  }
0x103: {  	[sflag:s6] =	ssyncset.done $0x0  }
0x104: {  	[sflag:s6] =	ssyncadd.s32 $0xFFFFF800  }
0x105: {  	_ =	swait.ge [sflag:s6], $0x800  }
0x106: {  	[sflag:s6] =	ssyncset.done $0x0  }
0x107: {  	[sflag:s6] =	ssyncadd.s32 $0xFFFFF800  }
0x108: {  	_ =	swait.ge [sflag:s6], $0x800  }
0x109: {  	[sflag:s6] =	ssyncset.done $0x0  }
0x10a: {  	[sflag:s6] =	ssyncadd.s32 $0xFFFFF800  }
0x10b: {  	_ =	swait.ge [sflag:s6], $0x800  }
0x10c: {  	[sflag:s6] =	ssyncset.done $0x0  }
0x10d: {  	[sflag:s6] =	ssyncadd.s32 $0xFFFFF800  }
0x10e: {  	_ =	swait.ge [sflag:s6], $0x800  }
0x10f: {  	[sflag:s6] =	ssyncset.done $0x0  }
0x110: {  	[sflag:s6] =	ssyncadd.s32 $0xFFFFF800  }
0x111: {  	_ =	swait.ge [sflag:s6], $0x800  }
0x112: {  	[sflag:s6] =	ssyncset.done $0x0  }
0x113: {  	[sflag:s6] =	ssyncadd.s32 $0xFFFFF800  }
0x114: {  	_ =	swait.ge [sflag:s6], $0x800  }
0x115: {  	s0 =	simm.s32 $0x0;
	[sflag:s6] =	ssyncset.done $0x0  }
0x116: {  	s2 =	simm.s32 $0x800;
	s13 =	rddreg [dreg:$0x4];
	[sflag:s6] =	ssyncadd.s32 $0xFFFFF800  }
0x117: {  	[hbm4b:s13+s0] =	stream.linear.scatter [tilespmem:s2], [sflag:$0x2], $0x8000, $0x38;
	[tilespmem:$0x8800] =	vst v63  }
0x118: {  	_ =	swait.ge [sflag:s3], $0x8000  }
0x119: {  	[sflag:s3] =	ssyncset.done $0x0  }
0x11a: {  	s13 =	rddreg [dreg:$0x5];
	[sflag:s3] =	ssyncadd.s32 $0xFFFF8000  }
0x11b: {  	[tilespmem:s0], [sflag:$0x2] =	stream.linear.gather [hbm4b:s13+s0], $0x800, $0x38;
	[tilespmem:$0x8800] =	vst v63  }
0x11c: {  	_ =	swait.ge [sflag:s3], $0x800  }
0x11d: {  	[sflag:s3] =	ssyncset.done $0x0  }
0x11e: {  	[sflag:s3] =	ssyncadd.s32 $0xFFFFF800  }
0x11f: {  	[tilespmem:s2], [sflag:$0x1] =	stream.indirect.gather [hbm4b:s5+s7], $0x10, s0, s7, $0xb8;
	[tilespmem:$0x8800] =	vst v63  }
0x120: {  	_ = 	snop  }
0x121: {  	[tilespmem:s20], [sflag:$0x1] =	stream.indirect.gather [hbm4b:s5+s7], $0x10, s7, s7, $0xb8;
	[tilespmem:$0x8800] =	vst v63  }
0x122: {  	_ = 	snop  }
0x123: {  	[tilespmem:s22], [sflag:$0x1] =	stream.indirect.gather [hbm4b:s5+s7], $0x10, s21, s7, $0xb8;
	[tilespmem:$0x8800] =	vst v63  }
0x124: {  	_ = 	snop  }
0x125: {  	[tilespmem:s24], [sflag:$0x1] =	stream.indirect.gather [hbm4b:s5+s7], $0x10, s23, s7, $0xb8;
	[tilespmem:$0x8800] =	vst v63  }
0x126: {  	_ = 	snop  }
0x127: {  	[tilespmem:s26], [sflag:$0x1] =	stream.indirect.gather [hbm4b:s5+s7], $0x10, s25, s7, $0xb8;
	[tilespmem:$0x8800] =	vst v63  }
0x128: {  	_ = 	snop  }
0x129: {  	[tilespmem:s29], [sflag:$0x1] =	stream.indirect.gather [hbm4b:s5+s7], $0x10, s28, s7, $0xb8;
	[tilespmem:$0x8800] =	vst v63  }
0x12a: {  	_ = 	snop  }
0x12b: {  	[tilespmem:s4], [sflag:$0x1] =	stream.indirect.gather [hbm4b:s5+s7], $0x10, s30, s7, $0xb8;
	[tilespmem:$0x8800] =	vst v63  }
0x12c: {  	_ = 	snop  }
0x12d: {  	[tilespmem:s8], [sflag:$0x1] =	stream.indirect.gather [hbm4b:s5+s7], $0x10, s31, s7, $0xb8;
	[tilespmem:$0x8800] =	vst v63  }
0x12e: {  	s13 =	simm.s32 $0x400  }
0x12f: {  	[tilespmem:s9], [sflag:$0x1] =	stream.indirect.gather [hbm4b:s5+s7], $0x10, s13, s7, $0xb8;
	[tilespmem:$0x8800] =	vst v63  }
0x130: {  	s4 =	simm.s32 $0x480  }
0x131: {  	[tilespmem:s11], [sflag:$0x1] =	stream.indirect.gather [hbm4b:s5+s7], $0x10, s4, s7, $0xb8;
	[tilespmem:$0x8800] =	vst v63  }
0x132: {  	s13 =	simm.s32 $0x500  }
0x133: {  	[tilespmem:s15], [sflag:$0x1] =	stream.indirect.gather [hbm4b:s5+s7], $0x10, s13, s7, $0xb8;
	[tilespmem:$0x8800] =	vst v63  }
0x134: {  	_ = 	snop  }
0x135: {  	[tilespmem:s17], [sflag:$0x1] =	stream.indirect.gather [hbm4b:s5+s7], $0x10, s16, s7, $0xb8;
	[tilespmem:$0x8800] =	vst v63  }
0x136: {  	_ = 	snop  }
0x137: {  	[tilespmem:s19], [sflag:$0x1] =	stream.indirect.gather [hbm4b:s5+s7], $0x10, s18, s7, $0xb8;
	[tilespmem:$0x8800] =	vst v63  }
0x138: {  	s4 =	simm.s32 $0x680  }
0x139: {  	[tilespmem:s1], [sflag:$0x1] =	stream.indirect.gather [hbm4b:s5+s7], $0x10, s4, s7, $0xb8;
	[tilespmem:$0x8800] =	vst v63  }
0x13a: {  	s13 =	simm.s32 $0x700  }
0x13b: {  	[tilespmem:s10], [sflag:$0x1] =	stream.indirect.gather [hbm4b:s5+s7], $0x10, s13, s7, $0xb8;
	[tilespmem:$0x8800] =	vst v63  }
0x13c: {  	s13 =	simm.s32 $0x780  }
0x13d: {  	[tilespmem:s14], [sflag:$0x1] =	stream.indirect.gather [hbm4b:s5+s7], $0x10, s13, s7, $0xb8;
	[tilespmem:$0x8800] =	vst v63  }
0x13e: {  	_ =	swait.ge [sflag:s6], $0x800  }
0x13f: {  	[sflag:s6] =	ssyncset.done $0x0  }
0x140: {  	[sflag:s6] =	ssyncadd.s32 $0xFFFFF800  }
0x141: {  	_ =	swait.ge [sflag:s6], $0x800  }
0x142: {  	[sflag:s6] =	ssyncset.done $0x0  }
0x143: {  	[sflag:s6] =	ssyncadd.s32 $0xFFFFF800  }
0x144: {  	_ =	swait.ge [sflag:s6], $0x800  }
0x145: {  	[sflag:s6] =	ssyncset.done $0x0  }
0x146: {  	[sflag:s6] =	ssyncadd.s32 $0xFFFFF800  }
0x147: {  	_ =	swait.ge [sflag:s6], $0x800  }
0x148: {  	[sflag:s6] =	ssyncset.done $0x0  }
0x149: {  	[sflag:s6] =	ssyncadd.s32 $0xFFFFF800  }
0x14a: {  	_ =	swait.ge [sflag:s6], $0x800  }
0x14b: {  	[sflag:s6] =	ssyncset.done $0x0  }
0x14c: {  	[sflag:s6] =	ssyncadd.s32 $0xFFFFF800  }
0x14d: {  	_ =	swait.ge [sflag:s6], $0x800  }
0x14e: {  	[sflag:s6] =	ssyncset.done $0x0  }
0x14f: {  	[sflag:s6] =	ssyncadd.s32 $0xFFFFF800  }
0x150: {  	_ =	swait.ge [sflag:s6], $0x800  }
0x151: {  	[sflag:s6] =	ssyncset.done $0x0  }
0x152: {  	[sflag:s6] =	ssyncadd.s32 $0xFFFFF800  }
0x153: {  	_ =	swait.ge [sflag:s6], $0x800  }
0x154: {  	[sflag:s6] =	ssyncset.done $0x0  }
0x155: {  	[sflag:s6] =	ssyncadd.s32 $0xFFFFF800  }
0x156: {  	_ =	swait.ge [sflag:s6], $0x800  }
0x157: {  	[sflag:s6] =	ssyncset.done $0x0  }
0x158: {  	[sflag:s6] =	ssyncadd.s32 $0xFFFFF800  }
0x159: {  	_ =	swait.ge [sflag:s6], $0x800  }
0x15a: {  	[sflag:s6] =	ssyncset.done $0x0  }
0x15b: {  	[sflag:s6] =	ssyncadd.s32 $0xFFFFF800  }
0x15c: {  	_ =	swait.ge [sflag:s6], $0x800  }
0x15d: {  	[sflag:s6] =	ssyncset.done $0x0  }
0x15e: {  	[sflag:s6] =	ssyncadd.s32 $0xFFFFF800  }
0x15f: {  	_ =	swait.ge [sflag:s6], $0x800  }
0x160: {  	[sflag:s6] =	ssyncset.done $0x0  }
0x161: {  	[sflag:s6] =	ssyncadd.s32 $0xFFFFF800  }
0x162: {  	_ =	swait.ge [sflag:s6], $0x800  }
0x163: {  	[sflag:s6] =	ssyncset.done $0x0  }
0x164: {  	[sflag:s6] =	ssyncadd.s32 $0xFFFFF800  }
0x165: {  	_ =	swait.ge [sflag:s6], $0x800  }
0x166: {  	[sflag:s6] =	ssyncset.done $0x0  }
0x167: {  	[sflag:s6] =	ssyncadd.s32 $0xFFFFF800  }
0x168: {  	_ =	swait.ge [sflag:s6], $0x800  }
0x169: {  	[sflag:s6] =	ssyncset.done $0x0  }
0x16a: {  	[sflag:s6] =	ssyncadd.s32 $0xFFFFF800  }
0x16b: {  	p1 =	sne.s32 s12, $0x1;
	_ =	swait.ge [sflag:s6], $0x800  }
.Ltmp2:
0x16c: {  	s2 =	simm.s32 $0x0;
	[sflag:s6] =	ssyncset.done $0x0;
	(pc) =	sbr.rel @p1 .LBB2_3-.Ltmp2, $4  }
0x16d: {  	s4 =	simm.s32 $0x800;
	s10 =	rddreg [dreg:$0x6];
	[sflag:s6] =	ssyncadd.s32 $0xFFFFF800  }
0x16e: {  	[hbm4b:s10+s2] =	stream.linear.scatter [tilespmem:s4], [sflag:$0x2], $0x8000, $0x38;
	[tilespmem:$0x8800] =	vst v63  }
0x16f: {  	_ =	swait.ge [sflag:s3], $0x8000  }
0x170: {  	s12 =	sadd.s32 $0xFFFFFFFF, s12;
	s13 =	rddreg [dreg:$0x3];
	[sflag:s3] =	ssyncset.done $0x0  }
.LBB2_4:
0x171: {  	[sflag:s3] =	ssyncadd.s32 @p0 $0xFFFF8000  }
0x172: {  	[tilespmem:s2], [sflag:$0x2] =	stream.linear.gather [hbm4b:s13+s2], $0x800, $0x38;
	[tilespmem:$0x8800] =	vst v63  }
0x173: {  	_ =	swait.ge [sflag:s3], $0x800  }
0x174: {  	[sflag:s3] =	ssyncset.done $0x0  }
0x175: {  	[sflag:s3] =	ssyncadd.s32 $0xFFFFF800  }
0x176: {  	[tilespmem:s4], [sflag:$0x1] =	stream.indirect.gather [hbm4b:s5+s7], $0x10, s2, s7, $0xb8;
	[tilespmem:$0x8800] =	vst v63  }
0x177: {  	s0 =	simm.s32 $0x1000  }
0x178: {  	[tilespmem:s0], [sflag:$0x1] =	stream.indirect.gather [hbm4b:s5+s7], $0x10, s7, s7, $0xb8;
	[tilespmem:$0x8800] =	vst v63  }
0x179: {  	s14 =	simm.s32 $0x100;
	s18 =	simm.s32 $0x1800  }
0x17a: {  	[tilespmem:s18], [sflag:$0x1] =	stream.indirect.gather [hbm4b:s5+s7], $0x10, s14, s7, $0xb8;
	[tilespmem:$0x8800] =	vst v63  }
0x17b: {  	s15 =	simm.s32 $0x180;
	s20 =	simm.s32 $0x2000  }
0x17c: {  	[tilespmem:s20], [sflag:$0x1] =	stream.indirect.gather [hbm4b:s5+s7], $0x10, s15, s7, $0xb8;
	[tilespmem:$0x8800] =	vst v63  }
0x17d: {  	s16 =	simm.s32 $0x200;
	s19 =	simm.s32 $0x2800  }
0x17e: {  	[tilespmem:s19], [sflag:$0x1] =	stream.indirect.gather [hbm4b:s5+s7], $0x10, s16, s7, $0xb8;
	[tilespmem:$0x8800] =	vst v63  }
0x17f: {  	s17 =	simm.s32 $0x280;
	s21 =	simm.s32 $0x3000  }
0x180: {  	[tilespmem:s21], [sflag:$0x1] =	stream.indirect.gather [hbm4b:s5+s7], $0x10, s17, s7, $0xb8;
	[tilespmem:$0x8800] =	vst v63  }
0x181: {  	s22 =	simm.s32 $0x300;
	s23 =	simm.s32 $0x3800  }
0x182: {  	[tilespmem:s23], [sflag:$0x1] =	stream.indirect.gather [hbm4b:s5+s7], $0x10, s22, s7, $0xb8;
	[tilespmem:$0x8800] =	vst v63  }
0x183: {  	s24 =	simm.s32 $0x380;
	s25 =	simm.s32 $0x4000  }
0x184: {  	[tilespmem:s25], [sflag:$0x1] =	stream.indirect.gather [hbm4b:s5+s7], $0x10, s24, s7, $0xb8;
	[tilespmem:$0x8800] =	vst v63  }
0x185: {  	s26 =	simm.s32 $0x400;
	s28 =	simm.s32 $0x4800  }
0x186: {  	[tilespmem:s28], [sflag:$0x1] =	stream.indirect.gather [hbm4b:s5+s7], $0x10, s26, s7, $0xb8;
	[tilespmem:$0x8800] =	vst v63  }
0x187: {  	s29 =	simm.s32 $0x480;
	s17 =	simm.s32 $0x5000  }
0x188: {  	[tilespmem:s17], [sflag:$0x1] =	stream.indirect.gather [hbm4b:s5+s7], $0x10, s29, s7, $0xb8;
	[tilespmem:$0x8800] =	vst v63  }
0x189: {  	s30 =	simm.s32 $0x500;
	s15 =	simm.s32 $0x5800  }
0x18a: {  	[tilespmem:s15], [sflag:$0x1] =	stream.indirect.gather [hbm4b:s5+s7], $0x10, s30, s7, $0xb8;
	[tilespmem:$0x8800] =	vst v63  }
0x18b: {  	s13 =	simm.s32 $0x6000;
	s16 =	simm.s32 $0x580  }
0x18c: {  	[tilespmem:s13], [sflag:$0x1] =	stream.indirect.gather [hbm4b:s5+s7], $0x10, s16, s7, $0xb8;
	[tilespmem:$0x8800] =	vst v63  }
0x18d: {  	s11 =	simm.s32 $0x6800;
	s14 =	simm.s32 $0x600  }
0x18e: {  	[tilespmem:s11], [sflag:$0x1] =	stream.indirect.gather [hbm4b:s5+s7], $0x10, s14, s7, $0xb8;
	[tilespmem:$0x8800] =	vst v63  }
0x18f: {  	s31 =	simm.s32 $0x680;
	s9 =	simm.s32 $0x7000  }
0x190: {  	[tilespmem:s9], [sflag:$0x1] =	stream.indirect.gather [hbm4b:s5+s7], $0x10, s31, s7, $0xb8;
	[tilespmem:$0x8800] =	vst v63  }
0x191: {  	s10 =	simm.s32 $0x700;
	s1 =	simm.s32 $0x7800  }
0x192: {  	[tilespmem:s1], [sflag:$0x1] =	stream.indirect.gather [hbm4b:s5+s7], $0x10, s10, s7, $0xb8;
	[tilespmem:$0x8800] =	vst v63  }
0x193: {  	s8 =	simm.s32 $0x780;
	s0 =	simm.s32 $0x8000  }
0x194: {  	[tilespmem:s0], [sflag:$0x1] =	stream.indirect.gather [hbm4b:s5+s7], $0x10, s8, s7, $0xb8;
	[tilespmem:$0x8800] =	vst v63  }
0x195: {  	_ =	swait.ge [sflag:s6], $0x800  }
0x196: {  	[sflag:s6] =	ssyncset.done $0x0  }
0x197: {  	[sflag:s6] =	ssyncadd.s32 $0xFFFFF800  }
0x198: {  	_ =	swait.ge [sflag:s6], $0x800  }
0x199: {  	[sflag:s6] =	ssyncset.done $0x0  }
0x19a: {  	[sflag:s6] =	ssyncadd.s32 $0xFFFFF800  }
0x19b: {  	_ =	swait.ge [sflag:s6], $0x800  }
0x19c: {  	[sflag:s6] =	ssyncset.done $0x0  }
0x19d: {  	[sflag:s6] =	ssyncadd.s32 $0xFFFFF800  }
0x19e: {  	_ =	swait.ge [sflag:s6], $0x800  }
0x19f: {  	[sflag:s6] =	ssyncset.done $0x0  }
0x1a0: {  	[sflag:s6] =	ssyncadd.s32 $0xFFFFF800  }
0x1a1: {  	_ =	swait.ge [sflag:s6], $0x800  }
0x1a2: {  	[sflag:s6] =	ssyncset.done $0x0  }
0x1a3: {  	[sflag:s6] =	ssyncadd.s32 $0xFFFFF800  }
0x1a4: {  	_ =	swait.ge [sflag:s6], $0x800  }
0x1a5: {  	[sflag:s6] =	ssyncset.done $0x0  }
0x1a6: {  	[sflag:s6] =	ssyncadd.s32 $0xFFFFF800  }
0x1a7: {  	_ =	swait.ge [sflag:s6], $0x800  }
0x1a8: {  	[sflag:s6] =	ssyncset.done $0x0  }
0x1a9: {  	[sflag:s6] =	ssyncadd.s32 $0xFFFFF800  }
0x1aa: {  	_ =	swait.ge [sflag:s6], $0x800  }
0x1ab: {  	[sflag:s6] =	ssyncset.done $0x0  }
0x1ac: {  	[sflag:s6] =	ssyncadd.s32 $0xFFFFF800  }
0x1ad: {  	_ =	swait.ge [sflag:s6], $0x800  }
0x1ae: {  	[sflag:s6] =	ssyncset.done $0x0  }
0x1af: {  	[sflag:s6] =	ssyncadd.s32 $0xFFFFF800  }
0x1b0: {  	_ =	swait.ge [sflag:s6], $0x800  }
0x1b1: {  	[sflag:s6] =	ssyncset.done $0x0  }
0x1b2: {  	[sflag:s6] =	ssyncadd.s32 $0xFFFFF800  }
0x1b3: {  	_ =	swait.ge [sflag:s6], $0x800  }
0x1b4: {  	[sflag:s6] =	ssyncset.done $0x0  }
0x1b5: {  	[sflag:s6] =	ssyncadd.s32 $0xFFFFF800  }
0x1b6: {  	_ =	swait.ge [sflag:s6], $0x800  }
0x1b7: {  	[sflag:s6] =	ssyncset.done $0x0  }
0x1b8: {  	[sflag:s6] =	ssyncadd.s32 $0xFFFFF800  }
0x1b9: {  	_ =	swait.ge [sflag:s6], $0x800  }
0x1ba: {  	[sflag:s6] =	ssyncset.done $0x0  }
0x1bb: {  	[sflag:s6] =	ssyncadd.s32 $0xFFFFF800  }
0x1bc: {  	_ =	swait.ge [sflag:s6], $0x800  }
0x1bd: {  	[sflag:s6] =	ssyncset.done $0x0  }
0x1be: {  	[sflag:s6] =	ssyncadd.s32 $0xFFFFF800  }
0x1bf: {  	_ =	swait.ge [sflag:s6], $0x800  }
0x1c0: {  	[sflag:s6] =	ssyncset.done $0x0  }
0x1c1: {  	[sflag:s6] =	ssyncadd.s32 $0xFFFFF800  }
0x1c2: {  	_ =	swait.ge [sflag:s6], $0x800  }
0x1c3: {  	[sflag:s6] =	ssyncset.done $0x0  }
0x1c4: {  	s12 =	rddreg [dreg:$0x4];
	[sflag:s6] =	ssyncadd.s32 $0xFFFFF800  }
0x1c5: {  	[hbm4b:s12+s2] =	stream.linear.scatter [tilespmem:s4], [sflag:$0x2], $0x8000, $0x38;
	[tilespmem:$0x8800] =	vst v63  }
0x1c6: {  	_ =	swait.ge [sflag:s3], $0x8000  }
0x1c7: {  	[sflag:s3] =	ssyncset.done $0x0  }
0x1c8: {  	s12 =	rddreg [dreg:$0x5];
	[sflag:s3] =	ssyncadd.s32 $0xFFFF8000  }
0x1c9: {  	[tilespmem:s2], [sflag:$0x2] =	stream.linear.gather [hbm4b:s12+s2], $0x800, $0x38;
	[tilespmem:$0x8800] =	vst v63  }
0x1ca: {  	_ =	swait.ge [sflag:s3], $0x800  }
0x1cb: {  	[sflag:s3] =	ssyncset.done $0x0  }
0x1cc: {  	[sflag:s3] =	ssyncadd.s32 $0xFFFFF800  }
0x1cd: {  	[tilespmem:s4], [sflag:$0x1] =	stream.indirect.gather [hbm4b:s5+s7], $0x10, s2, s7, $0xb8;
	[tilespmem:$0x8800] =	vst v63  }
0x1ce: {  	s12 =	simm.s32 $0x1000  }
0x1cf: {  	[tilespmem:s12], [sflag:$0x1] =	stream.indirect.gather [hbm4b:s5+s7], $0x10, s7, s7, $0xb8;
	[tilespmem:$0x8800] =	vst v63  }
0x1d0: {  	s12 =	simm.s32 $0x100  }
0x1d1: {  	[tilespmem:s18], [sflag:$0x1] =	stream.indirect.gather [hbm4b:s5+s7], $0x10, s12, s7, $0xb8;
	[tilespmem:$0x8800] =	vst v63  }
0x1d2: {  	s18 =	simm.s32 $0x180  }
0x1d3: {  	[tilespmem:s20], [sflag:$0x1] =	stream.indirect.gather [hbm4b:s5+s7], $0x10, s18, s7, $0xb8;
	[tilespmem:$0x8800] =	vst v63  }
0x1d4: {  	s18 =	simm.s32 $0x200  }
0x1d5: {  	[tilespmem:s19], [sflag:$0x1] =	stream.indirect.gather [hbm4b:s5+s7], $0x10, s18, s7, $0xb8;
	[tilespmem:$0x8800] =	vst v63  }
0x1d6: {  	s20 =	simm.s32 $0x280  }
0x1d7: {  	[tilespmem:s21], [sflag:$0x1] =	stream.indirect.gather [hbm4b:s5+s7], $0x10, s20, s7, $0xb8;
	[tilespmem:$0x8800] =	vst v63  }
0x1d8: {  	_ = 	snop  }
0x1d9: {  	[tilespmem:s23], [sflag:$0x1] =	stream.indirect.gather [hbm4b:s5+s7], $0x10, s22, s7, $0xb8;
	[tilespmem:$0x8800] =	vst v63  }
0x1da: {  	_ = 	snop  }
0x1db: {  	[tilespmem:s25], [sflag:$0x1] =	stream.indirect.gather [hbm4b:s5+s7], $0x10, s24, s7, $0xb8;
	[tilespmem:$0x8800] =	vst v63  }
0x1dc: {  	_ = 	snop  }
0x1dd: {  	[tilespmem:s28], [sflag:$0x1] =	stream.indirect.gather [hbm4b:s5+s7], $0x10, s26, s7, $0xb8;
	[tilespmem:$0x8800] =	vst v63  }
0x1de: {  	_ = 	snop  }
0x1df: {  	[tilespmem:s17], [sflag:$0x1] =	stream.indirect.gather [hbm4b:s5+s7], $0x10, s29, s7, $0xb8;
	[tilespmem:$0x8800] =	vst v63  }
0x1e0: {  	_ = 	snop  }
0x1e1: {  	[tilespmem:s15], [sflag:$0x1] =	stream.indirect.gather [hbm4b:s5+s7], $0x10, s30, s7, $0xb8;
	[tilespmem:$0x8800] =	vst v63  }
0x1e2: {  	_ = 	snop  }
0x1e3: {  	[tilespmem:s13], [sflag:$0x1] =	stream.indirect.gather [hbm4b:s5+s7], $0x10, s16, s7, $0xb8;
	[tilespmem:$0x8800] =	vst v63  }
0x1e4: {  	_ = 	snop  }
0x1e5: {  	[tilespmem:s11], [sflag:$0x1] =	stream.indirect.gather [hbm4b:s5+s7], $0x10, s14, s7, $0xb8;
	[tilespmem:$0x8800] =	vst v63  }
0x1e6: {  	_ = 	snop  }
0x1e7: {  	[tilespmem:s9], [sflag:$0x1] =	stream.indirect.gather [hbm4b:s5+s7], $0x10, s31, s7, $0xb8;
	[tilespmem:$0x8800] =	vst v63  }
0x1e8: {  	_ = 	snop  }
0x1e9: {  	[tilespmem:s1], [sflag:$0x1] =	stream.indirect.gather [hbm4b:s5+s7], $0x10, s10, s7, $0xb8;
	[tilespmem:$0x8800] =	vst v63  }
0x1ea: {  	_ = 	snop  }
0x1eb: {  	[tilespmem:s0], [sflag:$0x1] =	stream.indirect.gather [hbm4b:s5+s7], $0x10, s8, s7, $0xb8;
	[tilespmem:$0x8800] =	vst v63  }
0x1ec: {  	_ =	swait.ge [sflag:s6], $0x800  }
0x1ed: {  	[sflag:s6] =	ssyncset.done $0x0  }
0x1ee: {  	[sflag:s6] =	ssyncadd.s32 $0xFFFFF800  }
0x1ef: {  	_ =	swait.ge [sflag:s6], $0x800  }
0x1f0: {  	[sflag:s6] =	ssyncset.done $0x0  }
0x1f1: {  	[sflag:s6] =	ssyncadd.s32 $0xFFFFF800  }
0x1f2: {  	_ =	swait.ge [sflag:s6], $0x800  }
0x1f3: {  	[sflag:s6] =	ssyncset.done $0x0  }
0x1f4: {  	[sflag:s6] =	ssyncadd.s32 $0xFFFFF800  }
0x1f5: {  	_ =	swait.ge [sflag:s6], $0x800  }
0x1f6: {  	[sflag:s6] =	ssyncset.done $0x0  }
0x1f7: {  	[sflag:s6] =	ssyncadd.s32 $0xFFFFF800  }
0x1f8: {  	_ =	swait.ge [sflag:s6], $0x800  }
0x1f9: {  	[sflag:s6] =	ssyncset.done $0x0  }
0x1fa: {  	[sflag:s6] =	ssyncadd.s32 $0xFFFFF800  }
0x1fb: {  	_ =	swait.ge [sflag:s6], $0x800  }
0x1fc: {  	[sflag:s6] =	ssyncset.done $0x0  }
0x1fd: {  	[sflag:s6] =	ssyncadd.s32 $0xFFFFF800  }
0x1fe: {  	_ =	swait.ge [sflag:s6], $0x800  }
0x1ff: {  	[sflag:s6] =	ssyncset.done $0x0  }
0x200: {  	[sflag:s6] =	ssyncadd.s32 $0xFFFFF800  }
0x201: {  	_ =	swait.ge [sflag:s6], $0x800  }
0x202: {  	[sflag:s6] =	ssyncset.done $0x0  }
0x203: {  	[sflag:s6] =	ssyncadd.s32 $0xFFFFF800  }
0x204: {  	_ =	swait.ge [sflag:s6], $0x800  }
0x205: {  	[sflag:s6] =	ssyncset.done $0x0  }
0x206: {  	[sflag:s6] =	ssyncadd.s32 $0xFFFFF800  }
0x207: {  	_ =	swait.ge [sflag:s6], $0x800  }
0x208: {  	[sflag:s6] =	ssyncset.done $0x0  }
0x209: {  	[sflag:s6] =	ssyncadd.s32 $0xFFFFF800  }
0x20a: {  	_ =	swait.ge [sflag:s6], $0x800  }
0x20b: {  	[sflag:s6] =	ssyncset.done $0x0  }
0x20c: {  	[sflag:s6] =	ssyncadd.s32 $0xFFFFF800  }
0x20d: {  	_ =	swait.ge [sflag:s6], $0x800  }
0x20e: {  	[sflag:s6] =	ssyncset.done $0x0  }
0x20f: {  	[sflag:s6] =	ssyncadd.s32 $0xFFFFF800  }
0x210: {  	_ =	swait.ge [sflag:s6], $0x800  }
0x211: {  	[sflag:s6] =	ssyncset.done $0x0  }
0x212: {  	[sflag:s6] =	ssyncadd.s32 $0xFFFFF800  }
0x213: {  	_ =	swait.ge [sflag:s6], $0x800  }
0x214: {  	[sflag:s6] =	ssyncset.done $0x0  }
0x215: {  	[sflag:s6] =	ssyncadd.s32 $0xFFFFF800  }
0x216: {  	_ =	swait.ge [sflag:s6], $0x800  }
0x217: {  	[sflag:s6] =	ssyncset.done $0x0  }
0x218: {  	[sflag:s6] =	ssyncadd.s32 $0xFFFFF800  }
0x219: {  	_ =	swait.ge [sflag:s6], $0x800  }
0x21a: {  	[sflag:s6] =	ssyncset.done $0x0  }
0x21b: {  	s30 =	rddreg [dreg:$0x6];
	[sflag:s6] =	ssyncadd.s32 $0xFFFFF800  }
0x21c: {  	[hbm4b:s30+s2] =	stream.linear.scatter [tilespmem:s4], [sflag:$0x2], $0x8000, $0x38;
	[tilespmem:$0x8800] =	vst v63  }
0x21d: {  	_ =	swait.ge [sflag:s3], $0x8000  }
0x21e: {  	[sflag:s3] =	ssyncset.done $0x0  }
0x21f: {  	[sflag:s3] =	ssyncadd.s32 $0xFFFF8000  }
0x220: {  	_ =	sfence.sel $0x180000  }
0x221: {  	[bflag:$0x0] =	sbarrier.arrive $0xFFFF  }
0x222: {  	_ =	strace $0x9000004A  }
0x223: {  	s31 =	stileid.u32;
	[bflag:$0x2] =	sbarrier.arrive $0xFFFF  }
0x224: {  	p0 =	sne.s32 s31, $0x0;
	s0 =	rddreg [dreg:$0x2]  }
0x225: {  	s0 =	sadd.s32 @!p0 $0x100000, s0  }
0x226: {  	[sflag:s0] =	ssyncadd.tile.s32 @!p0 $0x1;
	_ =	shalt  }
.Lfunc_end2:
_tile_overlayer_lowered:
.L_overlay_start_2:
0x227: {  	(tag) =	ssettag $0x2  }
0x228: {  	s0 =	rddreg [dreg:$0x0];
	s2 =	stileid.u32  }
0x229: {  	s1 =	rddreg [dreg:$0x1];
	p0 =	sne.s32 s2, $0x0  }
0x22a: {  	s3 =	rddreg [dreg:$0x2];
	[bflag:$0x3] =	sbarrier.arrive $0xFFFF;
	s2 =	simm.s32 @!p0 $0x1C02  }
0x22b: {  	[timem:s3], [sflag:s2] =	dma.local @!p0 [hbm:s0], s1  }
0x22c: {  	s0 =	simm.s32 @!p0 $0x2  }
0x22d: {  	_ =	swait.ge @!p0 [sflag:s0], s1  }
0x22e: {  	s1 =	ssub.s32 @!p0 $0x0, s1;
	[sflag:s0] =	ssyncset.done @!p0 $0x0  }
0x22f: {  	[sflag:s0] =	ssyncadd.s32 @!p0 s1  }
0x230: {  	[bflag:$0x3] =	sbarrier.arrive $0xFFFF  }
0x231: {  	_ =	shalt  }

// kernel: kernel.8.cloned.1.call-start
scs
__scs_entry_jumppad:
0x0: {  	(pc) =	sbr.rel $0x88, $3  }
0x1: {  	(tag) =	ssettag $0x0;
	lr =	simm.s32 $0x1  }
0x2: {  	[smem:$0x3F9A] =	sst lr;
	_ =	strace $0xD0000000  }
0x3: {  	_ = 	snop  }
0x4: {  	_ = 	snop  }
0x5: {  	_ = 	snop  }
0x6: {  	_ = 	snop  }
0x7: {  	_ = 	snop  }
__scs_overlays_trampoline_lowered:
0x8: {  	[smem:$0x3FA9] =	sst s0  }
0x9: {  	[smem:$0x3FAA] =	sst s1  }
0xa: {  	[smem:$0x3FAB] =	sst s2  }
0xb: {  	[smem:$0x3FAC] =	sst s3  }
0xc: {  	[smem:$0x3FAD] =	sst s4  }
0xd: {  	[smem:$0x3FAE] =	sst s5  }
0xe: {  	[smem:$0x3FAF] =	sst s6  }
0xf: {  	[smem:$0x3FB0] =	sst s7  }
0x10: {  	[smem:$0x3FB1] =	sst s8  }
0x11: {  	[smem:$0x3FB2] =	sst s9;
	s0 =	simm.s32 @!p0 $0x0  }
0x12: {  	s1 =	sld [smem:$0x3F98];
	s0 =	simm.s32 @p0 $0x1  }
0x13: {  	[smem:$0x3FB3] =	sst s0;
	s0 =	simm.s32 @!p1 $0x0  }
0x14: {  	s2 =	sld [smem:$0x3F97];
	s0 =	simm.s32 @p1 $0x1  }
0x15: {  	[smem:$0x3FB4] =	sst s0;
	s0 =	simm.s32 @!p2 $0x0  }
0x16: {  	s3 =	sld [smem:$0x3FDB];
	s0 =	simm.s32 @p2 $0x1  }
0x17: {  	s4 =	simm.s32 $0x1BF5;
	[smem:$0x3FB6] =	sst s0  }
0x18: {  	s0 =	sld [smem:$0x3F99];
	_ =	swait.ge [sflag:s4], $0x0  }
0x19: {  	s7 =	sld [smem:$0x3F9A]  }
0x1a: {  	s8 =	sadd.s32 $0xFFFFE003, lr  }
0x1b: {  	s9 =	sadd.s32 $0xFFFFFEF7, lr;
	s5 =	simm.s32 $0xFFFFFFFF;
	p2 =	slt.u32 s8, $0xFFFFF086  }
0x1c: {  	p1 =	slt.u32 s9, $0xF7A;
	s5 =	simm.s32 @!p2 $0x0  }
0x1d: {  	s5 =	simm.s32 @p1 $0x1;
	p0 =	seq.s32 s7, s2  }
0x1e: {  	s7 =	smul.u32 @!p0 $0xF7A, s2;
	p2 =	seq.s32 @!p0 s5, $0x0  }
0x1f: {  	s9 =	smul.u32 $0xF7A, s1;
	s8 =	simm.s32 @!p0 $0x1BF5;
	p2 =	por !p2, p0  }
0x20: {  	[sflag:s8] =	ssyncset.s32 @!p0 $0xFFFFF086;
	s6 =	sadd.s32 @!p0 s3, s7;
	s7 =	simm.s32 @!p0 $0x108  }
0x21: {  	s3 =	sadd.s32 s3, s9;
	s6 =	sadd.s32 @!p0 $0x88, s6;
	s7 =	simm.s32 @p2 $0x1082  }
0x22: {  	[simem:s7], [sflag:s8] =	dma.local @!p0 [hbm:s6], $0xF7A  }
0x23: {  	s9 =	sor.u32 $0xD0000000, s2;
	s6 =	simm.s32 $0x108;
	_ =	swait.ge @!p0 [sflag:s8], $0x0  }
0x24: {  	s3 =	sadd.s32 $0x88, s3;
	s6 =	simm.s32 @!p1 $0x1082;
	[sflag:s4] =	ssyncset.s32 $0xFFFFF086  }
0x25: {  	[simem:s6], [sflag:s4] =	dma.local [hbm:s3], $0xF7A  }
0x26: {  	[smem:$0x3F9A] =	sst s1;
	(tag) =	ssettag s2;
	_ =	strace s9  }
0x27: {  	s1 =	sld [smem:$0x3FAA]  }
0x28: {  	s2 =	sld [smem:$0x3FAB]  }
0x29: {  	s4 =	sld [smem:$0x3FAD]  }
0x2a: {  	p0 =	seq.s32 s5, $0x0;
	s5 =	sld [smem:$0x3FAE]  }
0x2b: {  	s6 =	sld [smem:$0x3FAF]  }
0x2c: {  	s7 =	sld [smem:$0x3FB0]  }
0x2d: {  	s3 =	simm.s32 $0x108;
	s8 =	sld [smem:$0x3FB1]  }
0x2e: {  	s3 =	simm.s32 @!p0 $0x1082;
	s9 =	sld [smem:$0x3FB2]  }
0x2f: {  	lr =	sadd.s32 s0, s3;
	s0 =	sld [smem:$0x3FA9]  }
0x30: {  	s3 =	sld [smem:$0x3FAC]  }
0x31: {  	[smem:$0x3FB5] =	sst s10  }
0x32: {  	s10 =	sld [smem:$0x3FB3];
	_ =	sdelay $0x3  }
0x33: {  	p0 =	seq.s32 s10, $0x1;
	s10 =	sld [smem:$0x3FB5];
	_ =	sdelay $0x3  }
0x34: {  	[smem:$0x3FB5] =	sst s10  }
0x35: {  	s10 =	sld [smem:$0x3FB4];
	_ =	sdelay $0x3  }
0x36: {  	p1 =	seq.s32 s10, $0x1;
	s10 =	sld [smem:$0x3FB5];
	_ =	sdelay $0x3  }
0x37: {  	[smem:$0x3FB5] =	sst s10  }
0x38: {  	s10 =	sld [smem:$0x3FB6]  }
0x39: {  	_ = 	snop;
	(pc) =	sbr.ind lr, $3  }
0x3a: {  	_ = 	snop  }
0x3b: {  	_ = 	snop  }
0x3c: {  	p2 =	seq.s32 s10, $0x1;
	s10 =	sld [smem:$0x3FB5]  }
0x3d: {  	_ =	shalt  }
0x3e: {  	_ =	shalt  }
0x3f: {  	_ =	shalt  }
0x40: {  	_ =	shalt  }
0x41: {  	_ =	shalt  }
0x42: {  	_ =	shalt  }
0x43: {  	_ =	shalt  }
0x44: {  	_ =	shalt  }
0x45: {  	_ =	shalt  }
0x46: {  	_ =	shalt  }
0x47: {  	_ =	shalt  }
0x48: {  	_ =	shalt  }
0x49: {  	_ =	shalt  }
0x4a: {  	_ =	shalt  }
0x4b: {  	_ =	shalt  }
0x4c: {  	_ =	shalt  }
0x4d: {  	_ =	shalt  }
0x4e: {  	_ =	shalt  }
0x4f: {  	_ =	shalt  }
0x50: {  	_ =	shalt  }
0x51: {  	_ =	shalt  }
0x52: {  	_ =	shalt  }
0x53: {  	_ =	shalt  }
0x54: {  	_ =	shalt  }
0x55: {  	_ =	shalt  }
0x56: {  	_ =	shalt  }
0x57: {  	_ =	shalt  }
0x58: {  	_ =	shalt  }
0x59: {  	_ =	shalt  }
0x5a: {  	_ =	shalt  }
0x5b: {  	_ =	shalt  }
0x5c: {  	_ =	shalt  }
0x5d: {  	_ =	shalt  }
0x5e: {  	_ =	shalt  }
0x5f: {  	_ =	shalt  }
0x60: {  	_ =	shalt  }
0x61: {  	_ =	shalt  }
0x62: {  	_ =	shalt  }
0x63: {  	_ =	shalt  }
0x64: {  	_ =	shalt  }
0x65: {  	_ =	shalt  }
0x66: {  	_ =	shalt  }
0x67: {  	_ =	shalt  }
0x68: {  	_ =	shalt  }
0x69: {  	_ =	shalt  }
0x6a: {  	_ =	shalt  }
0x6b: {  	_ =	shalt  }
0x6c: {  	_ =	shalt  }
0x6d: {  	_ =	shalt  }
0x6e: {  	_ =	shalt  }
0x6f: {  	_ =	shalt  }
0x70: {  	_ =	shalt  }
0x71: {  	_ =	shalt  }
0x72: {  	_ =	shalt  }
0x73: {  	_ =	shalt  }
0x74: {  	_ =	shalt  }
0x75: {  	_ =	shalt  }
0x76: {  	_ =	shalt  }
0x77: {  	_ =	shalt  }
0x78: {  	_ =	shalt  }
0x79: {  	_ =	shalt  }
0x7a: {  	_ =	shalt  }
0x7b: {  	_ =	shalt  }
0x7c: {  	_ =	shalt  }
0x7d: {  	_ =	shalt  }
0x7e: {  	_ =	shalt  }
0x7f: {  	_ =	shalt  }
0x80: {  	_ =	shalt  }
0x81: {  	_ =	shalt  }
0x82: {  	_ =	shalt  }
0x83: {  	_ =	shalt  }
0x84: {  	_ =	shalt  }
0x85: {  	_ =	shalt  }
0x86: {  	_ =	shalt  }
0x87: {  	_ =	shalt  }
.Lfunc_end0:
.L_simem_size_0:
called_computation_lowered:
.L_overlay_start_0:
0x88: {  	s2 =	sld [smem:$0x3FD9]  }
0x89: {  	s3 =	sld [smem:$0x3FFE];
	_ =	sdelay $0x1  }
0x8a: {  	s1 =	srdreg.scid  }
0x8b: {  	s0 =	sand.u32 $0x1, s1  }
0x8c: {  	s16 =	sshll.u32 s0, $0xA;
	s2 =	sadd.s32 s3, s2  }
0x8d: {  	s2 =	sadd.s32 s2, s16  }
0x8e: {  	[smem:$0x3FC1] =	sst s2  }
0x8f: {  	_ = 	snop  }
0x90: {  	(tm) =	ssettm $0x1  }
0x91: {  	s17 =	sld [smem:$0x3FFB];
	_ =	sdelay $0x3  }
0x92: {  	_ =	strace s17  }
0x93: {  	s2 =	sld [smem:$0x3FFC];
	_ =	sdelay $0x3  }
0x94: {  	_ =	strace s2  }
0x95: {  	s2 =	sld [smem:$0x3FFD];
	_ =	sdelay $0x3  }
0x96: {  	_ =	strace s2  }
0x97: {  	_ =	strace $0x8FFFFFFF  }
0x98: {  	s18 =	sld [smem:$0x3FDB];
	_ =	sdelay $0x1  }
0x99: {  	s19 =	simm.s32 $_scs_section_size  }
0x9a: {  	s4 =	simm.s32 $_size__tile_overlayer_lowered;
	s5 =	simm.s32 $_tile_overlayer_lowered  }
0x9b: {  	s22 =	simm.s32 $0x1BFF;
	s21 =	sshll.u32 s5, $0x1;
	s2 =	sadd.s32 s19, s18  }
0x9c: {  	s6 =	simm.s32 $0x0;
	s20 =	sshll.u32 s4, $0x1;
	s4 =	sadd.s32 s21, s2  }
0x9d: {  	[timem:s6], [sflag:s22] =	dma.local [hbm:s4], s20  }
0x9e: {  	_ =	swait.ge [sflag:s22], s20  }
0x9f: {  	s3 =	ssub.s32 $0x0, s20;
	[sflag:s22] =	ssyncset.done $0x0  }
0xa0: {  	[sflag:s22] =	ssyncadd.s32 s3;
	_ =	sdelay $0x1  }
0xa1: {  	s23 =	simm.s32 $0x1B8B  }
0xa2: {  	_ =	swait.ge [sflag:s23], $0x1  }
0xa3: {  	[sflag:s23] =	ssyncset.done $0x0  }
0xa4: {  	s25 =	simm.s32 $0x1B8E;
	s24 =	sld [smem:$0x3FFE];
	[sflag:s23] =	ssyncadd.s32 $0xFFFFFFFF  }
0xa5: {  	s26 =	simm.s32 $execute0_lowered;
	[smem:$0x3FD2] =	sst s25  }
0xa6: {  	s4 =	sshll.u32 s26, $0x1;
	_ =	strace $0x80000046;
	[dreg:$0x1] =	wrdreg $0xFFFFFFFF  }
0xa7: {  	s28 =	simm.s32 $_size_execute0_lowered;
	s2 =	sadd.s32 s2, s4;
	[dreg:$0x0] =	wrdreg $0x0  }
0xa8: {  	s4 =	sshll.u32 s28, $0x1;
	[dreg:$0x2] =	wrdreg s2  }
0xa9: {  	[dreg:$0x3] =	wrdreg s4  }
0xaa: {  	[dreg:$0x4] =	wrdreg $0xC0  }
0xab: {  	_ =	task [dreg:s6], $0x5FFFF  }
0xac: {  	[dreg:$0x1] =	wrdreg $0xFFFFFFFF  }
0xad: {  	[dreg:$0x0] =	wrdreg $0x60  }
0xae: {  	[dreg:$0x2] =	wrdreg s24  }
0xaf: {  	[dreg:$0x3] =	wrdreg $0x9  }
0xb0: {  	_ =	task.clear_ibuf [dreg:s6], $0x4FFFF;
	_ =	strace $0x90000046  }
0xb1: {  	s29 =	simm.s32 $0x9;
	_ =	strace $0x80000048  }
0xb2: {  	_ =	swait.ge [sflag:s29], $0x1  }
0xb3: {  	[sflag:s29] =	ssyncadd.s32 $0xFFFFFFFF  }
0xb4: {  	_ =	strace $0x90000048  }
0xb5: {  	_ =	sfence  }
0xb6: {  	s30 =	sld [smem:$0x0];
	_ =	sdelay $0x2  }
0xb7: {  	s31 =	sshll.u32 s1, $0xD;
	s1 =	sshrl.u32 s1, $0x2  }
0xb8: {  	s3 =	sand.u32 $0x4000, s31;
	s1 =	sadd.s32 s1, s30  }
0xb9: {  	s0 =	sor.u32 s3, s0;
	s1 =	sshll.u32 s1, $0x11  }
0xba: {  	s0 =	sor.u32 s1, s0  }
0xbb: {  	s0 =	sadd.s32 $0x8F2B, s0  }
0xbc: {  	[sflag:s0] =	ssyncadd.remote.s32 $0x1  }
0xbd: {  	_ =	sfence.sel $0xFFFF  }
0xbe: {  	[dreg:$0x0] =	wrdreg $0xFFFFFFFF;
	(pc) =	sbr.abs _section_cstart, $3  }
0xbf: {  	[dreg:$0x1] =	wrdreg $0xFFFFFFFF  }
0xc0: {  	_ =	task.clear_ibuf [dreg:s6], $0x2FFFF;
	_ =	strace $0x9FFFFFFF  }
0xc1: {  	(tm) =	ssettm $0x7FFFFFFF  }
tec
execute0_lowered:
.L_overlay_start_1:
0x0: {  	(tag) =	ssettag $0x1  }
0x1: {  	s0 =	rddreg [dreg:$0x0];
	s2 =	simm.s32 $0x0  }
0x2: {  	s1 =	srdreg.scid;
	s3 =	stileid.u32;
	p0 =	por $0x0, $0x0  }
0x3: {  	[smem:$0x7FF] =	sst s2;
	s5 =	sadd.s32 $0x5E00, s0;
	s1 =	sand.u32 $0x1, s1  }
0x4: {  	s3 =	sshll.u32 s3, $0x1;
	s4 =	sadd.s32 $0x1E00, s0;
	s6 =	ssub.s32 $0x2, s1  }
0x5: {  	s0 =	sadd.s32 $0x9E00, s0;
	s1 =	sor.u32 s1, s3;
	s28 =	sshrl.u32 s6, $0x1  }
0x6: {  	_ =	strace $0x80000047;
	s7 =	sshll.u32 s1, $0x9;
	s3 =	ssub.s32 s6, s28  }
0x7: {  	s8 =	sshll.u32 s1, $0xD;
	s1 =	sshllo.u32 s1, $0x1;
	s31 =	smax.u32 s3, $0x1  }
0x8: {  	s7 =	sadd.s32 s4, s7;
	s29 =	sadd.s32 s0, s8;
	p1 =	sne.s32 s31, $0x1  }
.Ltmp0:
0x9: {  	s30 =	sshll.u32 s1, $0x8;
	[dreg:$0x2] =	wrdreg s7;
	(pc) =	sbr.rel @!p1 .LBB2_4-.Ltmp0, $4  }
0xa: {  	s1 =	sshll.u32 s1, $0xC;
	[dreg:$0x3] =	wrdreg s29;
	s4 =	sadd.s32 s4, s30  }
0xb: {  	s6 =	simm.s32 $0x1;
	s0 =	sadd.s32 s0, s1;
	[dreg:$0x4] =	wrdreg s4  }
0xc: {  	s3 =	simm.s32 $0x2;
	s7 =	simm.s32 $0x80;
	[dreg:$0x5] =	wrdreg s0  }
0xd: {  	s4 =	simm.s32 $0x800;
	s0 =	sadd.s32 $0xFFFFFFFF, s31;
	s13 =	rddreg [dreg:$0x2]  }
0xe: {  	[tilespmem:s2], [sflag:$0x2] =	stream.linear.gather [hbm4b:s13+s2], $0x800, $0x38;
	[tilespmem:$0x8800] =	vst v63  }
0xf: {  	_ =	swait.ge [sflag:s3], $0x800  }
0x10: {  	[sflag:s3] =	ssyncset.done $0x0  }
0x11: {  	[sflag:s3] =	ssyncadd.s32 $0xFFFFF800  }
0x12: {  	[tilespmem:s4], [sflag:$0x1] =	stream.indirect.gather [hbm4b:s5+s7], $0x10, s2, s7, $0xb8;
	[tilespmem:$0x8800] =	vst v63  }
0x13: {  	s1 =	simm.s32 $0x1000  }
0x14: {  	[tilespmem:s1], [sflag:$0x1] =	stream.indirect.gather [hbm4b:s5+s7], $0x10, s7, s7, $0xb8;
	[tilespmem:$0x8800] =	vst v63  }
0x15: {  	s8 =	simm.s32 $0x100;
	s9 =	simm.s32 $0x1800  }
0x16: {  	[tilespmem:s9], [sflag:$0x1] =	stream.indirect.gather [hbm4b:s5+s7], $0x10, s8, s7, $0xb8;
	[tilespmem:$0x8800] =	vst v63  }
0x17: {  	s10 =	simm.s32 $0x180;
	s11 =	simm.s32 $0x2000  }
0x18: {  	[tilespmem:s11], [sflag:$0x1] =	stream.indirect.gather [hbm4b:s5+s7], $0x10, s10, s7, $0xb8;
	[tilespmem:$0x8800] =	vst v63  }
0x19: {  	s12 =	simm.s32 $0x200;
	s26 =	simm.s32 $0x2800  }
0x1a: {  	[tilespmem:s26], [sflag:$0x1] =	stream.indirect.gather [hbm4b:s5+s7], $0x10, s12, s7, $0xb8;
	[tilespmem:$0x8800] =	vst v63  }
0x1b: {  	s28 =	simm.s32 $0x280;
	s29 =	simm.s32 $0x3000  }
0x1c: {  	[tilespmem:s29], [sflag:$0x1] =	stream.indirect.gather [hbm4b:s5+s7], $0x10, s28, s7, $0xb8;
	[tilespmem:$0x8800] =	vst v63  }
0x1d: {  	s30 =	simm.s32 $0x300;
	s24 =	simm.s32 $0x3800  }
0x1e: {  	[tilespmem:s24], [sflag:$0x1] =	stream.indirect.gather [hbm4b:s5+s7], $0x10, s30, s7, $0xb8;
	[tilespmem:$0x8800] =	vst v63  }
0x1f: {  	s31 =	simm.s32 $0x380;
	s22 =	simm.s32 $0x4000  }
0x20: {  	[tilespmem:s22], [sflag:$0x1] =	stream.indirect.gather [hbm4b:s5+s7], $0x10, s31, s7, $0xb8;
	[tilespmem:$0x8800] =	vst v63  }
0x21: {  	s25 =	simm.s32 $0x400;
	s20 =	simm.s32 $0x4800  }
0x22: {  	[tilespmem:s20], [sflag:$0x1] =	stream.indirect.gather [hbm4b:s5+s7], $0x10, s25, s7, $0xb8;
	[tilespmem:$0x8800] =	vst v63  }
0x23: {  	s23 =	simm.s32 $0x480;
	s14 =	simm.s32 $0x5000  }
0x24: {  	[tilespmem:s14], [sflag:$0x1] =	stream.indirect.gather [hbm4b:s5+s7], $0x10, s23, s7, $0xb8;
	[tilespmem:$0x8800] =	vst v63  }
0x25: {  	s21 =	simm.s32 $0x500;
	s15 =	simm.s32 $0x5800  }
0x26: {  	[tilespmem:s15], [sflag:$0x1] =	stream.indirect.gather [hbm4b:s5+s7], $0x10, s21, s7, $0xb8;
	[tilespmem:$0x8800] =	vst v63  }
0x27: {  	s16 =	simm.s32 $0x580;
	s17 =	simm.s32 $0x6000  }
0x28: {  	[tilespmem:s17], [sflag:$0x1] =	stream.indirect.gather [hbm4b:s5+s7], $0x10, s16, s7, $0xb8;
	[tilespmem:$0x8800] =	vst v63  }
0x29: {  	s18 =	simm.s32 $0x600;
	s19 =	simm.s32 $0x6800  }
0x2a: {  	[tilespmem:s19], [sflag:$0x1] =	stream.indirect.gather [hbm4b:s5+s7], $0x10, s18, s7, $0xb8;
	[tilespmem:$0x8800] =	vst v63  }
0x2b: {  	s4 =	simm.s32 $0x680;
	s1 =	simm.s32 $0x7000  }
0x2c: {  	[tilespmem:s1], [sflag:$0x1] =	stream.indirect.gather [hbm4b:s5+s7], $0x10, s4, s7, $0xb8;
	[tilespmem:$0x8800] =	vst v63  }
0x2d: {  	s8 =	simm.s32 $0x700;
	s10 =	simm.s32 $0x7800  }
0x2e: {  	[tilespmem:s10], [sflag:$0x1] =	stream.indirect.gather [hbm4b:s5+s7], $0x10, s8, s7, $0xb8;
	[tilespmem:$0x8800] =	vst v63  }
0x2f: {  	s9 =	simm.s32 $0x780;
	s11 =	simm.s32 $0x8000  }
0x30: {  	[tilespmem:s11], [sflag:$0x1] =	stream.indirect.gather [hbm4b:s5+s7], $0x10, s9, s7, $0xb8;
	[tilespmem:$0x8800] =	vst v63  }
0x31: {  	_ =	swait.ge [sflag:s6], $0x800  }
0x32: {  	[sflag:s6] =	ssyncset.done $0x0  }
0x33: {  	[sflag:s6] =	ssyncadd.s32 $0xFFFFF800  }
0x34: {  	_ =	swait.ge [sflag:s6], $0x800  }
0x35: {  	[sflag:s6] =	ssyncset.done $0x0  }
0x36: {  	[sflag:s6] =	ssyncadd.s32 $0xFFFFF800  }
0x37: {  	_ =	swait.ge [sflag:s6], $0x800  }
0x38: {  	[sflag:s6] =	ssyncset.done $0x0  }
0x39: {  	[sflag:s6] =	ssyncadd.s32 $0xFFFFF800  }
0x3a: {  	_ =	swait.ge [sflag:s6], $0x800  }
0x3b: {  	[sflag:s6] =	ssyncset.done $0x0  }
0x3c: {  	[sflag:s6] =	ssyncadd.s32 $0xFFFFF800  }
0x3d: {  	_ =	swait.ge [sflag:s6], $0x800  }
0x3e: {  	[sflag:s6] =	ssyncset.done $0x0  }
0x3f: {  	[sflag:s6] =	ssyncadd.s32 $0xFFFFF800  }
0x40: {  	_ =	swait.ge [sflag:s6], $0x800  }
0x41: {  	[sflag:s6] =	ssyncset.done $0x0  }
0x42: {  	[sflag:s6] =	ssyncadd.s32 $0xFFFFF800  }
0x43: {  	_ =	swait.ge [sflag:s6], $0x800  }
0x44: {  	[sflag:s6] =	ssyncset.done $0x0  }
0x45: {  	[sflag:s6] =	ssyncadd.s32 $0xFFFFF800  }
0x46: {  	_ =	swait.ge [sflag:s6], $0x800  }
0x47: {  	[sflag:s6] =	ssyncset.done $0x0  }
0x48: {  	[sflag:s6] =	ssyncadd.s32 $0xFFFFF800  }
0x49: {  	_ =	swait.ge [sflag:s6], $0x800  }
0x4a: {  	[sflag:s6] =	ssyncset.done $0x0  }
0x4b: {  	[sflag:s6] =	ssyncadd.s32 $0xFFFFF800  }
0x4c: {  	_ =	swait.ge [sflag:s6], $0x800  }
0x4d: {  	[sflag:s6] =	ssyncset.done $0x0  }
0x4e: {  	[sflag:s6] =	ssyncadd.s32 $0xFFFFF800  }
0x4f: {  	_ =	swait.ge [sflag:s6], $0x800  }
0x50: {  	[sflag:s6] =	ssyncset.done $0x0  }
0x51: {  	[sflag:s6] =	ssyncadd.s32 $0xFFFFF800  }
0x52: {  	_ =	swait.ge [sflag:s6], $0x800  }
0x53: {  	[sflag:s6] =	ssyncset.done $0x0  }
0x54: {  	[sflag:s6] =	ssyncadd.s32 $0xFFFFF800  }
0x55: {  	_ =	swait.ge [sflag:s6], $0x800  }
0x56: {  	[sflag:s6] =	ssyncset.done $0x0  }
0x57: {  	[sflag:s6] =	ssyncadd.s32 $0xFFFFF800  }
0x58: {  	_ =	swait.ge [sflag:s6], $0x800  }
0x59: {  	[sflag:s6] =	ssyncset.done $0x0  }
0x5a: {  	[sflag:s6] =	ssyncadd.s32 $0xFFFFF800  }
0x5b: {  	_ =	swait.ge [sflag:s6], $0x800  }
0x5c: {  	[sflag:s6] =	ssyncset.done $0x0  }
0x5d: {  	[sflag:s6] =	ssyncadd.s32 $0xFFFFF800  }
0x5e: {  	_ =	swait.ge [sflag:s6], $0x800  }
0x5f: {  	s2 =	simm.s32 $0x800;
	[sflag:s6] =	ssyncset.done $0x0  }
0x60: {  	s12 =	simm.s32 $0x0;
	s13 =	rddreg [dreg:$0x3];
	[sflag:s6] =	ssyncadd.s32 $0xFFFFF800  }
0x61: {  	[hbm4b:s13+s12] =	stream.linear.scatter [tilespmem:s2], [sflag:$0x2], $0x8000, $0x38;
	[tilespmem:$0x8800] =	vst v63  }
0x62: {  	_ =	swait.ge [sflag:s3], $0x8000  }
0x63: {  	[sflag:s3] =	ssyncset.done $0x0  }
0x64: {  	s13 =	rddreg [dreg:$0x4];
	[sflag:s3] =	ssyncadd.s32 $0xFFFF8000  }
0x65: {  	[tilespmem:s12], [sflag:$0x2] =	stream.linear.gather [hbm4b:s13+s12], $0x800, $0x38;
	[tilespmem:$0x8800] =	vst v63  }
0x66: {  	_ =	swait.ge [sflag:s3], $0x800  }
0x67: {  	[sflag:s3] =	ssyncset.done $0x0  }
0x68: {  	[sflag:s3] =	ssyncadd.s32 $0xFFFFF800  }
0x69: {  	[tilespmem:s2], [sflag:$0x1] =	stream.indirect.gather [hbm4b:s5+s7], $0x10, s12, s7, $0xb8;
	[tilespmem:$0x8800] =	vst v63  }
0x6a: {  	s13 =	simm.s32 $0x1000  }
0x6b: {  	[tilespmem:s13], [sflag:$0x1] =	stream.indirect.gather [hbm4b:s5+s7], $0x10, s7, s7, $0xb8;
	[tilespmem:$0x8800] =	vst v63  }
0x6c: {  	s12 =	simm.s32 $0x100;
	s13 =	simm.s32 $0x1800  }
0x6d: {  	[tilespmem:s13], [sflag:$0x1] =	stream.indirect.gather [hbm4b:s5+s7], $0x10, s12, s7, $0xb8;
	[tilespmem:$0x8800] =	vst v63  }
0x6e: {  	s12 =	simm.s32 $0x180;
	s13 =	simm.s32 $0x2000  }
0x6f: {  	[tilespmem:s13], [sflag:$0x1] =	stream.indirect.gather [hbm4b:s5+s7], $0x10, s12, s7, $0xb8;
	[tilespmem:$0x8800] =	vst v63  }
0x70: {  	s13 =	simm.s32 $0x200  }
0x71: {  	[tilespmem:s26], [sflag:$0x1] =	stream.indirect.gather [hbm4b:s5+s7], $0x10, s13, s7, $0xb8;
	[tilespmem:$0x8800] =	vst v63  }
0x72: {  	_ = 	snop  }
0x73: {  	[tilespmem:s29], [sflag:$0x1] =	stream.indirect.gather [hbm4b:s5+s7], $0x10, s28, s7, $0xb8;
	[tilespmem:$0x8800] =	vst v63  }
0x74: {  	_ = 	snop  }
0x75: {  	[tilespmem:s24], [sflag:$0x1] =	stream.indirect.gather [hbm4b:s5+s7], $0x10, s30, s7, $0xb8;
	[tilespmem:$0x8800] =	vst v63  }
0x76: {  	_ = 	snop  }
0x77: {  	[tilespmem:s22], [sflag:$0x1] =	stream.indirect.gather [hbm4b:s5+s7], $0x10, s31, s7, $0xb8;
	[tilespmem:$0x8800] =	vst v63  }
0x78: {  	_ = 	snop  }
0x79: {  	[tilespmem:s20], [sflag:$0x1] =	stream.indirect.gather [hbm4b:s5+s7], $0x10, s25, s7, $0xb8;
	[tilespmem:$0x8800] =	vst v63  }
0x7a: {  	_ = 	snop  }
0x7b: {  	[tilespmem:s14], [sflag:$0x1] =	stream.indirect.gather [hbm4b:s5+s7], $0x10, s23, s7, $0xb8;
	[tilespmem:$0x8800] =	vst v63  }
0x7c: {  	_ = 	snop  }
0x7d: {  	[tilespmem:s15], [sflag:$0x1] =	stream.indirect.gather [hbm4b:s5+s7], $0x10, s21, s7, $0xb8;
	[tilespmem:$0x8800] =	vst v63  }
0x7e: {  	_ = 	snop  }
0x7f: {  	[tilespmem:s17], [sflag:$0x1] =	stream.indirect.gather [hbm4b:s5+s7], $0x10, s16, s7, $0xb8;
	[tilespmem:$0x8800] =	vst v63  }
0x80: {  	_ = 	snop  }
0x81: {  	[tilespmem:s19], [sflag:$0x1] =	stream.indirect.gather [hbm4b:s5+s7], $0x10, s18, s7, $0xb8;
	[tilespmem:$0x8800] =	vst v63  }
0x82: {  	_ = 	snop  }
0x83: {  	[tilespmem:s1], [sflag:$0x1] =	stream.indirect.gather [hbm4b:s5+s7], $0x10, s4, s7, $0xb8;
	[tilespmem:$0x8800] =	vst v63  }
0x84: {  	_ = 	snop  }
0x85: {  	[tilespmem:s10], [sflag:$0x1] =	stream.indirect.gather [hbm4b:s5+s7], $0x10, s8, s7, $0xb8;
	[tilespmem:$0x8800] =	vst v63  }
0x86: {  	_ = 	snop  }
0x87: {  	[tilespmem:s11], [sflag:$0x1] =	stream.indirect.gather [hbm4b:s5+s7], $0x10, s9, s7, $0xb8;
	[tilespmem:$0x8800] =	vst v63  }
0x88: {  	_ =	swait.ge [sflag:s6], $0x800  }
0x89: {  	[sflag:s6] =	ssyncset.done $0x0  }
0x8a: {  	[sflag:s6] =	ssyncadd.s32 $0xFFFFF800  }
0x8b: {  	_ =	swait.ge [sflag:s6], $0x800  }
0x8c: {  	[sflag:s6] =	ssyncset.done $0x0  }
0x8d: {  	[sflag:s6] =	ssyncadd.s32 $0xFFFFF800  }
0x8e: {  	_ =	swait.ge [sflag:s6], $0x800  }
0x8f: {  	[sflag:s6] =	ssyncset.done $0x0  }
0x90: {  	[sflag:s6] =	ssyncadd.s32 $0xFFFFF800  }
0x91: {  	_ =	swait.ge [sflag:s6], $0x800  }
0x92: {  	[sflag:s6] =	ssyncset.done $0x0  }
0x93: {  	[sflag:s6] =	ssyncadd.s32 $0xFFFFF800  }
0x94: {  	_ =	swait.ge [sflag:s6], $0x800  }
0x95: {  	[sflag:s6] =	ssyncset.done $0x0  }
0x96: {  	[sflag:s6] =	ssyncadd.s32 $0xFFFFF800  }
0x97: {  	_ =	swait.ge [sflag:s6], $0x800  }
0x98: {  	[sflag:s6] =	ssyncset.done $0x0  }
0x99: {  	[sflag:s6] =	ssyncadd.s32 $0xFFFFF800  }
0x9a: {  	_ =	swait.ge [sflag:s6], $0x800  }
0x9b: {  	[sflag:s6] =	ssyncset.done $0x0  }
0x9c: {  	[sflag:s6] =	ssyncadd.s32 $0xFFFFF800  }
0x9d: {  	_ =	swait.ge [sflag:s6], $0x800  }
0x9e: {  	[sflag:s6] =	ssyncset.done $0x0  }
0x9f: {  	[sflag:s6] =	ssyncadd.s32 $0xFFFFF800  }
0xa0: {  	_ =	swait.ge [sflag:s6], $0x800  }
0xa1: {  	[sflag:s6] =	ssyncset.done $0x0  }
0xa2: {  	[sflag:s6] =	ssyncadd.s32 $0xFFFFF800  }
0xa3: {  	_ =	swait.ge [sflag:s6], $0x800  }
0xa4: {  	[sflag:s6] =	ssyncset.done $0x0  }
0xa5: {  	[sflag:s6] =	ssyncadd.s32 $0xFFFFF800  }
0xa6: {  	_ =	swait.ge [sflag:s6], $0x800  }
0xa7: {  	[sflag:s6] =	ssyncset.done $0x0  }
0xa8: {  	[sflag:s6] =	ssyncadd.s32 $0xFFFFF800  }
0xa9: {  	_ =	swait.ge [sflag:s6], $0x800  }
0xaa: {  	[sflag:s6] =	ssyncset.done $0x0  }
0xab: {  	[sflag:s6] =	ssyncadd.s32 $0xFFFFF800  }
0xac: {  	_ =	swait.ge [sflag:s6], $0x800  }
0xad: {  	[sflag:s6] =	ssyncset.done $0x0  }
0xae: {  	[sflag:s6] =	ssyncadd.s32 $0xFFFFF800  }
0xaf: {  	_ =	swait.ge [sflag:s6], $0x800  }
0xb0: {  	[sflag:s6] =	ssyncset.done $0x0  }
0xb1: {  	[sflag:s6] =	ssyncadd.s32 $0xFFFFF800  }
0xb2: {  	_ =	swait.ge [sflag:s6], $0x800  }
0xb3: {  	[sflag:s6] =	ssyncset.done $0x0  }
0xb4: {  	[sflag:s6] =	ssyncadd.s32 $0xFFFFF800  }
0xb5: {  	p1 =	sne.s32 s0, $0x1;
	_ =	swait.ge [sflag:s6], $0x800  }
.Ltmp1:
0xb6: {  	s2 =	simm.s32 $0x0;
	[sflag:s6] =	ssyncset.done $0x0;
	(pc) =	sbr.rel @!p1 .LBB2_4-.Ltmp1, $4  }
0xb7: {  	s4 =	simm.s32 $0x800;
	s31 =	rddreg [dreg:$0x5];
	[sflag:s6] =	ssyncadd.s32 $0xFFFFF800  }
0xb8: {  	[hbm4b:s31+s2] =	stream.linear.scatter [tilespmem:s4], [sflag:$0x2], $0x8000, $0x38;
	[tilespmem:$0x8800] =	vst v63  }
0xb9: {  	p0 =	por $0x1, $0x1;
	_ =	swait.ge [sflag:s3], $0x8000  }
0xba: {  	s12 =	sadd.s32 $0xFFFFFFFF, s0;
	s13 =	rddreg [dreg:$0x2];
	[sflag:s3] =	ssyncset.done $0x0  }
0xbb: {  	s20 =	simm.s32 $0x1000;
	s21 =	simm.s32 $0x100;
	s22 =	simm.s32 $0x1800  }
0xbc: {  	s23 =	simm.s32 $0x180;
	s24 =	simm.s32 $0x2000;
	s25 =	simm.s32 $0x200  }
0xbd: {  	s26 =	simm.s32 $0x2800;
	s28 =	simm.s32 $0x280;
	s29 =	simm.s32 $0x3000  }
0xbe: {  	s30 =	simm.s32 $0x300;
	s31 =	simm.s32 $0x380;
	s8 =	simm.s32 $0x4000  }
0xbf: {  	s9 =	simm.s32 $0x4800;
	s11 =	simm.s32 $0x5000;
	s15 =	simm.s32 $0x5800  }
0xc0: {  	s16 =	simm.s32 $0x580;
	s17 =	simm.s32 $0x6000;
	s18 =	simm.s32 $0x600  }
0xc1: {  	s19 =	simm.s32 $0x6800;
	s1 =	simm.s32 $0x7000;
	s14 =	simm.s32 $0x8000  }
.LBB2_3:
0xc2: {  	[sflag:s3] =	ssyncadd.s32 $0xFFFF8000  }
0xc3: {  	[tilespmem:s2], [sflag:$0x2] =	stream.linear.gather [hbm4b:s13+s2], $0x800, $0x38;
	[tilespmem:$0x8800] =	vst v63  }
0xc4: {  	_ =	swait.ge [sflag:s3], $0x800  }
0xc5: {  	[sflag:s3] =	ssyncset.done $0x0  }
0xc6: {  	[sflag:s3] =	ssyncadd.s32 $0xFFFFF800  }
0xc7: {  	[tilespmem:s4], [sflag:$0x1] =	stream.indirect.gather [hbm4b:s5+s7], $0x10, s2, s7, $0xb8;
	[tilespmem:$0x8800] =	vst v63  }
0xc8: {  	_ = 	snop  }
0xc9: {  	[tilespmem:s20], [sflag:$0x1] =	stream.indirect.gather [hbm4b:s5+s7], $0x10, s7, s7, $0xb8;
	[tilespmem:$0x8800] =	vst v63  }
0xca: {  	_ = 	snop  }
0xcb: {  	[tilespmem:s22], [sflag:$0x1] =	stream.indirect.gather [hbm4b:s5+s7], $0x10, s21, s7, $0xb8;
	[tilespmem:$0x8800] =	vst v63  }
0xcc: {  	_ = 	snop  }
0xcd: {  	[tilespmem:s24], [sflag:$0x1] =	stream.indirect.gather [hbm4b:s5+s7], $0x10, s23, s7, $0xb8;
	[tilespmem:$0x8800] =	vst v63  }
0xce: {  	_ = 	snop  }
0xcf: {  	[tilespmem:s26], [sflag:$0x1] =	stream.indirect.gather [hbm4b:s5+s7], $0x10, s25, s7, $0xb8;
	[tilespmem:$0x8800] =	vst v63  }
0xd0: {  	_ = 	snop  }
0xd1: {  	[tilespmem:s29], [sflag:$0x1] =	stream.indirect.gather [hbm4b:s5+s7], $0x10, s28, s7, $0xb8;
	[tilespmem:$0x8800] =	vst v63  }
0xd2: {  	s4 =	simm.s32 $0x3800  }
0xd3: {  	[tilespmem:s4], [sflag:$0x1] =	stream.indirect.gather [hbm4b:s5+s7], $0x10, s30, s7, $0xb8;
	[tilespmem:$0x8800] =	vst v63  }
0xd4: {  	_ = 	snop  }
0xd5: {  	[tilespmem:s8], [sflag:$0x1] =	stream.indirect.gather [hbm4b:s5+s7], $0x10, s31, s7, $0xb8;
	[tilespmem:$0x8800] =	vst v63  }
0xd6: {  	s0 =	simm.s32 $0x400  }
0xd7: {  	[tilespmem:s9], [sflag:$0x1] =	stream.indirect.gather [hbm4b:s5+s7], $0x10, s0, s7, $0xb8;
	[tilespmem:$0x8800] =	vst v63  }
0xd8: {  	s2 =	simm.s32 $0x480  }
0xd9: {  	[tilespmem:s11], [sflag:$0x1] =	stream.indirect.gather [hbm4b:s5+s7], $0x10, s2, s7, $0xb8;
	[tilespmem:$0x8800] =	vst v63  }
0xda: {  	s10 =	simm.s32 $0x500  }
0xdb: {  	[tilespmem:s15], [sflag:$0x1] =	stream.indirect.gather [hbm4b:s5+s7], $0x10, s10, s7, $0xb8;
	[tilespmem:$0x8800] =	vst v63  }
0xdc: {  	_ = 	snop  }
0xdd: {  	[tilespmem:s17], [sflag:$0x1] =	stream.indirect.gather [hbm4b:s5+s7], $0x10, s16, s7, $0xb8;
	[tilespmem:$0x8800] =	vst v63  }
0xde: {  	_ = 	snop  }
0xdf: {  	[tilespmem:s19], [sflag:$0x1] =	stream.indirect.gather [hbm4b:s5+s7], $0x10, s18, s7, $0xb8;
	[tilespmem:$0x8800] =	vst v63  }
0xe0: {  	s10 =	simm.s32 $0x680  }
0xe1: {  	[tilespmem:s1], [sflag:$0x1] =	stream.indirect.gather [hbm4b:s5+s7], $0x10, s10, s7, $0xb8;
	[tilespmem:$0x8800] =	vst v63  }
0xe2: {  	s13 =	simm.s32 $0x700;
	s10 =	simm.s32 $0x7800  }
0xe3: {  	[tilespmem:s10], [sflag:$0x1] =	stream.indirect.gather [hbm4b:s5+s7], $0x10, s13, s7, $0xb8;
	[tilespmem:$0x8800] =	vst v63  }
0xe4: {  	s13 =	simm.s32 $0x780  }
0xe5: {  	[tilespmem:s14], [sflag:$0x1] =	stream.indirect.gather [hbm4b:s5+s7], $0x10, s13, s7, $0xb8;
	[tilespmem:$0x8800] =	vst v63  }
0xe6: {  	_ =	swait.ge [sflag:s6], $0x800  }
0xe7: {  	[sflag:s6] =	ssyncset.done $0x0  }
0xe8: {  	[sflag:s6] =	ssyncadd.s32 $0xFFFFF800  }
0xe9: {  	_ =	swait.ge [sflag:s6], $0x800  }
0xea: {  	[sflag:s6] =	ssyncset.done $0x0  }
0xeb: {  	[sflag:s6] =	ssyncadd.s32 $0xFFFFF800  }
0xec: {  	_ =	swait.ge [sflag:s6], $0x800  }
0xed: {  	[sflag:s6] =	ssyncset.done $0x0  }
0xee: {  	[sflag:s6] =	ssyncadd.s32 $0xFFFFF800  }
0xef: {  	_ =	swait.ge [sflag:s6], $0x800  }
0xf0: {  	[sflag:s6] =	ssyncset.done $0x0  }
0xf1: {  	[sflag:s6] =	ssyncadd.s32 $0xFFFFF800  }
0xf2: {  	_ =	swait.ge [sflag:s6], $0x800  }
0xf3: {  	[sflag:s6] =	ssyncset.done $0x0  }
0xf4: {  	[sflag:s6] =	ssyncadd.s32 $0xFFFFF800  }
0xf5: {  	_ =	swait.ge [sflag:s6], $0x800  }
0xf6: {  	[sflag:s6] =	ssyncset.done $0x0  }
0xf7: {  	[sflag:s6] =	ssyncadd.s32 $0xFFFFF800  }
0xf8: {  	_ =	swait.ge [sflag:s6], $0x800  }
0xf9: {  	[sflag:s6] =	ssyncset.done $0x0  }
0xfa: {  	[sflag:s6] =	ssyncadd.s32 $0xFFFFF800  }
0xfb: {  	_ =	swait.ge [sflag:s6], $0x800  }
0xfc: {  	[sflag:s6] =	ssyncset.done $0x0  }
0xfd: {  	[sflag:s6] =	ssyncadd.s32 $0xFFFFF800  }
0xfe: {  	_ =	swait.ge [sflag:s6], $0x800  }
0xff: {  	[sflag:s6] =	ssyncset.done $0x0  }
0x100: {  	[sflag:s6] =	ssyncadd.s32 $0xFFFFF800  }
0x101: {  	_ =	swait.ge [sflag:s6], $0x800  }
0x102: {  	[sflag:s6] =	ssyncset.done $0x0  }
0x103: {  	[sflag:s6] =	ssyncadd.s32 $0xFFFFF800  }
0x104: {  	_ =	swait.ge [sflag:s6], $0x800  }
0x105: {  	[sflag:s6] =	ssyncset.done $0x0  }
0x106: {  	[sflag:s6] =	ssyncadd.s32 $0xFFFFF800  }
0x107: {  	_ =	swait.ge [sflag:s6], $0x800  }
0x108: {  	[sflag:s6] =	ssyncset.done $0x0  }
0x109: {  	[sflag:s6] =	ssyncadd.s32 $0xFFFFF800  }
0x10a: {  	_ =	swait.ge [sflag:s6], $0x800  }
0x10b: {  	[sflag:s6] =	ssyncset.done $0x0  }
0x10c: {  	[sflag:s6] =	ssyncadd.s32 $0xFFFFF800  }
0x10d: {  	_ =	swait.ge [sflag:s6], $0x800  }
0x10e: {  	[sflag:s6] =	ssyncset.done $0x0  }
0x10f: {  	[sflag:s6] =	ssyncadd.s32 $0xFFFFF800  }
0x110: {  	_ =	swait.ge [sflag:s6], $0x800  }
0x111: {  	[sflag:s6] =	ssyncset.done $0x0  }
0x112: {  	[sflag:s6] =	ssyncadd.s32 $0xFFFFF800  }
0x113: {  	_ =	swait.ge [sflag:s6], $0x800  }
0x114: {  	s0 =	simm.s32 $0x0;
	[sflag:s6] =	ssyncset.done $0x0  }
0x115: {  	s2 =	simm.s32 $0x800;
	s13 =	rddreg [dreg:$0x3];
	[sflag:s6] =	ssyncadd.s32 $0xFFFFF800  }
0x116: {  	[hbm4b:s13+s0] =	stream.linear.scatter [tilespmem:s2], [sflag:$0x2], $0x8000, $0x38;
	[tilespmem:$0x8800] =	vst v63  }
0x117: {  	_ =	swait.ge [sflag:s3], $0x8000  }
0x118: {  	[sflag:s3] =	ssyncset.done $0x0  }
0x119: {  	s13 =	rddreg [dreg:$0x4];
	[sflag:s3] =	ssyncadd.s32 $0xFFFF8000  }
0x11a: {  	[tilespmem:s0], [sflag:$0x2] =	stream.linear.gather [hbm4b:s13+s0], $0x800, $0x38;
	[tilespmem:$0x8800] =	vst v63  }
0x11b: {  	_ =	swait.ge [sflag:s3], $0x800  }
0x11c: {  	[sflag:s3] =	ssyncset.done $0x0  }
0x11d: {  	[sflag:s3] =	ssyncadd.s32 $0xFFFFF800  }
0x11e: {  	[tilespmem:s2], [sflag:$0x1] =	stream.indirect.gather [hbm4b:s5+s7], $0x10, s0, s7, $0xb8;
	[tilespmem:$0x8800] =	vst v63  }
0x11f: {  	_ = 	snop  }
0x120: {  	[tilespmem:s20], [sflag:$0x1] =	stream.indirect.gather [hbm4b:s5+s7], $0x10, s7, s7, $0xb8;
	[tilespmem:$0x8800] =	vst v63  }
0x121: {  	_ = 	snop  }
0x122: {  	[tilespmem:s22], [sflag:$0x1] =	stream.indirect.gather [hbm4b:s5+s7], $0x10, s21, s7, $0xb8;
	[tilespmem:$0x8800] =	vst v63  }
0x123: {  	_ = 	snop  }
0x124: {  	[tilespmem:s24], [sflag:$0x1] =	stream.indirect.gather [hbm4b:s5+s7], $0x10, s23, s7, $0xb8;
	[tilespmem:$0x8800] =	vst v63  }
0x125: {  	_ = 	snop  }
0x126: {  	[tilespmem:s26], [sflag:$0x1] =	stream.indirect.gather [hbm4b:s5+s7], $0x10, s25, s7, $0xb8;
	[tilespmem:$0x8800] =	vst v63  }
0x127: {  	_ = 	snop  }
0x128: {  	[tilespmem:s29], [sflag:$0x1] =	stream.indirect.gather [hbm4b:s5+s7], $0x10, s28, s7, $0xb8;
	[tilespmem:$0x8800] =	vst v63  }
0x129: {  	_ = 	snop  }
0x12a: {  	[tilespmem:s4], [sflag:$0x1] =	stream.indirect.gather [hbm4b:s5+s7], $0x10, s30, s7, $0xb8;
	[tilespmem:$0x8800] =	vst v63  }
0x12b: {  	_ = 	snop  }
0x12c: {  	[tilespmem:s8], [sflag:$0x1] =	stream.indirect.gather [hbm4b:s5+s7], $0x10, s31, s7, $0xb8;
	[tilespmem:$0x8800] =	vst v63  }
0x12d: {  	s13 =	simm.s32 $0x400  }
0x12e: {  	[tilespmem:s9], [sflag:$0x1] =	stream.indirect.gather [hbm4b:s5+s7], $0x10, s13, s7, $0xb8;
	[tilespmem:$0x8800] =	vst v63  }
0x12f: {  	s4 =	simm.s32 $0x480  }
0x130: {  	[tilespmem:s11], [sflag:$0x1] =	stream.indirect.gather [hbm4b:s5+s7], $0x10, s4, s7, $0xb8;
	[tilespmem:$0x8800] =	vst v63  }
0x131: {  	s13 =	simm.s32 $0x500  }
0x132: {  	[tilespmem:s15], [sflag:$0x1] =	stream.indirect.gather [hbm4b:s5+s7], $0x10, s13, s7, $0xb8;
	[tilespmem:$0x8800] =	vst v63  }
0x133: {  	_ = 	snop  }
0x134: {  	[tilespmem:s17], [sflag:$0x1] =	stream.indirect.gather [hbm4b:s5+s7], $0x10, s16, s7, $0xb8;
	[tilespmem:$0x8800] =	vst v63  }
0x135: {  	_ = 	snop  }
0x136: {  	[tilespmem:s19], [sflag:$0x1] =	stream.indirect.gather [hbm4b:s5+s7], $0x10, s18, s7, $0xb8;
	[tilespmem:$0x8800] =	vst v63  }
0x137: {  	s4 =	simm.s32 $0x680  }
0x138: {  	[tilespmem:s1], [sflag:$0x1] =	stream.indirect.gather [hbm4b:s5+s7], $0x10, s4, s7, $0xb8;
	[tilespmem:$0x8800] =	vst v63  }
0x139: {  	s13 =	simm.s32 $0x700  }
0x13a: {  	[tilespmem:s10], [sflag:$0x1] =	stream.indirect.gather [hbm4b:s5+s7], $0x10, s13, s7, $0xb8;
	[tilespmem:$0x8800] =	vst v63  }
0x13b: {  	s13 =	simm.s32 $0x780  }
0x13c: {  	[tilespmem:s14], [sflag:$0x1] =	stream.indirect.gather [hbm4b:s5+s7], $0x10, s13, s7, $0xb8;
	[tilespmem:$0x8800] =	vst v63  }
0x13d: {  	_ =	swait.ge [sflag:s6], $0x800  }
0x13e: {  	[sflag:s6] =	ssyncset.done $0x0  }
0x13f: {  	[sflag:s6] =	ssyncadd.s32 $0xFFFFF800  }
0x140: {  	_ =	swait.ge [sflag:s6], $0x800  }
0x141: {  	[sflag:s6] =	ssyncset.done $0x0  }
0x142: {  	[sflag:s6] =	ssyncadd.s32 $0xFFFFF800  }
0x143: {  	_ =	swait.ge [sflag:s6], $0x800  }
0x144: {  	[sflag:s6] =	ssyncset.done $0x0  }
0x145: {  	[sflag:s6] =	ssyncadd.s32 $0xFFFFF800  }
0x146: {  	_ =	swait.ge [sflag:s6], $0x800  }
0x147: {  	[sflag:s6] =	ssyncset.done $0x0  }
0x148: {  	[sflag:s6] =	ssyncadd.s32 $0xFFFFF800  }
0x149: {  	_ =	swait.ge [sflag:s6], $0x800  }
0x14a: {  	[sflag:s6] =	ssyncset.done $0x0  }
0x14b: {  	[sflag:s6] =	ssyncadd.s32 $0xFFFFF800  }
0x14c: {  	_ =	swait.ge [sflag:s6], $0x800  }
0x14d: {  	[sflag:s6] =	ssyncset.done $0x0  }
0x14e: {  	[sflag:s6] =	ssyncadd.s32 $0xFFFFF800  }
0x14f: {  	_ =	swait.ge [sflag:s6], $0x800  }
0x150: {  	[sflag:s6] =	ssyncset.done $0x0  }
0x151: {  	[sflag:s6] =	ssyncadd.s32 $0xFFFFF800  }
0x152: {  	_ =	swait.ge [sflag:s6], $0x800  }
0x153: {  	[sflag:s6] =	ssyncset.done $0x0  }
0x154: {  	[sflag:s6] =	ssyncadd.s32 $0xFFFFF800  }
0x155: {  	_ =	swait.ge [sflag:s6], $0x800  }
0x156: {  	[sflag:s6] =	ssyncset.done $0x0  }
0x157: {  	[sflag:s6] =	ssyncadd.s32 $0xFFFFF800  }
0x158: {  	_ =	swait.ge [sflag:s6], $0x800  }
0x159: {  	[sflag:s6] =	ssyncset.done $0x0  }
0x15a: {  	[sflag:s6] =	ssyncadd.s32 $0xFFFFF800  }
0x15b: {  	_ =	swait.ge [sflag:s6], $0x800  }
0x15c: {  	[sflag:s6] =	ssyncset.done $0x0  }
0x15d: {  	[sflag:s6] =	ssyncadd.s32 $0xFFFFF800  }
0x15e: {  	_ =	swait.ge [sflag:s6], $0x800  }
0x15f: {  	[sflag:s6] =	ssyncset.done $0x0  }
0x160: {  	[sflag:s6] =	ssyncadd.s32 $0xFFFFF800  }
0x161: {  	_ =	swait.ge [sflag:s6], $0x800  }
0x162: {  	[sflag:s6] =	ssyncset.done $0x0  }
0x163: {  	[sflag:s6] =	ssyncadd.s32 $0xFFFFF800  }
0x164: {  	_ =	swait.ge [sflag:s6], $0x800  }
0x165: {  	[sflag:s6] =	ssyncset.done $0x0  }
0x166: {  	[sflag:s6] =	ssyncadd.s32 $0xFFFFF800  }
0x167: {  	_ =	swait.ge [sflag:s6], $0x800  }
0x168: {  	[sflag:s6] =	ssyncset.done $0x0  }
0x169: {  	[sflag:s6] =	ssyncadd.s32 $0xFFFFF800  }
0x16a: {  	p1 =	sne.s32 s12, $0x1;
	_ =	swait.ge [sflag:s6], $0x800  }
.Ltmp2:
0x16b: {  	s2 =	simm.s32 $0x0;
	[sflag:s6] =	ssyncset.done $0x0;
	(pc) =	sbr.rel @p1 .LBB2_3-.Ltmp2, $4  }
0x16c: {  	s4 =	simm.s32 $0x800;
	s10 =	rddreg [dreg:$0x5];
	[sflag:s6] =	ssyncadd.s32 $0xFFFFF800  }
0x16d: {  	[hbm4b:s10+s2] =	stream.linear.scatter [tilespmem:s4], [sflag:$0x2], $0x8000, $0x38;
	[tilespmem:$0x8800] =	vst v63  }
0x16e: {  	_ =	swait.ge [sflag:s3], $0x8000  }
0x16f: {  	s12 =	sadd.s32 $0xFFFFFFFF, s12;
	s13 =	rddreg [dreg:$0x2];
	[sflag:s3] =	ssyncset.done $0x0  }
.LBB2_4:
0x170: {  	[sflag:s3] =	ssyncadd.s32 @p0 $0xFFFF8000  }
0x171: {  	[tilespmem:s2], [sflag:$0x2] =	stream.linear.gather [hbm4b:s13+s2], $0x800, $0x38;
	[tilespmem:$0x8800] =	vst v63  }
0x172: {  	_ =	swait.ge [sflag:s3], $0x800  }
0x173: {  	[sflag:s3] =	ssyncset.done $0x0  }
0x174: {  	[sflag:s3] =	ssyncadd.s32 $0xFFFFF800  }
0x175: {  	[tilespmem:s4], [sflag:$0x1] =	stream.indirect.gather [hbm4b:s5+s7], $0x10, s2, s7, $0xb8;
	[tilespmem:$0x8800] =	vst v63  }
0x176: {  	s0 =	simm.s32 $0x1000  }
0x177: {  	[tilespmem:s0], [sflag:$0x1] =	stream.indirect.gather [hbm4b:s5+s7], $0x10, s7, s7, $0xb8;
	[tilespmem:$0x8800] =	vst v63  }
0x178: {  	s14 =	simm.s32 $0x100;
	s18 =	simm.s32 $0x1800  }
0x179: {  	[tilespmem:s18], [sflag:$0x1] =	stream.indirect.gather [hbm4b:s5+s7], $0x10, s14, s7, $0xb8;
	[tilespmem:$0x8800] =	vst v63  }
0x17a: {  	s15 =	simm.s32 $0x180;
	s20 =	simm.s32 $0x2000  }
0x17b: {  	[tilespmem:s20], [sflag:$0x1] =	stream.indirect.gather [hbm4b:s5+s7], $0x10, s15, s7, $0xb8;
	[tilespmem:$0x8800] =	vst v63  }
0x17c: {  	s16 =	simm.s32 $0x200;
	s19 =	simm.s32 $0x2800  }
0x17d: {  	[tilespmem:s19], [sflag:$0x1] =	stream.indirect.gather [hbm4b:s5+s7], $0x10, s16, s7, $0xb8;
	[tilespmem:$0x8800] =	vst v63  }
0x17e: {  	s17 =	simm.s32 $0x280;
	s21 =	simm.s32 $0x3000  }
0x17f: {  	[tilespmem:s21], [sflag:$0x1] =	stream.indirect.gather [hbm4b:s5+s7], $0x10, s17, s7, $0xb8;
	[tilespmem:$0x8800] =	vst v63  }
0x180: {  	s22 =	simm.s32 $0x300;
	s23 =	simm.s32 $0x3800  }
0x181: {  	[tilespmem:s23], [sflag:$0x1] =	stream.indirect.gather [hbm4b:s5+s7], $0x10, s22, s7, $0xb8;
	[tilespmem:$0x8800] =	vst v63  }
0x182: {  	s24 =	simm.s32 $0x380;
	s25 =	simm.s32 $0x4000  }
0x183: {  	[tilespmem:s25], [sflag:$0x1] =	stream.indirect.gather [hbm4b:s5+s7], $0x10, s24, s7, $0xb8;
	[tilespmem:$0x8800] =	vst v63  }
0x184: {  	s26 =	simm.s32 $0x400;
	s28 =	simm.s32 $0x4800  }
0x185: {  	[tilespmem:s28], [sflag:$0x1] =	stream.indirect.gather [hbm4b:s5+s7], $0x10, s26, s7, $0xb8;
	[tilespmem:$0x8800] =	vst v63  }
0x186: {  	s29 =	simm.s32 $0x480;
	s17 =	simm.s32 $0x5000  }
0x187: {  	[tilespmem:s17], [sflag:$0x1] =	stream.indirect.gather [hbm4b:s5+s7], $0x10, s29, s7, $0xb8;
	[tilespmem:$0x8800] =	vst v63  }
0x188: {  	s30 =	simm.s32 $0x500;
	s15 =	simm.s32 $0x5800  }
0x189: {  	[tilespmem:s15], [sflag:$0x1] =	stream.indirect.gather [hbm4b:s5+s7], $0x10, s30, s7, $0xb8;
	[tilespmem:$0x8800] =	vst v63  }
0x18a: {  	s13 =	simm.s32 $0x6000;
	s16 =	simm.s32 $0x580  }
0x18b: {  	[tilespmem:s13], [sflag:$0x1] =	stream.indirect.gather [hbm4b:s5+s7], $0x10, s16, s7, $0xb8;
	[tilespmem:$0x8800] =	vst v63  }
0x18c: {  	s11 =	simm.s32 $0x6800;
	s14 =	simm.s32 $0x600  }
0x18d: {  	[tilespmem:s11], [sflag:$0x1] =	stream.indirect.gather [hbm4b:s5+s7], $0x10, s14, s7, $0xb8;
	[tilespmem:$0x8800] =	vst v63  }
0x18e: {  	s31 =	simm.s32 $0x680;
	s9 =	simm.s32 $0x7000  }
0x18f: {  	[tilespmem:s9], [sflag:$0x1] =	stream.indirect.gather [hbm4b:s5+s7], $0x10, s31, s7, $0xb8;
	[tilespmem:$0x8800] =	vst v63  }
0x190: {  	s10 =	simm.s32 $0x700;
	s1 =	simm.s32 $0x7800  }
0x191: {  	[tilespmem:s1], [sflag:$0x1] =	stream.indirect.gather [hbm4b:s5+s7], $0x10, s10, s7, $0xb8;
	[tilespmem:$0x8800] =	vst v63  }
0x192: {  	s8 =	simm.s32 $0x780;
	s0 =	simm.s32 $0x8000  }
0x193: {  	[tilespmem:s0], [sflag:$0x1] =	stream.indirect.gather [hbm4b:s5+s7], $0x10, s8, s7, $0xb8;
	[tilespmem:$0x8800] =	vst v63  }
0x194: {  	_ =	swait.ge [sflag:s6], $0x800  }
0x195: {  	[sflag:s6] =	ssyncset.done $0x0  }
0x196: {  	[sflag:s6] =	ssyncadd.s32 $0xFFFFF800  }
0x197: {  	_ =	swait.ge [sflag:s6], $0x800  }
0x198: {  	[sflag:s6] =	ssyncset.done $0x0  }
0x199: {  	[sflag:s6] =	ssyncadd.s32 $0xFFFFF800  }
0x19a: {  	_ =	swait.ge [sflag:s6], $0x800  }
0x19b: {  	[sflag:s6] =	ssyncset.done $0x0  }
0x19c: {  	[sflag:s6] =	ssyncadd.s32 $0xFFFFF800  }
0x19d: {  	_ =	swait.ge [sflag:s6], $0x800  }
0x19e: {  	[sflag:s6] =	ssyncset.done $0x0  }
0x19f: {  	[sflag:s6] =	ssyncadd.s32 $0xFFFFF800  }
0x1a0: {  	_ =	swait.ge [sflag:s6], $0x800  }
0x1a1: {  	[sflag:s6] =	ssyncset.done $0x0  }
0x1a2: {  	[sflag:s6] =	ssyncadd.s32 $0xFFFFF800  }
0x1a3: {  	_ =	swait.ge [sflag:s6], $0x800  }
0x1a4: {  	[sflag:s6] =	ssyncset.done $0x0  }
0x1a5: {  	[sflag:s6] =	ssyncadd.s32 $0xFFFFF800  }
0x1a6: {  	_ =	swait.ge [sflag:s6], $0x800  }
0x1a7: {  	[sflag:s6] =	ssyncset.done $0x0  }
0x1a8: {  	[sflag:s6] =	ssyncadd.s32 $0xFFFFF800  }
0x1a9: {  	_ =	swait.ge [sflag:s6], $0x800  }
0x1aa: {  	[sflag:s6] =	ssyncset.done $0x0  }
0x1ab: {  	[sflag:s6] =	ssyncadd.s32 $0xFFFFF800  }
0x1ac: {  	_ =	swait.ge [sflag:s6], $0x800  }
0x1ad: {  	[sflag:s6] =	ssyncset.done $0x0  }
0x1ae: {  	[sflag:s6] =	ssyncadd.s32 $0xFFFFF800  }
0x1af: {  	_ =	swait.ge [sflag:s6], $0x800  }
0x1b0: {  	[sflag:s6] =	ssyncset.done $0x0  }
0x1b1: {  	[sflag:s6] =	ssyncadd.s32 $0xFFFFF800  }
0x1b2: {  	_ =	swait.ge [sflag:s6], $0x800  }
0x1b3: {  	[sflag:s6] =	ssyncset.done $0x0  }
0x1b4: {  	[sflag:s6] =	ssyncadd.s32 $0xFFFFF800  }
0x1b5: {  	_ =	swait.ge [sflag:s6], $0x800  }
0x1b6: {  	[sflag:s6] =	ssyncset.done $0x0  }
0x1b7: {  	[sflag:s6] =	ssyncadd.s32 $0xFFFFF800  }
0x1b8: {  	_ =	swait.ge [sflag:s6], $0x800  }
0x1b9: {  	[sflag:s6] =	ssyncset.done $0x0  }
0x1ba: {  	[sflag:s6] =	ssyncadd.s32 $0xFFFFF800  }
0x1bb: {  	_ =	swait.ge [sflag:s6], $0x800  }
0x1bc: {  	[sflag:s6] =	ssyncset.done $0x0  }
0x1bd: {  	[sflag:s6] =	ssyncadd.s32 $0xFFFFF800  }
0x1be: {  	_ =	swait.ge [sflag:s6], $0x800  }
0x1bf: {  	[sflag:s6] =	ssyncset.done $0x0  }
0x1c0: {  	[sflag:s6] =	ssyncadd.s32 $0xFFFFF800  }
0x1c1: {  	_ =	swait.ge [sflag:s6], $0x800  }
0x1c2: {  	[sflag:s6] =	ssyncset.done $0x0  }
0x1c3: {  	s12 =	rddreg [dreg:$0x3];
	[sflag:s6] =	ssyncadd.s32 $0xFFFFF800  }
0x1c4: {  	[hbm4b:s12+s2] =	stream.linear.scatter [tilespmem:s4], [sflag:$0x2], $0x8000, $0x38;
	[tilespmem:$0x8800] =	vst v63  }
0x1c5: {  	_ =	swait.ge [sflag:s3], $0x8000  }
0x1c6: {  	[sflag:s3] =	ssyncset.done $0x0  }
0x1c7: {  	s12 =	rddreg [dreg:$0x4];
	[sflag:s3] =	ssyncadd.s32 $0xFFFF8000  }
0x1c8: {  	[tilespmem:s2], [sflag:$0x2] =	stream.linear.gather [hbm4b:s12+s2], $0x800, $0x38;
	[tilespmem:$0x8800] =	vst v63  }
0x1c9: {  	_ =	swait.ge [sflag:s3], $0x800  }
0x1ca: {  	[sflag:s3] =	ssyncset.done $0x0  }
0x1cb: {  	[sflag:s3] =	ssyncadd.s32 $0xFFFFF800  }
0x1cc: {  	[tilespmem:s4], [sflag:$0x1] =	stream.indirect.gather [hbm4b:s5+s7], $0x10, s2, s7, $0xb8;
	[tilespmem:$0x8800] =	vst v63  }
0x1cd: {  	s12 =	simm.s32 $0x1000  }
0x1ce: {  	[tilespmem:s12], [sflag:$0x1] =	stream.indirect.gather [hbm4b:s5+s7], $0x10, s7, s7, $0xb8;
	[tilespmem:$0x8800] =	vst v63  }
0x1cf: {  	s12 =	simm.s32 $0x100  }
0x1d0: {  	[tilespmem:s18], [sflag:$0x1] =	stream.indirect.gather [hbm4b:s5+s7], $0x10, s12, s7, $0xb8;
	[tilespmem:$0x8800] =	vst v63  }
0x1d1: {  	s18 =	simm.s32 $0x180  }
0x1d2: {  	[tilespmem:s20], [sflag:$0x1] =	stream.indirect.gather [hbm4b:s5+s7], $0x10, s18, s7, $0xb8;
	[tilespmem:$0x8800] =	vst v63  }
0x1d3: {  	s18 =	simm.s32 $0x200  }
0x1d4: {  	[tilespmem:s19], [sflag:$0x1] =	stream.indirect.gather [hbm4b:s5+s7], $0x10, s18, s7, $0xb8;
	[tilespmem:$0x8800] =	vst v63  }
0x1d5: {  	s20 =	simm.s32 $0x280  }
0x1d6: {  	[tilespmem:s21], [sflag:$0x1] =	stream.indirect.gather [hbm4b:s5+s7], $0x10, s20, s7, $0xb8;
	[tilespmem:$0x8800] =	vst v63  }
0x1d7: {  	_ = 	snop  }
0x1d8: {  	[tilespmem:s23], [sflag:$0x1] =	stream.indirect.gather [hbm4b:s5+s7], $0x10, s22, s7, $0xb8;
	[tilespmem:$0x8800] =	vst v63  }
0x1d9: {  	_ = 	snop  }
0x1da: {  	[tilespmem:s25], [sflag:$0x1] =	stream.indirect.gather [hbm4b:s5+s7], $0x10, s24, s7, $0xb8;
	[tilespmem:$0x8800] =	vst v63  }
0x1db: {  	_ = 	snop  }
0x1dc: {  	[tilespmem:s28], [sflag:$0x1] =	stream.indirect.gather [hbm4b:s5+s7], $0x10, s26, s7, $0xb8;
	[tilespmem:$0x8800] =	vst v63  }
0x1dd: {  	_ = 	snop  }
0x1de: {  	[tilespmem:s17], [sflag:$0x1] =	stream.indirect.gather [hbm4b:s5+s7], $0x10, s29, s7, $0xb8;
	[tilespmem:$0x8800] =	vst v63  }
0x1df: {  	_ = 	snop  }
0x1e0: {  	[tilespmem:s15], [sflag:$0x1] =	stream.indirect.gather [hbm4b:s5+s7], $0x10, s30, s7, $0xb8;
	[tilespmem:$0x8800] =	vst v63  }
0x1e1: {  	_ = 	snop  }
0x1e2: {  	[tilespmem:s13], [sflag:$0x1] =	stream.indirect.gather [hbm4b:s5+s7], $0x10, s16, s7, $0xb8;
	[tilespmem:$0x8800] =	vst v63  }
0x1e3: {  	_ = 	snop  }
0x1e4: {  	[tilespmem:s11], [sflag:$0x1] =	stream.indirect.gather [hbm4b:s5+s7], $0x10, s14, s7, $0xb8;
	[tilespmem:$0x8800] =	vst v63  }
0x1e5: {  	_ = 	snop  }
0x1e6: {  	[tilespmem:s9], [sflag:$0x1] =	stream.indirect.gather [hbm4b:s5+s7], $0x10, s31, s7, $0xb8;
	[tilespmem:$0x8800] =	vst v63  }
0x1e7: {  	_ = 	snop  }
0x1e8: {  	[tilespmem:s1], [sflag:$0x1] =	stream.indirect.gather [hbm4b:s5+s7], $0x10, s10, s7, $0xb8;
	[tilespmem:$0x8800] =	vst v63  }
0x1e9: {  	_ = 	snop  }
0x1ea: {  	[tilespmem:s0], [sflag:$0x1] =	stream.indirect.gather [hbm4b:s5+s7], $0x10, s8, s7, $0xb8;
	[tilespmem:$0x8800] =	vst v63  }
0x1eb: {  	_ =	swait.ge [sflag:s6], $0x800  }
0x1ec: {  	[sflag:s6] =	ssyncset.done $0x0  }
0x1ed: {  	[sflag:s6] =	ssyncadd.s32 $0xFFFFF800  }
0x1ee: {  	_ =	swait.ge [sflag:s6], $0x800  }
0x1ef: {  	[sflag:s6] =	ssyncset.done $0x0  }
0x1f0: {  	[sflag:s6] =	ssyncadd.s32 $0xFFFFF800  }
0x1f1: {  	_ =	swait.ge [sflag:s6], $0x800  }
0x1f2: {  	[sflag:s6] =	ssyncset.done $0x0  }
0x1f3: {  	[sflag:s6] =	ssyncadd.s32 $0xFFFFF800  }
0x1f4: {  	_ =	swait.ge [sflag:s6], $0x800  }
0x1f5: {  	[sflag:s6] =	ssyncset.done $0x0  }
0x1f6: {  	[sflag:s6] =	ssyncadd.s32 $0xFFFFF800  }
0x1f7: {  	_ =	swait.ge [sflag:s6], $0x800  }
0x1f8: {  	[sflag:s6] =	ssyncset.done $0x0  }
0x1f9: {  	[sflag:s6] =	ssyncadd.s32 $0xFFFFF800  }
0x1fa: {  	_ =	swait.ge [sflag:s6], $0x800  }
0x1fb: {  	[sflag:s6] =	ssyncset.done $0x0  }
0x1fc: {  	[sflag:s6] =	ssyncadd.s32 $0xFFFFF800  }
0x1fd: {  	_ =	swait.ge [sflag:s6], $0x800  }
0x1fe: {  	[sflag:s6] =	ssyncset.done $0x0  }
0x1ff: {  	[sflag:s6] =	ssyncadd.s32 $0xFFFFF800  }
0x200: {  	_ =	swait.ge [sflag:s6], $0x800  }
0x201: {  	[sflag:s6] =	ssyncset.done $0x0  }
0x202: {  	[sflag:s6] =	ssyncadd.s32 $0xFFFFF800  }
0x203: {  	_ =	swait.ge [sflag:s6], $0x800  }
0x204: {  	[sflag:s6] =	ssyncset.done $0x0  }
0x205: {  	[sflag:s6] =	ssyncadd.s32 $0xFFFFF800  }
0x206: {  	_ =	swait.ge [sflag:s6], $0x800  }
0x207: {  	[sflag:s6] =	ssyncset.done $0x0  }
0x208: {  	[sflag:s6] =	ssyncadd.s32 $0xFFFFF800  }
0x209: {  	_ =	swait.ge [sflag:s6], $0x800  }
0x20a: {  	[sflag:s6] =	ssyncset.done $0x0  }
0x20b: {  	[sflag:s6] =	ssyncadd.s32 $0xFFFFF800  }
0x20c: {  	_ =	swait.ge [sflag:s6], $0x800  }
0x20d: {  	[sflag:s6] =	ssyncset.done $0x0  }
0x20e: {  	[sflag:s6] =	ssyncadd.s32 $0xFFFFF800  }
0x20f: {  	_ =	swait.ge [sflag:s6], $0x800  }
0x210: {  	[sflag:s6] =	ssyncset.done $0x0  }
0x211: {  	[sflag:s6] =	ssyncadd.s32 $0xFFFFF800  }
0x212: {  	_ =	swait.ge [sflag:s6], $0x800  }
0x213: {  	[sflag:s6] =	ssyncset.done $0x0  }
0x214: {  	[sflag:s6] =	ssyncadd.s32 $0xFFFFF800  }
0x215: {  	_ =	swait.ge [sflag:s6], $0x800  }
0x216: {  	[sflag:s6] =	ssyncset.done $0x0  }
0x217: {  	[sflag:s6] =	ssyncadd.s32 $0xFFFFF800  }
0x218: {  	_ =	swait.ge [sflag:s6], $0x800  }
0x219: {  	[sflag:s6] =	ssyncset.done $0x0  }
0x21a: {  	s30 =	rddreg [dreg:$0x5];
	[sflag:s6] =	ssyncadd.s32 $0xFFFFF800  }
0x21b: {  	[hbm4b:s30+s2] =	stream.linear.scatter [tilespmem:s4], [sflag:$0x2], $0x8000, $0x38;
	[tilespmem:$0x8800] =	vst v63  }
0x21c: {  	_ =	swait.ge [sflag:s3], $0x8000  }
0x21d: {  	[sflag:s3] =	ssyncset.done $0x0  }
0x21e: {  	[sflag:s3] =	ssyncadd.s32 $0xFFFF8000  }
0x21f: {  	_ =	sfence.sel $0x180000  }
0x220: {  	[bflag:$0x0] =	sbarrier.arrive $0xFFFF  }
0x221: {  	_ =	strace $0x90000047  }
0x222: {  	s31 =	stileid.u32;
	[bflag:$0x2] =	sbarrier.arrive $0xFFFF  }
0x223: {  	p0 =	sne.s32 s31, $0x0;
	s0 =	rddreg [dreg:$0x1]  }
0x224: {  	s0 =	sadd.s32 @!p0 $0x100000, s0  }
0x225: {  	[sflag:s0] =	ssyncadd.tile.s32 @!p0 $0x1;
	_ =	shalt  }
.Lfunc_end2:
_tile_overlayer_lowered:
.L_overlay_start_2:
0x226: {  	(tag) =	ssettag $0x2  }
0x227: {  	s0 =	rddreg [dreg:$0x0];
	s2 =	stileid.u32  }
0x228: {  	s1 =	rddreg [dreg:$0x1];
	p0 =	sne.s32 s2, $0x0  }
0x229: {  	s3 =	rddreg [dreg:$0x2];
	[bflag:$0x3] =	sbarrier.arrive $0xFFFF;
	s2 =	simm.s32 @!p0 $0x1C02  }
0x22a: {  	[timem:s3], [sflag:s2] =	dma.local @!p0 [hbm:s0], s1  }
0x22b: {  	s0 =	simm.s32 @!p0 $0x2  }
0x22c: {  	_ =	swait.ge @!p0 [sflag:s0], s1  }
0x22d: {  	s1 =	ssub.s32 @!p0 $0x0, s1;
	[sflag:s0] =	ssyncset.done @!p0 $0x0  }
0x22e: {  	[sflag:s0] =	ssyncadd.s32 @!p0 s1  }
0x22f: {  	[bflag:$0x3] =	sbarrier.arrive $0xFFFF  }
0x230: {  	_ =	shalt  }

</sc_bundles>
